<compile_context>
chip_gen: v7x
topology: tpu7x:2x2x1
jax: 0.10.2.dev20260603
libtpu: 0.0.44.dev20260713+nightly
codegen_flags: <defaults>
</compile_context>

<pallas_src>
import dataclasses

import jax
import jax.numpy as jnp
from jax import lax
from jax.experimental import pallas as pl
from jax.experimental.pallas import tpu as pltpu
from jax.experimental.pallas import tpu_sc as plsc

B, T, N = 16, 2048, 16
H = 64
NF = 7
NAA = 21
HE = H - NF
NFC = N * NF

NC, NS, L = 2, 16, 16
TCH = 128
NCHUNK = T // (NC * TCH)
HG = 8
NTV = TCH // L
TS = TCH + 1


def _sc_kernel(x_hbm, f_hbm, e_hbm, out_hbm,
               xv, xt, fv, ft, ev, ov0, ov1, sem0, sem1):
    b = lax.axis_index("s")
    th = lax.axis_index("c")

    pltpu.sync_copy(e_hbm, ev)

    i16 = lax.iota(jnp.int32, L)
    i_ts = i16 * TS
    full = i16 >= 0

    @pl.loop(0, NCHUNK)
    def _chunk(ck):
        t0 = pl.multiple_of(th * (NCHUNK * TCH) + ck * TCH, TCH)
        pltpu.sync_copy(x_hbm.at[b, pl.ds(t0 * N, TCH * N)], xv)
        pltpu.sync_copy(f_hbm.at[b, pl.ds(t0 * NFC, TCH * NFC)], fv)

        @plsc.parallel_loop(0, TCH, unroll=4)
        def _rp(t):
            code = xv[pl.ds(t * N, L)]
            plsc.store_scatter(xt, [i_ts + t], code)
            for j in range(NFC // L):
                vals = fv[pl.ds(t * NFC + j * L, L)]
                plsc.store_scatter(ft, [i_ts + (j * L * TS + t)], vals)

        inflight = [None, None]
        for hg in range(H // HG):
            ov = ov0 if hg % 2 == 0 else ov1
            sem = sem0 if hg % 2 == 0 else sem1
            if inflight[hg % 2] is not None:
                inflight[hg % 2].wait()

            @plsc.parallel_loop(0, N * NTV, unroll=8)
            def _q(q, ov=ov, hg=hg):
                n = q // NTV
                tv = q % NTV
                aa = xt[pl.ds(n * TS + tv * L, L)]
                lidx = aa * (HE * L) + i16
                toff = tv * L
                for hl in range(HG):
                    h = hg * HG + hl
                    if h < HE:
                        val = plsc.load_gather(ev, [lidx + h * L])
                    else:
                        c = n * NF + (h - HE)
                        val = ft[pl.ds(c * TS + tv * L, L)]
                    ov[hl, n, pl.ds(toff, L)] = val

            inflight[hg % 2] = pltpu.async_copy(
                ov, out_hbm.at[b, pl.ds(hg * HG, HG), :, pl.ds(t0, TCH)], sem)
        inflight[0].wait()
        inflight[1].wait()


def kernel(X, features, emb):
    x2 = X.astype(jnp.int32).reshape(B, T * N)
    f2 = features.reshape(B, T * NFC)
    lut = jnp.broadcast_to(emb.reshape(-1)[:, None], (NAA * HE, L)).reshape(-1)

    cp = pltpu.CompilerParams()
    if "needs_layout_passes" in pltpu.CompilerParams.__dataclass_fields__:
        cp = dataclasses.replace(cp, needs_layout_passes=False)
    mesh = plsc.VectorSubcoreMesh(core_axis_name="c", subcore_axis_name="s")
    k = pl.kernel(
        _sc_kernel,
        out_type=jax.ShapeDtypeStruct((B, H, N, T), jnp.float32),
        mesh=mesh,
        compiler_params=cp,
        scratch_types=[
            pltpu.VMEM((TCH * N,), jnp.int32),
            pltpu.VMEM((N * TS,), jnp.int32),
            pltpu.VMEM((TCH * NFC,), jnp.float32),
            pltpu.VMEM((NFC * TS,), jnp.float32),
            pltpu.VMEM((NAA * HE * L,), jnp.float32),
            pltpu.VMEM((HG, N, TCH), jnp.float32),
            pltpu.VMEM((HG, N, TCH), jnp.float32),
            pltpu.SemaphoreType.DMA,
            pltpu.SemaphoreType.DMA,
        ],
    )
    return k(x2, f2, lut)

# --- scband reference (transcript-rebuilt; emitter-appended) ---
"""Pipeline reference for scband-residue-features-37056977830062 (READ-ONLY COPY).

The authoritative reference and input builder live on the scoring server;
editing this copy changes nothing except your own understanding.
"""

import jax, jax.numpy as jnp
import numpy as np

NUM_AA = 21
HIDDEN_DIM = 64
NUM_FEATURES = 7

def setup_inputs(seed: int = 0) -> dict:
    key = jax.random.key(seed)
    k1, k2, k3 = jax.random.split(key, 3)
    X = jax.random.randint(k1, (16, 2048, 16), 0, NUM_AA, dtype=jnp.int64 if jax.config.jax_enable_x64 else jnp.int32)
    features = jax.random.normal(k2, (16, 2048, 16, NUM_FEATURES), dtype=jnp.float32)
    emb = jax.random.normal(k3, (NUM_AA, HIDDEN_DIM - NUM_FEATURES), dtype=jnp.float32) * 0.02
    return {"X": X, "features": features, "emb": emb}

def reference(X, features, emb):
    # embedding lookup: table[idx]
    embedded = jnp.take(emb, X, axis=0)  # [B, T, N, hidden-7]
    out = jnp.concatenate((embedded, features), axis=3)  # [B, T, N, hidden]
    out = jnp.swapaxes(out, 1, 3)  # [B, hidden, N, T]
    return out

if __name__ == "__main__":
    import jax
    _d = setup_inputs()
    print(jax.jit(kernel)(*tuple(_d.values())))

</pallas_src>

<mosaic_0001>
#map = affine_map<(d0, d1) -> (0, 0)>
#map1 = affine_map<(d0, d1) -> (0)>
#map2 = affine_map<(d0, d1) -> (0, 0, 0, 0)>
module attributes {stable_mosaic.version = 14 : i64} {
  func.func @_sc_kernel(%arg0: i32, %arg1: i32, %arg2: memref<16x32768xi32, #tpu.memory_space<hbm>>, %arg3: memref<16x229376xf32, #tpu.memory_space<hbm>>, %arg4: memref<19152xf32, #tpu.memory_space<hbm>>, %arg5: memref<16x64x16x2048xf32, #tpu.memory_space<hbm>>, %arg6: memref<2048xi32, #tpu.memory_space<vmem>>, %arg7: memref<2064xi32, #tpu.memory_space<vmem>>, %arg8: memref<14336xf32, #tpu.memory_space<vmem>>, %arg9: memref<14448xf32, #tpu.memory_space<vmem>>, %arg10: memref<19152xf32, #tpu.memory_space<vmem>>, %arg11: memref<8x16x128xf32, #tpu.memory_space<vmem>>, %arg12: memref<8x16x128xf32, #tpu.memory_space<vmem>>, %arg13: memref<!tpu.dma_semaphore, #tpu.memory_space<semaphore_mem>>, %arg14: memref<!tpu.dma_semaphore, #tpu.memory_space<semaphore_mem>>) attributes {dimension_semantics = [#tpu.dimension_semantics<core_parallel>, #tpu.dimension_semantics<subcore_parallel>], iteration_bounds = array<i64: 2, 16>, scalar_prefetch = 0 : i64, scratch_operands = 9 : i64, tpu.core_type = #tpu.core_type<sc_vector_subcore>, window_params = [{transform_indices = #map}, {transform_indices = #map}, {transform_indices = #map1}, {transform_indices = #map2}]} {
    "tpu.region"() ({
      %run_scoped3A = tpu.sem_alloc : memref<!tpu.dma_semaphore, #tpu.memory_space<semaphore_mem>>
      tpu.enqueue_dma source(%arg4 : memref<19152xf32, #tpu.memory_space<hbm>>) target(%arg10 : memref<19152xf32, #tpu.memory_space<vmem>>) target_semaphore(%run_scoped3A : memref<!tpu.dma_semaphore, #tpu.memory_space<semaphore_mem>>)
      tpu.wait_dma2 semaphore(%run_scoped3A : memref<!tpu.dma_semaphore, #tpu.memory_space<semaphore_mem>>) src(%arg4 : memref<19152xf32, #tpu.memory_space<hbm>>) dst(%arg10 : memref<19152xf32, #tpu.memory_space<vmem>>)
      tpu.yield
    }) : () -> ()
    %iota3A = tpu.iota {dimensions = array<i32: 0>} : vector<16xi32>
    %mul3A = arith.constant 129 : i32
    %mul3A_0 = vector.broadcast %mul3A : i32 to vector<16xi32>
    %mul3A_1 = arith.muli %iota3A, %mul3A_0 : vector<16xi32>
    %ge3A = arith.constant 0 : i32
    %ge3A_2 = vector.broadcast %ge3A : i32 to vector<16xi32>
    %ge3A_3 = arith.cmpi sge, %iota3A, %ge3A_2 : vector<16xi32>
    %scan3A = arith.constant 0 : i32
    %scan3A_4 = arith.constant 8 : i32
    %scan3A_5 = arith.addi %scan3A, %scan3A_4 : i32
    %scan3A_6 = arith.constant 1 : i32
    scf.for %scan3A_8 = %scan3A to %scan3A_5 step %scan3A_6  : i32 {
      %mul3A_9 = arith.constant 1 : i32
      %mul3A_10 = arith.muli %scan3A_8, %mul3A_9 : i32
      %add3A = arith.constant 0 : i32
      %add3A_11 = arith.addi %add3A, %mul3A_10 : i32
      %mul3A_12 = arith.constant 1024 : i32
      %mul3A_13 = arith.muli %arg0, %mul3A_12 : i32
      %mul3A_14 = arith.constant 128 : i32
      %mul3A_15 = arith.muli %add3A_11, %mul3A_14 : i32
      %add3A_16 = arith.addi %mul3A_13, %mul3A_15 : i32
      %multiple_of3A = tpu.assume_multiple %add3A_16, 128 : i32
      %mul3A_17 = arith.constant 16 : i32
      %mul3A_18 = arith.muli %multiple_of3A, %mul3A_17 : i32
      "tpu.region"() ({
        %run_scoped3A = tpu.sem_alloc : memref<!tpu.dma_semaphore, #tpu.memory_space<semaphore_mem>>
        %dma_start3A_173 = tpu.memref_slice %arg2[%arg1, %mul3A_18] : memref<16x32768xi32, #tpu.memory_space<hbm>> -> memref<1x2048xi32, #tpu.memory_space<hbm>>
        %dma_start3A_174 = tpu.memref_squeeze %dma_start3A_173 : memref<1x2048xi32, #tpu.memory_space<hbm>> -> memref<2048xi32, #tpu.memory_space<hbm>>
        %dma_start3A_175 = tpu.memref_slice %arg2[%arg1, %mul3A_18] : memref<16x32768xi32, #tpu.memory_space<hbm>> -> memref<1x2048xi32, #tpu.memory_space<hbm>>
        %dma_start3A_176 = tpu.memref_squeeze %dma_start3A_175 : memref<1x2048xi32, #tpu.memory_space<hbm>> -> memref<2048xi32, #tpu.memory_space<hbm>>
        tpu.enqueue_dma source(%dma_start3A_176 : memref<2048xi32, #tpu.memory_space<hbm>>) target(%arg6 : memref<2048xi32, #tpu.memory_space<vmem>>) target_semaphore(%run_scoped3A : memref<!tpu.dma_semaphore, #tpu.memory_space<semaphore_mem>>)
        %dma_wait3A_177 = tpu.memref_slice %arg2[%arg1, %mul3A_18] : memref<16x32768xi32, #tpu.memory_space<hbm>> -> memref<1x2048xi32, #tpu.memory_space<hbm>>
        %dma_wait3A_178 = tpu.memref_squeeze %dma_wait3A_177 : memref<1x2048xi32, #tpu.memory_space<hbm>> -> memref<2048xi32, #tpu.memory_space<hbm>>
        %dma_wait3A_179 = tpu.memref_slice %arg2[%arg1, %mul3A_18] : memref<16x32768xi32, #tpu.memory_space<hbm>> -> memref<1x2048xi32, #tpu.memory_space<hbm>>
        %dma_wait3A_180 = tpu.memref_squeeze %dma_wait3A_179 : memref<1x2048xi32, #tpu.memory_space<hbm>> -> memref<2048xi32, #tpu.memory_space<hbm>>
        tpu.wait_dma2 semaphore(%run_scoped3A : memref<!tpu.dma_semaphore, #tpu.memory_space<semaphore_mem>>) src(%dma_wait3A_180 : memref<2048xi32, #tpu.memory_space<hbm>>) dst(%arg6 : memref<2048xi32, #tpu.memory_space<vmem>>)
        tpu.yield
      }) : () -> ()
      %mul3A_19 = arith.constant 112 : i32
      %mul3A_20 = arith.muli %multiple_of3A, %mul3A_19 : i32
      "tpu.region"() ({
        %run_scoped3A = tpu.sem_alloc : memref<!tpu.dma_semaphore, #tpu.memory_space<semaphore_mem>>
        %dma_start3A_173 = tpu.memref_slice %arg3[%arg1, %mul3A_20] : memref<16x229376xf32, #tpu.memory_space<hbm>> -> memref<1x14336xf32, #tpu.memory_space<hbm>>
        %dma_start3A_174 = tpu.memref_squeeze %dma_start3A_173 : memref<1x14336xf32, #tpu.memory_space<hbm>> -> memref<14336xf32, #tpu.memory_space<hbm>>
        %dma_start3A_175 = tpu.memref_slice %arg3[%arg1, %mul3A_20] : memref<16x229376xf32, #tpu.memory_space<hbm>> -> memref<1x14336xf32, #tpu.memory_space<hbm>>
        %dma_start3A_176 = tpu.memref_squeeze %dma_start3A_175 : memref<1x14336xf32, #tpu.memory_space<hbm>> -> memref<14336xf32, #tpu.memory_space<hbm>>
        tpu.enqueue_dma source(%dma_start3A_176 : memref<14336xf32, #tpu.memory_space<hbm>>) target(%arg8 : memref<14336xf32, #tpu.memory_space<vmem>>) target_semaphore(%run_scoped3A : memref<!tpu.dma_semaphore, #tpu.memory_space<semaphore_mem>>)
        %dma_wait3A_177 = tpu.memref_slice %arg3[%arg1, %mul3A_20] : memref<16x229376xf32, #tpu.memory_space<hbm>> -> memref<1x14336xf32, #tpu.memory_space<hbm>>
        %dma_wait3A_178 = tpu.memref_squeeze %dma_wait3A_177 : memref<1x14336xf32, #tpu.memory_space<hbm>> -> memref<14336xf32, #tpu.memory_space<hbm>>
        %dma_wait3A_179 = tpu.memref_slice %arg3[%arg1, %mul3A_20] : memref<16x229376xf32, #tpu.memory_space<hbm>> -> memref<1x14336xf32, #tpu.memory_space<hbm>>
        %dma_wait3A_180 = tpu.memref_squeeze %dma_wait3A_179 : memref<1x14336xf32, #tpu.memory_space<hbm>> -> memref<14336xf32, #tpu.memory_space<hbm>>
        tpu.wait_dma2 semaphore(%run_scoped3A : memref<!tpu.dma_semaphore, #tpu.memory_space<semaphore_mem>>) src(%dma_wait3A_180 : memref<14336xf32, #tpu.memory_space<hbm>>) dst(%arg8 : memref<14336xf32, #tpu.memory_space<vmem>>)
        tpu.yield
      }) : () -> ()
      %parallel_loop3A = arith.constant 0 : i32
      %parallel_loop3A_21 = arith.constant 128 : i32
      %parallel_loop3A_22 = arith.constant 1 : i32
      scf.for %parallel_loop3A_173 = %parallel_loop3A to %parallel_loop3A_21 step %parallel_loop3A_22  : i32 {
        %parallel_loop3A_174 = arith.constant 16 : i32
        %parallel_loop3A_175 = arith.muli %parallel_loop3A_173, %parallel_loop3A_174 : i32
        %parallel_loop3A_176 = arith.index_cast %parallel_loop3A_175 : i32 to index
        %parallel_loop3A_177 = tpu.vector_load %arg6[%parallel_loop3A_176] {strides = array<i32>} : memref<2048xi32, #tpu.memory_space<vmem>>, vector<16xi32>,
        %parallel_loop3A_178 = vector.broadcast %parallel_loop3A_173 : i32 to vector<16xi32>
        %parallel_loop3A_179 = arith.addi %mul3A_1, %parallel_loop3A_178 : vector<16xi32>
        tpu.vector_store_idx %arg7[%parallel_loop3A_179], %parallel_loop3A_177 : memref<2064xi32, #tpu.memory_space<vmem>>[vector<16xi32>], vector<16xi32>,
        %parallel_loop3A_180 = arith.constant 112 : i32
        %parallel_loop3A_181 = arith.muli %parallel_loop3A_173, %parallel_loop3A_180 : i32
        %parallel_loop3A_182 = arith.constant 0 : i32
        %parallel_loop3A_183 = arith.addi %parallel_loop3A_181, %parallel_loop3A_182 : i32
        %parallel_loop3A_184 = arith.index_cast %parallel_loop3A_183 : i32 to index
        %parallel_loop3A_185 = tpu.vector_load %arg8[%parallel_loop3A_184] {strides = array<i32>} : memref<14336xf32, #tpu.memory_space<vmem>>, vector<16xf32>,
        %parallel_loop3A_186 = arith.constant 0 : i32
        %parallel_loop3A_187 = arith.addi %parallel_loop3A_186, %parallel_loop3A_173 : i32
        %parallel_loop3A_188 = vector.broadcast %parallel_loop3A_187 : i32 to vector<16xi32>
        %parallel_loop3A_189 = arith.addi %mul3A_1, %parallel_loop3A_188 : vector<16xi32>
        tpu.vector_store_idx %arg9[%parallel_loop3A_189], %parallel_loop3A_185 : memref<14448xf32, #tpu.memory_space<vmem>>[vector<16xi32>], vector<16xf32>,
        %parallel_loop3A_190 = arith.constant 112 : i32
        %parallel_loop3A_191 = arith.muli %parallel_loop3A_173, %parallel_loop3A_190 : i32
        %parallel_loop3A_192 = arith.constant 16 : i32
        %parallel_loop3A_193 = arith.addi %parallel_loop3A_191, %parallel_loop3A_192 : i32
        %parallel_loop3A_194 = arith.index_cast %parallel_loop3A_193 : i32 to index
        %parallel_loop3A_195 = tpu.vector_load %arg8[%parallel_loop3A_194] {strides = array<i32>} : memref<14336xf32, #tpu.memory_space<vmem>>, vector<16xf32>,
        %parallel_loop3A_196 = arith.constant 2064 : i32
        %parallel_loop3A_197 = arith.addi %parallel_loop3A_196, %parallel_loop3A_173 : i32
        %parallel_loop3A_198 = vector.broadcast %parallel_loop3A_197 : i32 to vector<16xi32>
        %parallel_loop3A_199 = arith.addi %mul3A_1, %parallel_loop3A_198 : vector<16xi32>
        tpu.vector_store_idx %arg9[%parallel_loop3A_199], %parallel_loop3A_195 : memref<14448xf32, #tpu.memory_space<vmem>>[vector<16xi32>], vector<16xf32>,
        %parallel_loop3A_200 = arith.constant 112 : i32
        %parallel_loop3A_201 = arith.muli %parallel_loop3A_173, %parallel_loop3A_200 : i32
        %parallel_loop3A_202 = arith.constant 32 : i32
        %parallel_loop3A_203 = arith.addi %parallel_loop3A_201, %parallel_loop3A_202 : i32
        %parallel_loop3A_204 = arith.index_cast %parallel_loop3A_203 : i32 to index
        %parallel_loop3A_205 = tpu.vector_load %arg8[%parallel_loop3A_204] {strides = array<i32>} : memref<14336xf32, #tpu.memory_space<vmem>>, vector<16xf32>,
        %parallel_loop3A_206 = arith.constant 4128 : i32
        %parallel_loop3A_207 = arith.addi %parallel_loop3A_206, %parallel_loop3A_173 : i32
        %parallel_loop3A_208 = vector.broadcast %parallel_loop3A_207 : i32 to vector<16xi32>
        %parallel_loop3A_209 = arith.addi %mul3A_1, %parallel_loop3A_208 : vector<16xi32>
        tpu.vector_store_idx %arg9[%parallel_loop3A_209], %parallel_loop3A_205 : memref<14448xf32, #tpu.memory_space<vmem>>[vector<16xi32>], vector<16xf32>,
        %parallel_loop3A_210 = arith.constant 112 : i32
        %parallel_loop3A_211 = arith.muli %parallel_loop3A_173, %parallel_loop3A_210 : i32
        %parallel_loop3A_212 = arith.constant 48 : i32
        %parallel_loop3A_213 = arith.addi %parallel_loop3A_211, %parallel_loop3A_212 : i32
        %parallel_loop3A_214 = arith.index_cast %parallel_loop3A_213 : i32 to index
        %parallel_loop3A_215 = tpu.vector_load %arg8[%parallel_loop3A_214] {strides = array<i32>} : memref<14336xf32, #tpu.memory_space<vmem>>, vector<16xf32>,
        %parallel_loop3A_216 = arith.constant 6192 : i32
        %parallel_loop3A_217 = arith.addi %parallel_loop3A_216, %parallel_loop3A_173 : i32
        %parallel_loop3A_218 = vector.broadcast %parallel_loop3A_217 : i32 to vector<16xi32>
        %parallel_loop3A_219 = arith.addi %mul3A_1, %parallel_loop3A_218 : vector<16xi32>
        tpu.vector_store_idx %arg9[%parallel_loop3A_219], %parallel_loop3A_215 : memref<14448xf32, #tpu.memory_space<vmem>>[vector<16xi32>], vector<16xf32>,
        %parallel_loop3A_220 = arith.constant 112 : i32
        %parallel_loop3A_221 = arith.muli %parallel_loop3A_173, %parallel_loop3A_220 : i32
        %parallel_loop3A_222 = arith.constant 64 : i32
        %parallel_loop3A_223 = arith.addi %parallel_loop3A_221, %parallel_loop3A_222 : i32
        %parallel_loop3A_224 = arith.index_cast %parallel_loop3A_223 : i32 to index
        %parallel_loop3A_225 = tpu.vector_load %arg8[%parallel_loop3A_224] {strides = array<i32>} : memref<14336xf32, #tpu.memory_space<vmem>>, vector<16xf32>,
        %parallel_loop3A_226 = arith.constant 8256 : i32
        %parallel_loop3A_227 = arith.addi %parallel_loop3A_226, %parallel_loop3A_173 : i32
        %parallel_loop3A_228 = vector.broadcast %parallel_loop3A_227 : i32 to vector<16xi32>
        %parallel_loop3A_229 = arith.addi %mul3A_1, %parallel_loop3A_228 : vector<16xi32>
        tpu.vector_store_idx %arg9[%parallel_loop3A_229], %parallel_loop3A_225 : memref<14448xf32, #tpu.memory_space<vmem>>[vector<16xi32>], vector<16xf32>,
        %parallel_loop3A_230 = arith.constant 112 : i32
        %parallel_loop3A_231 = arith.muli %parallel_loop3A_173, %parallel_loop3A_230 : i32
        %parallel_loop3A_232 = arith.constant 80 : i32
        %parallel_loop3A_233 = arith.addi %parallel_loop3A_231, %parallel_loop3A_232 : i32
        %parallel_loop3A_234 = arith.index_cast %parallel_loop3A_233 : i32 to index
        %parallel_loop3A_235 = tpu.vector_load %arg8[%parallel_loop3A_234] {strides = array<i32>} : memref<14336xf32, #tpu.memory_space<vmem>>, vector<16xf32>,
        %parallel_loop3A_236 = arith.constant 10320 : i32
        %parallel_loop3A_237 = arith.addi %parallel_loop3A_236, %parallel_loop3A_173 : i32
        %parallel_loop3A_238 = vector.broadcast %parallel_loop3A_237 : i32 to vector<16xi32>
        %parallel_loop3A_239 = arith.addi %mul3A_1, %parallel_loop3A_238 : vector<16xi32>
        tpu.vector_store_idx %arg9[%parallel_loop3A_239], %parallel_loop3A_235 : memref<14448xf32, #tpu.memory_space<vmem>>[vector<16xi32>], vector<16xf32>,
        %parallel_loop3A_240 = arith.constant 112 : i32
        %parallel_loop3A_241 = arith.muli %parallel_loop3A_173, %parallel_loop3A_240 : i32
        %parallel_loop3A_242 = arith.constant 96 : i32
        %parallel_loop3A_243 = arith.addi %parallel_loop3A_241, %parallel_loop3A_242 : i32
        %parallel_loop3A_244 = arith.index_cast %parallel_loop3A_243 : i32 to index
        %parallel_loop3A_245 = tpu.vector_load %arg8[%parallel_loop3A_244] {strides = array<i32>} : memref<14336xf32, #tpu.memory_space<vmem>>, vector<16xf32>,
        %parallel_loop3A_246 = arith.constant 12384 : i32
        %parallel_loop3A_247 = arith.addi %parallel_loop3A_246, %parallel_loop3A_173 : i32
        %parallel_loop3A_248 = vector.broadcast %parallel_loop3A_247 : i32 to vector<16xi32>
        %parallel_loop3A_249 = arith.addi %mul3A_1, %parallel_loop3A_248 : vector<16xi32>
        tpu.vector_store_idx %arg9[%parallel_loop3A_249], %parallel_loop3A_245 : memref<14448xf32, #tpu.memory_space<vmem>>[vector<16xi32>], vector<16xf32>,
      } {sc.loop_unroll_factor = 4 : i64, sc.parallel_access}
      %parallel_loop3A_23 = arith.constant 0 : i32
      %parallel_loop3A_24 = arith.constant 128 : i32
      %parallel_loop3A_25 = arith.constant 1 : i32
      scf.for %parallel_loop3A_173 = %parallel_loop3A_23 to %parallel_loop3A_24 step %parallel_loop3A_25  : i32 {
        %parallel_loop3A_174 = arith.constant 8 : i32
        %parallel_loop3A_175 = arith.divsi %parallel_loop3A_173, %parallel_loop3A_174 : i32
        %parallel_loop3A_176 = arith.constant 0 : i32
        %parallel_loop3A_177 = arith.cmpi sgt, %parallel_loop3A_173, %parallel_loop3A_176 : i32
        %parallel_loop3A_178 = arith.extui %parallel_loop3A_177 : i1 to i32
        %parallel_loop3A_179 = arith.constant 0 : i32
        %parallel_loop3A_180 = arith.cmpi slt, %parallel_loop3A_173, %parallel_loop3A_179 : i32
        %parallel_loop3A_181 = arith.extui %parallel_loop3A_180 : i1 to i32
        %parallel_loop3A_182 = arith.subi %parallel_loop3A_178, %parallel_loop3A_181 : i32
        %parallel_loop3A_183 = arith.constant 0 : i32
        %parallel_loop3A_184 = arith.cmpi sgt, %parallel_loop3A_174, %parallel_loop3A_183 : i32
        %parallel_loop3A_185 = arith.extui %parallel_loop3A_184 : i1 to i32
        %parallel_loop3A_186 = arith.constant 0 : i32
        %parallel_loop3A_187 = arith.cmpi slt, %parallel_loop3A_174, %parallel_loop3A_186 : i32
        %parallel_loop3A_188 = arith.extui %parallel_loop3A_187 : i1 to i32
        %parallel_loop3A_189 = arith.subi %parallel_loop3A_185, %parallel_loop3A_188 : i32
        %parallel_loop3A_190 = arith.cmpi ne, %parallel_loop3A_182, %parallel_loop3A_189 : i32
        %parallel_loop3A_191 = arith.remsi %parallel_loop3A_173, %parallel_loop3A_174 : i32
        %parallel_loop3A_192 = arith.constant 0 : i32
        %parallel_loop3A_193 = arith.cmpi ne, %parallel_loop3A_191, %parallel_loop3A_192 : i32
        %parallel_loop3A_194 = arith.andi %parallel_loop3A_190, %parallel_loop3A_193 : i1
        %parallel_loop3A_195 = arith.constant 1 : i32
        %parallel_loop3A_196 = arith.subi %parallel_loop3A_175, %parallel_loop3A_195 : i32
        %parallel_loop3A_197 = arith.select %parallel_loop3A_194, %parallel_loop3A_196, %parallel_loop3A_175 : i32
        %parallel_loop3A_198 = arith.constant 8 : i32
        %parallel_loop3A_199 = arith.constant 0 : i32
        %parallel_loop3A_200 = arith.cmpi eq, %parallel_loop3A_198, %parallel_loop3A_199 : i32
        %parallel_loop3A_201 = arith.constant 1 : i32
        %parallel_loop3A_202 = arith.select %parallel_loop3A_200, %parallel_loop3A_201, %parallel_loop3A_198 : i32
        %parallel_loop3A_203 = arith.remsi %parallel_loop3A_173, %parallel_loop3A_202 : i32
        %parallel_loop3A_204 = arith.constant 0 : i32
        %parallel_loop3A_205 = arith.cmpi ne, %parallel_loop3A_203, %parallel_loop3A_204 : i32
        %parallel_loop3A_206 = arith.constant 0 : i32
        %parallel_loop3A_207 = arith.cmpi slt, %parallel_loop3A_203, %parallel_loop3A_206 : i32
        %parallel_loop3A_208 = arith.constant 0 : i32
        %parallel_loop3A_209 = arith.cmpi slt, %parallel_loop3A_202, %parallel_loop3A_208 : i32
        %parallel_loop3A_210 = arith.xori %parallel_loop3A_207, %parallel_loop3A_209 : i1
        %parallel_loop3A_211 = arith.andi %parallel_loop3A_210, %parallel_loop3A_205 : i1
        %parallel_loop3A_212 = arith.addi %parallel_loop3A_203, %parallel_loop3A_202 : i32
        %parallel_loop3A_213 = arith.select %parallel_loop3A_211, %parallel_loop3A_212, %parallel_loop3A_203 : i32
        %parallel_loop3A_214 = arith.constant 129 : i32
        %parallel_loop3A_215 = arith.muli %parallel_loop3A_197, %parallel_loop3A_214 : i32
        %parallel_loop3A_216 = arith.constant 16 : i32
        %parallel_loop3A_217 = arith.muli %parallel_loop3A_213, %parallel_loop3A_216 : i32
        %parallel_loop3A_218 = arith.addi %parallel_loop3A_215, %parallel_loop3A_217 : i32
        %parallel_loop3A_219 = arith.index_cast %parallel_loop3A_218 : i32 to index
        %parallel_loop3A_220 = tpu.vector_load %arg7[%parallel_loop3A_219] {strides = array<i32>} : memref<2064xi32, #tpu.memory_space<vmem>>, vector<16xi32>,
        %parallel_loop3A_221 = arith.constant 912 : i32
        %parallel_loop3A_222 = vector.broadcast %parallel_loop3A_221 : i32 to vector<16xi32>
        %parallel_loop3A_223 = arith.muli %parallel_loop3A_220, %parallel_loop3A_222 : vector<16xi32>
        %parallel_loop3A_224 = arith.addi %parallel_loop3A_223, %iota3A : vector<16xi32>
        %parallel_loop3A_225 = arith.constant 16 : i32
        %parallel_loop3A_226 = arith.muli %parallel_loop3A_213, %parallel_loop3A_225 : i32
        %parallel_loop3A_227 = arith.constant 0 : i32
        %parallel_loop3A_228 = vector.broadcast %parallel_loop3A_227 : i32 to vector<16xi32>
        %parallel_loop3A_229 = arith.addi %parallel_loop3A_224, %parallel_loop3A_228 : vector<16xi32>
        %parallel_loop3A_230 = tpu.vector_load_idx %arg10[%parallel_loop3A_229] : memref<19152xf32, #tpu.memory_space<vmem>>[vector<16xi32>], vector<16xf32>,
        %parallel_loop3A_231 = arith.constant 0 : i32
        %parallel_loop3A_232 = arith.index_cast %parallel_loop3A_231 : i32 to index
        %parallel_loop3A_233 = arith.index_cast %parallel_loop3A_197 : i32 to index
        %parallel_loop3A_234 = arith.index_cast %parallel_loop3A_226 : i32 to index
        %parallel_loop3A_235 = tpu.vector_load %arg11[%parallel_loop3A_232, %parallel_loop3A_233, %parallel_loop3A_234] {strides = array<i32>} : memref<8x16x128xf32, #tpu.memory_space<vmem>>, vector<16xf32>,
        tpu.vector_store %arg11[%parallel_loop3A_232, %parallel_loop3A_233, %parallel_loop3A_234], %parallel_loop3A_230 {strides = array<i32>} : memref<8x16x128xf32, #tpu.memory_space<vmem>>, vector<16xf32>,
        %parallel_loop3A_236 = arith.constant 16 : i32
        %parallel_loop3A_237 = vector.broadcast %parallel_loop3A_236 : i32 to vector<16xi32>
        %parallel_loop3A_238 = arith.addi %parallel_loop3A_224, %parallel_loop3A_237 : vector<16xi32>
        %parallel_loop3A_239 = tpu.vector_load_idx %arg10[%parallel_loop3A_238] : memref<19152xf32, #tpu.memory_space<vmem>>[vector<16xi32>], vector<16xf32>,
        %parallel_loop3A_240 = arith.constant 1 : i32
        %parallel_loop3A_241 = arith.index_cast %parallel_loop3A_240 : i32 to index
        %parallel_loop3A_242 = arith.index_cast %parallel_loop3A_197 : i32 to index
        %parallel_loop3A_243 = arith.index_cast %parallel_loop3A_226 : i32 to index
        %parallel_loop3A_244 = tpu.vector_load %arg11[%parallel_loop3A_241, %parallel_loop3A_242, %parallel_loop3A_243] {strides = array<i32>} : memref<8x16x128xf32, #tpu.memory_space<vmem>>, vector<16xf32>,
        tpu.vector_store %arg11[%parallel_loop3A_241, %parallel_loop3A_242, %parallel_loop3A_243], %parallel_loop3A_239 {strides = array<i32>} : memref<8x16x128xf32, #tpu.memory_space<vmem>>, vector<16xf32>,
        %parallel_loop3A_245 = arith.constant 32 : i32
        %parallel_loop3A_246 = vector.broadcast %parallel_loop3A_245 : i32 to vector<16xi32>
        %parallel_loop3A_247 = arith.addi %parallel_loop3A_224, %parallel_loop3A_246 : vector<16xi32>
        %parallel_loop3A_248 = tpu.vector_load_idx %arg10[%parallel_loop3A_247] : memref<19152xf32, #tpu.memory_space<vmem>>[vector<16xi32>], vector<16xf32>,
        %parallel_loop3A_249 = arith.constant 2 : i32
        %parallel_loop3A_250 = arith.index_cast %parallel_loop3A_249 : i32 to index
        %parallel_loop3A_251 = arith.index_cast %parallel_loop3A_197 : i32 to index
        %parallel_loop3A_252 = arith.index_cast %parallel_loop3A_226 : i32 to index
        %parallel_loop3A_253 = tpu.vector_load %arg11[%parallel_loop3A_250, %parallel_loop3A_251, %parallel_loop3A_252] {strides = array<i32>} : memref<8x16x128xf32, #tpu.memory_space<vmem>>, vector<16xf32>,
        tpu.vector_store %arg11[%parallel_loop3A_250, %parallel_loop3A_251, %parallel_loop3A_252], %parallel_loop3A_248 {strides = array<i32>} : memref<8x16x128xf32, #tpu.memory_space<vmem>>, vector<16xf32>,
        %parallel_loop3A_254 = arith.constant 48 : i32
        %parallel_loop3A_255 = vector.broadcast %parallel_loop3A_254 : i32 to vector<16xi32>
        %parallel_loop3A_256 = arith.addi %parallel_loop3A_224, %parallel_loop3A_255 : vector<16xi32>
        %parallel_loop3A_257 = tpu.vector_load_idx %arg10[%parallel_loop3A_256] : memref<19152xf32, #tpu.memory_space<vmem>>[vector<16xi32>], vector<16xf32>,
        %parallel_loop3A_258 = arith.constant 3 : i32
        %parallel_loop3A_259 = arith.index_cast %parallel_loop3A_258 : i32 to index
        %parallel_loop3A_260 = arith.index_cast %parallel_loop3A_197 : i32 to index
        %parallel_loop3A_261 = arith.index_cast %parallel_loop3A_226 : i32 to index
        %parallel_loop3A_262 = tpu.vector_load %arg11[%parallel_loop3A_259, %parallel_loop3A_260, %parallel_loop3A_261] {strides = array<i32>} : memref<8x16x128xf32, #tpu.memory_space<vmem>>, vector<16xf32>,
        tpu.vector_store %arg11[%parallel_loop3A_259, %parallel_loop3A_260, %parallel_loop3A_261], %parallel_loop3A_257 {strides = array<i32>} : memref<8x16x128xf32, #tpu.memory_space<vmem>>, vector<16xf32>,
        %parallel_loop3A_263 = arith.constant 64 : i32
        %parallel_loop3A_264 = vector.broadcast %parallel_loop3A_263 : i32 to vector<16xi32>
        %parallel_loop3A_265 = arith.addi %parallel_loop3A_224, %parallel_loop3A_264 : vector<16xi32>
        %parallel_loop3A_266 = tpu.vector_load_idx %arg10[%parallel_loop3A_265] : memref<19152xf32, #tpu.memory_space<vmem>>[vector<16xi32>], vector<16xf32>,
        %parallel_loop3A_267 = arith.constant 4 : i32
        %parallel_loop3A_268 = arith.index_cast %parallel_loop3A_267 : i32 to index
        %parallel_loop3A_269 = arith.index_cast %parallel_loop3A_197 : i32 to index
        %parallel_loop3A_270 = arith.index_cast %parallel_loop3A_226 : i32 to index
        %parallel_loop3A_271 = tpu.vector_load %arg11[%parallel_loop3A_268, %parallel_loop3A_269, %parallel_loop3A_270] {strides = array<i32>} : memref<8x16x128xf32, #tpu.memory_space<vmem>>, vector<16xf32>,
        tpu.vector_store %arg11[%parallel_loop3A_268, %parallel_loop3A_269, %parallel_loop3A_270], %parallel_loop3A_266 {strides = array<i32>} : memref<8x16x128xf32, #tpu.memory_space<vmem>>, vector<16xf32>,
        %parallel_loop3A_272 = arith.constant 80 : i32
        %parallel_loop3A_273 = vector.broadcast %parallel_loop3A_272 : i32 to vector<16xi32>
        %parallel_loop3A_274 = arith.addi %parallel_loop3A_224, %parallel_loop3A_273 : vector<16xi32>
        %parallel_loop3A_275 = tpu.vector_load_idx %arg10[%parallel_loop3A_274] : memref<19152xf32, #tpu.memory_space<vmem>>[vector<16xi32>], vector<16xf32>,
        %parallel_loop3A_276 = arith.constant 5 : i32
        %parallel_loop3A_277 = arith.index_cast %parallel_loop3A_276 : i32 to index
        %parallel_loop3A_278 = arith.index_cast %parallel_loop3A_197 : i32 to index
        %parallel_loop3A_279 = arith.index_cast %parallel_loop3A_226 : i32 to index
        %parallel_loop3A_280 = tpu.vector_load %arg11[%parallel_loop3A_277, %parallel_loop3A_278, %parallel_loop3A_279] {strides = array<i32>} : memref<8x16x128xf32, #tpu.memory_space<vmem>>, vector<16xf32>,
        tpu.vector_store %arg11[%parallel_loop3A_277, %parallel_loop3A_278, %parallel_loop3A_279], %parallel_loop3A_275 {strides = array<i32>} : memref<8x16x128xf32, #tpu.memory_space<vmem>>, vector<16xf32>,
        %parallel_loop3A_281 = arith.constant 96 : i32
        %parallel_loop3A_282 = vector.broadcast %parallel_loop3A_281 : i32 to vector<16xi32>
        %parallel_loop3A_283 = arith.addi %parallel_loop3A_224, %parallel_loop3A_282 : vector<16xi32>
        %parallel_loop3A_284 = tpu.vector_load_idx %arg10[%parallel_loop3A_283] : memref<19152xf32, #tpu.memory_space<vmem>>[vector<16xi32>], vector<16xf32>,
        %parallel_loop3A_285 = arith.constant 6 : i32
        %parallel_loop3A_286 = arith.index_cast %parallel_loop3A_285 : i32 to index
        %parallel_loop3A_287 = arith.index_cast %parallel_loop3A_197 : i32 to index
        %parallel_loop3A_288 = arith.index_cast %parallel_loop3A_226 : i32 to index
        %parallel_loop3A_289 = tpu.vector_load %arg11[%parallel_loop3A_286, %parallel_loop3A_287, %parallel_loop3A_288] {strides = array<i32>} : memref<8x16x128xf32, #tpu.memory_space<vmem>>, vector<16xf32>,
        tpu.vector_store %arg11[%parallel_loop3A_286, %parallel_loop3A_287, %parallel_loop3A_288], %parallel_loop3A_284 {strides = array<i32>} : memref<8x16x128xf32, #tpu.memory_space<vmem>>, vector<16xf32>,
        %parallel_loop3A_290 = arith.constant 112 : i32
        %parallel_loop3A_291 = vector.broadcast %parallel_loop3A_290 : i32 to vector<16xi32>
        %parallel_loop3A_292 = arith.addi %parallel_loop3A_224, %parallel_loop3A_291 : vector<16xi32>
        %parallel_loop3A_293 = tpu.vector_load_idx %arg10[%parallel_loop3A_292] : memref<19152xf32, #tpu.memory_space<vmem>>[vector<16xi32>], vector<16xf32>,
        %parallel_loop3A_294 = arith.constant 7 : i32
        %parallel_loop3A_295 = arith.index_cast %parallel_loop3A_294 : i32 to index
        %parallel_loop3A_296 = arith.index_cast %parallel_loop3A_197 : i32 to index
        %parallel_loop3A_297 = arith.index_cast %parallel_loop3A_226 : i32 to index
        %parallel_loop3A_298 = tpu.vector_load %arg11[%parallel_loop3A_295, %parallel_loop3A_296, %parallel_loop3A_297] {strides = array<i32>} : memref<8x16x128xf32, #tpu.memory_space<vmem>>, vector<16xf32>,
        tpu.vector_store %arg11[%parallel_loop3A_295, %parallel_loop3A_296, %parallel_loop3A_297], %parallel_loop3A_293 {strides = array<i32>} : memref<8x16x128xf32, #tpu.memory_space<vmem>>, vector<16xf32>,
      } {sc.loop_unroll_factor = 8 : i64, sc.parallel_access}
      %dma_start3A = arith.constant 0 : i32
      %dma_start3A_26 = arith.constant 0 : i32
      %dma_start3A_27 = tpu.memref_slice %arg5[%arg1, %dma_start3A, %dma_start3A_26, %multiple_of3A] : memref<16x64x16x2048xf32, #tpu.memory_space<hbm>> -> memref<1x8x16x128xf32, #tpu.memory_space<hbm>>
      %dma_start3A_28 = tpu.memref_squeeze %dma_start3A_27 : memref<1x8x16x128xf32, #tpu.memory_space<hbm>> -> memref<8x16x128xf32, #tpu.memory_space<hbm>>
      %dma_start3A_29 = arith.constant 0 : i32
      %dma_start3A_30 = arith.constant 0 : i32
      %dma_start3A_31 = tpu.memref_slice %arg5[%arg1, %dma_start3A_29, %dma_start3A_30, %multiple_of3A] : memref<16x64x16x2048xf32, #tpu.memory_space<hbm>> -> memref<1x8x16x128xf32, #tpu.memory_space<hbm>>
      %dma_start3A_32 = tpu.memref_squeeze %dma_start3A_31 : memref<1x8x16x128xf32, #tpu.memory_space<hbm>> -> memref<8x16x128xf32, #tpu.memory_space<hbm>>
      tpu.enqueue_dma source(%arg11 : memref<8x16x128xf32, #tpu.memory_space<vmem>>) target(%dma_start3A_32 : memref<8x16x128xf32, #tpu.memory_space<hbm>>) target_semaphore(%arg13 : memref<!tpu.dma_semaphore, #tpu.memory_space<semaphore_mem>>)
      %parallel_loop3A_33 = arith.constant 0 : i32
      %parallel_loop3A_34 = arith.constant 128 : i32
      %parallel_loop3A_35 = arith.constant 1 : i32
      scf.for %parallel_loop3A_173 = %parallel_loop3A_33 to %parallel_loop3A_34 step %parallel_loop3A_35  : i32 {
        %parallel_loop3A_174 = arith.constant 8 : i32
        %parallel_loop3A_175 = arith.divsi %parallel_loop3A_173, %parallel_loop3A_174 : i32
        %parallel_loop3A_176 = arith.constant 0 : i32
        %parallel_loop3A_177 = arith.cmpi sgt, %parallel_loop3A_173, %parallel_loop3A_176 : i32
        %parallel_loop3A_178 = arith.extui %parallel_loop3A_177 : i1 to i32
        %parallel_loop3A_179 = arith.constant 0 : i32
        %parallel_loop3A_180 = arith.cmpi slt, %parallel_loop3A_173, %parallel_loop3A_179 : i32
        %parallel_loop3A_181 = arith.extui %parallel_loop3A_180 : i1 to i32
        %parallel_loop3A_182 = arith.subi %parallel_loop3A_178, %parallel_loop3A_181 : i32
        %parallel_loop3A_183 = arith.constant 0 : i32
        %parallel_loop3A_184 = arith.cmpi sgt, %parallel_loop3A_174, %parallel_loop3A_183 : i32
        %parallel_loop3A_185 = arith.extui %parallel_loop3A_184 : i1 to i32
        %parallel_loop3A_186 = arith.constant 0 : i32
        %parallel_loop3A_187 = arith.cmpi slt, %parallel_loop3A_174, %parallel_loop3A_186 : i32
        %parallel_loop3A_188 = arith.extui %parallel_loop3A_187 : i1 to i32
        %parallel_loop3A_189 = arith.subi %parallel_loop3A_185, %parallel_loop3A_188 : i32
        %parallel_loop3A_190 = arith.cmpi ne, %parallel_loop3A_182, %parallel_loop3A_189 : i32
        %parallel_loop3A_191 = arith.remsi %parallel_loop3A_173, %parallel_loop3A_174 : i32
        %parallel_loop3A_192 = arith.constant 0 : i32
        %parallel_loop3A_193 = arith.cmpi ne, %parallel_loop3A_191, %parallel_loop3A_192 : i32
        %parallel_loop3A_194 = arith.andi %parallel_loop3A_190, %parallel_loop3A_193 : i1
        %parallel_loop3A_195 = arith.constant 1 : i32
        %parallel_loop3A_196 = arith.subi %parallel_loop3A_175, %parallel_loop3A_195 : i32
        %parallel_loop3A_197 = arith.select %parallel_loop3A_194, %parallel_loop3A_196, %parallel_loop3A_175 : i32
        %parallel_loop3A_198 = arith.constant 8 : i32
        %parallel_loop3A_199 = arith.constant 0 : i32
        %parallel_loop3A_200 = arith.cmpi eq, %parallel_loop3A_198, %parallel_loop3A_199 : i32
        %parallel_loop3A_201 = arith.constant 1 : i32
        %parallel_loop3A_202 = arith.select %parallel_loop3A_200, %parallel_loop3A_201, %parallel_loop3A_198 : i32
        %parallel_loop3A_203 = arith.remsi %parallel_loop3A_173, %parallel_loop3A_202 : i32
        %parallel_loop3A_204 = arith.constant 0 : i32
        %parallel_loop3A_205 = arith.cmpi ne, %parallel_loop3A_203, %parallel_loop3A_204 : i32
        %parallel_loop3A_206 = arith.constant 0 : i32
        %parallel_loop3A_207 = arith.cmpi slt, %parallel_loop3A_203, %parallel_loop3A_206 : i32
        %parallel_loop3A_208 = arith.constant 0 : i32
        %parallel_loop3A_209 = arith.cmpi slt, %parallel_loop3A_202, %parallel_loop3A_208 : i32
        %parallel_loop3A_210 = arith.xori %parallel_loop3A_207, %parallel_loop3A_209 : i1
        %parallel_loop3A_211 = arith.andi %parallel_loop3A_210, %parallel_loop3A_205 : i1
        %parallel_loop3A_212 = arith.addi %parallel_loop3A_203, %parallel_loop3A_202 : i32
        %parallel_loop3A_213 = arith.select %parallel_loop3A_211, %parallel_loop3A_212, %parallel_loop3A_203 : i32
        %parallel_loop3A_214 = arith.constant 129 : i32
        %parallel_loop3A_215 = arith.muli %parallel_loop3A_197, %parallel_loop3A_214 : i32
        %parallel_loop3A_216 = arith.constant 16 : i32
        %parallel_loop3A_217 = arith.muli %parallel_loop3A_213, %parallel_loop3A_216 : i32
        %parallel_loop3A_218 = arith.addi %parallel_loop3A_215, %parallel_loop3A_217 : i32
        %parallel_loop3A_219 = arith.index_cast %parallel_loop3A_218 : i32 to index
        %parallel_loop3A_220 = tpu.vector_load %arg7[%parallel_loop3A_219] {strides = array<i32>} : memref<2064xi32, #tpu.memory_space<vmem>>, vector<16xi32>,
        %parallel_loop3A_221 = arith.constant 912 : i32
        %parallel_loop3A_222 = vector.broadcast %parallel_loop3A_221 : i32 to vector<16xi32>
        %parallel_loop3A_223 = arith.muli %parallel_loop3A_220, %parallel_loop3A_222 : vector<16xi32>
        %parallel_loop3A_224 = arith.addi %parallel_loop3A_223, %iota3A : vector<16xi32>
        %parallel_loop3A_225 = arith.constant 16 : i32
        %parallel_loop3A_226 = arith.muli %parallel_loop3A_213, %parallel_loop3A_225 : i32
        %parallel_loop3A_227 = arith.constant 128 : i32
        %parallel_loop3A_228 = vector.broadcast %parallel_loop3A_227 : i32 to vector<16xi32>
        %parallel_loop3A_229 = arith.addi %parallel_loop3A_224, %parallel_loop3A_228 : vector<16xi32>
        %parallel_loop3A_230 = tpu.vector_load_idx %arg10[%parallel_loop3A_229] : memref<19152xf32, #tpu.memory_space<vmem>>[vector<16xi32>], vector<16xf32>,
        %parallel_loop3A_231 = arith.constant 0 : i32
        %parallel_loop3A_232 = arith.index_cast %parallel_loop3A_231 : i32 to index
        %parallel_loop3A_233 = arith.index_cast %parallel_loop3A_197 : i32 to index
        %parallel_loop3A_234 = arith.index_cast %parallel_loop3A_226 : i32 to index
        %parallel_loop3A_235 = tpu.vector_load %arg12[%parallel_loop3A_232, %parallel_loop3A_233, %parallel_loop3A_234] {strides = array<i32>} : memref<8x16x128xf32, #tpu.memory_space<vmem>>, vector<16xf32>,
        tpu.vector_store %arg12[%parallel_loop3A_232, %parallel_loop3A_233, %parallel_loop3A_234], %parallel_loop3A_230 {strides = array<i32>} : memref<8x16x128xf32, #tpu.memory_space<vmem>>, vector<16xf32>,
        %parallel_loop3A_236 = arith.constant 144 : i32
        %parallel_loop3A_237 = vector.broadcast %parallel_loop3A_236 : i32 to vector<16xi32>
        %parallel_loop3A_238 = arith.addi %parallel_loop3A_224, %parallel_loop3A_237 : vector<16xi32>
        %parallel_loop3A_239 = tpu.vector_load_idx %arg10[%parallel_loop3A_238] : memref<19152xf32, #tpu.memory_space<vmem>>[vector<16xi32>], vector<16xf32>,
        %parallel_loop3A_240 = arith.constant 1 : i32
        %parallel_loop3A_241 = arith.index_cast %parallel_loop3A_240 : i32 to index
        %parallel_loop3A_242 = arith.index_cast %parallel_loop3A_197 : i32 to index
        %parallel_loop3A_243 = arith.index_cast %parallel_loop3A_226 : i32 to index
        %parallel_loop3A_244 = tpu.vector_load %arg12[%parallel_loop3A_241, %parallel_loop3A_242, %parallel_loop3A_243] {strides = array<i32>} : memref<8x16x128xf32, #tpu.memory_space<vmem>>, vector<16xf32>,
        tpu.vector_store %arg12[%parallel_loop3A_241, %parallel_loop3A_242, %parallel_loop3A_243], %parallel_loop3A_239 {strides = array<i32>} : memref<8x16x128xf32, #tpu.memory_space<vmem>>, vector<16xf32>,
        %parallel_loop3A_245 = arith.constant 160 : i32
        %parallel_loop3A_246 = vector.broadcast %parallel_loop3A_245 : i32 to vector<16xi32>
        %parallel_loop3A_247 = arith.addi %parallel_loop3A_224, %parallel_loop3A_246 : vector<16xi32>
        %parallel_loop3A_248 = tpu.vector_load_idx %arg10[%parallel_loop3A_247] : memref<19152xf32, #tpu.memory_space<vmem>>[vector<16xi32>], vector<16xf32>,
        %parallel_loop3A_249 = arith.constant 2 : i32
        %parallel_loop3A_250 = arith.index_cast %parallel_loop3A_249 : i32 to index
        %parallel_loop3A_251 = arith.index_cast %parallel_loop3A_197 : i32 to index
        %parallel_loop3A_252 = arith.index_cast %parallel_loop3A_226 : i32 to index
        %parallel_loop3A_253 = tpu.vector_load %arg12[%parallel_loop3A_250, %parallel_loop3A_251, %parallel_loop3A_252] {strides = array<i32>} : memref<8x16x128xf32, #tpu.memory_space<vmem>>, vector<16xf32>,
        tpu.vector_store %arg12[%parallel_loop3A_250, %parallel_loop3A_251, %parallel_loop3A_252], %parallel_loop3A_248 {strides = array<i32>} : memref<8x16x128xf32, #tpu.memory_space<vmem>>, vector<16xf32>,
        %parallel_loop3A_254 = arith.constant 176 : i32
        %parallel_loop3A_255 = vector.broadcast %parallel_loop3A_254 : i32 to vector<16xi32>
        %parallel_loop3A_256 = arith.addi %parallel_loop3A_224, %parallel_loop3A_255 : vector<16xi32>
        %parallel_loop3A_257 = tpu.vector_load_idx %arg10[%parallel_loop3A_256] : memref<19152xf32, #tpu.memory_space<vmem>>[vector<16xi32>], vector<16xf32>,
        %parallel_loop3A_258 = arith.constant 3 : i32
        %parallel_loop3A_259 = arith.index_cast %parallel_loop3A_258 : i32 to index
        %parallel_loop3A_260 = arith.index_cast %parallel_loop3A_197 : i32 to index
        %parallel_loop3A_261 = arith.index_cast %parallel_loop3A_226 : i32 to index
        %parallel_loop3A_262 = tpu.vector_load %arg12[%parallel_loop3A_259, %parallel_loop3A_260, %parallel_loop3A_261] {strides = array<i32>} : memref<8x16x128xf32, #tpu.memory_space<vmem>>, vector<16xf32>,
        tpu.vector_store %arg12[%parallel_loop3A_259, %parallel_loop3A_260, %parallel_loop3A_261], %parallel_loop3A_257 {strides = array<i32>} : memref<8x16x128xf32, #tpu.memory_space<vmem>>, vector<16xf32>,
        %parallel_loop3A_263 = arith.constant 192 : i32
        %parallel_loop3A_264 = vector.broadcast %parallel_loop3A_263 : i32 to vector<16xi32>
        %parallel_loop3A_265 = arith.addi %parallel_loop3A_224, %parallel_loop3A_264 : vector<16xi32>
        %parallel_loop3A_266 = tpu.vector_load_idx %arg10[%parallel_loop3A_265] : memref<19152xf32, #tpu.memory_space<vmem>>[vector<16xi32>], vector<16xf32>,
        %parallel_loop3A_267 = arith.constant 4 : i32
        %parallel_loop3A_268 = arith.index_cast %parallel_loop3A_267 : i32 to index
        %parallel_loop3A_269 = arith.index_cast %parallel_loop3A_197 : i32 to index
        %parallel_loop3A_270 = arith.index_cast %parallel_loop3A_226 : i32 to index
        %parallel_loop3A_271 = tpu.vector_load %arg12[%parallel_loop3A_268, %parallel_loop3A_269, %parallel_loop3A_270] {strides = array<i32>} : memref<8x16x128xf32, #tpu.memory_space<vmem>>, vector<16xf32>,
        tpu.vector_store %arg12[%parallel_loop3A_268, %parallel_loop3A_269, %parallel_loop3A_270], %parallel_loop3A_266 {strides = array<i32>} : memref<8x16x128xf32, #tpu.memory_space<vmem>>, vector<16xf32>,
        %parallel_loop3A_272 = arith.constant 208 : i32
        %parallel_loop3A_273 = vector.broadcast %parallel_loop3A_272 : i32 to vector<16xi32>
        %parallel_loop3A_274 = arith.addi %parallel_loop3A_224, %parallel_loop3A_273 : vector<16xi32>
        %parallel_loop3A_275 = tpu.vector_load_idx %arg10[%parallel_loop3A_274] : memref<19152xf32, #tpu.memory_space<vmem>>[vector<16xi32>], vector<16xf32>,
        %parallel_loop3A_276 = arith.constant 5 : i32
        %parallel_loop3A_277 = arith.index_cast %parallel_loop3A_276 : i32 to index
        %parallel_loop3A_278 = arith.index_cast %parallel_loop3A_197 : i32 to index
        %parallel_loop3A_279 = arith.index_cast %parallel_loop3A_226 : i32 to index
        %parallel_loop3A_280 = tpu.vector_load %arg12[%parallel_loop3A_277, %parallel_loop3A_278, %parallel_loop3A_279] {strides = array<i32>} : memref<8x16x128xf32, #tpu.memory_space<vmem>>, vector<16xf32>,
        tpu.vector_store %arg12[%parallel_loop3A_277, %parallel_loop3A_278, %parallel_loop3A_279], %parallel_loop3A_275 {strides = array<i32>} : memref<8x16x128xf32, #tpu.memory_space<vmem>>, vector<16xf32>,
        %parallel_loop3A_281 = arith.constant 224 : i32
        %parallel_loop3A_282 = vector.broadcast %parallel_loop3A_281 : i32 to vector<16xi32>
        %parallel_loop3A_283 = arith.addi %parallel_loop3A_224, %parallel_loop3A_282 : vector<16xi32>
        %parallel_loop3A_284 = tpu.vector_load_idx %arg10[%parallel_loop3A_283] : memref<19152xf32, #tpu.memory_space<vmem>>[vector<16xi32>], vector<16xf32>,
        %parallel_loop3A_285 = arith.constant 6 : i32
        %parallel_loop3A_286 = arith.index_cast %parallel_loop3A_285 : i32 to index
        %parallel_loop3A_287 = arith.index_cast %parallel_loop3A_197 : i32 to index
        %parallel_loop3A_288 = arith.index_cast %parallel_loop3A_226 : i32 to index
        %parallel_loop3A_289 = tpu.vector_load %arg12[%parallel_loop3A_286, %parallel_loop3A_287, %parallel_loop3A_288] {strides = array<i32>} : memref<8x16x128xf32, #tpu.memory_space<vmem>>, vector<16xf32>,
        tpu.vector_store %arg12[%parallel_loop3A_286, %parallel_loop3A_287, %parallel_loop3A_288], %parallel_loop3A_284 {strides = array<i32>} : memref<8x16x128xf32, #tpu.memory_space<vmem>>, vector<16xf32>,
        %parallel_loop3A_290 = arith.constant 240 : i32
        %parallel_loop3A_291 = vector.broadcast %parallel_loop3A_290 : i32 to vector<16xi32>
        %parallel_loop3A_292 = arith.addi %parallel_loop3A_224, %parallel_loop3A_291 : vector<16xi32>
        %parallel_loop3A_293 = tpu.vector_load_idx %arg10[%parallel_loop3A_292] : memref<19152xf32, #tpu.memory_space<vmem>>[vector<16xi32>], vector<16xf32>,
        %parallel_loop3A_294 = arith.constant 7 : i32
        %parallel_loop3A_295 = arith.index_cast %parallel_loop3A_294 : i32 to index
        %parallel_loop3A_296 = arith.index_cast %parallel_loop3A_197 : i32 to index
        %parallel_loop3A_297 = arith.index_cast %parallel_loop3A_226 : i32 to index
        %parallel_loop3A_298 = tpu.vector_load %arg12[%parallel_loop3A_295, %parallel_loop3A_296, %parallel_loop3A_297] {strides = array<i32>} : memref<8x16x128xf32, #tpu.memory_space<vmem>>, vector<16xf32>,
        tpu.vector_store %arg12[%parallel_loop3A_295, %parallel_loop3A_296, %parallel_loop3A_297], %parallel_loop3A_293 {strides = array<i32>} : memref<8x16x128xf32, #tpu.memory_space<vmem>>, vector<16xf32>,
      } {sc.loop_unroll_factor = 8 : i64, sc.parallel_access}
      %dma_start3A_36 = arith.constant 8 : i32
      %dma_start3A_37 = arith.constant 0 : i32
      %dma_start3A_38 = tpu.memref_slice %arg5[%arg1, %dma_start3A_36, %dma_start3A_37, %multiple_of3A] : memref<16x64x16x2048xf32, #tpu.memory_space<hbm>> -> memref<1x8x16x128xf32, #tpu.memory_space<hbm>>
      %dma_start3A_39 = tpu.memref_squeeze %dma_start3A_38 : memref<1x8x16x128xf32, #tpu.memory_space<hbm>> -> memref<8x16x128xf32, #tpu.memory_space<hbm>>
      %dma_start3A_40 = arith.constant 8 : i32
      %dma_start3A_41 = arith.constant 0 : i32
      %dma_start3A_42 = tpu.memref_slice %arg5[%arg1, %dma_start3A_40, %dma_start3A_41, %multiple_of3A] : memref<16x64x16x2048xf32, #tpu.memory_space<hbm>> -> memref<1x8x16x128xf32, #tpu.memory_space<hbm>>
      %dma_start3A_43 = tpu.memref_squeeze %dma_start3A_42 : memref<1x8x16x128xf32, #tpu.memory_space<hbm>> -> memref<8x16x128xf32, #tpu.memory_space<hbm>>
      tpu.enqueue_dma source(%arg12 : memref<8x16x128xf32, #tpu.memory_space<vmem>>) target(%dma_start3A_43 : memref<8x16x128xf32, #tpu.memory_space<hbm>>) target_semaphore(%arg14 : memref<!tpu.dma_semaphore, #tpu.memory_space<semaphore_mem>>)
      %dma_wait3A = arith.constant 0 : i32
      %dma_wait3A_44 = arith.constant 0 : i32
      %dma_wait3A_45 = tpu.memref_slice %arg5[%arg1, %dma_wait3A, %dma_wait3A_44, %multiple_of3A] : memref<16x64x16x2048xf32, #tpu.memory_space<hbm>> -> memref<1x8x16x128xf32, #tpu.memory_space<hbm>>
      %dma_wait3A_46 = tpu.memref_squeeze %dma_wait3A_45 : memref<1x8x16x128xf32, #tpu.memory_space<hbm>> -> memref<8x16x128xf32, #tpu.memory_space<hbm>>
      %dma_wait3A_47 = arith.constant 0 : i32
      %dma_wait3A_48 = arith.constant 0 : i32
      %dma_wait3A_49 = tpu.memref_slice %arg5[%arg1, %dma_wait3A_47, %dma_wait3A_48, %multiple_of3A] : memref<16x64x16x2048xf32, #tpu.memory_space<hbm>> -> memref<1x8x16x128xf32, #tpu.memory_space<hbm>>
      %dma_wait3A_50 = tpu.memref_squeeze %dma_wait3A_49 : memref<1x8x16x128xf32, #tpu.memory_space<hbm>> -> memref<8x16x128xf32, #tpu.memory_space<hbm>>
      tpu.wait_dma2 semaphore(%arg13 : memref<!tpu.dma_semaphore, #tpu.memory_space<semaphore_mem>>) src(%arg11 : memref<8x16x128xf32, #tpu.memory_space<vmem>>) dst(%dma_wait3A_50 : memref<8x16x128xf32, #tpu.memory_space<hbm>>)
      %parallel_loop3A_51 = arith.constant 0 : i32
      %parallel_loop3A_52 = arith.constant 128 : i32
      %parallel_loop3A_53 = arith.constant 1 : i32
      scf.for %parallel_loop3A_173 = %parallel_loop3A_51 to %parallel_loop3A_52 step %parallel_loop3A_53  : i32 {
        %parallel_loop3A_174 = arith.constant 8 : i32
        %parallel_loop3A_175 = arith.divsi %parallel_loop3A_173, %parallel_loop3A_174 : i32
        %parallel_loop3A_176 = arith.constant 0 : i32
        %parallel_loop3A_177 = arith.cmpi sgt, %parallel_loop3A_173, %parallel_loop3A_176 : i32
        %parallel_loop3A_178 = arith.extui %parallel_loop3A_177 : i1 to i32
        %parallel_loop3A_179 = arith.constant 0 : i32
        %parallel_loop3A_180 = arith.cmpi slt, %parallel_loop3A_173, %parallel_loop3A_179 : i32
        %parallel_loop3A_181 = arith.extui %parallel_loop3A_180 : i1 to i32
        %parallel_loop3A_182 = arith.subi %parallel_loop3A_178, %parallel_loop3A_181 : i32
        %parallel_loop3A_183 = arith.constant 0 : i32
        %parallel_loop3A_184 = arith.cmpi sgt, %parallel_loop3A_174, %parallel_loop3A_183 : i32
        %parallel_loop3A_185 = arith.extui %parallel_loop3A_184 : i1 to i32
        %parallel_loop3A_186 = arith.constant 0 : i32
        %parallel_loop3A_187 = arith.cmpi slt, %parallel_loop3A_174, %parallel_loop3A_186 : i32
        %parallel_loop3A_188 = arith.extui %parallel_loop3A_187 : i1 to i32
        %parallel_loop3A_189 = arith.subi %parallel_loop3A_185, %parallel_loop3A_188 : i32
        %parallel_loop3A_190 = arith.cmpi ne, %parallel_loop3A_182, %parallel_loop3A_189 : i32
        %parallel_loop3A_191 = arith.remsi %parallel_loop3A_173, %parallel_loop3A_174 : i32
        %parallel_loop3A_192 = arith.constant 0 : i32
        %parallel_loop3A_193 = arith.cmpi ne, %parallel_loop3A_191, %parallel_loop3A_192 : i32
        %parallel_loop3A_194 = arith.andi %parallel_loop3A_190, %parallel_loop3A_193 : i1
        %parallel_loop3A_195 = arith.constant 1 : i32
        %parallel_loop3A_196 = arith.subi %parallel_loop3A_175, %parallel_loop3A_195 : i32
        %parallel_loop3A_197 = arith.select %parallel_loop3A_194, %parallel_loop3A_196, %parallel_loop3A_175 : i32
        %parallel_loop3A_198 = arith.constant 8 : i32
        %parallel_loop3A_199 = arith.constant 0 : i32
        %parallel_loop3A_200 = arith.cmpi eq, %parallel_loop3A_198, %parallel_loop3A_199 : i32
        %parallel_loop3A_201 = arith.constant 1 : i32
        %parallel_loop3A_202 = arith.select %parallel_loop3A_200, %parallel_loop3A_201, %parallel_loop3A_198 : i32
        %parallel_loop3A_203 = arith.remsi %parallel_loop3A_173, %parallel_loop3A_202 : i32
        %parallel_loop3A_204 = arith.constant 0 : i32
        %parallel_loop3A_205 = arith.cmpi ne, %parallel_loop3A_203, %parallel_loop3A_204 : i32
        %parallel_loop3A_206 = arith.constant 0 : i32
        %parallel_loop3A_207 = arith.cmpi slt, %parallel_loop3A_203, %parallel_loop3A_206 : i32
        %parallel_loop3A_208 = arith.constant 0 : i32
        %parallel_loop3A_209 = arith.cmpi slt, %parallel_loop3A_202, %parallel_loop3A_208 : i32
        %parallel_loop3A_210 = arith.xori %parallel_loop3A_207, %parallel_loop3A_209 : i1
        %parallel_loop3A_211 = arith.andi %parallel_loop3A_210, %parallel_loop3A_205 : i1
        %parallel_loop3A_212 = arith.addi %parallel_loop3A_203, %parallel_loop3A_202 : i32
        %parallel_loop3A_213 = arith.select %parallel_loop3A_211, %parallel_loop3A_212, %parallel_loop3A_203 : i32
        %parallel_loop3A_214 = arith.constant 129 : i32
        %parallel_loop3A_215 = arith.muli %parallel_loop3A_197, %parallel_loop3A_214 : i32
        %parallel_loop3A_216 = arith.constant 16 : i32
        %parallel_loop3A_217 = arith.muli %parallel_loop3A_213, %parallel_loop3A_216 : i32
        %parallel_loop3A_218 = arith.addi %parallel_loop3A_215, %parallel_loop3A_217 : i32
        %parallel_loop3A_219 = arith.index_cast %parallel_loop3A_218 : i32 to index
        %parallel_loop3A_220 = tpu.vector_load %arg7[%parallel_loop3A_219] {strides = array<i32>} : memref<2064xi32, #tpu.memory_space<vmem>>, vector<16xi32>,
        %parallel_loop3A_221 = arith.constant 912 : i32
        %parallel_loop3A_222 = vector.broadcast %parallel_loop3A_221 : i32 to vector<16xi32>
        %parallel_loop3A_223 = arith.muli %parallel_loop3A_220, %parallel_loop3A_222 : vector<16xi32>
        %parallel_loop3A_224 = arith.addi %parallel_loop3A_223, %iota3A : vector<16xi32>
        %parallel_loop3A_225 = arith.constant 16 : i32
        %parallel_loop3A_226 = arith.muli %parallel_loop3A_213, %parallel_loop3A_225 : i32
        %parallel_loop3A_227 = arith.constant 256 : i32
        %parallel_loop3A_228 = vector.broadcast %parallel_loop3A_227 : i32 to vector<16xi32>
        %parallel_loop3A_229 = arith.addi %parallel_loop3A_224, %parallel_loop3A_228 : vector<16xi32>
        %parallel_loop3A_230 = tpu.vector_load_idx %arg10[%parallel_loop3A_229] : memref<19152xf32, #tpu.memory_space<vmem>>[vector<16xi32>], vector<16xf32>,
        %parallel_loop3A_231 = arith.constant 0 : i32
        %parallel_loop3A_232 = arith.index_cast %parallel_loop3A_231 : i32 to index
        %parallel_loop3A_233 = arith.index_cast %parallel_loop3A_197 : i32 to index
        %parallel_loop3A_234 = arith.index_cast %parallel_loop3A_226 : i32 to index
        %parallel_loop3A_235 = tpu.vector_load %arg11[%parallel_loop3A_232, %parallel_loop3A_233, %parallel_loop3A_234] {strides = array<i32>} : memref<8x16x128xf32, #tpu.memory_space<vmem>>, vector<16xf32>,
        tpu.vector_store %arg11[%parallel_loop3A_232, %parallel_loop3A_233, %parallel_loop3A_234], %parallel_loop3A_230 {strides = array<i32>} : memref<8x16x128xf32, #tpu.memory_space<vmem>>, vector<16xf32>,
        %parallel_loop3A_236 = arith.constant 272 : i32
        %parallel_loop3A_237 = vector.broadcast %parallel_loop3A_236 : i32 to vector<16xi32>
        %parallel_loop3A_238 = arith.addi %parallel_loop3A_224, %parallel_loop3A_237 : vector<16xi32>
        %parallel_loop3A_239 = tpu.vector_load_idx %arg10[%parallel_loop3A_238] : memref<19152xf32, #tpu.memory_space<vmem>>[vector<16xi32>], vector<16xf32>,
        %parallel_loop3A_240 = arith.constant 1 : i32
        %parallel_loop3A_241 = arith.index_cast %parallel_loop3A_240 : i32 to index
        %parallel_loop3A_242 = arith.index_cast %parallel_loop3A_197 : i32 to index
        %parallel_loop3A_243 = arith.index_cast %parallel_loop3A_226 : i32 to index
        %parallel_loop3A_244 = tpu.vector_load %arg11[%parallel_loop3A_241, %parallel_loop3A_242, %parallel_loop3A_243] {strides = array<i32>} : memref<8x16x128xf32, #tpu.memory_space<vmem>>, vector<16xf32>,
        tpu.vector_store %arg11[%parallel_loop3A_241, %parallel_loop3A_242, %parallel_loop3A_243], %parallel_loop3A_239 {strides = array<i32>} : memref<8x16x128xf32, #tpu.memory_space<vmem>>, vector<16xf32>,
        %parallel_loop3A_245 = arith.constant 288 : i32
        %parallel_loop3A_246 = vector.broadcast %parallel_loop3A_245 : i32 to vector<16xi32>
        %parallel_loop3A_247 = arith.addi %parallel_loop3A_224, %parallel_loop3A_246 : vector<16xi32>
        %parallel_loop3A_248 = tpu.vector_load_idx %arg10[%parallel_loop3A_247] : memref<19152xf32, #tpu.memory_space<vmem>>[vector<16xi32>], vector<16xf32>,
        %parallel_loop3A_249 = arith.constant 2 : i32
        %parallel_loop3A_250 = arith.index_cast %parallel_loop3A_249 : i32 to index
        %parallel_loop3A_251 = arith.index_cast %parallel_loop3A_197 : i32 to index
        %parallel_loop3A_252 = arith.index_cast %parallel_loop3A_226 : i32 to index
        %parallel_loop3A_253 = tpu.vector_load %arg11[%parallel_loop3A_250, %parallel_loop3A_251, %parallel_loop3A_252] {strides = array<i32>} : memref<8x16x128xf32, #tpu.memory_space<vmem>>, vector<16xf32>,
        tpu.vector_store %arg11[%parallel_loop3A_250, %parallel_loop3A_251, %parallel_loop3A_252], %parallel_loop3A_248 {strides = array<i32>} : memref<8x16x128xf32, #tpu.memory_space<vmem>>, vector<16xf32>,
        %parallel_loop3A_254 = arith.constant 304 : i32
        %parallel_loop3A_255 = vector.broadcast %parallel_loop3A_254 : i32 to vector<16xi32>
        %parallel_loop3A_256 = arith.addi %parallel_loop3A_224, %parallel_loop3A_255 : vector<16xi32>
        %parallel_loop3A_257 = tpu.vector_load_idx %arg10[%parallel_loop3A_256] : memref<19152xf32, #tpu.memory_space<vmem>>[vector<16xi32>], vector<16xf32>,
        %parallel_loop3A_258 = arith.constant 3 : i32
        %parallel_loop3A_259 = arith.index_cast %parallel_loop3A_258 : i32 to index
        %parallel_loop3A_260 = arith.index_cast %parallel_loop3A_197 : i32 to index
        %parallel_loop3A_261 = arith.index_cast %parallel_loop3A_226 : i32 to index
        %parallel_loop3A_262 = tpu.vector_load %arg11[%parallel_loop3A_259, %parallel_loop3A_260, %parallel_loop3A_261] {strides = array<i32>} : memref<8x16x128xf32, #tpu.memory_space<vmem>>, vector<16xf32>,
        tpu.vector_store %arg11[%parallel_loop3A_259, %parallel_loop3A_260, %parallel_loop3A_261], %parallel_loop3A_257 {strides = array<i32>} : memref<8x16x128xf32, #tpu.memory_space<vmem>>, vector<16xf32>,
        %parallel_loop3A_263 = arith.constant 320 : i32
        %parallel_loop3A_264 = vector.broadcast %parallel_loop3A_263 : i32 to vector<16xi32>
        %parallel_loop3A_265 = arith.addi %parallel_loop3A_224, %parallel_loop3A_264 : vector<16xi32>
        %parallel_loop3A_266 = tpu.vector_load_idx %arg10[%parallel_loop3A_265] : memref<19152xf32, #tpu.memory_space<vmem>>[vector<16xi32>], vector<16xf32>,
        %parallel_loop3A_267 = arith.constant 4 : i32
        %parallel_loop3A_268 = arith.index_cast %parallel_loop3A_267 : i32 to index
        %parallel_loop3A_269 = arith.index_cast %parallel_loop3A_197 : i32 to index
        %parallel_loop3A_270 = arith.index_cast %parallel_loop3A_226 : i32 to index
        %parallel_loop3A_271 = tpu.vector_load %arg11[%parallel_loop3A_268, %parallel_loop3A_269, %parallel_loop3A_270] {strides = array<i32>} : memref<8x16x128xf32, #tpu.memory_space<vmem>>, vector<16xf32>,
        tpu.vector_store %arg11[%parallel_loop3A_268, %parallel_loop3A_269, %parallel_loop3A_270], %parallel_loop3A_266 {strides = array<i32>} : memref<8x16x128xf32, #tpu.memory_space<vmem>>, vector<16xf32>,
        %parallel_loop3A_272 = arith.constant 336 : i32
        %parallel_loop3A_273 = vector.broadcast %parallel_loop3A_272 : i32 to vector<16xi32>
        %parallel_loop3A_274 = arith.addi %parallel_loop3A_224, %parallel_loop3A_273 : vector<16xi32>
        %parallel_loop3A_275 = tpu.vector_load_idx %arg10[%parallel_loop3A_274] : memref<19152xf32, #tpu.memory_space<vmem>>[vector<16xi32>], vector<16xf32>,
        %parallel_loop3A_276 = arith.constant 5 : i32
        %parallel_loop3A_277 = arith.index_cast %parallel_loop3A_276 : i32 to index
        %parallel_loop3A_278 = arith.index_cast %parallel_loop3A_197 : i32 to index
        %parallel_loop3A_279 = arith.index_cast %parallel_loop3A_226 : i32 to index
        %parallel_loop3A_280 = tpu.vector_load %arg11[%parallel_loop3A_277, %parallel_loop3A_278, %parallel_loop3A_279] {strides = array<i32>} : memref<8x16x128xf32, #tpu.memory_space<vmem>>, vector<16xf32>,
        tpu.vector_store %arg11[%parallel_loop3A_277, %parallel_loop3A_278, %parallel_loop3A_279], %parallel_loop3A_275 {strides = array<i32>} : memref<8x16x128xf32, #tpu.memory_space<vmem>>, vector<16xf32>,
        %parallel_loop3A_281 = arith.constant 352 : i32
        %parallel_loop3A_282 = vector.broadcast %parallel_loop3A_281 : i32 to vector<16xi32>
        %parallel_loop3A_283 = arith.addi %parallel_loop3A_224, %parallel_loop3A_282 : vector<16xi32>
        %parallel_loop3A_284 = tpu.vector_load_idx %arg10[%parallel_loop3A_283] : memref<19152xf32, #tpu.memory_space<vmem>>[vector<16xi32>], vector<16xf32>,
        %parallel_loop3A_285 = arith.constant 6 : i32
        %parallel_loop3A_286 = arith.index_cast %parallel_loop3A_285 : i32 to index
        %parallel_loop3A_287 = arith.index_cast %parallel_loop3A_197 : i32 to index
        %parallel_loop3A_288 = arith.index_cast %parallel_loop3A_226 : i32 to index
        %parallel_loop3A_289 = tpu.vector_load %arg11[%parallel_loop3A_286, %parallel_loop3A_287, %parallel_loop3A_288] {strides = array<i32>} : memref<8x16x128xf32, #tpu.memory_space<vmem>>, vector<16xf32>,
        tpu.vector_store %arg11[%parallel_loop3A_286, %parallel_loop3A_287, %parallel_loop3A_288], %parallel_loop3A_284 {strides = array<i32>} : memref<8x16x128xf32, #tpu.memory_space<vmem>>, vector<16xf32>,
        %parallel_loop3A_290 = arith.constant 368 : i32
        %parallel_loop3A_291 = vector.broadcast %parallel_loop3A_290 : i32 to vector<16xi32>
        %parallel_loop3A_292 = arith.addi %parallel_loop3A_224, %parallel_loop3A_291 : vector<16xi32>
        %parallel_loop3A_293 = tpu.vector_load_idx %arg10[%parallel_loop3A_292] : memref<19152xf32, #tpu.memory_space<vmem>>[vector<16xi32>], vector<16xf32>,
        %parallel_loop3A_294 = arith.constant 7 : i32
        %parallel_loop3A_295 = arith.index_cast %parallel_loop3A_294 : i32 to index
        %parallel_loop3A_296 = arith.index_cast %parallel_loop3A_197 : i32 to index
        %parallel_loop3A_297 = arith.index_cast %parallel_loop3A_226 : i32 to index
        %parallel_loop3A_298 = tpu.vector_load %arg11[%parallel_loop3A_295, %parallel_loop3A_296, %parallel_loop3A_297] {strides = array<i32>} : memref<8x16x128xf32, #tpu.memory_space<vmem>>, vector<16xf32>,
        tpu.vector_store %arg11[%parallel_loop3A_295, %parallel_loop3A_296, %parallel_loop3A_297], %parallel_loop3A_293 {strides = array<i32>} : memref<8x16x128xf32, #tpu.memory_space<vmem>>, vector<16xf32>,
      } {sc.loop_unroll_factor = 8 : i64, sc.parallel_access}
      %dma_start3A_54 = arith.constant 16 : i32
      %dma_start3A_55 = arith.constant 0 : i32
      %dma_start3A_56 = tpu.memref_slice %arg5[%arg1, %dma_start3A_54, %dma_start3A_55, %multiple_of3A] : memref<16x64x16x2048xf32, #tpu.memory_space<hbm>> -> memref<1x8x16x128xf32, #tpu.memory_space<hbm>>
      %dma_start3A_57 = tpu.memref_squeeze %dma_start3A_56 : memref<1x8x16x128xf32, #tpu.memory_space<hbm>> -> memref<8x16x128xf32, #tpu.memory_space<hbm>>
      %dma_start3A_58 = arith.constant 16 : i32
      %dma_start3A_59 = arith.constant 0 : i32
      %dma_start3A_60 = tpu.memref_slice %arg5[%arg1, %dma_start3A_58, %dma_start3A_59, %multiple_of3A] : memref<16x64x16x2048xf32, #tpu.memory_space<hbm>> -> memref<1x8x16x128xf32, #tpu.memory_space<hbm>>
      %dma_start3A_61 = tpu.memref_squeeze %dma_start3A_60 : memref<1x8x16x128xf32, #tpu.memory_space<hbm>> -> memref<8x16x128xf32, #tpu.memory_space<hbm>>
      tpu.enqueue_dma source(%arg11 : memref<8x16x128xf32, #tpu.memory_space<vmem>>) target(%dma_start3A_61 : memref<8x16x128xf32, #tpu.memory_space<hbm>>) target_semaphore(%arg13 : memref<!tpu.dma_semaphore, #tpu.memory_space<semaphore_mem>>)
      %dma_wait3A_62 = arith.constant 8 : i32
      %dma_wait3A_63 = arith.constant 0 : i32
      %dma_wait3A_64 = tpu.memref_slice %arg5[%arg1, %dma_wait3A_62, %dma_wait3A_63, %multiple_of3A] : memref<16x64x16x2048xf32, #tpu.memory_space<hbm>> -> memref<1x8x16x128xf32, #tpu.memory_space<hbm>>
      %dma_wait3A_65 = tpu.memref_squeeze %dma_wait3A_64 : memref<1x8x16x128xf32, #tpu.memory_space<hbm>> -> memref<8x16x128xf32, #tpu.memory_space<hbm>>
      %dma_wait3A_66 = arith.constant 8 : i32
      %dma_wait3A_67 = arith.constant 0 : i32
      %dma_wait3A_68 = tpu.memref_slice %arg5[%arg1, %dma_wait3A_66, %dma_wait3A_67, %multiple_of3A] : memref<16x64x16x2048xf32, #tpu.memory_space<hbm>> -> memref<1x8x16x128xf32, #tpu.memory_space<hbm>>
      %dma_wait3A_69 = tpu.memref_squeeze %dma_wait3A_68 : memref<1x8x16x128xf32, #tpu.memory_space<hbm>> -> memref<8x16x128xf32, #tpu.memory_space<hbm>>
      tpu.wait_dma2 semaphore(%arg14 : memref<!tpu.dma_semaphore, #tpu.memory_space<semaphore_mem>>) src(%arg12 : memref<8x16x128xf32, #tpu.memory_space<vmem>>) dst(%dma_wait3A_69 : memref<8x16x128xf32, #tpu.memory_space<hbm>>)
      %parallel_loop3A_70 = arith.constant 0 : i32
      %parallel_loop3A_71 = arith.constant 128 : i32
      %parallel_loop3A_72 = arith.constant 1 : i32
      scf.for %parallel_loop3A_173 = %parallel_loop3A_70 to %parallel_loop3A_71 step %parallel_loop3A_72  : i32 {
        %parallel_loop3A_174 = arith.constant 8 : i32
        %parallel_loop3A_175 = arith.divsi %parallel_loop3A_173, %parallel_loop3A_174 : i32
        %parallel_loop3A_176 = arith.constant 0 : i32
        %parallel_loop3A_177 = arith.cmpi sgt, %parallel_loop3A_173, %parallel_loop3A_176 : i32
        %parallel_loop3A_178 = arith.extui %parallel_loop3A_177 : i1 to i32
        %parallel_loop3A_179 = arith.constant 0 : i32
        %parallel_loop3A_180 = arith.cmpi slt, %parallel_loop3A_173, %parallel_loop3A_179 : i32
        %parallel_loop3A_181 = arith.extui %parallel_loop3A_180 : i1 to i32
        %parallel_loop3A_182 = arith.subi %parallel_loop3A_178, %parallel_loop3A_181 : i32
        %parallel_loop3A_183 = arith.constant 0 : i32
        %parallel_loop3A_184 = arith.cmpi sgt, %parallel_loop3A_174, %parallel_loop3A_183 : i32
        %parallel_loop3A_185 = arith.extui %parallel_loop3A_184 : i1 to i32
        %parallel_loop3A_186 = arith.constant 0 : i32
        %parallel_loop3A_187 = arith.cmpi slt, %parallel_loop3A_174, %parallel_loop3A_186 : i32
        %parallel_loop3A_188 = arith.extui %parallel_loop3A_187 : i1 to i32
        %parallel_loop3A_189 = arith.subi %parallel_loop3A_185, %parallel_loop3A_188 : i32
        %parallel_loop3A_190 = arith.cmpi ne, %parallel_loop3A_182, %parallel_loop3A_189 : i32
        %parallel_loop3A_191 = arith.remsi %parallel_loop3A_173, %parallel_loop3A_174 : i32
        %parallel_loop3A_192 = arith.constant 0 : i32
        %parallel_loop3A_193 = arith.cmpi ne, %parallel_loop3A_191, %parallel_loop3A_192 : i32
        %parallel_loop3A_194 = arith.andi %parallel_loop3A_190, %parallel_loop3A_193 : i1
        %parallel_loop3A_195 = arith.constant 1 : i32
        %parallel_loop3A_196 = arith.subi %parallel_loop3A_175, %parallel_loop3A_195 : i32
        %parallel_loop3A_197 = arith.select %parallel_loop3A_194, %parallel_loop3A_196, %parallel_loop3A_175 : i32
        %parallel_loop3A_198 = arith.constant 8 : i32
        %parallel_loop3A_199 = arith.constant 0 : i32
        %parallel_loop3A_200 = arith.cmpi eq, %parallel_loop3A_198, %parallel_loop3A_199 : i32
        %parallel_loop3A_201 = arith.constant 1 : i32
        %parallel_loop3A_202 = arith.select %parallel_loop3A_200, %parallel_loop3A_201, %parallel_loop3A_198 : i32
        %parallel_loop3A_203 = arith.remsi %parallel_loop3A_173, %parallel_loop3A_202 : i32
        %parallel_loop3A_204 = arith.constant 0 : i32
        %parallel_loop3A_205 = arith.cmpi ne, %parallel_loop3A_203, %parallel_loop3A_204 : i32
        %parallel_loop3A_206 = arith.constant 0 : i32
        %parallel_loop3A_207 = arith.cmpi slt, %parallel_loop3A_203, %parallel_loop3A_206 : i32
        %parallel_loop3A_208 = arith.constant 0 : i32
        %parallel_loop3A_209 = arith.cmpi slt, %parallel_loop3A_202, %parallel_loop3A_208 : i32
        %parallel_loop3A_210 = arith.xori %parallel_loop3A_207, %parallel_loop3A_209 : i1
        %parallel_loop3A_211 = arith.andi %parallel_loop3A_210, %parallel_loop3A_205 : i1
        %parallel_loop3A_212 = arith.addi %parallel_loop3A_203, %parallel_loop3A_202 : i32
        %parallel_loop3A_213 = arith.select %parallel_loop3A_211, %parallel_loop3A_212, %parallel_loop3A_203 : i32
        %parallel_loop3A_214 = arith.constant 129 : i32
        %parallel_loop3A_215 = arith.muli %parallel_loop3A_197, %parallel_loop3A_214 : i32
        %parallel_loop3A_216 = arith.constant 16 : i32
        %parallel_loop3A_217 = arith.muli %parallel_loop3A_213, %parallel_loop3A_216 : i32
        %parallel_loop3A_218 = arith.addi %parallel_loop3A_215, %parallel_loop3A_217 : i32
        %parallel_loop3A_219 = arith.index_cast %parallel_loop3A_218 : i32 to index
        %parallel_loop3A_220 = tpu.vector_load %arg7[%parallel_loop3A_219] {strides = array<i32>} : memref<2064xi32, #tpu.memory_space<vmem>>, vector<16xi32>,
        %parallel_loop3A_221 = arith.constant 912 : i32
        %parallel_loop3A_222 = vector.broadcast %parallel_loop3A_221 : i32 to vector<16xi32>
        %parallel_loop3A_223 = arith.muli %parallel_loop3A_220, %parallel_loop3A_222 : vector<16xi32>
        %parallel_loop3A_224 = arith.addi %parallel_loop3A_223, %iota3A : vector<16xi32>
        %parallel_loop3A_225 = arith.constant 16 : i32
        %parallel_loop3A_226 = arith.muli %parallel_loop3A_213, %parallel_loop3A_225 : i32
        %parallel_loop3A_227 = arith.constant 384 : i32
        %parallel_loop3A_228 = vector.broadcast %parallel_loop3A_227 : i32 to vector<16xi32>
        %parallel_loop3A_229 = arith.addi %parallel_loop3A_224, %parallel_loop3A_228 : vector<16xi32>
        %parallel_loop3A_230 = tpu.vector_load_idx %arg10[%parallel_loop3A_229] : memref<19152xf32, #tpu.memory_space<vmem>>[vector<16xi32>], vector<16xf32>,
        %parallel_loop3A_231 = arith.constant 0 : i32
        %parallel_loop3A_232 = arith.index_cast %parallel_loop3A_231 : i32 to index
        %parallel_loop3A_233 = arith.index_cast %parallel_loop3A_197 : i32 to index
        %parallel_loop3A_234 = arith.index_cast %parallel_loop3A_226 : i32 to index
        %parallel_loop3A_235 = tpu.vector_load %arg12[%parallel_loop3A_232, %parallel_loop3A_233, %parallel_loop3A_234] {strides = array<i32>} : memref<8x16x128xf32, #tpu.memory_space<vmem>>, vector<16xf32>,
        tpu.vector_store %arg12[%parallel_loop3A_232, %parallel_loop3A_233, %parallel_loop3A_234], %parallel_loop3A_230 {strides = array<i32>} : memref<8x16x128xf32, #tpu.memory_space<vmem>>, vector<16xf32>,
        %parallel_loop3A_236 = arith.constant 400 : i32
        %parallel_loop3A_237 = vector.broadcast %parallel_loop3A_236 : i32 to vector<16xi32>
        %parallel_loop3A_238 = arith.addi %parallel_loop3A_224, %parallel_loop3A_237 : vector<16xi32>
        %parallel_loop3A_239 = tpu.vector_load_idx %arg10[%parallel_loop3A_238] : memref<19152xf32, #tpu.memory_space<vmem>>[vector<16xi32>], vector<16xf32>,
        %parallel_loop3A_240 = arith.constant 1 : i32
        %parallel_loop3A_241 = arith.index_cast %parallel_loop3A_240 : i32 to index
        %parallel_loop3A_242 = arith.index_cast %parallel_loop3A_197 : i32 to index
        %parallel_loop3A_243 = arith.index_cast %parallel_loop3A_226 : i32 to index
        %parallel_loop3A_244 = tpu.vector_load %arg12[%parallel_loop3A_241, %parallel_loop3A_242, %parallel_loop3A_243] {strides = array<i32>} : memref<8x16x128xf32, #tpu.memory_space<vmem>>, vector<16xf32>,
        tpu.vector_store %arg12[%parallel_loop3A_241, %parallel_loop3A_242, %parallel_loop3A_243], %parallel_loop3A_239 {strides = array<i32>} : memref<8x16x128xf32, #tpu.memory_space<vmem>>, vector<16xf32>,
        %parallel_loop3A_245 = arith.constant 416 : i32
        %parallel_loop3A_246 = vector.broadcast %parallel_loop3A_245 : i32 to vector<16xi32>
        %parallel_loop3A_247 = arith.addi %parallel_loop3A_224, %parallel_loop3A_246 : vector<16xi32>
        %parallel_loop3A_248 = tpu.vector_load_idx %arg10[%parallel_loop3A_247] : memref<19152xf32, #tpu.memory_space<vmem>>[vector<16xi32>], vector<16xf32>,
        %parallel_loop3A_249 = arith.constant 2 : i32
        %parallel_loop3A_250 = arith.index_cast %parallel_loop3A_249 : i32 to index
        %parallel_loop3A_251 = arith.index_cast %parallel_loop3A_197 : i32 to index
        %parallel_loop3A_252 = arith.index_cast %parallel_loop3A_226 : i32 to index
        %parallel_loop3A_253 = tpu.vector_load %arg12[%parallel_loop3A_250, %parallel_loop3A_251, %parallel_loop3A_252] {strides = array<i32>} : memref<8x16x128xf32, #tpu.memory_space<vmem>>, vector<16xf32>,
        tpu.vector_store %arg12[%parallel_loop3A_250, %parallel_loop3A_251, %parallel_loop3A_252], %parallel_loop3A_248 {strides = array<i32>} : memref<8x16x128xf32, #tpu.memory_space<vmem>>, vector<16xf32>,
        %parallel_loop3A_254 = arith.constant 432 : i32
        %parallel_loop3A_255 = vector.broadcast %parallel_loop3A_254 : i32 to vector<16xi32>
        %parallel_loop3A_256 = arith.addi %parallel_loop3A_224, %parallel_loop3A_255 : vector<16xi32>
        %parallel_loop3A_257 = tpu.vector_load_idx %arg10[%parallel_loop3A_256] : memref<19152xf32, #tpu.memory_space<vmem>>[vector<16xi32>], vector<16xf32>,
        %parallel_loop3A_258 = arith.constant 3 : i32
        %parallel_loop3A_259 = arith.index_cast %parallel_loop3A_258 : i32 to index
        %parallel_loop3A_260 = arith.index_cast %parallel_loop3A_197 : i32 to index
        %parallel_loop3A_261 = arith.index_cast %parallel_loop3A_226 : i32 to index
        %parallel_loop3A_262 = tpu.vector_load %arg12[%parallel_loop3A_259, %parallel_loop3A_260, %parallel_loop3A_261] {strides = array<i32>} : memref<8x16x128xf32, #tpu.memory_space<vmem>>, vector<16xf32>,
        tpu.vector_store %arg12[%parallel_loop3A_259, %parallel_loop3A_260, %parallel_loop3A_261], %parallel_loop3A_257 {strides = array<i32>} : memref<8x16x128xf32, #tpu.memory_space<vmem>>, vector<16xf32>,
        %parallel_loop3A_263 = arith.constant 448 : i32
        %parallel_loop3A_264 = vector.broadcast %parallel_loop3A_263 : i32 to vector<16xi32>
        %parallel_loop3A_265 = arith.addi %parallel_loop3A_224, %parallel_loop3A_264 : vector<16xi32>
        %parallel_loop3A_266 = tpu.vector_load_idx %arg10[%parallel_loop3A_265] : memref<19152xf32, #tpu.memory_space<vmem>>[vector<16xi32>], vector<16xf32>,
        %parallel_loop3A_267 = arith.constant 4 : i32
        %parallel_loop3A_268 = arith.index_cast %parallel_loop3A_267 : i32 to index
        %parallel_loop3A_269 = arith.index_cast %parallel_loop3A_197 : i32 to index
        %parallel_loop3A_270 = arith.index_cast %parallel_loop3A_226 : i32 to index
        %parallel_loop3A_271 = tpu.vector_load %arg12[%parallel_loop3A_268, %parallel_loop3A_269, %parallel_loop3A_270] {strides = array<i32>} : memref<8x16x128xf32, #tpu.memory_space<vmem>>, vector<16xf32>,
        tpu.vector_store %arg12[%parallel_loop3A_268, %parallel_loop3A_269, %parallel_loop3A_270], %parallel_loop3A_266 {strides = array<i32>} : memref<8x16x128xf32, #tpu.memory_space<vmem>>, vector<16xf32>,
        %parallel_loop3A_272 = arith.constant 464 : i32
        %parallel_loop3A_273 = vector.broadcast %parallel_loop3A_272 : i32 to vector<16xi32>
        %parallel_loop3A_274 = arith.addi %parallel_loop3A_224, %parallel_loop3A_273 : vector<16xi32>
        %parallel_loop3A_275 = tpu.vector_load_idx %arg10[%parallel_loop3A_274] : memref<19152xf32, #tpu.memory_space<vmem>>[vector<16xi32>], vector<16xf32>,
        %parallel_loop3A_276 = arith.constant 5 : i32
        %parallel_loop3A_277 = arith.index_cast %parallel_loop3A_276 : i32 to index
        %parallel_loop3A_278 = arith.index_cast %parallel_loop3A_197 : i32 to index
        %parallel_loop3A_279 = arith.index_cast %parallel_loop3A_226 : i32 to index
        %parallel_loop3A_280 = tpu.vector_load %arg12[%parallel_loop3A_277, %parallel_loop3A_278, %parallel_loop3A_279] {strides = array<i32>} : memref<8x16x128xf32, #tpu.memory_space<vmem>>, vector<16xf32>,
        tpu.vector_store %arg12[%parallel_loop3A_277, %parallel_loop3A_278, %parallel_loop3A_279], %parallel_loop3A_275 {strides = array<i32>} : memref<8x16x128xf32, #tpu.memory_space<vmem>>, vector<16xf32>,
        %parallel_loop3A_281 = arith.constant 480 : i32
        %parallel_loop3A_282 = vector.broadcast %parallel_loop3A_281 : i32 to vector<16xi32>
        %parallel_loop3A_283 = arith.addi %parallel_loop3A_224, %parallel_loop3A_282 : vector<16xi32>
        %parallel_loop3A_284 = tpu.vector_load_idx %arg10[%parallel_loop3A_283] : memref<19152xf32, #tpu.memory_space<vmem>>[vector<16xi32>], vector<16xf32>,
        %parallel_loop3A_285 = arith.constant 6 : i32
        %parallel_loop3A_286 = arith.index_cast %parallel_loop3A_285 : i32 to index
        %parallel_loop3A_287 = arith.index_cast %parallel_loop3A_197 : i32 to index
        %parallel_loop3A_288 = arith.index_cast %parallel_loop3A_226 : i32 to index
        %parallel_loop3A_289 = tpu.vector_load %arg12[%parallel_loop3A_286, %parallel_loop3A_287, %parallel_loop3A_288] {strides = array<i32>} : memref<8x16x128xf32, #tpu.memory_space<vmem>>, vector<16xf32>,
        tpu.vector_store %arg12[%parallel_loop3A_286, %parallel_loop3A_287, %parallel_loop3A_288], %parallel_loop3A_284 {strides = array<i32>} : memref<8x16x128xf32, #tpu.memory_space<vmem>>, vector<16xf32>,
        %parallel_loop3A_290 = arith.constant 496 : i32
        %parallel_loop3A_291 = vector.broadcast %parallel_loop3A_290 : i32 to vector<16xi32>
        %parallel_loop3A_292 = arith.addi %parallel_loop3A_224, %parallel_loop3A_291 : vector<16xi32>
        %parallel_loop3A_293 = tpu.vector_load_idx %arg10[%parallel_loop3A_292] : memref<19152xf32, #tpu.memory_space<vmem>>[vector<16xi32>], vector<16xf32>,
        %parallel_loop3A_294 = arith.constant 7 : i32
        %parallel_loop3A_295 = arith.index_cast %parallel_loop3A_294 : i32 to index
        %parallel_loop3A_296 = arith.index_cast %parallel_loop3A_197 : i32 to index
        %parallel_loop3A_297 = arith.index_cast %parallel_loop3A_226 : i32 to index
        %parallel_loop3A_298 = tpu.vector_load %arg12[%parallel_loop3A_295, %parallel_loop3A_296, %parallel_loop3A_297] {strides = array<i32>} : memref<8x16x128xf32, #tpu.memory_space<vmem>>, vector<16xf32>,
        tpu.vector_store %arg12[%parallel_loop3A_295, %parallel_loop3A_296, %parallel_loop3A_297], %parallel_loop3A_293 {strides = array<i32>} : memref<8x16x128xf32, #tpu.memory_space<vmem>>, vector<16xf32>,
      } {sc.loop_unroll_factor = 8 : i64, sc.parallel_access}
      %dma_start3A_73 = arith.constant 24 : i32
      %dma_start3A_74 = arith.constant 0 : i32
      %dma_start3A_75 = tpu.memref_slice %arg5[%arg1, %dma_start3A_73, %dma_start3A_74, %multiple_of3A] : memref<16x64x16x2048xf32, #tpu.memory_space<hbm>> -> memref<1x8x16x128xf32, #tpu.memory_space<hbm>>
      %dma_start3A_76 = tpu.memref_squeeze %dma_start3A_75 : memref<1x8x16x128xf32, #tpu.memory_space<hbm>> -> memref<8x16x128xf32, #tpu.memory_space<hbm>>
      %dma_start3A_77 = arith.constant 24 : i32
      %dma_start3A_78 = arith.constant 0 : i32
      %dma_start3A_79 = tpu.memref_slice %arg5[%arg1, %dma_start3A_77, %dma_start3A_78, %multiple_of3A] : memref<16x64x16x2048xf32, #tpu.memory_space<hbm>> -> memref<1x8x16x128xf32, #tpu.memory_space<hbm>>
      %dma_start3A_80 = tpu.memref_squeeze %dma_start3A_79 : memref<1x8x16x128xf32, #tpu.memory_space<hbm>> -> memref<8x16x128xf32, #tpu.memory_space<hbm>>
      tpu.enqueue_dma source(%arg12 : memref<8x16x128xf32, #tpu.memory_space<vmem>>) target(%dma_start3A_80 : memref<8x16x128xf32, #tpu.memory_space<hbm>>) target_semaphore(%arg14 : memref<!tpu.dma_semaphore, #tpu.memory_space<semaphore_mem>>)
      %dma_wait3A_81 = arith.constant 16 : i32
      %dma_wait3A_82 = arith.constant 0 : i32
      %dma_wait3A_83 = tpu.memref_slice %arg5[%arg1, %dma_wait3A_81, %dma_wait3A_82, %multiple_of3A] : memref<16x64x16x2048xf32, #tpu.memory_space<hbm>> -> memref<1x8x16x128xf32, #tpu.memory_space<hbm>>
      %dma_wait3A_84 = tpu.memref_squeeze %dma_wait3A_83 : memref<1x8x16x128xf32, #tpu.memory_space<hbm>> -> memref<8x16x128xf32, #tpu.memory_space<hbm>>
      %dma_wait3A_85 = arith.constant 16 : i32
      %dma_wait3A_86 = arith.constant 0 : i32
      %dma_wait3A_87 = tpu.memref_slice %arg5[%arg1, %dma_wait3A_85, %dma_wait3A_86, %multiple_of3A] : memref<16x64x16x2048xf32, #tpu.memory_space<hbm>> -> memref<1x8x16x128xf32, #tpu.memory_space<hbm>>
      %dma_wait3A_88 = tpu.memref_squeeze %dma_wait3A_87 : memref<1x8x16x128xf32, #tpu.memory_space<hbm>> -> memref<8x16x128xf32, #tpu.memory_space<hbm>>
      tpu.wait_dma2 semaphore(%arg13 : memref<!tpu.dma_semaphore, #tpu.memory_space<semaphore_mem>>) src(%arg11 : memref<8x16x128xf32, #tpu.memory_space<vmem>>) dst(%dma_wait3A_88 : memref<8x16x128xf32, #tpu.memory_space<hbm>>)
      %parallel_loop3A_89 = arith.constant 0 : i32
      %parallel_loop3A_90 = arith.constant 128 : i32
      %parallel_loop3A_91 = arith.constant 1 : i32
      scf.for %parallel_loop3A_173 = %parallel_loop3A_89 to %parallel_loop3A_90 step %parallel_loop3A_91  : i32 {
        %parallel_loop3A_174 = arith.constant 8 : i32
        %parallel_loop3A_175 = arith.divsi %parallel_loop3A_173, %parallel_loop3A_174 : i32
        %parallel_loop3A_176 = arith.constant 0 : i32
        %parallel_loop3A_177 = arith.cmpi sgt, %parallel_loop3A_173, %parallel_loop3A_176 : i32
        %parallel_loop3A_178 = arith.extui %parallel_loop3A_177 : i1 to i32
        %parallel_loop3A_179 = arith.constant 0 : i32
        %parallel_loop3A_180 = arith.cmpi slt, %parallel_loop3A_173, %parallel_loop3A_179 : i32
        %parallel_loop3A_181 = arith.extui %parallel_loop3A_180 : i1 to i32
        %parallel_loop3A_182 = arith.subi %parallel_loop3A_178, %parallel_loop3A_181 : i32
        %parallel_loop3A_183 = arith.constant 0 : i32
        %parallel_loop3A_184 = arith.cmpi sgt, %parallel_loop3A_174, %parallel_loop3A_183 : i32
        %parallel_loop3A_185 = arith.extui %parallel_loop3A_184 : i1 to i32
        %parallel_loop3A_186 = arith.constant 0 : i32
        %parallel_loop3A_187 = arith.cmpi slt, %parallel_loop3A_174, %parallel_loop3A_186 : i32
        %parallel_loop3A_188 = arith.extui %parallel_loop3A_187 : i1 to i32
        %parallel_loop3A_189 = arith.subi %parallel_loop3A_185, %parallel_loop3A_188 : i32
        %parallel_loop3A_190 = arith.cmpi ne, %parallel_loop3A_182, %parallel_loop3A_189 : i32
        %parallel_loop3A_191 = arith.remsi %parallel_loop3A_173, %parallel_loop3A_174 : i32
        %parallel_loop3A_192 = arith.constant 0 : i32
        %parallel_loop3A_193 = arith.cmpi ne, %parallel_loop3A_191, %parallel_loop3A_192 : i32
        %parallel_loop3A_194 = arith.andi %parallel_loop3A_190, %parallel_loop3A_193 : i1
        %parallel_loop3A_195 = arith.constant 1 : i32
        %parallel_loop3A_196 = arith.subi %parallel_loop3A_175, %parallel_loop3A_195 : i32
        %parallel_loop3A_197 = arith.select %parallel_loop3A_194, %parallel_loop3A_196, %parallel_loop3A_175 : i32
        %parallel_loop3A_198 = arith.constant 8 : i32
        %parallel_loop3A_199 = arith.constant 0 : i32
        %parallel_loop3A_200 = arith.cmpi eq, %parallel_loop3A_198, %parallel_loop3A_199 : i32
        %parallel_loop3A_201 = arith.constant 1 : i32
        %parallel_loop3A_202 = arith.select %parallel_loop3A_200, %parallel_loop3A_201, %parallel_loop3A_198 : i32
        %parallel_loop3A_203 = arith.remsi %parallel_loop3A_173, %parallel_loop3A_202 : i32
        %parallel_loop3A_204 = arith.constant 0 : i32
        %parallel_loop3A_205 = arith.cmpi ne, %parallel_loop3A_203, %parallel_loop3A_204 : i32
        %parallel_loop3A_206 = arith.constant 0 : i32
        %parallel_loop3A_207 = arith.cmpi slt, %parallel_loop3A_203, %parallel_loop3A_206 : i32
        %parallel_loop3A_208 = arith.constant 0 : i32
        %parallel_loop3A_209 = arith.cmpi slt, %parallel_loop3A_202, %parallel_loop3A_208 : i32
        %parallel_loop3A_210 = arith.xori %parallel_loop3A_207, %parallel_loop3A_209 : i1
        %parallel_loop3A_211 = arith.andi %parallel_loop3A_210, %parallel_loop3A_205 : i1
        %parallel_loop3A_212 = arith.addi %parallel_loop3A_203, %parallel_loop3A_202 : i32
        %parallel_loop3A_213 = arith.select %parallel_loop3A_211, %parallel_loop3A_212, %parallel_loop3A_203 : i32
        %parallel_loop3A_214 = arith.constant 129 : i32
        %parallel_loop3A_215 = arith.muli %parallel_loop3A_197, %parallel_loop3A_214 : i32
        %parallel_loop3A_216 = arith.constant 16 : i32
        %parallel_loop3A_217 = arith.muli %parallel_loop3A_213, %parallel_loop3A_216 : i32
        %parallel_loop3A_218 = arith.addi %parallel_loop3A_215, %parallel_loop3A_217 : i32
        %parallel_loop3A_219 = arith.index_cast %parallel_loop3A_218 : i32 to index
        %parallel_loop3A_220 = tpu.vector_load %arg7[%parallel_loop3A_219] {strides = array<i32>} : memref<2064xi32, #tpu.memory_space<vmem>>, vector<16xi32>,
        %parallel_loop3A_221 = arith.constant 912 : i32
        %parallel_loop3A_222 = vector.broadcast %parallel_loop3A_221 : i32 to vector<16xi32>
        %parallel_loop3A_223 = arith.muli %parallel_loop3A_220, %parallel_loop3A_222 : vector<16xi32>
        %parallel_loop3A_224 = arith.addi %parallel_loop3A_223, %iota3A : vector<16xi32>
        %parallel_loop3A_225 = arith.constant 16 : i32
        %parallel_loop3A_226 = arith.muli %parallel_loop3A_213, %parallel_loop3A_225 : i32
        %parallel_loop3A_227 = arith.constant 512 : i32
        %parallel_loop3A_228 = vector.broadcast %parallel_loop3A_227 : i32 to vector<16xi32>
        %parallel_loop3A_229 = arith.addi %parallel_loop3A_224, %parallel_loop3A_228 : vector<16xi32>
        %parallel_loop3A_230 = tpu.vector_load_idx %arg10[%parallel_loop3A_229] : memref<19152xf32, #tpu.memory_space<vmem>>[vector<16xi32>], vector<16xf32>,
        %parallel_loop3A_231 = arith.constant 0 : i32
        %parallel_loop3A_232 = arith.index_cast %parallel_loop3A_231 : i32 to index
        %parallel_loop3A_233 = arith.index_cast %parallel_loop3A_197 : i32 to index
        %parallel_loop3A_234 = arith.index_cast %parallel_loop3A_226 : i32 to index
        %parallel_loop3A_235 = tpu.vector_load %arg11[%parallel_loop3A_232, %parallel_loop3A_233, %parallel_loop3A_234] {strides = array<i32>} : memref<8x16x128xf32, #tpu.memory_space<vmem>>, vector<16xf32>,
        tpu.vector_store %arg11[%parallel_loop3A_232, %parallel_loop3A_233, %parallel_loop3A_234], %parallel_loop3A_230 {strides = array<i32>} : memref<8x16x128xf32, #tpu.memory_space<vmem>>, vector<16xf32>,
        %parallel_loop3A_236 = arith.constant 528 : i32
        %parallel_loop3A_237 = vector.broadcast %parallel_loop3A_236 : i32 to vector<16xi32>
        %parallel_loop3A_238 = arith.addi %parallel_loop3A_224, %parallel_loop3A_237 : vector<16xi32>
        %parallel_loop3A_239 = tpu.vector_load_idx %arg10[%parallel_loop3A_238] : memref<19152xf32, #tpu.memory_space<vmem>>[vector<16xi32>], vector<16xf32>,
        %parallel_loop3A_240 = arith.constant 1 : i32
        %parallel_loop3A_241 = arith.index_cast %parallel_loop3A_240 : i32 to index
        %parallel_loop3A_242 = arith.index_cast %parallel_loop3A_197 : i32 to index
        %parallel_loop3A_243 = arith.index_cast %parallel_loop3A_226 : i32 to index
        %parallel_loop3A_244 = tpu.vector_load %arg11[%parallel_loop3A_241, %parallel_loop3A_242, %parallel_loop3A_243] {strides = array<i32>} : memref<8x16x128xf32, #tpu.memory_space<vmem>>, vector<16xf32>,
        tpu.vector_store %arg11[%parallel_loop3A_241, %parallel_loop3A_242, %parallel_loop3A_243], %parallel_loop3A_239 {strides = array<i32>} : memref<8x16x128xf32, #tpu.memory_space<vmem>>, vector<16xf32>,
        %parallel_loop3A_245 = arith.constant 544 : i32
        %parallel_loop3A_246 = vector.broadcast %parallel_loop3A_245 : i32 to vector<16xi32>
        %parallel_loop3A_247 = arith.addi %parallel_loop3A_224, %parallel_loop3A_246 : vector<16xi32>
        %parallel_loop3A_248 = tpu.vector_load_idx %arg10[%parallel_loop3A_247] : memref<19152xf32, #tpu.memory_space<vmem>>[vector<16xi32>], vector<16xf32>,
        %parallel_loop3A_249 = arith.constant 2 : i32
        %parallel_loop3A_250 = arith.index_cast %parallel_loop3A_249 : i32 to index
        %parallel_loop3A_251 = arith.index_cast %parallel_loop3A_197 : i32 to index
        %parallel_loop3A_252 = arith.index_cast %parallel_loop3A_226 : i32 to index
        %parallel_loop3A_253 = tpu.vector_load %arg11[%parallel_loop3A_250, %parallel_loop3A_251, %parallel_loop3A_252] {strides = array<i32>} : memref<8x16x128xf32, #tpu.memory_space<vmem>>, vector<16xf32>,
        tpu.vector_store %arg11[%parallel_loop3A_250, %parallel_loop3A_251, %parallel_loop3A_252], %parallel_loop3A_248 {strides = array<i32>} : memref<8x16x128xf32, #tpu.memory_space<vmem>>, vector<16xf32>,
        %parallel_loop3A_254 = arith.constant 560 : i32
        %parallel_loop3A_255 = vector.broadcast %parallel_loop3A_254 : i32 to vector<16xi32>
        %parallel_loop3A_256 = arith.addi %parallel_loop3A_224, %parallel_loop3A_255 : vector<16xi32>
        %parallel_loop3A_257 = tpu.vector_load_idx %arg10[%parallel_loop3A_256] : memref<19152xf32, #tpu.memory_space<vmem>>[vector<16xi32>], vector<16xf32>,
        %parallel_loop3A_258 = arith.constant 3 : i32
        %parallel_loop3A_259 = arith.index_cast %parallel_loop3A_258 : i32 to index
        %parallel_loop3A_260 = arith.index_cast %parallel_loop3A_197 : i32 to index
        %parallel_loop3A_261 = arith.index_cast %parallel_loop3A_226 : i32 to index
        %parallel_loop3A_262 = tpu.vector_load %arg11[%parallel_loop3A_259, %parallel_loop3A_260, %parallel_loop3A_261] {strides = array<i32>} : memref<8x16x128xf32, #tpu.memory_space<vmem>>, vector<16xf32>,
        tpu.vector_store %arg11[%parallel_loop3A_259, %parallel_loop3A_260, %parallel_loop3A_261], %parallel_loop3A_257 {strides = array<i32>} : memref<8x16x128xf32, #tpu.memory_space<vmem>>, vector<16xf32>,
        %parallel_loop3A_263 = arith.constant 576 : i32
        %parallel_loop3A_264 = vector.broadcast %parallel_loop3A_263 : i32 to vector<16xi32>
        %parallel_loop3A_265 = arith.addi %parallel_loop3A_224, %parallel_loop3A_264 : vector<16xi32>
        %parallel_loop3A_266 = tpu.vector_load_idx %arg10[%parallel_loop3A_265] : memref<19152xf32, #tpu.memory_space<vmem>>[vector<16xi32>], vector<16xf32>,
        %parallel_loop3A_267 = arith.constant 4 : i32
        %parallel_loop3A_268 = arith.index_cast %parallel_loop3A_267 : i32 to index
        %parallel_loop3A_269 = arith.index_cast %parallel_loop3A_197 : i32 to index
        %parallel_loop3A_270 = arith.index_cast %parallel_loop3A_226 : i32 to index
        %parallel_loop3A_271 = tpu.vector_load %arg11[%parallel_loop3A_268, %parallel_loop3A_269, %parallel_loop3A_270] {strides = array<i32>} : memref<8x16x128xf32, #tpu.memory_space<vmem>>, vector<16xf32>,
        tpu.vector_store %arg11[%parallel_loop3A_268, %parallel_loop3A_269, %parallel_loop3A_270], %parallel_loop3A_266 {strides = array<i32>} : memref<8x16x128xf32, #tpu.memory_space<vmem>>, vector<16xf32>,
        %parallel_loop3A_272 = arith.constant 592 : i32
        %parallel_loop3A_273 = vector.broadcast %parallel_loop3A_272 : i32 to vector<16xi32>
        %parallel_loop3A_274 = arith.addi %parallel_loop3A_224, %parallel_loop3A_273 : vector<16xi32>
        %parallel_loop3A_275 = tpu.vector_load_idx %arg10[%parallel_loop3A_274] : memref<19152xf32, #tpu.memory_space<vmem>>[vector<16xi32>], vector<16xf32>,
        %parallel_loop3A_276 = arith.constant 5 : i32
        %parallel_loop3A_277 = arith.index_cast %parallel_loop3A_276 : i32 to index
        %parallel_loop3A_278 = arith.index_cast %parallel_loop3A_197 : i32 to index
        %parallel_loop3A_279 = arith.index_cast %parallel_loop3A_226 : i32 to index
        %parallel_loop3A_280 = tpu.vector_load %arg11[%parallel_loop3A_277, %parallel_loop3A_278, %parallel_loop3A_279] {strides = array<i32>} : memref<8x16x128xf32, #tpu.memory_space<vmem>>, vector<16xf32>,
        tpu.vector_store %arg11[%parallel_loop3A_277, %parallel_loop3A_278, %parallel_loop3A_279], %parallel_loop3A_275 {strides = array<i32>} : memref<8x16x128xf32, #tpu.memory_space<vmem>>, vector<16xf32>,
        %parallel_loop3A_281 = arith.constant 608 : i32
        %parallel_loop3A_282 = vector.broadcast %parallel_loop3A_281 : i32 to vector<16xi32>
        %parallel_loop3A_283 = arith.addi %parallel_loop3A_224, %parallel_loop3A_282 : vector<16xi32>
        %parallel_loop3A_284 = tpu.vector_load_idx %arg10[%parallel_loop3A_283] : memref<19152xf32, #tpu.memory_space<vmem>>[vector<16xi32>], vector<16xf32>,
        %parallel_loop3A_285 = arith.constant 6 : i32
        %parallel_loop3A_286 = arith.index_cast %parallel_loop3A_285 : i32 to index
        %parallel_loop3A_287 = arith.index_cast %parallel_loop3A_197 : i32 to index
        %parallel_loop3A_288 = arith.index_cast %parallel_loop3A_226 : i32 to index
        %parallel_loop3A_289 = tpu.vector_load %arg11[%parallel_loop3A_286, %parallel_loop3A_287, %parallel_loop3A_288] {strides = array<i32>} : memref<8x16x128xf32, #tpu.memory_space<vmem>>, vector<16xf32>,
        tpu.vector_store %arg11[%parallel_loop3A_286, %parallel_loop3A_287, %parallel_loop3A_288], %parallel_loop3A_284 {strides = array<i32>} : memref<8x16x128xf32, #tpu.memory_space<vmem>>, vector<16xf32>,
        %parallel_loop3A_290 = arith.constant 624 : i32
        %parallel_loop3A_291 = vector.broadcast %parallel_loop3A_290 : i32 to vector<16xi32>
        %parallel_loop3A_292 = arith.addi %parallel_loop3A_224, %parallel_loop3A_291 : vector<16xi32>
        %parallel_loop3A_293 = tpu.vector_load_idx %arg10[%parallel_loop3A_292] : memref<19152xf32, #tpu.memory_space<vmem>>[vector<16xi32>], vector<16xf32>,
        %parallel_loop3A_294 = arith.constant 7 : i32
        %parallel_loop3A_295 = arith.index_cast %parallel_loop3A_294 : i32 to index
        %parallel_loop3A_296 = arith.index_cast %parallel_loop3A_197 : i32 to index
        %parallel_loop3A_297 = arith.index_cast %parallel_loop3A_226 : i32 to index
        %parallel_loop3A_298 = tpu.vector_load %arg11[%parallel_loop3A_295, %parallel_loop3A_296, %parallel_loop3A_297] {strides = array<i32>} : memref<8x16x128xf32, #tpu.memory_space<vmem>>, vector<16xf32>,
        tpu.vector_store %arg11[%parallel_loop3A_295, %parallel_loop3A_296, %parallel_loop3A_297], %parallel_loop3A_293 {strides = array<i32>} : memref<8x16x128xf32, #tpu.memory_space<vmem>>, vector<16xf32>,
      } {sc.loop_unroll_factor = 8 : i64, sc.parallel_access}
      %dma_start3A_92 = arith.constant 32 : i32
      %dma_start3A_93 = arith.constant 0 : i32
      %dma_start3A_94 = tpu.memref_slice %arg5[%arg1, %dma_start3A_92, %dma_start3A_93, %multiple_of3A] : memref<16x64x16x2048xf32, #tpu.memory_space<hbm>> -> memref<1x8x16x128xf32, #tpu.memory_space<hbm>>
      %dma_start3A_95 = tpu.memref_squeeze %dma_start3A_94 : memref<1x8x16x128xf32, #tpu.memory_space<hbm>> -> memref<8x16x128xf32, #tpu.memory_space<hbm>>
      %dma_start3A_96 = arith.constant 32 : i32
      %dma_start3A_97 = arith.constant 0 : i32
      %dma_start3A_98 = tpu.memref_slice %arg5[%arg1, %dma_start3A_96, %dma_start3A_97, %multiple_of3A] : memref<16x64x16x2048xf32, #tpu.memory_space<hbm>> -> memref<1x8x16x128xf32, #tpu.memory_space<hbm>>
      %dma_start3A_99 = tpu.memref_squeeze %dma_start3A_98 : memref<1x8x16x128xf32, #tpu.memory_space<hbm>> -> memref<8x16x128xf32, #tpu.memory_space<hbm>>
      tpu.enqueue_dma source(%arg11 : memref<8x16x128xf32, #tpu.memory_space<vmem>>) target(%dma_start3A_99 : memref<8x16x128xf32, #tpu.memory_space<hbm>>) target_semaphore(%arg13 : memref<!tpu.dma_semaphore, #tpu.memory_space<semaphore_mem>>)
      %dma_wait3A_100 = arith.constant 24 : i32
      %dma_wait3A_101 = arith.constant 0 : i32
      %dma_wait3A_102 = tpu.memref_slice %arg5[%arg1, %dma_wait3A_100, %dma_wait3A_101, %multiple_of3A] : memref<16x64x16x2048xf32, #tpu.memory_space<hbm>> -> memref<1x8x16x128xf32, #tpu.memory_space<hbm>>
      %dma_wait3A_103 = tpu.memref_squeeze %dma_wait3A_102 : memref<1x8x16x128xf32, #tpu.memory_space<hbm>> -> memref<8x16x128xf32, #tpu.memory_space<hbm>>
      %dma_wait3A_104 = arith.constant 24 : i32
      %dma_wait3A_105 = arith.constant 0 : i32
      %dma_wait3A_106 = tpu.memref_slice %arg5[%arg1, %dma_wait3A_104, %dma_wait3A_105, %multiple_of3A] : memref<16x64x16x2048xf32, #tpu.memory_space<hbm>> -> memref<1x8x16x128xf32, #tpu.memory_space<hbm>>
      %dma_wait3A_107 = tpu.memref_squeeze %dma_wait3A_106 : memref<1x8x16x128xf32, #tpu.memory_space<hbm>> -> memref<8x16x128xf32, #tpu.memory_space<hbm>>
      tpu.wait_dma2 semaphore(%arg14 : memref<!tpu.dma_semaphore, #tpu.memory_space<semaphore_mem>>) src(%arg12 : memref<8x16x128xf32, #tpu.memory_space<vmem>>) dst(%dma_wait3A_107 : memref<8x16x128xf32, #tpu.memory_space<hbm>>)
      %parallel_loop3A_108 = arith.constant 0 : i32
      %parallel_loop3A_109 = arith.constant 128 : i32
      %parallel_loop3A_110 = arith.constant 1 : i32
      scf.for %parallel_loop3A_173 = %parallel_loop3A_108 to %parallel_loop3A_109 step %parallel_loop3A_110  : i32 {
        %parallel_loop3A_174 = arith.constant 8 : i32
        %parallel_loop3A_175 = arith.divsi %parallel_loop3A_173, %parallel_loop3A_174 : i32
        %parallel_loop3A_176 = arith.constant 0 : i32
        %parallel_loop3A_177 = arith.cmpi sgt, %parallel_loop3A_173, %parallel_loop3A_176 : i32
        %parallel_loop3A_178 = arith.extui %parallel_loop3A_177 : i1 to i32
        %parallel_loop3A_179 = arith.constant 0 : i32
        %parallel_loop3A_180 = arith.cmpi slt, %parallel_loop3A_173, %parallel_loop3A_179 : i32
        %parallel_loop3A_181 = arith.extui %parallel_loop3A_180 : i1 to i32
        %parallel_loop3A_182 = arith.subi %parallel_loop3A_178, %parallel_loop3A_181 : i32
        %parallel_loop3A_183 = arith.constant 0 : i32
        %parallel_loop3A_184 = arith.cmpi sgt, %parallel_loop3A_174, %parallel_loop3A_183 : i32
        %parallel_loop3A_185 = arith.extui %parallel_loop3A_184 : i1 to i32
        %parallel_loop3A_186 = arith.constant 0 : i32
        %parallel_loop3A_187 = arith.cmpi slt, %parallel_loop3A_174, %parallel_loop3A_186 : i32
        %parallel_loop3A_188 = arith.extui %parallel_loop3A_187 : i1 to i32
        %parallel_loop3A_189 = arith.subi %parallel_loop3A_185, %parallel_loop3A_188 : i32
        %parallel_loop3A_190 = arith.cmpi ne, %parallel_loop3A_182, %parallel_loop3A_189 : i32
        %parallel_loop3A_191 = arith.remsi %parallel_loop3A_173, %parallel_loop3A_174 : i32
        %parallel_loop3A_192 = arith.constant 0 : i32
        %parallel_loop3A_193 = arith.cmpi ne, %parallel_loop3A_191, %parallel_loop3A_192 : i32
        %parallel_loop3A_194 = arith.andi %parallel_loop3A_190, %parallel_loop3A_193 : i1
        %parallel_loop3A_195 = arith.constant 1 : i32
        %parallel_loop3A_196 = arith.subi %parallel_loop3A_175, %parallel_loop3A_195 : i32
        %parallel_loop3A_197 = arith.select %parallel_loop3A_194, %parallel_loop3A_196, %parallel_loop3A_175 : i32
        %parallel_loop3A_198 = arith.constant 8 : i32
        %parallel_loop3A_199 = arith.constant 0 : i32
        %parallel_loop3A_200 = arith.cmpi eq, %parallel_loop3A_198, %parallel_loop3A_199 : i32
        %parallel_loop3A_201 = arith.constant 1 : i32
        %parallel_loop3A_202 = arith.select %parallel_loop3A_200, %parallel_loop3A_201, %parallel_loop3A_198 : i32
        %parallel_loop3A_203 = arith.remsi %parallel_loop3A_173, %parallel_loop3A_202 : i32
        %parallel_loop3A_204 = arith.constant 0 : i32
        %parallel_loop3A_205 = arith.cmpi ne, %parallel_loop3A_203, %parallel_loop3A_204 : i32
        %parallel_loop3A_206 = arith.constant 0 : i32
        %parallel_loop3A_207 = arith.cmpi slt, %parallel_loop3A_203, %parallel_loop3A_206 : i32
        %parallel_loop3A_208 = arith.constant 0 : i32
        %parallel_loop3A_209 = arith.cmpi slt, %parallel_loop3A_202, %parallel_loop3A_208 : i32
        %parallel_loop3A_210 = arith.xori %parallel_loop3A_207, %parallel_loop3A_209 : i1
        %parallel_loop3A_211 = arith.andi %parallel_loop3A_210, %parallel_loop3A_205 : i1
        %parallel_loop3A_212 = arith.addi %parallel_loop3A_203, %parallel_loop3A_202 : i32
        %parallel_loop3A_213 = arith.select %parallel_loop3A_211, %parallel_loop3A_212, %parallel_loop3A_203 : i32
        %parallel_loop3A_214 = arith.constant 129 : i32
        %parallel_loop3A_215 = arith.muli %parallel_loop3A_197, %parallel_loop3A_214 : i32
        %parallel_loop3A_216 = arith.constant 16 : i32
        %parallel_loop3A_217 = arith.muli %parallel_loop3A_213, %parallel_loop3A_216 : i32
        %parallel_loop3A_218 = arith.addi %parallel_loop3A_215, %parallel_loop3A_217 : i32
        %parallel_loop3A_219 = arith.index_cast %parallel_loop3A_218 : i32 to index
        %parallel_loop3A_220 = tpu.vector_load %arg7[%parallel_loop3A_219] {strides = array<i32>} : memref<2064xi32, #tpu.memory_space<vmem>>, vector<16xi32>,
        %parallel_loop3A_221 = arith.constant 912 : i32
        %parallel_loop3A_222 = vector.broadcast %parallel_loop3A_221 : i32 to vector<16xi32>
        %parallel_loop3A_223 = arith.muli %parallel_loop3A_220, %parallel_loop3A_222 : vector<16xi32>
        %parallel_loop3A_224 = arith.addi %parallel_loop3A_223, %iota3A : vector<16xi32>
        %parallel_loop3A_225 = arith.constant 16 : i32
        %parallel_loop3A_226 = arith.muli %parallel_loop3A_213, %parallel_loop3A_225 : i32
        %parallel_loop3A_227 = arith.constant 640 : i32
        %parallel_loop3A_228 = vector.broadcast %parallel_loop3A_227 : i32 to vector<16xi32>
        %parallel_loop3A_229 = arith.addi %parallel_loop3A_224, %parallel_loop3A_228 : vector<16xi32>
        %parallel_loop3A_230 = tpu.vector_load_idx %arg10[%parallel_loop3A_229] : memref<19152xf32, #tpu.memory_space<vmem>>[vector<16xi32>], vector<16xf32>,
        %parallel_loop3A_231 = arith.constant 0 : i32
        %parallel_loop3A_232 = arith.index_cast %parallel_loop3A_231 : i32 to index
        %parallel_loop3A_233 = arith.index_cast %parallel_loop3A_197 : i32 to index
        %parallel_loop3A_234 = arith.index_cast %parallel_loop3A_226 : i32 to index
        %parallel_loop3A_235 = tpu.vector_load %arg12[%parallel_loop3A_232, %parallel_loop3A_233, %parallel_loop3A_234] {strides = array<i32>} : memref<8x16x128xf32, #tpu.memory_space<vmem>>, vector<16xf32>,
        tpu.vector_store %arg12[%parallel_loop3A_232, %parallel_loop3A_233, %parallel_loop3A_234], %parallel_loop3A_230 {strides = array<i32>} : memref<8x16x128xf32, #tpu.memory_space<vmem>>, vector<16xf32>,
        %parallel_loop3A_236 = arith.constant 656 : i32
        %parallel_loop3A_237 = vector.broadcast %parallel_loop3A_236 : i32 to vector<16xi32>
        %parallel_loop3A_238 = arith.addi %parallel_loop3A_224, %parallel_loop3A_237 : vector<16xi32>
        %parallel_loop3A_239 = tpu.vector_load_idx %arg10[%parallel_loop3A_238] : memref<19152xf32, #tpu.memory_space<vmem>>[vector<16xi32>], vector<16xf32>,
        %parallel_loop3A_240 = arith.constant 1 : i32
        %parallel_loop3A_241 = arith.index_cast %parallel_loop3A_240 : i32 to index
        %parallel_loop3A_242 = arith.index_cast %parallel_loop3A_197 : i32 to index
        %parallel_loop3A_243 = arith.index_cast %parallel_loop3A_226 : i32 to index
        %parallel_loop3A_244 = tpu.vector_load %arg12[%parallel_loop3A_241, %parallel_loop3A_242, %parallel_loop3A_243] {strides = array<i32>} : memref<8x16x128xf32, #tpu.memory_space<vmem>>, vector<16xf32>,
        tpu.vector_store %arg12[%parallel_loop3A_241, %parallel_loop3A_242, %parallel_loop3A_243], %parallel_loop3A_239 {strides = array<i32>} : memref<8x16x128xf32, #tpu.memory_space<vmem>>, vector<16xf32>,
        %parallel_loop3A_245 = arith.constant 672 : i32
        %parallel_loop3A_246 = vector.broadcast %parallel_loop3A_245 : i32 to vector<16xi32>
        %parallel_loop3A_247 = arith.addi %parallel_loop3A_224, %parallel_loop3A_246 : vector<16xi32>
        %parallel_loop3A_248 = tpu.vector_load_idx %arg10[%parallel_loop3A_247] : memref<19152xf32, #tpu.memory_space<vmem>>[vector<16xi32>], vector<16xf32>,
        %parallel_loop3A_249 = arith.constant 2 : i32
        %parallel_loop3A_250 = arith.index_cast %parallel_loop3A_249 : i32 to index
        %parallel_loop3A_251 = arith.index_cast %parallel_loop3A_197 : i32 to index
        %parallel_loop3A_252 = arith.index_cast %parallel_loop3A_226 : i32 to index
        %parallel_loop3A_253 = tpu.vector_load %arg12[%parallel_loop3A_250, %parallel_loop3A_251, %parallel_loop3A_252] {strides = array<i32>} : memref<8x16x128xf32, #tpu.memory_space<vmem>>, vector<16xf32>,
        tpu.vector_store %arg12[%parallel_loop3A_250, %parallel_loop3A_251, %parallel_loop3A_252], %parallel_loop3A_248 {strides = array<i32>} : memref<8x16x128xf32, #tpu.memory_space<vmem>>, vector<16xf32>,
        %parallel_loop3A_254 = arith.constant 688 : i32
        %parallel_loop3A_255 = vector.broadcast %parallel_loop3A_254 : i32 to vector<16xi32>
        %parallel_loop3A_256 = arith.addi %parallel_loop3A_224, %parallel_loop3A_255 : vector<16xi32>
        %parallel_loop3A_257 = tpu.vector_load_idx %arg10[%parallel_loop3A_256] : memref<19152xf32, #tpu.memory_space<vmem>>[vector<16xi32>], vector<16xf32>,
        %parallel_loop3A_258 = arith.constant 3 : i32
        %parallel_loop3A_259 = arith.index_cast %parallel_loop3A_258 : i32 to index
        %parallel_loop3A_260 = arith.index_cast %parallel_loop3A_197 : i32 to index
        %parallel_loop3A_261 = arith.index_cast %parallel_loop3A_226 : i32 to index
        %parallel_loop3A_262 = tpu.vector_load %arg12[%parallel_loop3A_259, %parallel_loop3A_260, %parallel_loop3A_261] {strides = array<i32>} : memref<8x16x128xf32, #tpu.memory_space<vmem>>, vector<16xf32>,
        tpu.vector_store %arg12[%parallel_loop3A_259, %parallel_loop3A_260, %parallel_loop3A_261], %parallel_loop3A_257 {strides = array<i32>} : memref<8x16x128xf32, #tpu.memory_space<vmem>>, vector<16xf32>,
        %parallel_loop3A_263 = arith.constant 704 : i32
        %parallel_loop3A_264 = vector.broadcast %parallel_loop3A_263 : i32 to vector<16xi32>
        %parallel_loop3A_265 = arith.addi %parallel_loop3A_224, %parallel_loop3A_264 : vector<16xi32>
        %parallel_loop3A_266 = tpu.vector_load_idx %arg10[%parallel_loop3A_265] : memref<19152xf32, #tpu.memory_space<vmem>>[vector<16xi32>], vector<16xf32>,
        %parallel_loop3A_267 = arith.constant 4 : i32
        %parallel_loop3A_268 = arith.index_cast %parallel_loop3A_267 : i32 to index
        %parallel_loop3A_269 = arith.index_cast %parallel_loop3A_197 : i32 to index
        %parallel_loop3A_270 = arith.index_cast %parallel_loop3A_226 : i32 to index
        %parallel_loop3A_271 = tpu.vector_load %arg12[%parallel_loop3A_268, %parallel_loop3A_269, %parallel_loop3A_270] {strides = array<i32>} : memref<8x16x128xf32, #tpu.memory_space<vmem>>, vector<16xf32>,
        tpu.vector_store %arg12[%parallel_loop3A_268, %parallel_loop3A_269, %parallel_loop3A_270], %parallel_loop3A_266 {strides = array<i32>} : memref<8x16x128xf32, #tpu.memory_space<vmem>>, vector<16xf32>,
        %parallel_loop3A_272 = arith.constant 720 : i32
        %parallel_loop3A_273 = vector.broadcast %parallel_loop3A_272 : i32 to vector<16xi32>
        %parallel_loop3A_274 = arith.addi %parallel_loop3A_224, %parallel_loop3A_273 : vector<16xi32>
        %parallel_loop3A_275 = tpu.vector_load_idx %arg10[%parallel_loop3A_274] : memref<19152xf32, #tpu.memory_space<vmem>>[vector<16xi32>], vector<16xf32>,
        %parallel_loop3A_276 = arith.constant 5 : i32
        %parallel_loop3A_277 = arith.index_cast %parallel_loop3A_276 : i32 to index
        %parallel_loop3A_278 = arith.index_cast %parallel_loop3A_197 : i32 to index
        %parallel_loop3A_279 = arith.index_cast %parallel_loop3A_226 : i32 to index
        %parallel_loop3A_280 = tpu.vector_load %arg12[%parallel_loop3A_277, %parallel_loop3A_278, %parallel_loop3A_279] {strides = array<i32>} : memref<8x16x128xf32, #tpu.memory_space<vmem>>, vector<16xf32>,
        tpu.vector_store %arg12[%parallel_loop3A_277, %parallel_loop3A_278, %parallel_loop3A_279], %parallel_loop3A_275 {strides = array<i32>} : memref<8x16x128xf32, #tpu.memory_space<vmem>>, vector<16xf32>,
        %parallel_loop3A_281 = arith.constant 736 : i32
        %parallel_loop3A_282 = vector.broadcast %parallel_loop3A_281 : i32 to vector<16xi32>
        %parallel_loop3A_283 = arith.addi %parallel_loop3A_224, %parallel_loop3A_282 : vector<16xi32>
        %parallel_loop3A_284 = tpu.vector_load_idx %arg10[%parallel_loop3A_283] : memref<19152xf32, #tpu.memory_space<vmem>>[vector<16xi32>], vector<16xf32>,
        %parallel_loop3A_285 = arith.constant 6 : i32
        %parallel_loop3A_286 = arith.index_cast %parallel_loop3A_285 : i32 to index
        %parallel_loop3A_287 = arith.index_cast %parallel_loop3A_197 : i32 to index
        %parallel_loop3A_288 = arith.index_cast %parallel_loop3A_226 : i32 to index
        %parallel_loop3A_289 = tpu.vector_load %arg12[%parallel_loop3A_286, %parallel_loop3A_287, %parallel_loop3A_288] {strides = array<i32>} : memref<8x16x128xf32, #tpu.memory_space<vmem>>, vector<16xf32>,
        tpu.vector_store %arg12[%parallel_loop3A_286, %parallel_loop3A_287, %parallel_loop3A_288], %parallel_loop3A_284 {strides = array<i32>} : memref<8x16x128xf32, #tpu.memory_space<vmem>>, vector<16xf32>,
        %parallel_loop3A_290 = arith.constant 752 : i32
        %parallel_loop3A_291 = vector.broadcast %parallel_loop3A_290 : i32 to vector<16xi32>
        %parallel_loop3A_292 = arith.addi %parallel_loop3A_224, %parallel_loop3A_291 : vector<16xi32>
        %parallel_loop3A_293 = tpu.vector_load_idx %arg10[%parallel_loop3A_292] : memref<19152xf32, #tpu.memory_space<vmem>>[vector<16xi32>], vector<16xf32>,
        %parallel_loop3A_294 = arith.constant 7 : i32
        %parallel_loop3A_295 = arith.index_cast %parallel_loop3A_294 : i32 to index
        %parallel_loop3A_296 = arith.index_cast %parallel_loop3A_197 : i32 to index
        %parallel_loop3A_297 = arith.index_cast %parallel_loop3A_226 : i32 to index
        %parallel_loop3A_298 = tpu.vector_load %arg12[%parallel_loop3A_295, %parallel_loop3A_296, %parallel_loop3A_297] {strides = array<i32>} : memref<8x16x128xf32, #tpu.memory_space<vmem>>, vector<16xf32>,
        tpu.vector_store %arg12[%parallel_loop3A_295, %parallel_loop3A_296, %parallel_loop3A_297], %parallel_loop3A_293 {strides = array<i32>} : memref<8x16x128xf32, #tpu.memory_space<vmem>>, vector<16xf32>,
      } {sc.loop_unroll_factor = 8 : i64, sc.parallel_access}
      %dma_start3A_111 = arith.constant 40 : i32
      %dma_start3A_112 = arith.constant 0 : i32
      %dma_start3A_113 = tpu.memref_slice %arg5[%arg1, %dma_start3A_111, %dma_start3A_112, %multiple_of3A] : memref<16x64x16x2048xf32, #tpu.memory_space<hbm>> -> memref<1x8x16x128xf32, #tpu.memory_space<hbm>>
      %dma_start3A_114 = tpu.memref_squeeze %dma_start3A_113 : memref<1x8x16x128xf32, #tpu.memory_space<hbm>> -> memref<8x16x128xf32, #tpu.memory_space<hbm>>
      %dma_start3A_115 = arith.constant 40 : i32
      %dma_start3A_116 = arith.constant 0 : i32
      %dma_start3A_117 = tpu.memref_slice %arg5[%arg1, %dma_start3A_115, %dma_start3A_116, %multiple_of3A] : memref<16x64x16x2048xf32, #tpu.memory_space<hbm>> -> memref<1x8x16x128xf32, #tpu.memory_space<hbm>>
      %dma_start3A_118 = tpu.memref_squeeze %dma_start3A_117 : memref<1x8x16x128xf32, #tpu.memory_space<hbm>> -> memref<8x16x128xf32, #tpu.memory_space<hbm>>
      tpu.enqueue_dma source(%arg12 : memref<8x16x128xf32, #tpu.memory_space<vmem>>) target(%dma_start3A_118 : memref<8x16x128xf32, #tpu.memory_space<hbm>>) target_semaphore(%arg14 : memref<!tpu.dma_semaphore, #tpu.memory_space<semaphore_mem>>)
      %dma_wait3A_119 = arith.constant 32 : i32
      %dma_wait3A_120 = arith.constant 0 : i32
      %dma_wait3A_121 = tpu.memref_slice %arg5[%arg1, %dma_wait3A_119, %dma_wait3A_120, %multiple_of3A] : memref<16x64x16x2048xf32, #tpu.memory_space<hbm>> -> memref<1x8x16x128xf32, #tpu.memory_space<hbm>>
      %dma_wait3A_122 = tpu.memref_squeeze %dma_wait3A_121 : memref<1x8x16x128xf32, #tpu.memory_space<hbm>> -> memref<8x16x128xf32, #tpu.memory_space<hbm>>
      %dma_wait3A_123 = arith.constant 32 : i32
      %dma_wait3A_124 = arith.constant 0 : i32
      %dma_wait3A_125 = tpu.memref_slice %arg5[%arg1, %dma_wait3A_123, %dma_wait3A_124, %multiple_of3A] : memref<16x64x16x2048xf32, #tpu.memory_space<hbm>> -> memref<1x8x16x128xf32, #tpu.memory_space<hbm>>
      %dma_wait3A_126 = tpu.memref_squeeze %dma_wait3A_125 : memref<1x8x16x128xf32, #tpu.memory_space<hbm>> -> memref<8x16x128xf32, #tpu.memory_space<hbm>>
      tpu.wait_dma2 semaphore(%arg13 : memref<!tpu.dma_semaphore, #tpu.memory_space<semaphore_mem>>) src(%arg11 : memref<8x16x128xf32, #tpu.memory_space<vmem>>) dst(%dma_wait3A_126 : memref<8x16x128xf32, #tpu.memory_space<hbm>>)
      %parallel_loop3A_127 = arith.constant 0 : i32
      %parallel_loop3A_128 = arith.constant 128 : i32
      %parallel_loop3A_129 = arith.constant 1 : i32
      scf.for %parallel_loop3A_173 = %parallel_loop3A_127 to %parallel_loop3A_128 step %parallel_loop3A_129  : i32 {
        %parallel_loop3A_174 = arith.constant 8 : i32
        %parallel_loop3A_175 = arith.divsi %parallel_loop3A_173, %parallel_loop3A_174 : i32
        %parallel_loop3A_176 = arith.constant 0 : i32
        %parallel_loop3A_177 = arith.cmpi sgt, %parallel_loop3A_173, %parallel_loop3A_176 : i32
        %parallel_loop3A_178 = arith.extui %parallel_loop3A_177 : i1 to i32
        %parallel_loop3A_179 = arith.constant 0 : i32
        %parallel_loop3A_180 = arith.cmpi slt, %parallel_loop3A_173, %parallel_loop3A_179 : i32
        %parallel_loop3A_181 = arith.extui %parallel_loop3A_180 : i1 to i32
        %parallel_loop3A_182 = arith.subi %parallel_loop3A_178, %parallel_loop3A_181 : i32
        %parallel_loop3A_183 = arith.constant 0 : i32
        %parallel_loop3A_184 = arith.cmpi sgt, %parallel_loop3A_174, %parallel_loop3A_183 : i32
        %parallel_loop3A_185 = arith.extui %parallel_loop3A_184 : i1 to i32
        %parallel_loop3A_186 = arith.constant 0 : i32
        %parallel_loop3A_187 = arith.cmpi slt, %parallel_loop3A_174, %parallel_loop3A_186 : i32
        %parallel_loop3A_188 = arith.extui %parallel_loop3A_187 : i1 to i32
        %parallel_loop3A_189 = arith.subi %parallel_loop3A_185, %parallel_loop3A_188 : i32
        %parallel_loop3A_190 = arith.cmpi ne, %parallel_loop3A_182, %parallel_loop3A_189 : i32
        %parallel_loop3A_191 = arith.remsi %parallel_loop3A_173, %parallel_loop3A_174 : i32
        %parallel_loop3A_192 = arith.constant 0 : i32
        %parallel_loop3A_193 = arith.cmpi ne, %parallel_loop3A_191, %parallel_loop3A_192 : i32
        %parallel_loop3A_194 = arith.andi %parallel_loop3A_190, %parallel_loop3A_193 : i1
        %parallel_loop3A_195 = arith.constant 1 : i32
        %parallel_loop3A_196 = arith.subi %parallel_loop3A_175, %parallel_loop3A_195 : i32
        %parallel_loop3A_197 = arith.select %parallel_loop3A_194, %parallel_loop3A_196, %parallel_loop3A_175 : i32
        %parallel_loop3A_198 = arith.constant 8 : i32
        %parallel_loop3A_199 = arith.constant 0 : i32
        %parallel_loop3A_200 = arith.cmpi eq, %parallel_loop3A_198, %parallel_loop3A_199 : i32
        %parallel_loop3A_201 = arith.constant 1 : i32
        %parallel_loop3A_202 = arith.select %parallel_loop3A_200, %parallel_loop3A_201, %parallel_loop3A_198 : i32
        %parallel_loop3A_203 = arith.remsi %parallel_loop3A_173, %parallel_loop3A_202 : i32
        %parallel_loop3A_204 = arith.constant 0 : i32
        %parallel_loop3A_205 = arith.cmpi ne, %parallel_loop3A_203, %parallel_loop3A_204 : i32
        %parallel_loop3A_206 = arith.constant 0 : i32
        %parallel_loop3A_207 = arith.cmpi slt, %parallel_loop3A_203, %parallel_loop3A_206 : i32
        %parallel_loop3A_208 = arith.constant 0 : i32
        %parallel_loop3A_209 = arith.cmpi slt, %parallel_loop3A_202, %parallel_loop3A_208 : i32
        %parallel_loop3A_210 = arith.xori %parallel_loop3A_207, %parallel_loop3A_209 : i1
        %parallel_loop3A_211 = arith.andi %parallel_loop3A_210, %parallel_loop3A_205 : i1
        %parallel_loop3A_212 = arith.addi %parallel_loop3A_203, %parallel_loop3A_202 : i32
        %parallel_loop3A_213 = arith.select %parallel_loop3A_211, %parallel_loop3A_212, %parallel_loop3A_203 : i32
        %parallel_loop3A_214 = arith.constant 129 : i32
        %parallel_loop3A_215 = arith.muli %parallel_loop3A_197, %parallel_loop3A_214 : i32
        %parallel_loop3A_216 = arith.constant 16 : i32
        %parallel_loop3A_217 = arith.muli %parallel_loop3A_213, %parallel_loop3A_216 : i32
        %parallel_loop3A_218 = arith.addi %parallel_loop3A_215, %parallel_loop3A_217 : i32
        %parallel_loop3A_219 = arith.index_cast %parallel_loop3A_218 : i32 to index
        %parallel_loop3A_220 = tpu.vector_load %arg7[%parallel_loop3A_219] {strides = array<i32>} : memref<2064xi32, #tpu.memory_space<vmem>>, vector<16xi32>,
        %parallel_loop3A_221 = arith.constant 912 : i32
        %parallel_loop3A_222 = vector.broadcast %parallel_loop3A_221 : i32 to vector<16xi32>
        %parallel_loop3A_223 = arith.muli %parallel_loop3A_220, %parallel_loop3A_222 : vector<16xi32>
        %parallel_loop3A_224 = arith.addi %parallel_loop3A_223, %iota3A : vector<16xi32>
        %parallel_loop3A_225 = arith.constant 16 : i32
        %parallel_loop3A_226 = arith.muli %parallel_loop3A_213, %parallel_loop3A_225 : i32
        %parallel_loop3A_227 = arith.constant 768 : i32
        %parallel_loop3A_228 = vector.broadcast %parallel_loop3A_227 : i32 to vector<16xi32>
        %parallel_loop3A_229 = arith.addi %parallel_loop3A_224, %parallel_loop3A_228 : vector<16xi32>
        %parallel_loop3A_230 = tpu.vector_load_idx %arg10[%parallel_loop3A_229] : memref<19152xf32, #tpu.memory_space<vmem>>[vector<16xi32>], vector<16xf32>,
        %parallel_loop3A_231 = arith.constant 0 : i32
        %parallel_loop3A_232 = arith.index_cast %parallel_loop3A_231 : i32 to index
        %parallel_loop3A_233 = arith.index_cast %parallel_loop3A_197 : i32 to index
        %parallel_loop3A_234 = arith.index_cast %parallel_loop3A_226 : i32 to index
        %parallel_loop3A_235 = tpu.vector_load %arg11[%parallel_loop3A_232, %parallel_loop3A_233, %parallel_loop3A_234] {strides = array<i32>} : memref<8x16x128xf32, #tpu.memory_space<vmem>>, vector<16xf32>,
        tpu.vector_store %arg11[%parallel_loop3A_232, %parallel_loop3A_233, %parallel_loop3A_234], %parallel_loop3A_230 {strides = array<i32>} : memref<8x16x128xf32, #tpu.memory_space<vmem>>, vector<16xf32>,
        %parallel_loop3A_236 = arith.constant 784 : i32
        %parallel_loop3A_237 = vector.broadcast %parallel_loop3A_236 : i32 to vector<16xi32>
        %parallel_loop3A_238 = arith.addi %parallel_loop3A_224, %parallel_loop3A_237 : vector<16xi32>
        %parallel_loop3A_239 = tpu.vector_load_idx %arg10[%parallel_loop3A_238] : memref<19152xf32, #tpu.memory_space<vmem>>[vector<16xi32>], vector<16xf32>,
        %parallel_loop3A_240 = arith.constant 1 : i32
        %parallel_loop3A_241 = arith.index_cast %parallel_loop3A_240 : i32 to index
        %parallel_loop3A_242 = arith.index_cast %parallel_loop3A_197 : i32 to index
        %parallel_loop3A_243 = arith.index_cast %parallel_loop3A_226 : i32 to index
        %parallel_loop3A_244 = tpu.vector_load %arg11[%parallel_loop3A_241, %parallel_loop3A_242, %parallel_loop3A_243] {strides = array<i32>} : memref<8x16x128xf32, #tpu.memory_space<vmem>>, vector<16xf32>,
        tpu.vector_store %arg11[%parallel_loop3A_241, %parallel_loop3A_242, %parallel_loop3A_243], %parallel_loop3A_239 {strides = array<i32>} : memref<8x16x128xf32, #tpu.memory_space<vmem>>, vector<16xf32>,
        %parallel_loop3A_245 = arith.constant 800 : i32
        %parallel_loop3A_246 = vector.broadcast %parallel_loop3A_245 : i32 to vector<16xi32>
        %parallel_loop3A_247 = arith.addi %parallel_loop3A_224, %parallel_loop3A_246 : vector<16xi32>
        %parallel_loop3A_248 = tpu.vector_load_idx %arg10[%parallel_loop3A_247] : memref<19152xf32, #tpu.memory_space<vmem>>[vector<16xi32>], vector<16xf32>,
        %parallel_loop3A_249 = arith.constant 2 : i32
        %parallel_loop3A_250 = arith.index_cast %parallel_loop3A_249 : i32 to index
        %parallel_loop3A_251 = arith.index_cast %parallel_loop3A_197 : i32 to index
        %parallel_loop3A_252 = arith.index_cast %parallel_loop3A_226 : i32 to index
        %parallel_loop3A_253 = tpu.vector_load %arg11[%parallel_loop3A_250, %parallel_loop3A_251, %parallel_loop3A_252] {strides = array<i32>} : memref<8x16x128xf32, #tpu.memory_space<vmem>>, vector<16xf32>,
        tpu.vector_store %arg11[%parallel_loop3A_250, %parallel_loop3A_251, %parallel_loop3A_252], %parallel_loop3A_248 {strides = array<i32>} : memref<8x16x128xf32, #tpu.memory_space<vmem>>, vector<16xf32>,
        %parallel_loop3A_254 = arith.constant 816 : i32
        %parallel_loop3A_255 = vector.broadcast %parallel_loop3A_254 : i32 to vector<16xi32>
        %parallel_loop3A_256 = arith.addi %parallel_loop3A_224, %parallel_loop3A_255 : vector<16xi32>
        %parallel_loop3A_257 = tpu.vector_load_idx %arg10[%parallel_loop3A_256] : memref<19152xf32, #tpu.memory_space<vmem>>[vector<16xi32>], vector<16xf32>,
        %parallel_loop3A_258 = arith.constant 3 : i32
        %parallel_loop3A_259 = arith.index_cast %parallel_loop3A_258 : i32 to index
        %parallel_loop3A_260 = arith.index_cast %parallel_loop3A_197 : i32 to index
        %parallel_loop3A_261 = arith.index_cast %parallel_loop3A_226 : i32 to index
        %parallel_loop3A_262 = tpu.vector_load %arg11[%parallel_loop3A_259, %parallel_loop3A_260, %parallel_loop3A_261] {strides = array<i32>} : memref<8x16x128xf32, #tpu.memory_space<vmem>>, vector<16xf32>,
        tpu.vector_store %arg11[%parallel_loop3A_259, %parallel_loop3A_260, %parallel_loop3A_261], %parallel_loop3A_257 {strides = array<i32>} : memref<8x16x128xf32, #tpu.memory_space<vmem>>, vector<16xf32>,
        %parallel_loop3A_263 = arith.constant 832 : i32
        %parallel_loop3A_264 = vector.broadcast %parallel_loop3A_263 : i32 to vector<16xi32>
        %parallel_loop3A_265 = arith.addi %parallel_loop3A_224, %parallel_loop3A_264 : vector<16xi32>
        %parallel_loop3A_266 = tpu.vector_load_idx %arg10[%parallel_loop3A_265] : memref<19152xf32, #tpu.memory_space<vmem>>[vector<16xi32>], vector<16xf32>,
        %parallel_loop3A_267 = arith.constant 4 : i32
        %parallel_loop3A_268 = arith.index_cast %parallel_loop3A_267 : i32 to index
        %parallel_loop3A_269 = arith.index_cast %parallel_loop3A_197 : i32 to index
        %parallel_loop3A_270 = arith.index_cast %parallel_loop3A_226 : i32 to index
        %parallel_loop3A_271 = tpu.vector_load %arg11[%parallel_loop3A_268, %parallel_loop3A_269, %parallel_loop3A_270] {strides = array<i32>} : memref<8x16x128xf32, #tpu.memory_space<vmem>>, vector<16xf32>,
        tpu.vector_store %arg11[%parallel_loop3A_268, %parallel_loop3A_269, %parallel_loop3A_270], %parallel_loop3A_266 {strides = array<i32>} : memref<8x16x128xf32, #tpu.memory_space<vmem>>, vector<16xf32>,
        %parallel_loop3A_272 = arith.constant 848 : i32
        %parallel_loop3A_273 = vector.broadcast %parallel_loop3A_272 : i32 to vector<16xi32>
        %parallel_loop3A_274 = arith.addi %parallel_loop3A_224, %parallel_loop3A_273 : vector<16xi32>
        %parallel_loop3A_275 = tpu.vector_load_idx %arg10[%parallel_loop3A_274] : memref<19152xf32, #tpu.memory_space<vmem>>[vector<16xi32>], vector<16xf32>,
        %parallel_loop3A_276 = arith.constant 5 : i32
        %parallel_loop3A_277 = arith.index_cast %parallel_loop3A_276 : i32 to index
        %parallel_loop3A_278 = arith.index_cast %parallel_loop3A_197 : i32 to index
        %parallel_loop3A_279 = arith.index_cast %parallel_loop3A_226 : i32 to index
        %parallel_loop3A_280 = tpu.vector_load %arg11[%parallel_loop3A_277, %parallel_loop3A_278, %parallel_loop3A_279] {strides = array<i32>} : memref<8x16x128xf32, #tpu.memory_space<vmem>>, vector<16xf32>,
        tpu.vector_store %arg11[%parallel_loop3A_277, %parallel_loop3A_278, %parallel_loop3A_279], %parallel_loop3A_275 {strides = array<i32>} : memref<8x16x128xf32, #tpu.memory_space<vmem>>, vector<16xf32>,
        %parallel_loop3A_281 = arith.constant 864 : i32
        %parallel_loop3A_282 = vector.broadcast %parallel_loop3A_281 : i32 to vector<16xi32>
        %parallel_loop3A_283 = arith.addi %parallel_loop3A_224, %parallel_loop3A_282 : vector<16xi32>
        %parallel_loop3A_284 = tpu.vector_load_idx %arg10[%parallel_loop3A_283] : memref<19152xf32, #tpu.memory_space<vmem>>[vector<16xi32>], vector<16xf32>,
        %parallel_loop3A_285 = arith.constant 6 : i32
        %parallel_loop3A_286 = arith.index_cast %parallel_loop3A_285 : i32 to index
        %parallel_loop3A_287 = arith.index_cast %parallel_loop3A_197 : i32 to index
        %parallel_loop3A_288 = arith.index_cast %parallel_loop3A_226 : i32 to index
        %parallel_loop3A_289 = tpu.vector_load %arg11[%parallel_loop3A_286, %parallel_loop3A_287, %parallel_loop3A_288] {strides = array<i32>} : memref<8x16x128xf32, #tpu.memory_space<vmem>>, vector<16xf32>,
        tpu.vector_store %arg11[%parallel_loop3A_286, %parallel_loop3A_287, %parallel_loop3A_288], %parallel_loop3A_284 {strides = array<i32>} : memref<8x16x128xf32, #tpu.memory_space<vmem>>, vector<16xf32>,
        %parallel_loop3A_290 = arith.constant 880 : i32
        %parallel_loop3A_291 = vector.broadcast %parallel_loop3A_290 : i32 to vector<16xi32>
        %parallel_loop3A_292 = arith.addi %parallel_loop3A_224, %parallel_loop3A_291 : vector<16xi32>
        %parallel_loop3A_293 = tpu.vector_load_idx %arg10[%parallel_loop3A_292] : memref<19152xf32, #tpu.memory_space<vmem>>[vector<16xi32>], vector<16xf32>,
        %parallel_loop3A_294 = arith.constant 7 : i32
        %parallel_loop3A_295 = arith.index_cast %parallel_loop3A_294 : i32 to index
        %parallel_loop3A_296 = arith.index_cast %parallel_loop3A_197 : i32 to index
        %parallel_loop3A_297 = arith.index_cast %parallel_loop3A_226 : i32 to index
        %parallel_loop3A_298 = tpu.vector_load %arg11[%parallel_loop3A_295, %parallel_loop3A_296, %parallel_loop3A_297] {strides = array<i32>} : memref<8x16x128xf32, #tpu.memory_space<vmem>>, vector<16xf32>,
        tpu.vector_store %arg11[%parallel_loop3A_295, %parallel_loop3A_296, %parallel_loop3A_297], %parallel_loop3A_293 {strides = array<i32>} : memref<8x16x128xf32, #tpu.memory_space<vmem>>, vector<16xf32>,
      } {sc.loop_unroll_factor = 8 : i64, sc.parallel_access}
      %dma_start3A_130 = arith.constant 48 : i32
      %dma_start3A_131 = arith.constant 0 : i32
      %dma_start3A_132 = tpu.memref_slice %arg5[%arg1, %dma_start3A_130, %dma_start3A_131, %multiple_of3A] : memref<16x64x16x2048xf32, #tpu.memory_space<hbm>> -> memref<1x8x16x128xf32, #tpu.memory_space<hbm>>
      %dma_start3A_133 = tpu.memref_squeeze %dma_start3A_132 : memref<1x8x16x128xf32, #tpu.memory_space<hbm>> -> memref<8x16x128xf32, #tpu.memory_space<hbm>>
      %dma_start3A_134 = arith.constant 48 : i32
      %dma_start3A_135 = arith.constant 0 : i32
      %dma_start3A_136 = tpu.memref_slice %arg5[%arg1, %dma_start3A_134, %dma_start3A_135, %multiple_of3A] : memref<16x64x16x2048xf32, #tpu.memory_space<hbm>> -> memref<1x8x16x128xf32, #tpu.memory_space<hbm>>
      %dma_start3A_137 = tpu.memref_squeeze %dma_start3A_136 : memref<1x8x16x128xf32, #tpu.memory_space<hbm>> -> memref<8x16x128xf32, #tpu.memory_space<hbm>>
      tpu.enqueue_dma source(%arg11 : memref<8x16x128xf32, #tpu.memory_space<vmem>>) target(%dma_start3A_137 : memref<8x16x128xf32, #tpu.memory_space<hbm>>) target_semaphore(%arg13 : memref<!tpu.dma_semaphore, #tpu.memory_space<semaphore_mem>>)
      %dma_wait3A_138 = arith.constant 40 : i32
      %dma_wait3A_139 = arith.constant 0 : i32
      %dma_wait3A_140 = tpu.memref_slice %arg5[%arg1, %dma_wait3A_138, %dma_wait3A_139, %multiple_of3A] : memref<16x64x16x2048xf32, #tpu.memory_space<hbm>> -> memref<1x8x16x128xf32, #tpu.memory_space<hbm>>
      %dma_wait3A_141 = tpu.memref_squeeze %dma_wait3A_140 : memref<1x8x16x128xf32, #tpu.memory_space<hbm>> -> memref<8x16x128xf32, #tpu.memory_space<hbm>>
      %dma_wait3A_142 = arith.constant 40 : i32
      %dma_wait3A_143 = arith.constant 0 : i32
      %dma_wait3A_144 = tpu.memref_slice %arg5[%arg1, %dma_wait3A_142, %dma_wait3A_143, %multiple_of3A] : memref<16x64x16x2048xf32, #tpu.memory_space<hbm>> -> memref<1x8x16x128xf32, #tpu.memory_space<hbm>>
      %dma_wait3A_145 = tpu.memref_squeeze %dma_wait3A_144 : memref<1x8x16x128xf32, #tpu.memory_space<hbm>> -> memref<8x16x128xf32, #tpu.memory_space<hbm>>
      tpu.wait_dma2 semaphore(%arg14 : memref<!tpu.dma_semaphore, #tpu.memory_space<semaphore_mem>>) src(%arg12 : memref<8x16x128xf32, #tpu.memory_space<vmem>>) dst(%dma_wait3A_145 : memref<8x16x128xf32, #tpu.memory_space<hbm>>)
      %parallel_loop3A_146 = arith.constant 0 : i32
      %parallel_loop3A_147 = arith.constant 128 : i32
      %parallel_loop3A_148 = arith.constant 1 : i32
      scf.for %parallel_loop3A_173 = %parallel_loop3A_146 to %parallel_loop3A_147 step %parallel_loop3A_148  : i32 {
        %parallel_loop3A_174 = arith.constant 8 : i32
        %parallel_loop3A_175 = arith.divsi %parallel_loop3A_173, %parallel_loop3A_174 : i32
        %parallel_loop3A_176 = arith.constant 0 : i32
        %parallel_loop3A_177 = arith.cmpi sgt, %parallel_loop3A_173, %parallel_loop3A_176 : i32
        %parallel_loop3A_178 = arith.extui %parallel_loop3A_177 : i1 to i32
        %parallel_loop3A_179 = arith.constant 0 : i32
        %parallel_loop3A_180 = arith.cmpi slt, %parallel_loop3A_173, %parallel_loop3A_179 : i32
        %parallel_loop3A_181 = arith.extui %parallel_loop3A_180 : i1 to i32
        %parallel_loop3A_182 = arith.subi %parallel_loop3A_178, %parallel_loop3A_181 : i32
        %parallel_loop3A_183 = arith.constant 0 : i32
        %parallel_loop3A_184 = arith.cmpi sgt, %parallel_loop3A_174, %parallel_loop3A_183 : i32
        %parallel_loop3A_185 = arith.extui %parallel_loop3A_184 : i1 to i32
        %parallel_loop3A_186 = arith.constant 0 : i32
        %parallel_loop3A_187 = arith.cmpi slt, %parallel_loop3A_174, %parallel_loop3A_186 : i32
        %parallel_loop3A_188 = arith.extui %parallel_loop3A_187 : i1 to i32
        %parallel_loop3A_189 = arith.subi %parallel_loop3A_185, %parallel_loop3A_188 : i32
        %parallel_loop3A_190 = arith.cmpi ne, %parallel_loop3A_182, %parallel_loop3A_189 : i32
        %parallel_loop3A_191 = arith.remsi %parallel_loop3A_173, %parallel_loop3A_174 : i32
        %parallel_loop3A_192 = arith.constant 0 : i32
        %parallel_loop3A_193 = arith.cmpi ne, %parallel_loop3A_191, %parallel_loop3A_192 : i32
        %parallel_loop3A_194 = arith.andi %parallel_loop3A_190, %parallel_loop3A_193 : i1
        %parallel_loop3A_195 = arith.constant 1 : i32
        %parallel_loop3A_196 = arith.subi %parallel_loop3A_175, %parallel_loop3A_195 : i32
        %parallel_loop3A_197 = arith.select %parallel_loop3A_194, %parallel_loop3A_196, %parallel_loop3A_175 : i32
        %parallel_loop3A_198 = arith.constant 8 : i32
        %parallel_loop3A_199 = arith.constant 0 : i32
        %parallel_loop3A_200 = arith.cmpi eq, %parallel_loop3A_198, %parallel_loop3A_199 : i32
        %parallel_loop3A_201 = arith.constant 1 : i32
        %parallel_loop3A_202 = arith.select %parallel_loop3A_200, %parallel_loop3A_201, %parallel_loop3A_198 : i32
        %parallel_loop3A_203 = arith.remsi %parallel_loop3A_173, %parallel_loop3A_202 : i32
        %parallel_loop3A_204 = arith.constant 0 : i32
        %parallel_loop3A_205 = arith.cmpi ne, %parallel_loop3A_203, %parallel_loop3A_204 : i32
        %parallel_loop3A_206 = arith.constant 0 : i32
        %parallel_loop3A_207 = arith.cmpi slt, %parallel_loop3A_203, %parallel_loop3A_206 : i32
        %parallel_loop3A_208 = arith.constant 0 : i32
        %parallel_loop3A_209 = arith.cmpi slt, %parallel_loop3A_202, %parallel_loop3A_208 : i32
        %parallel_loop3A_210 = arith.xori %parallel_loop3A_207, %parallel_loop3A_209 : i1
        %parallel_loop3A_211 = arith.andi %parallel_loop3A_210, %parallel_loop3A_205 : i1
        %parallel_loop3A_212 = arith.addi %parallel_loop3A_203, %parallel_loop3A_202 : i32
        %parallel_loop3A_213 = arith.select %parallel_loop3A_211, %parallel_loop3A_212, %parallel_loop3A_203 : i32
        %parallel_loop3A_214 = arith.constant 129 : i32
        %parallel_loop3A_215 = arith.muli %parallel_loop3A_197, %parallel_loop3A_214 : i32
        %parallel_loop3A_216 = arith.constant 16 : i32
        %parallel_loop3A_217 = arith.muli %parallel_loop3A_213, %parallel_loop3A_216 : i32
        %parallel_loop3A_218 = arith.addi %parallel_loop3A_215, %parallel_loop3A_217 : i32
        %parallel_loop3A_219 = arith.index_cast %parallel_loop3A_218 : i32 to index
        %parallel_loop3A_220 = tpu.vector_load %arg7[%parallel_loop3A_219] {strides = array<i32>} : memref<2064xi32, #tpu.memory_space<vmem>>, vector<16xi32>,
        %parallel_loop3A_221 = arith.constant 912 : i32
        %parallel_loop3A_222 = vector.broadcast %parallel_loop3A_221 : i32 to vector<16xi32>
        %parallel_loop3A_223 = arith.muli %parallel_loop3A_220, %parallel_loop3A_222 : vector<16xi32>
        %parallel_loop3A_224 = arith.addi %parallel_loop3A_223, %iota3A : vector<16xi32>
        %parallel_loop3A_225 = arith.constant 16 : i32
        %parallel_loop3A_226 = arith.muli %parallel_loop3A_213, %parallel_loop3A_225 : i32
        %parallel_loop3A_227 = arith.constant 896 : i32
        %parallel_loop3A_228 = vector.broadcast %parallel_loop3A_227 : i32 to vector<16xi32>
        %parallel_loop3A_229 = arith.addi %parallel_loop3A_224, %parallel_loop3A_228 : vector<16xi32>
        %parallel_loop3A_230 = tpu.vector_load_idx %arg10[%parallel_loop3A_229] : memref<19152xf32, #tpu.memory_space<vmem>>[vector<16xi32>], vector<16xf32>,
        %parallel_loop3A_231 = arith.constant 0 : i32
        %parallel_loop3A_232 = arith.index_cast %parallel_loop3A_231 : i32 to index
        %parallel_loop3A_233 = arith.index_cast %parallel_loop3A_197 : i32 to index
        %parallel_loop3A_234 = arith.index_cast %parallel_loop3A_226 : i32 to index
        %parallel_loop3A_235 = tpu.vector_load %arg12[%parallel_loop3A_232, %parallel_loop3A_233, %parallel_loop3A_234] {strides = array<i32>} : memref<8x16x128xf32, #tpu.memory_space<vmem>>, vector<16xf32>,
        tpu.vector_store %arg12[%parallel_loop3A_232, %parallel_loop3A_233, %parallel_loop3A_234], %parallel_loop3A_230 {strides = array<i32>} : memref<8x16x128xf32, #tpu.memory_space<vmem>>, vector<16xf32>,
        %parallel_loop3A_236 = arith.constant 7 : i32
        %parallel_loop3A_237 = arith.muli %parallel_loop3A_197, %parallel_loop3A_236 : i32
        %parallel_loop3A_238 = arith.constant 0 : i32
        %parallel_loop3A_239 = arith.addi %parallel_loop3A_237, %parallel_loop3A_238 : i32
        %parallel_loop3A_240 = arith.constant 129 : i32
        %parallel_loop3A_241 = arith.muli %parallel_loop3A_239, %parallel_loop3A_240 : i32
        %parallel_loop3A_242 = arith.constant 16 : i32
        %parallel_loop3A_243 = arith.muli %parallel_loop3A_213, %parallel_loop3A_242 : i32
        %parallel_loop3A_244 = arith.addi %parallel_loop3A_241, %parallel_loop3A_243 : i32
        %parallel_loop3A_245 = arith.index_cast %parallel_loop3A_244 : i32 to index
        %parallel_loop3A_246 = tpu.vector_load %arg9[%parallel_loop3A_245] {strides = array<i32>} : memref<14448xf32, #tpu.memory_space<vmem>>, vector<16xf32>,
        %parallel_loop3A_247 = arith.constant 1 : i32
        %parallel_loop3A_248 = arith.index_cast %parallel_loop3A_247 : i32 to index
        %parallel_loop3A_249 = arith.index_cast %parallel_loop3A_197 : i32 to index
        %parallel_loop3A_250 = arith.index_cast %parallel_loop3A_226 : i32 to index
        %parallel_loop3A_251 = tpu.vector_load %arg12[%parallel_loop3A_248, %parallel_loop3A_249, %parallel_loop3A_250] {strides = array<i32>} : memref<8x16x128xf32, #tpu.memory_space<vmem>>, vector<16xf32>,
        tpu.vector_store %arg12[%parallel_loop3A_248, %parallel_loop3A_249, %parallel_loop3A_250], %parallel_loop3A_246 {strides = array<i32>} : memref<8x16x128xf32, #tpu.memory_space<vmem>>, vector<16xf32>,
        %parallel_loop3A_252 = arith.constant 7 : i32
        %parallel_loop3A_253 = arith.muli %parallel_loop3A_197, %parallel_loop3A_252 : i32
        %parallel_loop3A_254 = arith.constant 1 : i32
        %parallel_loop3A_255 = arith.addi %parallel_loop3A_253, %parallel_loop3A_254 : i32
        %parallel_loop3A_256 = arith.constant 129 : i32
        %parallel_loop3A_257 = arith.muli %parallel_loop3A_255, %parallel_loop3A_256 : i32
        %parallel_loop3A_258 = arith.constant 16 : i32
        %parallel_loop3A_259 = arith.muli %parallel_loop3A_213, %parallel_loop3A_258 : i32
        %parallel_loop3A_260 = arith.addi %parallel_loop3A_257, %parallel_loop3A_259 : i32
        %parallel_loop3A_261 = arith.index_cast %parallel_loop3A_260 : i32 to index
        %parallel_loop3A_262 = tpu.vector_load %arg9[%parallel_loop3A_261] {strides = array<i32>} : memref<14448xf32, #tpu.memory_space<vmem>>, vector<16xf32>,
        %parallel_loop3A_263 = arith.constant 2 : i32
        %parallel_loop3A_264 = arith.index_cast %parallel_loop3A_263 : i32 to index
        %parallel_loop3A_265 = arith.index_cast %parallel_loop3A_197 : i32 to index
        %parallel_loop3A_266 = arith.index_cast %parallel_loop3A_226 : i32 to index
        %parallel_loop3A_267 = tpu.vector_load %arg12[%parallel_loop3A_264, %parallel_loop3A_265, %parallel_loop3A_266] {strides = array<i32>} : memref<8x16x128xf32, #tpu.memory_space<vmem>>, vector<16xf32>,
        tpu.vector_store %arg12[%parallel_loop3A_264, %parallel_loop3A_265, %parallel_loop3A_266], %parallel_loop3A_262 {strides = array<i32>} : memref<8x16x128xf32, #tpu.memory_space<vmem>>, vector<16xf32>,
        %parallel_loop3A_268 = arith.constant 7 : i32
        %parallel_loop3A_269 = arith.muli %parallel_loop3A_197, %parallel_loop3A_268 : i32
        %parallel_loop3A_270 = arith.constant 2 : i32
        %parallel_loop3A_271 = arith.addi %parallel_loop3A_269, %parallel_loop3A_270 : i32
        %parallel_loop3A_272 = arith.constant 129 : i32
        %parallel_loop3A_273 = arith.muli %parallel_loop3A_271, %parallel_loop3A_272 : i32
        %parallel_loop3A_274 = arith.constant 16 : i32
        %parallel_loop3A_275 = arith.muli %parallel_loop3A_213, %parallel_loop3A_274 : i32
        %parallel_loop3A_276 = arith.addi %parallel_loop3A_273, %parallel_loop3A_275 : i32
        %parallel_loop3A_277 = arith.index_cast %parallel_loop3A_276 : i32 to index
        %parallel_loop3A_278 = tpu.vector_load %arg9[%parallel_loop3A_277] {strides = array<i32>} : memref<14448xf32, #tpu.memory_space<vmem>>, vector<16xf32>,
        %parallel_loop3A_279 = arith.constant 3 : i32
        %parallel_loop3A_280 = arith.index_cast %parallel_loop3A_279 : i32 to index
        %parallel_loop3A_281 = arith.index_cast %parallel_loop3A_197 : i32 to index
        %parallel_loop3A_282 = arith.index_cast %parallel_loop3A_226 : i32 to index
        %parallel_loop3A_283 = tpu.vector_load %arg12[%parallel_loop3A_280, %parallel_loop3A_281, %parallel_loop3A_282] {strides = array<i32>} : memref<8x16x128xf32, #tpu.memory_space<vmem>>, vector<16xf32>,
        tpu.vector_store %arg12[%parallel_loop3A_280, %parallel_loop3A_281, %parallel_loop3A_282], %parallel_loop3A_278 {strides = array<i32>} : memref<8x16x128xf32, #tpu.memory_space<vmem>>, vector<16xf32>,
        %parallel_loop3A_284 = arith.constant 7 : i32
        %parallel_loop3A_285 = arith.muli %parallel_loop3A_197, %parallel_loop3A_284 : i32
        %parallel_loop3A_286 = arith.constant 3 : i32
        %parallel_loop3A_287 = arith.addi %parallel_loop3A_285, %parallel_loop3A_286 : i32
        %parallel_loop3A_288 = arith.constant 129 : i32
        %parallel_loop3A_289 = arith.muli %parallel_loop3A_287, %parallel_loop3A_288 : i32
        %parallel_loop3A_290 = arith.constant 16 : i32
        %parallel_loop3A_291 = arith.muli %parallel_loop3A_213, %parallel_loop3A_290 : i32
        %parallel_loop3A_292 = arith.addi %parallel_loop3A_289, %parallel_loop3A_291 : i32
        %parallel_loop3A_293 = arith.index_cast %parallel_loop3A_292 : i32 to index
        %parallel_loop3A_294 = tpu.vector_load %arg9[%parallel_loop3A_293] {strides = array<i32>} : memref<14448xf32, #tpu.memory_space<vmem>>, vector<16xf32>,
        %parallel_loop3A_295 = arith.constant 4 : i32
        %parallel_loop3A_296 = arith.index_cast %parallel_loop3A_295 : i32 to index
        %parallel_loop3A_297 = arith.index_cast %parallel_loop3A_197 : i32 to index
        %parallel_loop3A_298 = arith.index_cast %parallel_loop3A_226 : i32 to index
        %parallel_loop3A_299 = tpu.vector_load %arg12[%parallel_loop3A_296, %parallel_loop3A_297, %parallel_loop3A_298] {strides = array<i32>} : memref<8x16x128xf32, #tpu.memory_space<vmem>>, vector<16xf32>,
        tpu.vector_store %arg12[%parallel_loop3A_296, %parallel_loop3A_297, %parallel_loop3A_298], %parallel_loop3A_294 {strides = array<i32>} : memref<8x16x128xf32, #tpu.memory_space<vmem>>, vector<16xf32>,
        %parallel_loop3A_300 = arith.constant 7 : i32
        %parallel_loop3A_301 = arith.muli %parallel_loop3A_197, %parallel_loop3A_300 : i32
        %parallel_loop3A_302 = arith.constant 4 : i32
        %parallel_loop3A_303 = arith.addi %parallel_loop3A_301, %parallel_loop3A_302 : i32
        %parallel_loop3A_304 = arith.constant 129 : i32
        %parallel_loop3A_305 = arith.muli %parallel_loop3A_303, %parallel_loop3A_304 : i32
        %parallel_loop3A_306 = arith.constant 16 : i32
        %parallel_loop3A_307 = arith.muli %parallel_loop3A_213, %parallel_loop3A_306 : i32
        %parallel_loop3A_308 = arith.addi %parallel_loop3A_305, %parallel_loop3A_307 : i32
        %parallel_loop3A_309 = arith.index_cast %parallel_loop3A_308 : i32 to index
        %parallel_loop3A_310 = tpu.vector_load %arg9[%parallel_loop3A_309] {strides = array<i32>} : memref<14448xf32, #tpu.memory_space<vmem>>, vector<16xf32>,
        %parallel_loop3A_311 = arith.constant 5 : i32
        %parallel_loop3A_312 = arith.index_cast %parallel_loop3A_311 : i32 to index
        %parallel_loop3A_313 = arith.index_cast %parallel_loop3A_197 : i32 to index
        %parallel_loop3A_314 = arith.index_cast %parallel_loop3A_226 : i32 to index
        %parallel_loop3A_315 = tpu.vector_load %arg12[%parallel_loop3A_312, %parallel_loop3A_313, %parallel_loop3A_314] {strides = array<i32>} : memref<8x16x128xf32, #tpu.memory_space<vmem>>, vector<16xf32>,
        tpu.vector_store %arg12[%parallel_loop3A_312, %parallel_loop3A_313, %parallel_loop3A_314], %parallel_loop3A_310 {strides = array<i32>} : memref<8x16x128xf32, #tpu.memory_space<vmem>>, vector<16xf32>,
        %parallel_loop3A_316 = arith.constant 7 : i32
        %parallel_loop3A_317 = arith.muli %parallel_loop3A_197, %parallel_loop3A_316 : i32
        %parallel_loop3A_318 = arith.constant 5 : i32
        %parallel_loop3A_319 = arith.addi %parallel_loop3A_317, %parallel_loop3A_318 : i32
        %parallel_loop3A_320 = arith.constant 129 : i32
        %parallel_loop3A_321 = arith.muli %parallel_loop3A_319, %parallel_loop3A_320 : i32
        %parallel_loop3A_322 = arith.constant 16 : i32
        %parallel_loop3A_323 = arith.muli %parallel_loop3A_213, %parallel_loop3A_322 : i32
        %parallel_loop3A_324 = arith.addi %parallel_loop3A_321, %parallel_loop3A_323 : i32
        %parallel_loop3A_325 = arith.index_cast %parallel_loop3A_324 : i32 to index
        %parallel_loop3A_326 = tpu.vector_load %arg9[%parallel_loop3A_325] {strides = array<i32>} : memref<14448xf32, #tpu.memory_space<vmem>>, vector<16xf32>,
        %parallel_loop3A_327 = arith.constant 6 : i32
        %parallel_loop3A_328 = arith.index_cast %parallel_loop3A_327 : i32 to index
        %parallel_loop3A_329 = arith.index_cast %parallel_loop3A_197 : i32 to index
        %parallel_loop3A_330 = arith.index_cast %parallel_loop3A_226 : i32 to index
        %parallel_loop3A_331 = tpu.vector_load %arg12[%parallel_loop3A_328, %parallel_loop3A_329, %parallel_loop3A_330] {strides = array<i32>} : memref<8x16x128xf32, #tpu.memory_space<vmem>>, vector<16xf32>,
        tpu.vector_store %arg12[%parallel_loop3A_328, %parallel_loop3A_329, %parallel_loop3A_330], %parallel_loop3A_326 {strides = array<i32>} : memref<8x16x128xf32, #tpu.memory_space<vmem>>, vector<16xf32>,
        %parallel_loop3A_332 = arith.constant 7 : i32
        %parallel_loop3A_333 = arith.muli %parallel_loop3A_197, %parallel_loop3A_332 : i32
        %parallel_loop3A_334 = arith.constant 6 : i32
        %parallel_loop3A_335 = arith.addi %parallel_loop3A_333, %parallel_loop3A_334 : i32
        %parallel_loop3A_336 = arith.constant 129 : i32
        %parallel_loop3A_337 = arith.muli %parallel_loop3A_335, %parallel_loop3A_336 : i32
        %parallel_loop3A_338 = arith.constant 16 : i32
        %parallel_loop3A_339 = arith.muli %parallel_loop3A_213, %parallel_loop3A_338 : i32
        %parallel_loop3A_340 = arith.addi %parallel_loop3A_337, %parallel_loop3A_339 : i32
        %parallel_loop3A_341 = arith.index_cast %parallel_loop3A_340 : i32 to index
        %parallel_loop3A_342 = tpu.vector_load %arg9[%parallel_loop3A_341] {strides = array<i32>} : memref<14448xf32, #tpu.memory_space<vmem>>, vector<16xf32>,
        %parallel_loop3A_343 = arith.constant 7 : i32
        %parallel_loop3A_344 = arith.index_cast %parallel_loop3A_343 : i32 to index
        %parallel_loop3A_345 = arith.index_cast %parallel_loop3A_197 : i32 to index
        %parallel_loop3A_346 = arith.index_cast %parallel_loop3A_226 : i32 to index
        %parallel_loop3A_347 = tpu.vector_load %arg12[%parallel_loop3A_344, %parallel_loop3A_345, %parallel_loop3A_346] {strides = array<i32>} : memref<8x16x128xf32, #tpu.memory_space<vmem>>, vector<16xf32>,
        tpu.vector_store %arg12[%parallel_loop3A_344, %parallel_loop3A_345, %parallel_loop3A_346], %parallel_loop3A_342 {strides = array<i32>} : memref<8x16x128xf32, #tpu.memory_space<vmem>>, vector<16xf32>,
      } {sc.loop_unroll_factor = 8 : i64, sc.parallel_access}
      %dma_start3A_149 = arith.constant 56 : i32
      %dma_start3A_150 = arith.constant 0 : i32
      %dma_start3A_151 = tpu.memref_slice %arg5[%arg1, %dma_start3A_149, %dma_start3A_150, %multiple_of3A] : memref<16x64x16x2048xf32, #tpu.memory_space<hbm>> -> memref<1x8x16x128xf32, #tpu.memory_space<hbm>>
      %dma_start3A_152 = tpu.memref_squeeze %dma_start3A_151 : memref<1x8x16x128xf32, #tpu.memory_space<hbm>> -> memref<8x16x128xf32, #tpu.memory_space<hbm>>
      %dma_start3A_153 = arith.constant 56 : i32
      %dma_start3A_154 = arith.constant 0 : i32
      %dma_start3A_155 = tpu.memref_slice %arg5[%arg1, %dma_start3A_153, %dma_start3A_154, %multiple_of3A] : memref<16x64x16x2048xf32, #tpu.memory_space<hbm>> -> memref<1x8x16x128xf32, #tpu.memory_space<hbm>>
      %dma_start3A_156 = tpu.memref_squeeze %dma_start3A_155 : memref<1x8x16x128xf32, #tpu.memory_space<hbm>> -> memref<8x16x128xf32, #tpu.memory_space<hbm>>
      tpu.enqueue_dma source(%arg12 : memref<8x16x128xf32, #tpu.memory_space<vmem>>) target(%dma_start3A_156 : memref<8x16x128xf32, #tpu.memory_space<hbm>>) target_semaphore(%arg14 : memref<!tpu.dma_semaphore, #tpu.memory_space<semaphore_mem>>)
      %dma_wait3A_157 = arith.constant 48 : i32
      %dma_wait3A_158 = arith.constant 0 : i32
      %dma_wait3A_159 = tpu.memref_slice %arg5[%arg1, %dma_wait3A_157, %dma_wait3A_158, %multiple_of3A] : memref<16x64x16x2048xf32, #tpu.memory_space<hbm>> -> memref<1x8x16x128xf32, #tpu.memory_space<hbm>>
      %dma_wait3A_160 = tpu.memref_squeeze %dma_wait3A_159 : memref<1x8x16x128xf32, #tpu.memory_space<hbm>> -> memref<8x16x128xf32, #tpu.memory_space<hbm>>
      %dma_wait3A_161 = arith.constant 48 : i32
      %dma_wait3A_162 = arith.constant 0 : i32
      %dma_wait3A_163 = tpu.memref_slice %arg5[%arg1, %dma_wait3A_161, %dma_wait3A_162, %multiple_of3A] : memref<16x64x16x2048xf32, #tpu.memory_space<hbm>> -> memref<1x8x16x128xf32, #tpu.memory_space<hbm>>
      %dma_wait3A_164 = tpu.memref_squeeze %dma_wait3A_163 : memref<1x8x16x128xf32, #tpu.memory_space<hbm>> -> memref<8x16x128xf32, #tpu.memory_space<hbm>>
      tpu.wait_dma2 semaphore(%arg13 : memref<!tpu.dma_semaphore, #tpu.memory_space<semaphore_mem>>) src(%arg11 : memref<8x16x128xf32, #tpu.memory_space<vmem>>) dst(%dma_wait3A_164 : memref<8x16x128xf32, #tpu.memory_space<hbm>>)
      %dma_wait3A_165 = arith.constant 56 : i32
      %dma_wait3A_166 = arith.constant 0 : i32
      %dma_wait3A_167 = tpu.memref_slice %arg5[%arg1, %dma_wait3A_165, %dma_wait3A_166, %multiple_of3A] : memref<16x64x16x2048xf32, #tpu.memory_space<hbm>> -> memref<1x8x16x128xf32, #tpu.memory_space<hbm>>
      %dma_wait3A_168 = tpu.memref_squeeze %dma_wait3A_167 : memref<1x8x16x128xf32, #tpu.memory_space<hbm>> -> memref<8x16x128xf32, #tpu.memory_space<hbm>>
      %dma_wait3A_169 = arith.constant 56 : i32
      %dma_wait3A_170 = arith.constant 0 : i32
      %dma_wait3A_171 = tpu.memref_slice %arg5[%arg1, %dma_wait3A_169, %dma_wait3A_170, %multiple_of3A] : memref<16x64x16x2048xf32, #tpu.memory_space<hbm>> -> memref<1x8x16x128xf32, #tpu.memory_space<hbm>>
      %dma_wait3A_172 = tpu.memref_squeeze %dma_wait3A_171 : memref<1x8x16x128xf32, #tpu.memory_space<hbm>> -> memref<8x16x128xf32, #tpu.memory_space<hbm>>
      tpu.wait_dma2 semaphore(%arg14 : memref<!tpu.dma_semaphore, #tpu.memory_space<semaphore_mem>>) src(%arg12 : memref<8x16x128xf32, #tpu.memory_space<vmem>>) dst(%dma_wait3A_172 : memref<8x16x128xf32, #tpu.memory_space<hbm>>)
    }
    %scan3A_7 = arith.constant 8 : i32
    return
  }
}

</mosaic_0001>

<sc_bundles>
// kernel: kernel.3.cloned.1.call-start
scs
__scs_entry_jumppad:
0x0: {  	(pc) =	sbr.rel $0x88, $3  }
0x1: {  	(tag) =	ssettag $0x0;
	lr =	simm.s32 $0x1  }
0x2: {  	[smem:$0x3F9E] =	sst lr;
	_ =	strace $0xD0000000  }
0x3: {  	_ = 	snop  }
0x4: {  	_ = 	snop  }
0x5: {  	_ = 	snop  }
0x6: {  	_ = 	snop  }
0x7: {  	_ = 	snop  }
__scs_overlays_trampoline_lowered:
0x8: {  	[smem:$0x3FAD] =	sst s0  }
0x9: {  	[smem:$0x3FAE] =	sst s1  }
0xa: {  	[smem:$0x3FAF] =	sst s2  }
0xb: {  	[smem:$0x3FB0] =	sst s3  }
0xc: {  	[smem:$0x3FB1] =	sst s4  }
0xd: {  	[smem:$0x3FB2] =	sst s5  }
0xe: {  	[smem:$0x3FB3] =	sst s6  }
0xf: {  	[smem:$0x3FB4] =	sst s7  }
0x10: {  	[smem:$0x3FB5] =	sst s8  }
0x11: {  	[smem:$0x3FB6] =	sst s9;
	s0 =	simm.s32 @!p0 $0x0  }
0x12: {  	s1 =	sld [smem:$0x3F9C];
	s0 =	simm.s32 @p0 $0x1  }
0x13: {  	[smem:$0x3FB7] =	sst s0;
	s0 =	simm.s32 @!p1 $0x0  }
0x14: {  	s2 =	sld [smem:$0x3F9B];
	s0 =	simm.s32 @p1 $0x1  }
0x15: {  	[smem:$0x3FB8] =	sst s0;
	s0 =	simm.s32 @!p2 $0x0  }
0x16: {  	s3 =	sld [smem:$0x3FDB];
	s0 =	simm.s32 @p2 $0x1  }
0x17: {  	s4 =	simm.s32 $0x1BF5;
	[smem:$0x3FBA] =	sst s0  }
0x18: {  	s0 =	sld [smem:$0x3F9D];
	_ =	swait.ge [sflag:s4], $0x0  }
0x19: {  	s7 =	sld [smem:$0x3F9E]  }
0x1a: {  	s8 =	sadd.s32 $0xFFFFE003, lr  }
0x1b: {  	s9 =	sadd.s32 $0xFFFFFEF7, lr;
	s5 =	simm.s32 $0xFFFFFFFF;
	p2 =	slt.u32 s8, $0xFFFFF086  }
0x1c: {  	p1 =	slt.u32 s9, $0xF7A;
	s5 =	simm.s32 @!p2 $0x0  }
0x1d: {  	s5 =	simm.s32 @p1 $0x1;
	p0 =	seq.s32 s7, s2  }
0x1e: {  	s7 =	smul.u32 @!p0 $0xF7A, s2;
	p2 =	seq.s32 @!p0 s5, $0x0  }
0x1f: {  	s9 =	smul.u32 $0xF7A, s1;
	s8 =	simm.s32 @!p0 $0x1BF5;
	p2 =	por !p2, p0  }
0x20: {  	[sflag:s8] =	ssyncset.s32 @!p0 $0xFFFFF086;
	s6 =	sadd.s32 @!p0 s3, s7;
	s7 =	simm.s32 @!p0 $0x108  }
0x21: {  	s3 =	sadd.s32 s3, s9;
	s6 =	sadd.s32 @!p0 $0x88, s6;
	s7 =	simm.s32 @p2 $0x1082  }
0x22: {  	[simem:s7], [sflag:s8] =	dma.local @!p0 [hbm:s6], $0xF7A  }
0x23: {  	s9 =	sor.u32 $0xD0000000, s2;
	s6 =	simm.s32 $0x108;
	_ =	swait.ge @!p0 [sflag:s8], $0x0  }
0x24: {  	s3 =	sadd.s32 $0x88, s3;
	s6 =	simm.s32 @!p1 $0x1082;
	[sflag:s4] =	ssyncset.s32 $0xFFFFF086  }
0x25: {  	[simem:s6], [sflag:s4] =	dma.local [hbm:s3], $0xF7A  }
0x26: {  	[smem:$0x3F9E] =	sst s1;
	(tag) =	ssettag s2;
	_ =	strace s9  }
0x27: {  	s1 =	sld [smem:$0x3FAE]  }
0x28: {  	s2 =	sld [smem:$0x3FAF]  }
0x29: {  	s4 =	sld [smem:$0x3FB1]  }
0x2a: {  	p0 =	seq.s32 s5, $0x0;
	s5 =	sld [smem:$0x3FB2]  }
0x2b: {  	s6 =	sld [smem:$0x3FB3]  }
0x2c: {  	s7 =	sld [smem:$0x3FB4]  }
0x2d: {  	s3 =	simm.s32 $0x108;
	s8 =	sld [smem:$0x3FB5]  }
0x2e: {  	s3 =	simm.s32 @!p0 $0x1082;
	s9 =	sld [smem:$0x3FB6]  }
0x2f: {  	lr =	sadd.s32 s0, s3;
	s0 =	sld [smem:$0x3FAD]  }
0x30: {  	s3 =	sld [smem:$0x3FB0]  }
0x31: {  	[smem:$0x3FB9] =	sst s10  }
0x32: {  	s10 =	sld [smem:$0x3FB7];
	_ =	sdelay $0x3  }
0x33: {  	p0 =	seq.s32 s10, $0x1;
	s10 =	sld [smem:$0x3FB9];
	_ =	sdelay $0x3  }
0x34: {  	[smem:$0x3FB9] =	sst s10  }
0x35: {  	s10 =	sld [smem:$0x3FB8];
	_ =	sdelay $0x3  }
0x36: {  	p1 =	seq.s32 s10, $0x1;
	s10 =	sld [smem:$0x3FB9];
	_ =	sdelay $0x3  }
0x37: {  	[smem:$0x3FB9] =	sst s10  }
0x38: {  	s10 =	sld [smem:$0x3FBA]  }
0x39: {  	_ = 	snop;
	(pc) =	sbr.ind lr, $3  }
0x3a: {  	_ = 	snop  }
0x3b: {  	_ = 	snop  }
0x3c: {  	p2 =	seq.s32 s10, $0x1;
	s10 =	sld [smem:$0x3FB9]  }
0x3d: {  	_ =	shalt  }
0x3e: {  	_ =	shalt  }
0x3f: {  	_ =	shalt  }
0x40: {  	_ =	shalt  }
0x41: {  	_ =	shalt  }
0x42: {  	_ =	shalt  }
0x43: {  	_ =	shalt  }
0x44: {  	_ =	shalt  }
0x45: {  	_ =	shalt  }
0x46: {  	_ =	shalt  }
0x47: {  	_ =	shalt  }
0x48: {  	_ =	shalt  }
0x49: {  	_ =	shalt  }
0x4a: {  	_ =	shalt  }
0x4b: {  	_ =	shalt  }
0x4c: {  	_ =	shalt  }
0x4d: {  	_ =	shalt  }
0x4e: {  	_ =	shalt  }
0x4f: {  	_ =	shalt  }
0x50: {  	_ =	shalt  }
0x51: {  	_ =	shalt  }
0x52: {  	_ =	shalt  }
0x53: {  	_ =	shalt  }
0x54: {  	_ =	shalt  }
0x55: {  	_ =	shalt  }
0x56: {  	_ =	shalt  }
0x57: {  	_ =	shalt  }
0x58: {  	_ =	shalt  }
0x59: {  	_ =	shalt  }
0x5a: {  	_ =	shalt  }
0x5b: {  	_ =	shalt  }
0x5c: {  	_ =	shalt  }
0x5d: {  	_ =	shalt  }
0x5e: {  	_ =	shalt  }
0x5f: {  	_ =	shalt  }
0x60: {  	_ =	shalt  }
0x61: {  	_ =	shalt  }
0x62: {  	_ =	shalt  }
0x63: {  	_ =	shalt  }
0x64: {  	_ =	shalt  }
0x65: {  	_ =	shalt  }
0x66: {  	_ =	shalt  }
0x67: {  	_ =	shalt  }
0x68: {  	_ =	shalt  }
0x69: {  	_ =	shalt  }
0x6a: {  	_ =	shalt  }
0x6b: {  	_ =	shalt  }
0x6c: {  	_ =	shalt  }
0x6d: {  	_ =	shalt  }
0x6e: {  	_ =	shalt  }
0x6f: {  	_ =	shalt  }
0x70: {  	_ =	shalt  }
0x71: {  	_ =	shalt  }
0x72: {  	_ =	shalt  }
0x73: {  	_ =	shalt  }
0x74: {  	_ =	shalt  }
0x75: {  	_ =	shalt  }
0x76: {  	_ =	shalt  }
0x77: {  	_ =	shalt  }
0x78: {  	_ =	shalt  }
0x79: {  	_ =	shalt  }
0x7a: {  	_ =	shalt  }
0x7b: {  	_ =	shalt  }
0x7c: {  	_ =	shalt  }
0x7d: {  	_ =	shalt  }
0x7e: {  	_ =	shalt  }
0x7f: {  	_ =	shalt  }
0x80: {  	_ =	shalt  }
0x81: {  	_ =	shalt  }
0x82: {  	_ =	shalt  }
0x83: {  	_ =	shalt  }
0x84: {  	_ =	shalt  }
0x85: {  	_ =	shalt  }
0x86: {  	_ =	shalt  }
0x87: {  	_ =	shalt  }
.Lfunc_end0:
.L_simem_size_0:
called_computation_lowered:
.L_overlay_start_0:
0x88: {  	s2 =	sld [smem:$0x3FD9]  }
0x89: {  	s3 =	sld [smem:$0x3FFE];
	_ =	sdelay $0x1  }
0x8a: {  	s1 =	srdreg.scid  }
0x8b: {  	s0 =	sand.u32 $0x1, s1  }
0x8c: {  	s17 =	sshll.u32 s0, $0xA;
	s2 =	sadd.s32 s3, s2  }
0x8d: {  	s2 =	sadd.s32 s2, s17  }
0x8e: {  	[smem:$0x3FC5] =	sst s2  }
0x8f: {  	_ = 	snop  }
0x90: {  	s2 =	sld [smem:$0x3FD0];
	(tm) =	ssettm $0x1  }
0x91: {  	s18 =	sld [smem:$0x3FFB];
	_ =	sdelay $0x3  }
0x92: {  	_ =	strace s18  }
0x93: {  	s3 =	sld [smem:$0x3FFC];
	_ =	sdelay $0x3  }
0x94: {  	_ =	strace s3  }
0x95: {  	s3 =	sld [smem:$0x3FFD];
	_ =	sdelay $0x3  }
0x96: {  	_ =	strace s3  }
0x97: {  	_ =	strace $0x8FFFFFFF  }
0x98: {  	s19 =	sld [smem:$0x3FDB];
	_ =	sdelay $0x1  }
0x99: {  	s4 =	simm.s32 $_scs_section_size  }
0x9a: {  	s5 =	simm.s32 $_size__tile_overlayer_lowered;
	s6 =	simm.s32 $_tile_overlayer_lowered  }
0x9b: {  	s22 =	simm.s32 $0x1BFF;
	s21 =	sshll.u32 s6, $0x1;
	s3 =	sadd.s32 s4, s19  }
0x9c: {  	s7 =	simm.s32 $0x0;
	s20 =	sshll.u32 s5, $0x1;
	s5 =	sadd.s32 s21, s3  }
0x9d: {  	[timem:s7], [sflag:s22] =	dma.local [hbm:s5], s20  }
0x9e: {  	_ =	swait.ge [sflag:s22], s20  }
0x9f: {  	s4 =	ssub.s32 $0x0, s20;
	[sflag:s22] =	ssyncset.done $0x0  }
0xa0: {  	[sflag:s22] =	ssyncadd.s32 s4;
	_ =	sdelay $0x1  }
0xa1: {  	s23 =	simm.s32 $0x1B8B  }
0xa2: {  	_ =	swait.ge [sflag:s23], $0x1  }
0xa3: {  	[sflag:s23] =	ssyncset.done $0x0  }
0xa4: {  	s25 =	simm.s32 $0x1B8E;
	s24 =	sld [smem:$0x3FFE];
	[sflag:s23] =	ssyncadd.s32 $0xFFFFFFFF  }
0xa5: {  	s26 =	simm.s32 $execute0_lowered;
	[smem:$0x3FD2] =	sst s25  }
0xa6: {  	s5 =	sshll.u32 s26, $0x1;
	_ =	strace $0x80000046;
	[dreg:$0x1] =	wrdreg $0xFFFFFFFF  }
0xa7: {  	s28 =	simm.s32 $_size_execute0_lowered;
	s3 =	sadd.s32 s3, s5;
	[dreg:$0x0] =	wrdreg $0x0  }
0xa8: {  	s5 =	sshll.u32 s28, $0x1;
	[dreg:$0x2] =	wrdreg s3  }
0xa9: {  	[dreg:$0x3] =	wrdreg s5  }
0xaa: {  	[dreg:$0x4] =	wrdreg $0xC0  }
0xab: {  	_ =	task [dreg:s7], $0x5FFFF  }
0xac: {  	[dreg:$0x1] =	wrdreg $0xFFFFFFFF  }
0xad: {  	[dreg:$0x0] =	wrdreg $0x60  }
0xae: {  	[dreg:$0x2] =	wrdreg s24  }
0xaf: {  	[dreg:$0x3] =	wrdreg s2  }
0xb0: {  	[dreg:$0x4] =	wrdreg $0x9  }
0xb1: {  	_ =	task.clear_ibuf [dreg:s7], $0x5FFFF;
	_ =	strace $0x90000046  }
0xb2: {  	s29 =	simm.s32 $0x9;
	_ =	strace $0x80000048  }
0xb3: {  	_ =	swait.ge [sflag:s29], $0x1  }
0xb4: {  	[sflag:s29] =	ssyncadd.s32 $0xFFFFFFFF  }
0xb5: {  	_ =	strace $0x90000048  }
0xb6: {  	_ =	sfence  }
0xb7: {  	s30 =	sld [smem:$0x0];
	_ =	sdelay $0x2  }
0xb8: {  	s31 =	sshll.u32 s1, $0xD;
	s1 =	sshrl.u32 s1, $0x2  }
0xb9: {  	s3 =	sand.u32 $0x4000, s31;
	s1 =	sadd.s32 s1, s30  }
0xba: {  	s0 =	sor.u32 s3, s0;
	s1 =	sshll.u32 s1, $0x11  }
0xbb: {  	s0 =	sor.u32 s1, s0  }
0xbc: {  	s0 =	sadd.s32 $0x8F2B, s0  }
0xbd: {  	[sflag:s0] =	ssyncadd.remote.s32 $0x1  }
0xbe: {  	_ =	sfence.sel $0xFFFF  }
0xbf: {  	[dreg:$0x0] =	wrdreg $0xFFFFFFFF;
	(pc) =	sbr.abs _section_cstart, $3  }
0xc0: {  	[dreg:$0x1] =	wrdreg $0xFFFFFFFF  }
0xc1: {  	_ =	task.clear_ibuf [dreg:s7], $0x2FFFF;
	_ =	strace $0x9FFFFFFF  }
0xc2: {  	(tm) =	ssettm $0x7FFFFFFF  }
0xc3: {  	_ =	shalt  }
tec
execute0_lowered:
.L_overlay_start_1:
0x0: {  	(tag) =	ssettag $0x1  }
0x1: {  	s0 =	rddreg [dreg:$0x0];
	s1 =	simm.s32 $0x0;
	v24 =	vlaneseq.u32  }
0x2: {  	[smem:$0x7FF] =	sst s1;
	v1 =	vor.u32 $0x80, v24  }
0x3: {  	s5 =	rddreg [dreg:$0x1];
	v3 =	vor.u32 $0x100, v24;
	_ =	strace $0x80000047;
	[tilespmem:$0x1FE00] =	vst v1  }
0x4: {  	v0 =	vor.u32 $0x10, v24;
	[tilespmem:$0x1FE10] =	vst v3  }
0x5: {  	v12 =	vor.u32 $0x20, v24;
	[tilespmem:$0x1FF00] =	vst v0  }
0x6: {  	v2 =	vor.u32 $0x30, v24;
	[tilespmem:$0x1FF10] =	vst v12  }
0x7: {  	v22 =	vor.u32 $0x90, v24;
	[tilespmem:$0x1FF20] =	vst v2  }
0x8: {  	v25 =	vor.u32 $0xA0, v24;
	[tilespmem:$0x1FF30] =	vst v22  }
0x9: {  	v18 =	vor.u32 $0xB0, v24;
	[tilespmem:$0x1FF40] =	vst v25  }
0xa: {  	v19 =	vor.u32 $0xC0, v24;
	[tilespmem:$0x1FF50] =	vst v18  }
0xb: {  	v20 =	vor.u32 $0xD0, v24;
	[tilespmem:$0x1FF60] =	vst v19  }
0xc: {  	v30 =	vor.u32 $0xF0, v24;
	[tilespmem:$0x1FF70] =	vst v20  }
0xd: {  	v62 =	vor.u32 $0x1E0, v24;
	[tilespmem:$0x1FF90] =	vst v30  }
0xe: {  	v26 =	vor.u32 $0x40, v24;
	[tilespmem:$0x1FFA0] =	vst v62  }
0xf: {  	v27 =	vor.u32 $0x50, v24;
	[tilespmem:$0x1FFB0] =	vst v26  }
0x10: {  	v28 =	vor.u32 $0x60, v24;
	[tilespmem:$0x1FFC0] =	vst v27  }
0x11: {  	v29 =	vor.u32 $0x70, v24;
	[tilespmem:$0x1FFD0] =	vst v28  }
0x12: {  	v31 =	vor.u32 $0xE0, v24;
	[tilespmem:$0x1FFE0] =	vst v29  }
0x13: {  	v3 =	vor.u32 $0x110, v24;
	[tilespmem:$0x1FFF0] =	vst v31  }
0x14: {  	s21 =	srdreg.scid;
	s6 =	stileid.u32;
	v23 =	vmul.u32 $0x81, v24;
	v1 =	vor.u32 $0x170, v24;
	[tilespmem:$0x1FE20] =	vst v3  }
0x15: {  	s19 =	simm.s32 $0x8100;
	s20 =	simm.s32 $0x3;
	s28 =	simm.s32 $0xCC00;
	[tilespmem:$0x1FE80] =	vst v1  }
0x16: {  	s29 =	simm.s32 $0x10C00;
	s30 =	simm.s32 $0x1;
	s31 =	simm.s32 $0x2;
	v3 =	vor.u32 $0x120, v24;
	[tilespmem:$0x1FF80] =	vst v23  }
0x17: {  	s2 =	sadd.s32 $0x800, s0;
	s1 =	sand.u32 $0x1, s21;
	s22 =	sadd.s32 $0x800800, s0;
	v1 =	vor.u32 $0x180, v24;
	[tilespmem:$0x1FE30] =	vst v3  }
0x18: {  	s0 =	sadd.s32 $0x10800, s0;
	s3 =	sshrl.u32 s6, $0x3;
	s25 =	sshll.u32 s6, $0x7;
	v3 =	vor.u32 $0x130, v24;
	[tilespmem:$0x1FE90] =	vst v1  }
0x19: {  	s10 =	sshll.u32 s6, $0x12;
	s11 =	sadd.s32 $0x8000, s5;
	s12 =	sadd.s32 $0x10000, s5;
	v1 =	vor.u32 $0x190, v24;
	[tilespmem:$0x1FE40] =	vst v3  }
0x1a: {  	s13 =	sadd.s32 $0x18000, s5;
	s14 =	sadd.s32 $0x20000, s5;
	s15 =	sadd.s32 $0x28000, s5;
	v3 =	vor.u32 $0x140, v24;
	[tilespmem:$0x1FEA0] =	vst v1  }
0x1b: {  	s16 =	sadd.s32 $0x30000, s5;
	s17 =	sadd.s32 $0x38000, s5;
	[dreg:$0x3] =	wrdreg s2;
	v1 =	vor.u32 $0x1A0, v24;
	[tilespmem:$0x1FE50] =	vst v3  }
0x1c: {  	s21 =	simm.s32 $0x80;
	[dreg:$0x4] =	wrdreg s22;
	s23 =	ssub.s32 $0x2, s1;
	v3 =	vor.u32 $0x150, v24;
	[tilespmem:$0x1FEB0] =	vst v1  }
0x1d: {  	[dreg:$0x5] =	wrdreg s0;
	s4 =	smul.u32 $0x1C0000, s3;
	s1 =	sshll.u32 s1, $0xA;
	v1 =	vor.u32 $0x1B0, v24;
	[tilespmem:$0x1FE60] =	vst v3  }
.Ltmp0:
0x1e: {  	s26 =	sshll.u32 s3, $0x12;
	s2 =	sand.u32 $0x380, s25;
	v3 =	vor.u32 $0x160, v24;
	[tilespmem:$0x1FEC0] =	vst v1;
	(pc) =	sbr.rel .LBB2_1-.Ltmp0, $4  }
0x1f: {  	s22 =	simm.s32 $0x400;
	s25 =	simm.s32 $0x4880;
	s24 =	sshrl.u32 s23, $0x1;
	v1 =	vor.u32 $0x1C0, v24;
	[tilespmem:$0x1FE70] =	vst v3  }
0x20: {  	[dreg:$0x6] =	wrdreg s1;
	s8 =	sor.u32 s2, s26;
	s0 =	ssub.s32 s23, s24;
	[tilespmem:$0x1FED0] =	vst v1;
	v1 =	vor.u32 $0x1D0, v24  }
0x21: {  	s26 =	simm.s32 $0x4000;
	s1 =	simm.s32 $0x0;
	s0 =	smax.u32 s0, $0x1;
	[tilespmem:$0x1FEE0] =	vst v1;
	v1 =	vor.u32 $0x1F0, v24  }
0x22: {  	s9 =	sor.u32 s2, s4;
	s24 =	simm.s32 $0x800;
	[dreg:$0x7] =	wrdreg s0;
	[tilespmem:$0x1FEF0] =	vst v1  }
.LBB2_25:
0x23: {  	s1 =	rddreg [dreg:$0x8]  }
0x24: {  	s0 =	rddreg [dreg:$0x7];
	s1 =	sadd.s32 $0x1, s1  }
0x25: {  	p0 =	sne.s32 s1, s0  }
.Ltmp1:
0x26: {  	_ = 	snop;
	(pc) =	sbr.rel @!p0 .LBB2_26-.Ltmp1, $1  }
0x27: {  	_ =	sdelay $0x3  }
.LBB2_1:
0x28: {  	[dreg:$0x8] =	wrdreg s1  }
0x29: {  	s0 =	simm.s32 $0x0;
	s23 =	rddreg [dreg:$0x5]  }
0x2a: {  	[tilespmem:s19], [sflag:$0x3] =	stream.linear.gather [hbm4b:s23+s0], $0x4B00, $0x38;
	[tilespmem:$0x14C00] =	vst v63  }
0x2b: {  	_ =	swait.ge [sflag:s20], $0x4B00  }
0x2c: {  	[sflag:s20] =	ssyncset.done $0x0  }
0x2d: {  	s3 =	simm.s32 $0x0;
	[sflag:s20] =	ssyncadd.s32 $0xFFFFB500  }
.LBB2_2:
0x2e: {  	s0 =	sshll.u32 s3, $0x7;
	s1 =	rddreg [dreg:$0x6]  }
0x2f: {  	s2 =	sadd.s32 s1, s0  }
0x30: {  	s0 =	sshll.u32 s2, $0x7  }
0x31: {  	s0 =	sadd.s32 s8, s0  }
0x32: {  	s23 =	rddreg [dreg:$0x3];
	s0 =	sshrl.u32 s0, $0x3  }
0x33: {  	s1 =	simm.s32 $0x0;
	s4 =	smul.u32 $0x380, s2;
	s0 =	sadd.s32 s23, s0  }
0x34: {  	[tilespmem:s1], [sflag:$0x3] =	stream.strided.gather [hbm4b:s0+s21], $0x800, s22, s21, $0x38;
	[tilespmem:$0x14C00] =	vst v63  }
0x35: {  	s4 =	sadd.s32 s9, s4;
	_ =	swait.ge [sflag:s20], $0x800  }
0x36: {  	s0 =	sshrl.u32 s4, $0x3;
	[sflag:s20] =	ssyncset.done $0x0;
	s5 =	rddreg [dreg:$0x4]  }
0x37: {  	s6 =	simm.s32 $0x1080;
	[sflag:s20] =	ssyncadd.s32 $0xFFFFF800;
	s0 =	sadd.s32 s5, s0  }
0x38: {  	[tilespmem:s6], [sflag:$0x3] =	stream.strided.gather [hbm4b:s0+s21], $0x3800, s22, s21, $0x38;
	[tilespmem:$0x14C00] =	vst v63  }
0x39: {  	_ =	swait.ge [sflag:s20], $0x3800  }
0x3a: {  	[sflag:s20] =	ssyncset.done $0x0  }
0x3b: {  	s7 =	simm.s32 $0x20;
	s5 =	simm.s32 $0x1;
	[sflag:s20] =	ssyncadd.s32 $0xFFFFC800  }
0x3c: {  	v36 =	vadd.s32 s5, v23;
	v35 =	vld [tilespmem:s7+$0xFFFFFFF0]  }
0x3d: {  	v40 =	vadd.s32 s1, v23;
	s23 =	simm.s32 $0x2;
	v39 =	vld [tilespmem:s7+$0xFFFFFFE0]  }
0x3e: {  	v38 =	vadd.s32 s23, v23;
	v37 =	vld [tilespmem:s7+$0x0]  }
0x3f: {  	s18 =	simm.s32 $0x3  }
0x40: {  	v34 =	vadd.s32 s18, v23;
	v33 =	vld [tilespmem:s7+$0x10]  }
0x41: {  	s4 =	simm.s32 $0x1160;
	[tilespmem:v36+s24+$0x0] =	vst.idx.msk $0xffff, v35  }
0x42: {  	s6 =	simm.s32 $0x812;
	s7 =	simm.s32 $0x810;
	[tilespmem:v40+s24+$0x0] =	vst.idx.msk $0xffff, v39;
	v35 =	vld [tilespmem:s4+$0xFFFFFF90]  }
0x43: {  	v45 =	vadd.s32 s6, v23;
	s6 =	simm.s32 $0x1833;
	v46 =	vadd.s32 s7, v23;
	s7 =	simm.s32 $0x1831;
	[tilespmem:v38+s24+$0x0] =	vst.idx.msk $0xffff, v37;
	v39 =	vld [tilespmem:s4+$0xFFFFFF20]  }
0x44: {  	s18 =	simm.s32 $0x1023;
	v51 =	vadd.s32 s6, v23;
	s6 =	simm.s32 $0x7;
	v52 =	vadd.s32 s7, v23;
	s7 =	simm.s32 $0x60;
	v37 =	vld [tilespmem:s4+$0x0]  }
0x45: {  	v47 =	vadd.s32 s18, v23;
	s18 =	simm.s32 $0x1832;
	v42 =	vadd.s32 s6, v23;
	v41 =	vld [tilespmem:s7+$0x10];
	[tilespmem:v34+s24+$0x0] =	vst.idx.msk $0xffff, v33  }
0x46: {  	v53 =	vadd.s32 s18, v23;
	s18 =	simm.s32 $0x5;
	v33 =	vld [tilespmem:s4+$0x70]  }
0x47: {  	v58 =	vadd.s32 s18, v23;
	s5 =	simm.s32 $0x811;
	v57 =	vld [tilespmem:s7+$0xFFFFFFF0];
	[tilespmem:v36+s25+$0x0] =	vst.idx.msk $0xffff, v35  }
0x48: {  	s23 =	simm.s32 $0x1021;
	v44 =	vadd.s32 s5, v23;
	[tilespmem:v40+s25+$0x0] =	vst.idx.msk $0xffff, v39;
	v35 =	vld [tilespmem:s4+$0xFFFFFFA0]  }
0x49: {  	v48 =	vadd.s32 s23, v23;
	s23 =	simm.s32 $0x1830;
	[tilespmem:v38+s25+$0x0] =	vst.idx.msk $0xffff, v37;
	v39 =	vld [tilespmem:s4+$0xFFFFFF30]  }
0x4a: {  	v54 =	vadd.s32 s23, v23;
	s23 =	simm.s32 $0x6;
	[tilespmem:v42+s24+$0x0] =	vst.idx.msk $0xffff, v41;
	v37 =	vld [tilespmem:s4+$0x10]  }
0x4b: {  	s1 =	simm.s32 $0x813;
	v60 =	vadd.s32 s23, v23;
	s6 =	simm.s32 $0x2042;
	v59 =	vld [tilespmem:s7+$0x0];
	[tilespmem:v34+s25+$0x0] =	vst.idx.msk $0xffff, v33  }
0x4c: {  	v11 =	vadd.s32 s1, v23;
	v63 =	vadd.s32 s6, v23;
	s6 =	simm.s32 $0x1320;
	[tilespmem:v58+s24+$0x0] =	vst.idx.msk $0xffff, v57;
	v33 =	vld [tilespmem:s4+$0x80]  }
0x4d: {  	s0 =	simm.s32 $0x4;
	v4 =	vld [tilespmem:s6+$0x70];
	[tilespmem:v44+s25+$0x0] =	vst.idx.msk $0xffff, v35  }
0x4e: {  	s5 =	simm.s32 $0x1020;
	v43 =	vld [tilespmem:s7+$0xFFFFFFE0];
	[tilespmem:v46+s25+$0x0] =	vst.idx.msk $0xffff, v39;
	v44 =	vadd.s32 s0, v23  }
0x4f: {  	s1 =	simm.s32 $0x1022;
	v50 =	vadd.s32 s5, v23;
	[tilespmem:v45+s25+$0x0] =	vst.idx.msk $0xffff, v37;
	v39 =	vld [tilespmem:s4+$0xFFFFFF40]  }
0x50: {  	v49 =	vadd.s32 s1, v23;
	[tilespmem:v60+s24+$0x0] =	vst.idx.msk $0xffff, v59;
	v37 =	vld [tilespmem:s4+$0x20]  }
0x51: {  	v5 =	vld [tilespmem:s6+$0xFFFFFF90];
	[tilespmem:v11+s25+$0x0] =	vst.idx.msk $0xffff, v33  }
0x52: {  	[tilespmem:v42+s25+$0x0] =	vst.idx.msk $0xffff, v4;
	v33 =	vld [tilespmem:s4+$0x90]  }
0x53: {  	v35 =	vld [tilespmem:s4+$0xFFFFFFB0];
	[tilespmem:v44+s24+$0x0] =	vst.idx.msk $0xffff, v43  }
0x54: {  	[tilespmem:v50+s25+$0x0] =	vst.idx.msk $0xffff, v39;
	v43 =	vld [tilespmem:s6+$0xFFFFFF20]  }
0x55: {  	s7 =	simm.s32 $0x3063;
	[tilespmem:v49+s25+$0x0] =	vst.idx.msk $0xffff, v37;
	v39 =	vld [tilespmem:s4+$0xFFFFFF50]  }
0x56: {  	v6 =	vadd.s32 s7, v23;
	s7 =	simm.s32 $0x815;
	[tilespmem:v58+s25+$0x0] =	vst.idx.msk $0xffff, v5;
	v37 =	vld [tilespmem:s4+$0x30]  }
0x57: {  	v10 =	vadd.s32 s7, v23;
	v41 =	vld [tilespmem:s6+$0xFFFFFFA0];
	[tilespmem:v47+s25+$0x0] =	vst.idx.msk $0xffff, v33  }
0x58: {  	[tilespmem:v48+s25+$0x0] =	vst.idx.msk $0xffff, v35;
	v33 =	vld [tilespmem:s4+$0xA0]  }
0x59: {  	v35 =	vld [tilespmem:s4+$0xFFFFFFC0];
	[tilespmem:v44+s25+$0x0] =	vst.idx.msk $0xffff, v43  }
0x5a: {  	s23 =	simm.s32 $0x817;
	[tilespmem:v54+s25+$0x0] =	vst.idx.msk $0xffff, v39;
	v39 =	vld [tilespmem:s6+$0x0]  }
0x5b: {  	v9 =	vadd.s32 s23, v23;
	s23 =	simm.s32 $0x814;
	s7 =	simm.s32 $0x2851;
	[tilespmem:v53+s25+$0x0] =	vst.idx.msk $0xffff, v37;
	v37 =	vld [tilespmem:s6+$0x80]  }
0x5c: {  	[tilespmem:v10+s25+$0x0] =	vst.idx.msk $0xffff, v41;
	v48 =	vadd.s32 s23, v23;
	v50 =	vadd.s32 s7, v23;
	s7 =	simm.s32 $0x1025;
	v43 =	vld [tilespmem:s6+$0xFFFFFF30]  }
0x5d: {  	s1 =	simm.s32 $0x2043;
	v41 =	vld [tilespmem:s6+$0xFFFFFFB0];
	[tilespmem:v51+s25+$0x0] =	vst.idx.msk $0xffff, v33;
	v54 =	vadd.s32 s7, v23  }
0x5e: {  	v55 =	vadd.s32 s1, v23;
	s5 =	simm.s32 $0x2041;
	[tilespmem:v52+s25+$0x0] =	vst.idx.msk $0xffff, v35;
	v33 =	vld [tilespmem:s4+$0xB0]  }
0x5f: {  	v56 =	vadd.s32 s5, v23;
	v35 =	vld [tilespmem:s4+$0xFFFFFFD0];
	[tilespmem:v60+s25+$0x0] =	vst.idx.msk $0xffff, v39  }
0x60: {  	s18 =	simm.s32 $0x2040;
	v62 =	vld [tilespmem:s4+$0x40];
	[tilespmem:v9+s25+$0x0] =	vst.idx.msk $0xffff, v37  }
0x61: {  	v8 =	vadd.s32 s18, v23;
	s18 =	simm.s32 $0x816;
	v7 =	vld [tilespmem:s4+$0xFFFFFF60];
	[tilespmem:v48+s25+$0x0] =	vst.idx.msk $0xffff, v43  }
0x62: {  	v11 =	vadd.s32 s18, v23;
	s23 =	simm.s32 $0x1027;
	[tilespmem:v54+s25+$0x0] =	vst.idx.msk $0xffff, v41;
	v39 =	vld [tilespmem:s6+$0x10]  }
0x63: {  	v53 =	vadd.s32 s23, v23;
	s23 =	simm.s32 $0x1024;
	[tilespmem:v55+s25+$0x0] =	vst.idx.msk $0xffff, v33;
	v37 =	vld [tilespmem:s6+$0x90]  }
0x64: {  	s5 =	simm.s32 $0x2853;
	s7 =	simm.s32 $0x2850;
	[tilespmem:v56+s25+$0x0] =	vst.idx.msk $0xffff, v35;
	v43 =	vld [tilespmem:s6+$0xFFFFFF40];
	v56 =	vadd.s32 s23, v23  }
0x65: {  	v61 =	vadd.s32 s5, v23;
	v58 =	vadd.s32 s7, v23;
	s7 =	simm.s32 $0x1835;
	[tilespmem:v63+s25+$0x0] =	vst.idx.msk $0xffff, v62;
	v33 =	vld [tilespmem:s4+$0xC0]  }
0x66: {  	s18 =	simm.s32 $0x2852;
	v46 =	vadd.s32 s7, v23;
	[tilespmem:v8+s25+$0x0] =	vst.idx.msk $0xffff, v7;
	v45 =	vld [tilespmem:s6+$0xFFFFFFC0]  }
0x67: {  	v52 =	vadd.s32 s18, v23;
	s18 =	simm.s32 $0x1026;
	v49 =	vld [tilespmem:s4+$0xFFFFFFE0];
	[tilespmem:v11+s25+$0x0] =	vst.idx.msk $0xffff, v39  }
0x68: {  	v55 =	vadd.s32 s18, v23;
	[tilespmem:v53+s25+$0x0] =	vst.idx.msk $0xffff, v37;
	v39 =	vld [tilespmem:s6+$0x20]  }
0x69: {  	v51 =	vld [tilespmem:s4+$0x50];
	[tilespmem:v56+s25+$0x0] =	vst.idx.msk $0xffff, v43  }
0x6a: {  	v57 =	vld [tilespmem:s4+$0xFFFFFF70];
	[tilespmem:v61+s25+$0x0] =	vst.idx.msk $0xffff, v33  }
0x6b: {  	s23 =	simm.s32 $0x1837;
	[tilespmem:v46+s25+$0x0] =	vst.idx.msk $0xffff, v45;
	v33 =	vld [tilespmem:s4+$0xD0]  }
0x6c: {  	s18 =	simm.s32 $0x3061;
	[tilespmem:v50+s25+$0x0] =	vst.idx.msk $0xffff, v49;
	v38 =	vld [tilespmem:s6+$0xA0];
	v61 =	vadd.s32 s23, v23  }
0x6d: {  	v60 =	vadd.s32 s18, v23;
	s18 =	simm.s32 $0x1836;
	v59 =	vld [tilespmem:s4+$0xFFFFFFF0];
	[tilespmem:v55+s25+$0x0] =	vst.idx.msk $0xffff, v39  }
0x6e: {  	v63 =	vadd.s32 s18, v23;
	[tilespmem:v52+s25+$0x0] =	vst.idx.msk $0xffff, v51;
	s23 =	simm.s32 $0x1834;
	v62 =	vld [tilespmem:s6+$0x30]  }
0x6f: {  	s7 =	simm.s32 $0x3062;
	v36 =	vld [tilespmem:s6+$0xFFFFFF50];
	[tilespmem:v58+s25+$0x0] =	vst.idx.msk $0xffff, v57;
	v41 =	vadd.s32 s23, v23  }
0x70: {  	v40 =	vadd.s32 s7, v23;
	s18 =	simm.s32 $0x3060;
	[tilespmem:v6+s25+$0x0] =	vst.idx.msk $0xffff, v33;
	v33 =	vld [tilespmem:s4+$0x60]  }
0x71: {  	v42 =	vadd.s32 s18, v23;
	s23 =	simm.s32 $0x2047;
	[tilespmem:v61+s25+$0x0] =	vst.idx.msk $0xffff, v38;
	v39 =	vld [tilespmem:s4+$0xFFFFFF80]  }
0x72: {  	s1 =	simm.s32 $0x8;
	s5 =	simm.s32 $0xB;
	s7 =	simm.s32 $0x2045;
	v37 =	vadd.s32 s23, v23;
	[tilespmem:v60+s25+$0x0] =	vst.idx.msk $0xffff, v59;
	v34 =	vld [tilespmem:s6+$0xB0]  }
0x73: {  	s18 =	simm.s32 $0x1320;
	v35 =	vld [tilespmem:s6+$0xFFFFFFD0];
	s23 =	simm.s32 $0xC;
	v38 =	vadd.s32 s7, v23;
	s4 =	simm.s32 $0xA0;
	[tilespmem:v63+s25+$0x0] =	vst.idx.msk $0xffff, v62  }
.LBB2_3:
0x74: {  	p0 =	slt.u32 s23, $0x7C;
	s7 =	sadd.s32 $0x1, s1;
	v43 =	vld [tilespmem:s4+$0x10];
	v44 =	vadd.s32 s5, v23;
	[tilespmem:v41+s25+$0x0] =	vst.idx.msk $0xffff, v36  }
0x75: {  	s5 =	sadd.s32 $0x2, s1;
	v36 =	vld [tilespmem:s4+$0xFFFFFFF0];
	v41 =	vadd.s32 s7, v23;
	[tilespmem:v40+s25+$0x0] =	vst.idx.msk $0xffff, v33  }
0x76: {  	v40 =	vadd.s32 s5, v23;
	v33 =	vld [tilespmem:s4+$0x0];
	[tilespmem:v42+s25+$0x0] =	vst.idx.msk $0xffff, v39  }
0x77: {  	s5 =	sadd.s32 $0x2853, s0;
	v42 =	vadd.s32 s1, v23;
	v39 =	vld [tilespmem:s4+$0xFFFFFFE0];
	[tilespmem:v37+s25+$0x0] =	vst.idx.msk $0xffff, v34  }
0x78: {  	s7 =	sadd.s32 $0x2042, s0;
	[tilespmem:v38+s25+$0x0] =	vst.idx.msk $0xffff, v35;
	v34 =	vld [tilespmem:s6+$0xC0];
	v35 =	vadd.s32 s5, v23  }
0x79: {  	v38 =	vadd.s32 s7, v23;
	s6 =	sadd.s32 $0x1C0, s6;
	[tilespmem:v44+s24+$0x0] =	vst.idx.msk $0xffff, v43;
	v37 =	vld [tilespmem:s18+$0x40]  }
0x7a: {  	[tilespmem:v41+s24+$0x0] =	vst.idx.msk $0xffff, v36;
	v36 =	vld [tilespmem:s6+$0x70]  }
0x7b: {  	v43 =	vld [tilespmem:s6+$0xFFFFFF90];
	[tilespmem:v40+s24+$0x0] =	vst.idx.msk $0xffff, v33  }
0x7c: {  	[tilespmem:v42+s24+$0x0] =	vst.idx.msk $0xffff, v39;
	v33 =	vld [tilespmem:s6+$0x0]  }
0x7d: {  	s5 =	sadd.s32 $0x3063, s0;
	v39 =	vld [tilespmem:s6+$0xFFFFFF20];
	[tilespmem:v35+s25+$0x0] =	vst.idx.msk $0xffff, v34  }
0x7e: {  	s7 =	sadd.s32 $0x2040, s0;
	v35 =	vadd.s32 s5, v23;
	[tilespmem:v38+s25+$0x0] =	vst.idx.msk $0xffff, v37;
	v34 =	vld [tilespmem:s18+$0xD0]  }
0x7f: {  	s5 =	sadd.s32 $0x813, s1;
	v37 =	vadd.s32 s7, v23;
	[tilespmem:v44+s25+$0x0] =	vst.idx.msk $0xffff, v36;
	v36 =	vld [tilespmem:s18+$0xFFFFFF60]  }
0x80: {  	s7 =	sadd.s32 $0x811, s1;
	[tilespmem:v41+s25+$0x0] =	vst.idx.msk $0xffff, v43;
	v38 =	vld [tilespmem:s6+$0x80];
	v41 =	vadd.s32 s5, v23  }
0x81: {  	v44 =	vadd.s32 s7, v23;
	s5 =	sadd.s32 $0x812, s1;
	v43 =	vld [tilespmem:s6+$0xFFFFFFA0];
	[tilespmem:v40+s25+$0x0] =	vst.idx.msk $0xffff, v33  }
0x82: {  	s7 =	sadd.s32 $0x810, s1;
	[tilespmem:v42+s25+$0x0] =	vst.idx.msk $0xffff, v39;
	v33 =	vld [tilespmem:s6+$0x10];
	v39 =	vadd.s32 s5, v23  }
0x83: {  	v42 =	vadd.s32 s7, v23;
	s5 =	sadd.s32 $0x2851, s0;
	v40 =	vld [tilespmem:s6+$0xFFFFFF30];
	[tilespmem:v35+s25+$0x0] =	vst.idx.msk $0xffff, v34  }
0x84: {  	v35 =	vadd.s32 s5, v23;
	s5 =	sadd.s32 $0x2852, s0;
	[tilespmem:v37+s25+$0x0] =	vst.idx.msk $0xffff, v36;
	v34 =	vld [tilespmem:s18+$0xFFFFFFE0]  }
0x85: {  	s7 =	sadd.s32 $0x1023, s1;
	v37 =	vadd.s32 s5, v23;
	[tilespmem:v41+s25+$0x0] =	vst.idx.msk $0xffff, v38;
	v36 =	vld [tilespmem:s18+$0x50]  }
0x86: {  	s5 =	sadd.s32 $0x1021, s1;
	v41 =	vadd.s32 s7, v23;
	[tilespmem:v44+s25+$0x0] =	vst.idx.msk $0xffff, v43;
	v38 =	vld [tilespmem:s6+$0x90]  }
0x87: {  	v44 =	vadd.s32 s5, v23;
	s5 =	sadd.s32 $0x1022, s1;
	v43 =	vld [tilespmem:s6+$0xFFFFFFB0];
	[tilespmem:v39+s25+$0x0] =	vst.idx.msk $0xffff, v33  }
0x88: {  	s7 =	sadd.s32 $0x1020, s1;
	v39 =	vadd.s32 s5, v23;
	[tilespmem:v42+s25+$0x0] =	vst.idx.msk $0xffff, v40;
	v33 =	vld [tilespmem:s6+$0x20]  }
0x89: {  	s5 =	sadd.s32 $0x2850, s0;
	v42 =	vadd.s32 s7, v23;
	v40 =	vld [tilespmem:s6+$0xFFFFFF40];
	[tilespmem:v35+s25+$0x0] =	vst.idx.msk $0xffff, v34  }
0x8a: {  	v35 =	vadd.s32 s5, v23;
	s5 =	sadd.s32 $0x3061, s0;
	v34 =	vld [tilespmem:s18+$0xFFFFFF70];
	[tilespmem:v37+s25+$0x0] =	vst.idx.msk $0xffff, v36  }
0x8b: {  	s7 =	sadd.s32 $0x1833, s1;
	[tilespmem:v41+s25+$0x0] =	vst.idx.msk $0xffff, v38;
	v37 =	vld [tilespmem:s18+$0xFFFFFFF0];
	v38 =	vadd.s32 s5, v23  }
0x8c: {  	s5 =	sadd.s32 $0x1831, s1;
	[tilespmem:v44+s25+$0x0] =	vst.idx.msk $0xffff, v43;
	v43 =	vld [tilespmem:s6+$0xA0];
	v44 =	vadd.s32 s7, v23  }
0x8d: {  	v46 =	vadd.s32 s5, v23;
	s5 =	sadd.s32 $0x1832, s1;
	v45 =	vld [tilespmem:s6+$0xFFFFFFC0];
	[tilespmem:v39+s25+$0x0] =	vst.idx.msk $0xffff, v33  }
0x8e: {  	s7 =	sadd.s32 $0x1830, s1;
	v48 =	vadd.s32 s5, v23;
	[tilespmem:v42+s25+$0x0] =	vst.idx.msk $0xffff, v40;
	v47 =	vld [tilespmem:s6+$0x30]  }
.Ltmp2:
0x8f: {  	v41 =	vadd.s32 s7, v23;
	s5 =	sadd.s32 $0x3062, s0;
	v36 =	vld [tilespmem:s6+$0xFFFFFF50];
	[tilespmem:v35+s25+$0x0] =	vst.idx.msk $0xffff, v34;
	(pc) =	sbr.rel @p0 .LBB2_3-.Ltmp2, $4  }
0x90: {  	s7 =	sadd.s32 $0x3060, s0;
	s0 =	smov.u32 s1;
	s1 =	smov.u32 s23;
	v40 =	vadd.s32 s5, v23;
	[tilespmem:v38+s25+$0x0] =	vst.idx.msk $0xffff, v37;
	v33 =	vld [tilespmem:s18+$0x60]  }
0x91: {  	s5 =	sadd.s32 $0x2043, s0;
	v42 =	vadd.s32 s7, v23;
	[tilespmem:v44+s25+$0x0] =	vst.idx.msk $0xffff, v43;
	v39 =	vld [tilespmem:s18+$0xFFFFFF80];
	s18 =	smov.u32 s6  }
0x92: {  	s7 =	sadd.s32 $0x2041, s0;
	v37 =	vadd.s32 s5, v23;
	[tilespmem:v46+s25+$0x0] =	vst.idx.msk $0xffff, v45;
	v34 =	vld [tilespmem:s6+$0xB0]  }
0x93: {  	s4 =	sadd.s32 $0x40, s4;
	s23 =	sadd.s32 $0x4, s23;
	s5 =	sadd.s32 $0x3, s1;
	v38 =	vadd.s32 s7, v23;
	v35 =	vld [tilespmem:s6+$0xFFFFFFD0];
	[tilespmem:v48+s25+$0x0] =	vst.idx.msk $0xffff, v47  }
0x94: {  	v43 =	vld [tilespmem:s4+$0x10];
	v44 =	vadd.s32 s5, v23  }
0x95: {  	s7 =	sadd.s32 $0x1, s1;
	v49 =	vld [tilespmem:s4+$0xFFFFFFE0];
	v50 =	vadd.s32 s1, v23  }
0x96: {  	v45 =	vld [tilespmem:s4+$0xFFFFFFF0];
	s23 =	sadd.s32 $0x2, s1;
	v46 =	vadd.s32 s7, v23  }
0x97: {  	v47 =	vld [tilespmem:s4+$0x0];
	v48 =	vadd.s32 s23, v23;
	_ =	sdelay $0x1  }
0x98: {  	[tilespmem:v44+s24+$0x0] =	vst.idx.msk $0xffff, v43  }
0x99: {  	s4 =	sadd.s32 $0x1C0, s6;
	[tilespmem:v50+s24+$0x0] =	vst.idx.msk $0xffff, v49  }
0x9a: {  	[tilespmem:v46+s24+$0x0] =	vst.idx.msk $0xffff, v45;
	v10 =	vld [tilespmem:s4+$0x70]  }
0x9b: {  	[tilespmem:v48+s24+$0x0] =	vst.idx.msk $0xffff, v47;
	v47 =	vld [tilespmem:s4+$0xFFFFFF20]  }
0x9c: {  	[tilespmem:v41+s25+$0x0] =	vst.idx.msk $0xffff, v36;
	v11 =	vld [tilespmem:s4+$0xFFFFFF90]  }
0x9d: {  	[tilespmem:v40+s25+$0x0] =	vst.idx.msk $0xffff, v33;
	v45 =	vld [tilespmem:s4+$0x0]  }
0x9e: {  	[tilespmem:v42+s25+$0x0] =	vst.idx.msk $0xffff, v39  }
0x9f: {  	s7 =	sadd.s32 $0x813, s1;
	s23 =	sadd.s32 $0x811, s1;
	[tilespmem:v44+s25+$0x0] =	vst.idx.msk $0xffff, v10  }
0xa0: {  	v52 =	vadd.s32 s23, v23;
	s23 =	sadd.s32 $0x810, s1;
	v49 =	vadd.s32 s7, v23;
	[tilespmem:v50+s25+$0x0] =	vst.idx.msk $0xffff, v47;
	v36 =	vld [tilespmem:s4+$0x80]  }
0xa1: {  	v56 =	vadd.s32 s23, v23;
	[tilespmem:v46+s25+$0x0] =	vst.idx.msk $0xffff, v11;
	v55 =	vld [tilespmem:s4+$0xFFFFFF30]  }
0xa2: {  	s7 =	sadd.s32 $0x812, s1;
	[tilespmem:v48+s25+$0x0] =	vst.idx.msk $0xffff, v45;
	v51 =	vld [tilespmem:s4+$0xFFFFFFA0]  }
0xa3: {  	s5 =	sadd.s32 $0x2853, s0;
	[tilespmem:v37+s25+$0x0] =	vst.idx.msk $0xffff, v34;
	v54 =	vadd.s32 s7, v23;
	v53 =	vld [tilespmem:s4+$0x10]  }
0xa4: {  	v58 =	vadd.s32 s5, v23;
	s23 =	sadd.s32 $0x2042, s0;
	[tilespmem:v38+s25+$0x0] =	vst.idx.msk $0xffff, v35;
	v57 =	vld [tilespmem:s6+$0xC0]  }
0xa5: {  	v59 =	vld [tilespmem:s18+$0x40];
	v60 =	vadd.s32 s23, v23;
	s23 =	sadd.s32 $0x1021, s1;
	s7 =	sadd.s32 $0x1023, s1;
	[tilespmem:v49+s25+$0x0] =	vst.idx.msk $0xffff, v36  }
0xa6: {  	v62 =	vadd.s32 s23, v23;
	s23 =	sadd.s32 $0x1020, s1;
	v61 =	vadd.s32 s7, v23;
	[tilespmem:v56+s25+$0x0] =	vst.idx.msk $0xffff, v55;
	v36 =	vld [tilespmem:s4+$0x90]  }
0xa7: {  	v5 =	vadd.s32 s23, v23;
	[tilespmem:v52+s25+$0x0] =	vst.idx.msk $0xffff, v51;
	v4 =	vld [tilespmem:s4+$0xFFFFFF40]  }
0xa8: {  	s7 =	sadd.s32 $0x1022, s1;
	[tilespmem:v54+s25+$0x0] =	vst.idx.msk $0xffff, v53;
	v40 =	vld [tilespmem:s4+$0xFFFFFFB0]  }
0xa9: {  	s23 =	sadd.s32 $0x2040, s0;
	v63 =	vadd.s32 s7, v23;
	[tilespmem:v58+s25+$0x0] =	vst.idx.msk $0xffff, v57;
	v33 =	vld [tilespmem:s4+$0x20]  }
0xaa: {  	v7 =	vld [tilespmem:s18+$0xFFFFFF60];
	v8 =	vadd.s32 s23, v23;
	s7 =	sadd.s32 $0x3063, s0;
	[tilespmem:v60+s25+$0x0] =	vst.idx.msk $0xffff, v59  }
0xab: {  	v6 =	vadd.s32 s7, v23;
	s7 =	sadd.s32 $0x1833, s1;
	v38 =	vld [tilespmem:s18+$0xD0];
	[tilespmem:v61+s25+$0x0] =	vst.idx.msk $0xffff, v36  }
0xac: {  	v9 =	vadd.s32 s7, v23;
	s7 =	sadd.s32 $0x1830, s1;
	[tilespmem:v5+s25+$0x0] =	vst.idx.msk $0xffff, v4;
	v36 =	vld [tilespmem:s4+$0xA0]  }
0xad: {  	s23 =	sadd.s32 $0x1831, s1;
	v48 =	vadd.s32 s7, v23;
	[tilespmem:v62+s25+$0x0] =	vst.idx.msk $0xffff, v40;
	v35 =	vld [tilespmem:s4+$0xFFFFFF50]  }
0xae: {  	s6 =	sadd.s32 $0x1832, s1;
	v10 =	vadd.s32 s23, v23;
	[tilespmem:v63+s25+$0x0] =	vst.idx.msk $0xffff, v33;
	v40 =	vld [tilespmem:s4+$0xFFFFFFC0]  }
0xaf: {  	s23 =	sadd.s32 $0x2851, s0;
	v11 =	vadd.s32 s6, v23;
	[tilespmem:v8+s25+$0x0] =	vst.idx.msk $0xffff, v7;
	v33 =	vld [tilespmem:s4+$0x30]  }
0xb0: {  	v50 =	vadd.s32 s23, v23;
	s6 =	sadd.s32 $0x2852, s0;
	[tilespmem:v6+s25+$0x0] =	vst.idx.msk $0xffff, v38;
	v49 =	vld [tilespmem:s18+$0xFFFFFFE0]  }
0xb1: {  	s7 =	sadd.s32 $0x2043, s1;
	v51 =	vld [tilespmem:s18+$0x50];
	v52 =	vadd.s32 s6, v23;
	[tilespmem:v9+s25+$0x0] =	vst.idx.msk $0xffff, v36  }
0xb2: {  	v53 =	vadd.s32 s7, v23;
	s7 =	sadd.s32 $0x2040, s1;
	[tilespmem:v48+s25+$0x0] =	vst.idx.msk $0xffff, v35;
	v36 =	vld [tilespmem:s4+$0xB0]  }
0xb3: {  	s23 =	sadd.s32 $0x2041, s1;
	v56 =	vadd.s32 s7, v23;
	[tilespmem:v10+s25+$0x0] =	vst.idx.msk $0xffff, v40;
	v35 =	vld [tilespmem:s4+$0xFFFFFF60]  }
0xb4: {  	v54 =	vadd.s32 s23, v23;
	s6 =	sadd.s32 $0x2042, s1;
	[tilespmem:v11+s25+$0x0] =	vst.idx.msk $0xffff, v33;
	v40 =	vld [tilespmem:s4+$0xFFFFFFD0]  }
0xb5: {  	s23 =	sadd.s32 $0x2850, s0;
	v55 =	vadd.s32 s6, v23;
	[tilespmem:v50+s25+$0x0] =	vst.idx.msk $0xffff, v49;
	v33 =	vld [tilespmem:s4+$0x40]  }
0xb6: {  	v57 =	vld [tilespmem:s18+$0xFFFFFF70];
	v58 =	vadd.s32 s23, v23;
	s6 =	sadd.s32 $0x3061, s0;
	[tilespmem:v52+s25+$0x0] =	vst.idx.msk $0xffff, v51  }
0xb7: {  	s7 =	sadd.s32 $0x2853, s1;
	v60 =	vadd.s32 s6, v23;
	v59 =	vld [tilespmem:s18+$0xFFFFFFF0];
	[tilespmem:v53+s25+$0x0] =	vst.idx.msk $0xffff, v36  }
0xb8: {  	v61 =	vadd.s32 s7, v23;
	s7 =	sadd.s32 $0x2850, s1;
	[tilespmem:v56+s25+$0x0] =	vst.idx.msk $0xffff, v35;
	v36 =	vld [tilespmem:s4+$0xC0]  }
0xb9: {  	s23 =	sadd.s32 $0x2851, s1;
	v7 =	vadd.s32 s7, v23;
	[tilespmem:v54+s25+$0x0] =	vst.idx.msk $0xffff, v40;
	v6 =	vld [tilespmem:s4+$0xFFFFFF70]  }
0xba: {  	s6 =	sadd.s32 $0x2852, s1;
	v63 =	vadd.s32 s23, v23;
	[tilespmem:v55+s25+$0x0] =	vst.idx.msk $0xffff, v33;
	v62 =	vld [tilespmem:s4+$0xFFFFFFE0]  }
0xbb: {  	v5 =	vadd.s32 s6, v23;
	[tilespmem:v58+s25+$0x0] =	vst.idx.msk $0xffff, v57;
	s23 =	sadd.s32 $0x3062, s0;
	v4 =	vld [tilespmem:s4+$0x50]  }
0xbc: {  	s5 =	sadd.s32 $0x3060, s0;
	v8 =	vld [tilespmem:s18+$0x60];
	[tilespmem:v60+s25+$0x0] =	vst.idx.msk $0xffff, v59;
	v9 =	vadd.s32 s23, v23  }
0xbd: {  	s6 =	sadd.s32 $0x3063, s1;
	v10 =	vld [tilespmem:s18+$0xFFFFFF80];
	v11 =	vadd.s32 s5, v23;
	[tilespmem:v61+s25+$0x0] =	vst.idx.msk $0xffff, v36  }
0xbe: {  	v48 =	vadd.s32 s6, v23;
	s23 =	sadd.s32 $0x3060, s1;
	[tilespmem:v7+s25+$0x0] =	vst.idx.msk $0xffff, v6;
	v36 =	vld [tilespmem:s4+$0xD0]  }
0xbf: {  	s7 =	sadd.s32 $0x3061, s1;
	v51 =	vadd.s32 s23, v23;
	[tilespmem:v63+s25+$0x0] =	vst.idx.msk $0xffff, v62;
	v38 =	vld [tilespmem:s4+$0xFFFFFF80]  }
0xc0: {  	v49 =	vadd.s32 s7, v23;
	s18 =	sadd.s32 $0x3062, s1;
	[tilespmem:v5+s25+$0x0] =	vst.idx.msk $0xffff, v4;
	v33 =	vld [tilespmem:s4+$0xFFFFFFF0]  }
0xc1: {  	v50 =	vadd.s32 s18, v23;
	[tilespmem:v9+s25+$0x0] =	vst.idx.msk $0xffff, v8;
	v35 =	vld [tilespmem:s4+$0x60]  }
0xc2: {  	[tilespmem:v11+s25+$0x0] =	vst.idx.msk $0xffff, v10  }
0xc3: {  	[tilespmem:v48+s25+$0x0] =	vst.idx.msk $0xffff, v36  }
0xc4: {  	[tilespmem:v51+s25+$0x0] =	vst.idx.msk $0xffff, v38  }
0xc5: {  	[tilespmem:v49+s25+$0x0] =	vst.idx.msk $0xffff, v33  }
0xc6: {  	s6 =	simm.s32 $0x840;
	[tilespmem:v50+s25+$0x0] =	vst.idx.msk $0xffff, v35  }
0xc7: {  	v33 =	vld [tilespmem:s6+$0x30]  }
0xc8: {  	v34 =	vld [tilespmem:s6+$0xFFFFFFD0]  }
0xc9: {  	v35 =	vld [tilespmem:s6+$0xFFFFFFE0]  }
0xca: {  	v36 =	vld [tilespmem:s6+$0xFFFFFFF0]  }
0xcb: {  	v39 =	vld [tilespmem:s6+$0x0]  }
0xcc: {  	v41 =	vld [tilespmem:s6+$0x10];
	v40 =	vmul.u32 $0x390, v33  }
0xcd: {  	v42 =	vld [tilespmem:s6+$0x20];
	v38 =	vmul.u32 $0x390, v34  }
0xce: {  	v44 =	vld [tilespmem:s6+$0xFFFFFFC0];
	v37 =	vmul.u32 $0x390, v35;
	v52 =	vor.u32 v24, v40  }
0xcf: {  	v33 =	vmul.u32 $0x390, v36;
	v53 =	vor.u32 v24, v38  }
0xd0: {  	v35 =	vmul.u32 $0x390, v39;
	v54 =	vor.u32 v24, v37  }
0xd1: {  	v34 =	vmul.u32 $0x390, v41;
	v55 =	vor.u32 v24, v33  }
0xd2: {  	v36 =	vmul.u32 $0x390, v42;
	v56 =	vor.u32 v24, v35  }
0xd3: {  	v39 =	vmul.u32 $0x390, v44;
	v57 =	vor.u32 v24, v34;
	v43 =	vld.idx.msk [tilespmem:v52+s19+$0x0], $0xffff  }
0xd4: {  	v59 =	vor.u32 v24, v36;
	v58 =	vld.idx.msk [tilespmem:v53+s19+$0x0], $0xffff  }
0xd5: {  	v61 =	vor.u32 v24, v39;
	v46 =	vld.idx.msk [tilespmem:v54+s19+$0x0], $0xffff  }
0xd6: {  	v60 =	vadd.s32 v0, v40;
	v47 =	vld.idx.msk [tilespmem:v55+s19+$0x0], $0xffff  }
0xd7: {  	v62 =	vadd.s32 v0, v38;
	v41 =	vld.idx.msk [tilespmem:v56+s19+$0x0], $0xffff  }
0xd8: {  	s0 =	simm.s32 $0xEC00;
	v51 =	vadd.s32 v0, v37;
	v42 =	vld.idx.msk [tilespmem:v57+s19+$0x0], $0xffff  }
0xd9: {  	v52 =	vadd.s32 v0, v33;
	v45 =	vld.idx.msk [tilespmem:v59+s19+$0x0], $0xffff;
	[tilespmem:s0+$0xFFFFE070] =	vst v43  }
0xda: {  	v63 =	vadd.s32 v0, v35;
	v49 =	vld.idx.msk [tilespmem:v61+s19+$0x0], $0xffff;
	[tilespmem:s0+$0xFFFFE010] =	vst v58  }
0xdb: {  	v5 =	vadd.s32 v0, v34;
	[tilespmem:s0+$0xFFFFE020] =	vst v46;
	v4 =	vld.idx.msk [tilespmem:v60+s19+$0x0], $0xffff  }
0xdc: {  	v8 =	vadd.s32 v0, v39;
	[tilespmem:s0+$0xFFFFE030] =	vst v47;
	v6 =	vld.idx.msk [tilespmem:v62+s19+$0x0], $0xffff  }
0xdd: {  	v9 =	vadd.s32 v0, v36;
	[tilespmem:s0+$0xFFFFE040] =	vst v41;
	v51 =	vld.idx.msk [tilespmem:v51+s19+$0x0], $0xffff  }
0xde: {  	v7 =	vadd.s32 v12, v40;
	[tilespmem:s0+$0xFFFFE050] =	vst v42;
	v52 =	vld.idx.msk [tilespmem:v52+s19+$0x0], $0xffff  }
0xdf: {  	v10 =	vadd.s32 v12, v38;
	[tilespmem:s0+$0xFFFFE060] =	vst v45;
	v43 =	vld.idx.msk [tilespmem:v63+s19+$0x0], $0xffff  }
0xe0: {  	v11 =	vadd.s32 v12, v37;
	[tilespmem:s0+$0xFFFFE000] =	vst v49;
	v48 =	vld.idx.msk [tilespmem:v5+s19+$0x0], $0xffff  }
0xe1: {  	v32 =	vadd.s32 v12, v33;
	v50 =	vld.idx.msk [tilespmem:v8+s19+$0x0], $0xffff;
	[tilespmem:s0+$0xFFFFE870] =	vst v4  }
0xe2: {  	v56 =	vadd.s32 v12, v35;
	v41 =	vld.idx.msk [tilespmem:v9+s19+$0x0], $0xffff;
	[tilespmem:s0+$0xFFFFE810] =	vst v6  }
0xe3: {  	v58 =	vadd.s32 v12, v39;
	[tilespmem:s0+$0xFFFFE820] =	vst v51;
	v47 =	vld.idx.msk [tilespmem:v7+s19+$0x0], $0xffff  }
0xe4: {  	v59 =	vadd.s32 v12, v34;
	[tilespmem:s0+$0xFFFFE830] =	vst v52;
	v42 =	vld.idx.msk [tilespmem:v10+s19+$0x0], $0xffff  }
0xe5: {  	v60 =	vadd.s32 v12, v36;
	[tilespmem:s0+$0xFFFFE840] =	vst v43;
	v45 =	vld.idx.msk [tilespmem:v11+s19+$0x0], $0xffff  }
0xe6: {  	v57 =	vadd.s32 v2, v40;
	[tilespmem:s0+$0xFFFFE850] =	vst v48;
	v44 =	vld.idx.msk [tilespmem:v32+s19+$0x0], $0xffff  }
0xe7: {  	v61 =	vadd.s32 v2, v38;
	[tilespmem:s0+$0xFFFFE800] =	vst v50;
	v49 =	vld.idx.msk [tilespmem:v56+s19+$0x0], $0xffff  }
0xe8: {  	v62 =	vadd.s32 v2, v37;
	[tilespmem:s0+$0xFFFFE860] =	vst v41;
	v51 =	vld.idx.msk [tilespmem:v58+s19+$0x0], $0xffff  }
0xe9: {  	v63 =	vadd.s32 v2, v33;
	v4 =	vld.idx.msk [tilespmem:v59+s19+$0x0], $0xffff;
	[tilespmem:s0+$0xFFFFF070] =	vst v47  }
0xea: {  	v6 =	vadd.s32 v2, v39;
	v43 =	vld.idx.msk [tilespmem:v60+s19+$0x0], $0xffff;
	[tilespmem:s0+$0xFFFFF010] =	vst v42  }
0xeb: {  	v7 =	vadd.s32 v2, v35;
	[tilespmem:s0+$0xFFFFF020] =	vst v45;
	v46 =	vld.idx.msk [tilespmem:v57+s19+$0x0], $0xffff  }
0xec: {  	v8 =	vadd.s32 v2, v34;
	[tilespmem:s0+$0xFFFFF030] =	vst v44;
	v48 =	vld.idx.msk [tilespmem:v61+s19+$0x0], $0xffff  }
0xed: {  	v9 =	vadd.s32 v2, v36;
	[tilespmem:s0+$0xFFFFF040] =	vst v49;
	v47 =	vld.idx.msk [tilespmem:v62+s19+$0x0], $0xffff  }
0xee: {  	v5 =	vadd.s32 v26, v40;
	[tilespmem:s0+$0xFFFFF000] =	vst v51;
	v50 =	vld.idx.msk [tilespmem:v63+s19+$0x0], $0xffff  }
0xef: {  	v10 =	vadd.s32 v26, v38;
	[tilespmem:s0+$0xFFFFF050] =	vst v4;
	v52 =	vld.idx.msk [tilespmem:v6+s19+$0x0], $0xffff  }
0xf0: {  	v11 =	vadd.s32 v26, v37;
	[tilespmem:s0+$0xFFFFF060] =	vst v43;
	v32 =	vld.idx.msk [tilespmem:v7+s19+$0x0], $0xffff  }
0xf1: {  	v56 =	vadd.s32 v26, v39;
	v44 =	vld.idx.msk [tilespmem:v8+s19+$0x0], $0xffff;
	[tilespmem:s0+$0xFFFFF870] =	vst v46  }
0xf2: {  	v57 =	vadd.s32 v26, v33;
	v58 =	vld.idx.msk [tilespmem:v9+s19+$0x0], $0xffff;
	[tilespmem:s0+$0xFFFFF810] =	vst v48  }
0xf3: {  	v59 =	vadd.s32 v26, v35;
	[tilespmem:s0+$0xFFFFF820] =	vst v47;
	v42 =	vld.idx.msk [tilespmem:v5+s19+$0x0], $0xffff  }
0xf4: {  	v60 =	vadd.s32 v26, v34;
	[tilespmem:s0+$0xFFFFF830] =	vst v50;
	v46 =	vld.idx.msk [tilespmem:v10+s19+$0x0], $0xffff  }
0xf5: {  	v61 =	vadd.s32 v26, v36;
	[tilespmem:s0+$0xFFFFF800] =	vst v52;
	v51 =	vld.idx.msk [tilespmem:v11+s19+$0x0], $0xffff  }
0xf6: {  	v55 =	vadd.s32 v27, v40;
	[tilespmem:s0+$0xFFFFF840] =	vst v32;
	v45 =	vld.idx.msk [tilespmem:v56+s19+$0x0], $0xffff  }
0xf7: {  	v62 =	vadd.s32 v27, v38;
	[tilespmem:s0+$0xFFFFF850] =	vst v44;
	v63 =	vld.idx.msk [tilespmem:v57+s19+$0x0], $0xffff  }
0xf8: {  	[tilespmem:s0+$0xFFFFF860] =	vst v58;
	v5 =	vadd.s32 v27, v39;
	v49 =	vld.idx.msk [tilespmem:v59+s19+$0x0], $0xffff  }
0xf9: {  	v6 =	vadd.s32 v27, v37;
	v7 =	vld.idx.msk [tilespmem:v60+s19+$0x0], $0xffff;
	[tilespmem:s0+$0x70] =	vst v42  }
0xfa: {  	v8 =	vadd.s32 v27, v33;
	[tilespmem:s0+$0x10] =	vst v46;
	v42 =	vld.idx.msk [tilespmem:v61+s19+$0x0], $0xffff  }
0xfb: {  	v9 =	vadd.s32 v27, v35;
	[tilespmem:s0+$0x20] =	vst v51;
	v43 =	vld.idx.msk [tilespmem:v55+s19+$0x0], $0xffff  }
0xfc: {  	v10 =	vadd.s32 v27, v34;
	[tilespmem:s0+$0x0] =	vst v45;
	v52 =	vld.idx.msk [tilespmem:v62+s19+$0x0], $0xffff  }
0xfd: {  	v11 =	vadd.s32 v27, v36;
	[tilespmem:s0+$0x30] =	vst v63;
	v48 =	vld.idx.msk [tilespmem:v5+s19+$0x0], $0xffff  }
0xfe: {  	v4 =	vadd.s32 v28, v40;
	[tilespmem:s0+$0x40] =	vst v49;
	v32 =	vld.idx.msk [tilespmem:v6+s19+$0x0], $0xffff  }
0xff: {  	v54 =	vadd.s32 v28, v39;
	[tilespmem:s0+$0x50] =	vst v7;
	v55 =	vld.idx.msk [tilespmem:v8+s19+$0x0], $0xffff  }
0x100: {  	v56 =	vadd.s32 v28, v38;
	v57 =	vld.idx.msk [tilespmem:v9+s19+$0x0], $0xffff;
	[tilespmem:s0+$0x60] =	vst v42  }
0x101: {  	v58 =	vadd.s32 v28, v37;
	[tilespmem:s0+$0x870] =	vst v43;
	v43 =	vld.idx.msk [tilespmem:v10+s19+$0x0], $0xffff  }
0x102: {  	v59 =	vadd.s32 v28, v33;
	[tilespmem:s0+$0x810] =	vst v52;
	v45 =	vld.idx.msk [tilespmem:v11+s19+$0x0], $0xffff  }
0x103: {  	v60 =	vadd.s32 v28, v35;
	[tilespmem:s0+$0x800] =	vst v48;
	v44 =	vld.idx.msk [tilespmem:v4+s19+$0x0], $0xffff  }
0x104: {  	v40 =	vadd.s32 v29, v40;
	[tilespmem:s0+$0x820] =	vst v32;
	v47 =	vld.idx.msk [tilespmem:v54+s19+$0x0], $0xffff  }
0x105: {  	v61 =	vadd.s32 v28, v34;
	[tilespmem:s0+$0x830] =	vst v55;
	v46 =	vld.idx.msk [tilespmem:v56+s19+$0x0], $0xffff  }
0x106: {  	v62 =	vadd.s32 v28, v36;
	[tilespmem:s0+$0x840] =	vst v57;
	v42 =	vld.idx.msk [tilespmem:v58+s19+$0x0], $0xffff  }
0x107: {  	v39 =	vadd.s32 v29, v39;
	v54 =	vld.idx.msk [tilespmem:v59+s19+$0x0], $0xffff;
	[tilespmem:s0+$0x850] =	vst v43  }
0x108: {  	v38 =	vadd.s32 v29, v38;
	v52 =	vld.idx.msk [tilespmem:v60+s19+$0x0], $0xffff;
	[tilespmem:s0+$0x1070] =	vst v44  }
0x109: {  	p1 =	por $0x1, $0x1;
	v63 =	vadd.s32 v29, v37;
	[tilespmem:s0+$0x860] =	vst v45;
	v40 =	vld.idx.msk [tilespmem:v40+s19+$0x0], $0xffff  }
.Ltmp3:
0x10a: {  	v51 =	vld.idx.msk [tilespmem:v61+s19+$0x0], $0xffff;
	[tilespmem:s0+$0x1000] =	vst v47;
	(pc) =	sbr.rel @!p1 .LBB2_5-.Ltmp3, $4  }
0x10b: {  	v53 =	vld.idx.msk [tilespmem:v62+s19+$0x0], $0xffff;
	[tilespmem:s0+$0x1010] =	vst v46  }
0x10c: {  	[tilespmem:s0+$0x1020] =	vst v42;
	v48 =	vld.idx.msk [tilespmem:v39+s19+$0x0], $0xffff  }
0x10d: {  	v41 =	vadd.s32 v29, v33;
	v37 =	vadd.s32 v29, v36;
	[tilespmem:s0+$0x1030] =	vst v54;
	v49 =	vld.idx.msk [tilespmem:v38+s19+$0x0], $0xffff  }
0x10e: {  	p0 =	por $0x0, $0x0;
	s18 =	simm.s32 $0x8C1;
	v39 =	vadd.s32 v29, v35;
	v38 =	vadd.s32 v29, v34;
	v50 =	vld.idx.msk [tilespmem:v63+s19+$0x0], $0xffff;
	[tilespmem:s0+$0x1870] =	vst v40  }
0x10f: {  	v33 =	vld [tilespmem:s18+$0x30]  }
0x110: {  	v34 =	vld [tilespmem:s18+$0xFFFFFFD0]  }
0x111: {  	v35 =	vld [tilespmem:s18+$0xFFFFFFE0]  }
0x112: {  	v36 =	vld [tilespmem:s18+$0xFFFFFFF0]  }
0x113: {  	v42 =	vld [tilespmem:s18+$0x0]  }
0x114: {  	v43 =	vld [tilespmem:s18+$0x10];
	v47 =	vmul.u32 $0x390, v33  }
0x115: {  	v44 =	vld [tilespmem:s18+$0x20];
	v45 =	vmul.u32 $0x390, v34  }
0x116: {  	v54 =	vld [tilespmem:s18+$0xFFFFFFC0];
	v46 =	vmul.u32 $0x390, v35;
	v55 =	vor.u32 v24, v47  }
0x117: {  	[tilespmem:s0+$0x1040] =	vst v52;
	v40 =	vmul.u32 $0x390, v36;
	v33 =	vld.idx.msk [tilespmem:v41+s19+$0x0], $0xffff;
	v59 =	vor.u32 v24, v45  }
0x118: {  	[tilespmem:s0+$0x1050] =	vst v51;
	v42 =	vmul.u32 $0x390, v42;
	v34 =	vld.idx.msk [tilespmem:v39+s19+$0x0], $0xffff;
	v60 =	vor.u32 v24, v46  }
0x119: {  	[tilespmem:s0+$0x1060] =	vst v53;
	v43 =	vmul.u32 $0x390, v43;
	v35 =	vld.idx.msk [tilespmem:v38+s19+$0x0], $0xffff;
	v61 =	vor.u32 v24, v40  }
0x11a: {  	v44 =	vmul.u32 $0x390, v44;
	v36 =	vld.idx.msk [tilespmem:v37+s19+$0x0], $0xffff;
	v62 =	vor.u32 v24, v42  }
0x11b: {  	v37 =	vmul.u32 $0x390, v54;
	v63 =	vor.u32 v24, v43;
	v4 =	vld.idx.msk [tilespmem:v55+s19+$0x0], $0xffff  }
0x11c: {  	v5 =	vor.u32 v24, v44;
	v52 =	vld.idx.msk [tilespmem:v59+s19+$0x0], $0xffff  }
0x11d: {  	v7 =	vor.u32 v24, v37;
	v41 =	vld.idx.msk [tilespmem:v60+s19+$0x0], $0xffff  }
0x11e: {  	[tilespmem:s0+$0x1800] =	vst v48;
	v6 =	vadd.s32 v0, v47;
	v39 =	vld.idx.msk [tilespmem:v61+s19+$0x0], $0xffff  }
0x11f: {  	[tilespmem:s0+$0x1810] =	vst v49;
	v8 =	vadd.s32 v0, v45;
	v38 =	vld.idx.msk [tilespmem:v62+s19+$0x0], $0xffff  }
0x120: {  	s1 =	simm.s32 $0xEC80;
	[tilespmem:s0+$0x1820] =	vst v50;
	v9 =	vadd.s32 v0, v46;
	v51 =	vld.idx.msk [tilespmem:v63+s19+$0x0], $0xffff  }
0x121: {  	v56 =	vadd.s32 v0, v40;
	v54 =	vld.idx.msk [tilespmem:v5+s19+$0x0], $0xffff;
	[tilespmem:s1+$0xFFFFE070] =	vst v4  }
0x122: {  	v10 =	vadd.s32 v0, v42;
	v48 =	vld.idx.msk [tilespmem:v7+s19+$0x0], $0xffff;
	[tilespmem:s1+$0xFFFFE010] =	vst v52  }
0x123: {  	v16 =	vadd.s32 v0, v43;
	[tilespmem:s1+$0xFFFFE020] =	vst v41;
	v11 =	vld.idx.msk [tilespmem:v6+s19+$0x0], $0xffff  }
0x124: {  	v19 =	vadd.s32 v0, v37;
	[tilespmem:s1+$0xFFFFE030] =	vst v39;
	v17 =	vld.idx.msk [tilespmem:v8+s19+$0x0], $0xffff  }
0x125: {  	v20 =	vadd.s32 v0, v44;
	[tilespmem:s1+$0xFFFFE040] =	vst v38;
	v50 =	vld.idx.msk [tilespmem:v9+s19+$0x0], $0xffff  }
0x126: {  	v18 =	vadd.s32 v12, v47;
	[tilespmem:s1+$0xFFFFE050] =	vst v51;
	v56 =	vld.idx.msk [tilespmem:v56+s19+$0x0], $0xffff  }
0x127: {  	v21 =	vadd.s32 v12, v45;
	[tilespmem:s1+$0xFFFFE060] =	vst v54;
	v53 =	vld.idx.msk [tilespmem:v10+s19+$0x0], $0xffff  }
0x128: {  	v22 =	vadd.s32 v12, v46;
	[tilespmem:s1+$0xFFFFE000] =	vst v48;
	v55 =	vld.idx.msk [tilespmem:v16+s19+$0x0], $0xffff  }
0x129: {  	v23 =	vadd.s32 v12, v40;
	v49 =	vld.idx.msk [tilespmem:v19+s19+$0x0], $0xffff;
	[tilespmem:s1+$0xFFFFE870] =	vst v11  }
0x12a: {  	v32 =	vadd.s32 v12, v42;
	v38 =	vld.idx.msk [tilespmem:v20+s19+$0x0], $0xffff;
	[tilespmem:s1+$0xFFFFE810] =	vst v17  }
0x12b: {  	v61 =	vadd.s32 v12, v37;
	[tilespmem:s1+$0xFFFFE820] =	vst v50;
	v39 =	vld.idx.msk [tilespmem:v18+s19+$0x0], $0xffff  }
0x12c: {  	v62 =	vadd.s32 v12, v43;
	[tilespmem:s1+$0xFFFFE830] =	vst v56;
	v51 =	vld.idx.msk [tilespmem:v21+s19+$0x0], $0xffff  }
0x12d: {  	v63 =	vadd.s32 v12, v44;
	[tilespmem:s1+$0xFFFFE840] =	vst v53;
	v54 =	vld.idx.msk [tilespmem:v22+s19+$0x0], $0xffff  }
0x12e: {  	v60 =	vadd.s32 v2, v47;
	[tilespmem:s1+$0xFFFFE850] =	vst v55;
	v52 =	vld.idx.msk [tilespmem:v23+s19+$0x0], $0xffff  }
0x12f: {  	v4 =	vadd.s32 v2, v45;
	[tilespmem:s1+$0xFFFFE800] =	vst v49;
	v48 =	vld.idx.msk [tilespmem:v32+s19+$0x0], $0xffff  }
0x130: {  	v5 =	vadd.s32 v2, v46;
	[tilespmem:s1+$0xFFFFE860] =	vst v38;
	v50 =	vld.idx.msk [tilespmem:v61+s19+$0x0], $0xffff  }
0x131: {  	v6 =	vadd.s32 v2, v40;
	v7 =	vld.idx.msk [tilespmem:v62+s19+$0x0], $0xffff;
	[tilespmem:s1+$0xFFFFF070] =	vst v39  }
0x132: {  	v9 =	vadd.s32 v2, v37;
	v53 =	vld.idx.msk [tilespmem:v63+s19+$0x0], $0xffff;
	[tilespmem:s1+$0xFFFFF010] =	vst v51  }
0x133: {  	v10 =	vadd.s32 v2, v42;
	[tilespmem:s1+$0xFFFFF020] =	vst v54;
	v41 =	vld.idx.msk [tilespmem:v60+s19+$0x0], $0xffff  }
0x134: {  	v11 =	vadd.s32 v2, v43;
	[tilespmem:s1+$0xFFFFF030] =	vst v52;
	v55 =	vld.idx.msk [tilespmem:v4+s19+$0x0], $0xffff  }
0x135: {  	v16 =	vadd.s32 v2, v44;
	[tilespmem:s1+$0xFFFFF040] =	vst v48;
	v39 =	vld.idx.msk [tilespmem:v5+s19+$0x0], $0xffff  }
0x136: {  	v8 =	vadd.s32 v26, v47;
	[tilespmem:s1+$0xFFFFF000] =	vst v50;
	v49 =	vld.idx.msk [tilespmem:v6+s19+$0x0], $0xffff  }
0x137: {  	v17 =	vadd.s32 v26, v45;
	[tilespmem:s1+$0xFFFFF050] =	vst v7;
	v56 =	vld.idx.msk [tilespmem:v9+s19+$0x0], $0xffff  }
0x138: {  	v19 =	vadd.s32 v26, v46;
	[tilespmem:s1+$0xFFFFF060] =	vst v53;
	v20 =	vld.idx.msk [tilespmem:v10+s19+$0x0], $0xffff  }
0x139: {  	v22 =	vadd.s32 v26, v37;
	v52 =	vld.idx.msk [tilespmem:v11+s19+$0x0], $0xffff;
	[tilespmem:s1+$0xFFFFF870] =	vst v41  }
0x13a: {  	v23 =	vadd.s32 v26, v40;
	v32 =	vld.idx.msk [tilespmem:v16+s19+$0x0], $0xffff;
	[tilespmem:s1+$0xFFFFF810] =	vst v55  }
0x13b: {  	v60 =	vadd.s32 v26, v42;
	[tilespmem:s1+$0xFFFFF820] =	vst v39;
	v18 =	vld.idx.msk [tilespmem:v8+s19+$0x0], $0xffff  }
0x13c: {  	v61 =	vadd.s32 v26, v43;
	[tilespmem:s1+$0xFFFFF830] =	vst v49;
	v41 =	vld.idx.msk [tilespmem:v17+s19+$0x0], $0xffff  }
0x13d: {  	v62 =	vadd.s32 v26, v44;
	[tilespmem:s1+$0xFFFFF800] =	vst v56;
	v51 =	vld.idx.msk [tilespmem:v19+s19+$0x0], $0xffff  }
0x13e: {  	v21 =	vadd.s32 v27, v47;
	[tilespmem:s1+$0xFFFFF840] =	vst v20;
	v54 =	vld.idx.msk [tilespmem:v22+s19+$0x0], $0xffff  }
0x13f: {  	v63 =	vadd.s32 v27, v45;
	[tilespmem:s1+$0xFFFFF850] =	vst v52;
	v4 =	vld.idx.msk [tilespmem:v23+s19+$0x0], $0xffff  }
0x140: {  	v6 =	vadd.s32 v27, v37;
	[tilespmem:s1+$0xFFFFF860] =	vst v32;
	v48 =	vld.idx.msk [tilespmem:v60+s19+$0x0], $0xffff  }
0x141: {  	v7 =	vadd.s32 v27, v46;
	v8 =	vld.idx.msk [tilespmem:v61+s19+$0x0], $0xffff;
	[tilespmem:s1+$0x70] =	vst v18  }
0x142: {  	v9 =	vadd.s32 v27, v40;
	v50 =	vld.idx.msk [tilespmem:v62+s19+$0x0], $0xffff;
	[tilespmem:s1+$0x10] =	vst v41  }
0x143: {  	v10 =	vadd.s32 v27, v42;
	[tilespmem:s1+$0x20] =	vst v51;
	v53 =	vld.idx.msk [tilespmem:v21+s19+$0x0], $0xffff  }
0x144: {  	v11 =	vadd.s32 v27, v43;
	[tilespmem:s1+$0x0] =	vst v54;
	v56 =	vld.idx.msk [tilespmem:v63+s19+$0x0], $0xffff  }
0x145: {  	v16 =	vadd.s32 v27, v44;
	[tilespmem:s1+$0x30] =	vst v4;
	v55 =	vld.idx.msk [tilespmem:v6+s19+$0x0], $0xffff  }
0x146: {  	v5 =	vadd.s32 v28, v47;
	[tilespmem:s1+$0x40] =	vst v48;
	v17 =	vld.idx.msk [tilespmem:v7+s19+$0x0], $0xffff  }
0x147: {  	v19 =	vadd.s32 v28, v37;
	[tilespmem:s1+$0x50] =	vst v8;
	v20 =	vld.idx.msk [tilespmem:v9+s19+$0x0], $0xffff  }
0x148: {  	[tilespmem:s1+$0x60] =	vst v50;
	v21 =	vadd.s32 v28, v45;
	v22 =	vld.idx.msk [tilespmem:v10+s19+$0x0], $0xffff  }
0x149: {  	v23 =	vadd.s32 v28, v46;
	v32 =	vld.idx.msk [tilespmem:v11+s19+$0x0], $0xffff;
	[tilespmem:s1+$0x870] =	vst v53  }
0x14a: {  	v59 =	vadd.s32 v28, v40;
	v54 =	vld.idx.msk [tilespmem:v16+s19+$0x0], $0xffff;
	[tilespmem:s1+$0x810] =	vst v56  }
0x14b: {  	v61 =	vadd.s32 v28, v43;
	[tilespmem:s1+$0x800] =	vst v55;
	v52 =	vld.idx.msk [tilespmem:v5+s19+$0x0], $0xffff  }
0x14c: {  	v18 =	vadd.s32 v29, v47;
	[tilespmem:s1+$0x820] =	vst v17;
	v47 =	vld.idx.msk [tilespmem:v19+s19+$0x0], $0xffff  }
0x14d: {  	v62 =	vadd.s32 v28, v44;
	[tilespmem:s1+$0x830] =	vst v20;
	v41 =	vld.idx.msk [tilespmem:v21+s19+$0x0], $0xffff  }
0x14e: {  	v60 =	vadd.s32 v28, v42;
	[tilespmem:s1+$0x840] =	vst v22;
	v50 =	vld.idx.msk [tilespmem:v23+s19+$0x0], $0xffff  }
0x14f: {  	v37 =	vadd.s32 v29, v37;
	[tilespmem:s1+$0x850] =	vst v32;
	v63 =	vld.idx.msk [tilespmem:v59+s19+$0x0], $0xffff  }
0x150: {  	v45 =	vadd.s32 v29, v45;
	v51 =	vld.idx.msk [tilespmem:v61+s19+$0x0], $0xffff;
	[tilespmem:s1+$0x1070] =	vst v52  }
0x151: {  	p1 =	por $0x1, $0x1;
	v46 =	vadd.s32 v29, v46;
	[tilespmem:s1+$0x860] =	vst v54;
	v39 =	vld.idx.msk [tilespmem:v18+s19+$0x0], $0xffff  }
.Ltmp4:
0x152: {  	v53 =	vld.idx.msk [tilespmem:v62+s19+$0x0], $0xffff;
	[tilespmem:s1+$0x1000] =	vst v47;
	(pc) =	sbr.rel @!p1 .LBB2_7-.Ltmp4, $4  }
0x153: {  	v52 =	vld.idx.msk [tilespmem:v60+s19+$0x0], $0xffff;
	[tilespmem:s1+$0x1010] =	vst v41  }
0x154: {  	[tilespmem:s1+$0x1020] =	vst v50;
	v48 =	vld.idx.msk [tilespmem:v37+s19+$0x0], $0xffff  }
0x155: {  	v38 =	vadd.s32 v29, v43;
	v41 =	vadd.s32 v29, v40;
	[tilespmem:s1+$0x1030] =	vst v63;
	v49 =	vld.idx.msk [tilespmem:v45+s19+$0x0], $0xffff  }
0x156: {  	s23 =	simm.s32 $0x8;
	s4 =	simm.s32 $0x942;
	p0 =	por $0x1, $0x1;
	v25 =	vmov v2;
	v37 =	vadd.s32 v29, v44;
	v50 =	vld.idx.msk [tilespmem:v46+s19+$0x0], $0xffff;
	[tilespmem:s1+$0x1870] =	vst v39;
	v39 =	vadd.s32 v29, v42  }
.LBB2_8:
0x157: {  	v40 =	vld [tilespmem:s4+$0x30]  }
0x158: {  	v42 =	vld [tilespmem:s4+$0xFFFFFFD0]  }
0x159: {  	v43 =	vld [tilespmem:s4+$0xFFFFFFE0]  }
0x15a: {  	v44 =	vld [tilespmem:s4+$0xFFFFFFF0];
	[tilespmem:s1+$0x1040] =	vst v52  }
0x15b: {  	[tilespmem:s1+$0x1050] =	vst v51;
	v45 =	vld [tilespmem:s4+$0x0]  }
0x15c: {  	[tilespmem:s1+$0x1060] =	vst v53;
	v46 =	vld [tilespmem:s4+$0x10];
	v40 =	vmul.u32 $0x390, v40  }
0x15d: {  	[tilespmem:s1+$0x1800] =	vst v48;
	v42 =	vmul.u32 $0x390, v42;
	v47 =	vld [tilespmem:s4+$0x20]  }
0x15e: {  	[tilespmem:s0+$0x1830] =	vst v33;
	v48 =	vld [tilespmem:s4+$0xFFFFFFC0];
	v43 =	vmul.u32 $0x390, v43;
	v11 =	vor.u32 v24, v40  }
0x15f: {  	v33 =	vld.idx.msk [tilespmem:v41+s19+$0x0], $0xffff;
	[tilespmem:s0+$0x1840] =	vst v34;
	v44 =	vmul.u32 $0x390, v44;
	v22 =	vor.u32 v24, v42  }
0x160: {  	[tilespmem:s0+$0x1850] =	vst v35;
	v34 =	vld.idx.msk [tilespmem:v39+s19+$0x0], $0xffff;
	v16 =	vor.u32 v24, v43;
	v45 =	vmul.u32 $0x390, v45  }
0x161: {  	[tilespmem:s0+$0x1860] =	vst v36;
	v35 =	vld.idx.msk [tilespmem:v38+s19+$0x0], $0xffff;
	v18 =	vor.u32 v24, v44;
	v46 =	vmul.u32 $0x390, v46  }
0x162: {  	v36 =	vld.idx.msk [tilespmem:v37+s19+$0x0], $0xffff;
	v47 =	vmul.u32 $0x390, v47;
	v20 =	vor.u32 v24, v45  }
0x163: {  	[tilespmem:s1+$0x1810] =	vst v49;
	v37 =	vmul.u32 $0x390, v48;
	v21 =	vor.u32 v24, v46;
	v49 =	vld.idx.msk [tilespmem:v11+s19+$0x0], $0xffff  }
0x164: {  	[tilespmem:s1+$0x1820] =	vst v50;
	v50 =	vld.idx.msk [tilespmem:v22+s19+$0x0], $0xffff;
	v57 =	vor.u32 v24, v47  }
0x165: {  	v59 =	vor.u32 v24, v37;
	v41 =	vld.idx.msk [tilespmem:v16+s19+$0x0], $0xffff  }
0x166: {  	v61 =	vadd.s32 v0, v40;
	v39 =	vld.idx.msk [tilespmem:v18+s19+$0x0], $0xffff  }
0x167: {  	v23 =	vadd.s32 v0, v42;
	v38 =	vld.idx.msk [tilespmem:v20+s19+$0x0], $0xffff  }
0x168: {  	s0 =	smov.u32 s1;
	s1 =	sadd.s32 $0x80, s1;
	v17 =	vadd.s32 v0, v43;
	v48 =	vld.idx.msk [tilespmem:v21+s19+$0x0], $0xffff  }
0x169: {  	v19 =	vadd.s32 v0, v44;
	v57 =	vld.idx.msk [tilespmem:v57+s19+$0x0], $0xffff;
	[tilespmem:s1+$0xFFFFE070] =	vst v49  }
0x16a: {  	v54 =	vadd.s32 v0, v45;
	[tilespmem:s1+$0xFFFFE010] =	vst v50;
	v59 =	vld.idx.msk [tilespmem:v59+s19+$0x0], $0xffff  }
0x16b: {  	v55 =	vadd.s32 v0, v46;
	[tilespmem:s1+$0xFFFFE020] =	vst v41;
	v61 =	vld.idx.msk [tilespmem:v61+s19+$0x0], $0xffff  }
0x16c: {  	v60 =	vadd.s32 v0, v37;
	[tilespmem:s1+$0xFFFFE030] =	vst v39;
	v22 =	vld.idx.msk [tilespmem:v23+s19+$0x0], $0xffff  }
0x16d: {  	v58 =	vadd.s32 v0, v47;
	v52 =	vld.idx.msk [tilespmem:v17+s19+$0x0], $0xffff;
	[tilespmem:s1+$0xFFFFE040] =	vst v38  }
0x16e: {  	v23 =	vadd.s32 v12, v40;
	v38 =	vld.idx.msk [tilespmem:v19+s19+$0x0], $0xffff;
	[tilespmem:s1+$0xFFFFE050] =	vst v48  }
0x16f: {  	v56 =	vadd.s32 v12, v42;
	[tilespmem:s1+$0xFFFFE060] =	vst v57;
	v54 =	vld.idx.msk [tilespmem:v54+s19+$0x0], $0xffff  }
0x170: {  	v63 =	vadd.s32 v12, v43;
	[tilespmem:s1+$0xFFFFE000] =	vst v59;
	v55 =	vld.idx.msk [tilespmem:v55+s19+$0x0], $0xffff  }
0x171: {  	v0 =	vadd.s32 v12, v44;
	[tilespmem:s1+$0xFFFFE870] =	vst v61;
	v60 =	vld.idx.msk [tilespmem:v60+s19+$0x0], $0xffff  }
0x172: {  	v2 =	vadd.s32 v12, v45;
	[tilespmem:s1+$0xFFFFE820] =	vst v52;
	v52 =	vld.idx.msk [tilespmem:v58+s19+$0x0], $0xffff  }
0x173: {  	v62 =	vadd.s32 v12, v37;
	[tilespmem:s1+$0xFFFFE810] =	vst v22;
	v39 =	vld.idx.msk [tilespmem:v23+s19+$0x0], $0xffff  }
0x174: {  	v3 =	vadd.s32 v12, v46;
	v56 =	vld.idx.msk [tilespmem:v56+s19+$0x0], $0xffff;
	[tilespmem:s1+$0xFFFFE830] =	vst v38  }
0x175: {  	v4 =	vadd.s32 v12, v47;
	v63 =	vld.idx.msk [tilespmem:v63+s19+$0x0], $0xffff;
	[tilespmem:s1+$0xFFFFE840] =	vst v54  }
0x176: {  	v32 =	vadd.s32 v25, v40;
	v0 =	vld.idx.msk [tilespmem:v0+s19+$0x0], $0xffff;
	[tilespmem:s1+$0xFFFFE850] =	vst v55  }
0x177: {  	v6 =	vadd.s32 v25, v42;
	[tilespmem:s1+$0xFFFFE800] =	vst v60;
	v2 =	vld.idx.msk [tilespmem:v2+s19+$0x0], $0xffff  }
0x178: {  	v7 =	vadd.s32 v25, v43;
	[tilespmem:s1+$0xFFFFE860] =	vst v52;
	v62 =	vld.idx.msk [tilespmem:v62+s19+$0x0], $0xffff  }
0x179: {  	v8 =	vadd.s32 v25, v44;
	[tilespmem:s1+$0xFFFFF070] =	vst v39;
	v3 =	vld.idx.msk [tilespmem:v3+s19+$0x0], $0xffff  }
0x17a: {  	v5 =	vadd.s32 v25, v37;
	[tilespmem:s1+$0xFFFFF010] =	vst v56;
	v4 =	vld.idx.msk [tilespmem:v4+s19+$0x0], $0xffff  }
0x17b: {  	v9 =	vadd.s32 v25, v45;
	[tilespmem:s1+$0xFFFFF020] =	vst v63;
	v60 =	vld.idx.msk [tilespmem:v32+s19+$0x0], $0xffff  }
0x17c: {  	v49 =	vadd.s32 v25, v46;
	v6 =	vld.idx.msk [tilespmem:v6+s19+$0x0], $0xffff;
	[tilespmem:s1+$0xFFFFF030] =	vst v0  }
0x17d: {  	v51 =	vadd.s32 v26, v43;
	v32 =	vadd.s32 v26, v40;
	v0 =	vld.idx.msk [tilespmem:v7+s19+$0x0], $0xffff;
	[tilespmem:s1+$0xFFFFF040] =	vst v2  }
0x17e: {  	v10 =	vadd.s32 v26, v37;
	v50 =	vadd.s32 v25, v47;
	v2 =	vld.idx.msk [tilespmem:v8+s19+$0x0], $0xffff;
	[tilespmem:s1+$0xFFFFF000] =	vst v62  }
0x17f: {  	v11 =	vadd.s32 v26, v42;
	v13 =	vadd.s32 v26, v45;
	[tilespmem:s1+$0xFFFFF050] =	vst v3;
	v5 =	vld.idx.msk [tilespmem:v5+s19+$0x0], $0xffff  }
0x180: {  	v53 =	vadd.s32 v26, v47;
	v12 =	vadd.s32 v26, v44;
	[tilespmem:s1+$0xFFFFF060] =	vst v4;
	v3 =	vld.idx.msk [tilespmem:v9+s19+$0x0], $0xffff  }
0x181: {  	v48 =	vadd.s32 v26, v46;
	v61 =	vadd.s32 v27, v46;
	[tilespmem:s1+$0xFFFFF870] =	vst v60;
	v49 =	vld.idx.msk [tilespmem:v49+s19+$0x0], $0xffff  }
0x182: {  	v22 =	vadd.s32 v28, v46;
	v38 =	vadd.s32 v29, v46;
	[tilespmem:s1+$0xFFFFF810] =	vst v6;
	v46 =	vld.idx.msk [tilespmem:v32+s19+$0x0], $0xffff  }
0x183: {  	v14 =	vadd.s32 v27, v37;
	v18 =	vadd.s32 v27, v47;
	[tilespmem:s1+$0xFFFFF820] =	vst v0;
	v0 =	vld.idx.msk [tilespmem:v50+s19+$0x0], $0xffff  }
0x184: {  	v17 =	vadd.s32 v28, v37;
	v23 =	vadd.s32 v29, v37;
	v37 =	vadd.s32 v29, v47;
	v50 =	vld.idx.msk [tilespmem:v11+s19+$0x0], $0xffff  }
0x185: {  	v55 =	vadd.s32 v28, v47;
	v47 =	vadd.s32 v27, v40;
	[tilespmem:s1+$0xFFFFF830] =	vst v2;
	v2 =	vld.idx.msk [tilespmem:v51+s19+$0x0], $0xffff  }
0x186: {  	[tilespmem:s1+$0xFFFFF840] =	vst v3;
	v3 =	vld.idx.msk [tilespmem:v12+s19+$0x0], $0xffff  }
0x187: {  	[tilespmem:s1+$0xFFFFF800] =	vst v5;
	v12 =	vld [tilespmem:$0x1FF10]  }
0x188: {  	v15 =	vadd.s32 v27, v42;
	[tilespmem:s1+$0xFFFFF850] =	vst v49;
	v5 =	vld.idx.msk [tilespmem:v10+s19+$0x0], $0xffff  }
0x189: {  	v57 =	vadd.s32 v27, v43;
	[tilespmem:s1+$0x70] =	vst v46;
	v56 =	vld.idx.msk [tilespmem:v13+s19+$0x0], $0xffff  }
0x18a: {  	v16 =	vadd.s32 v27, v44;
	v4 =	vld.idx.msk [tilespmem:v47+s19+$0x0], $0xffff;
	[tilespmem:s1+$0xFFFFF860] =	vst v0  }
0x18b: {  	[tilespmem:s1+$0x10] =	vst v50;
	v0 =	vld.idx.msk [tilespmem:v48+s19+$0x0], $0xffff  }
0x18c: {  	v52 =	vadd.s32 v28, v40;
	[tilespmem:s1+$0x20] =	vst v2;
	v2 =	vld.idx.msk [tilespmem:v53+s19+$0x0], $0xffff  }
0x18d: {  	v59 =	vadd.s32 v27, v45;
	v8 =	vld.idx.msk [tilespmem:v15+s19+$0x0], $0xffff;
	[tilespmem:s1+$0x30] =	vst v3  }
0x18e: {  	v3 =	vld.idx.msk [tilespmem:v57+s19+$0x0], $0xffff;
	[tilespmem:s1+$0x0] =	vst v5  }
0x18f: {  	[tilespmem:s1+$0x40] =	vst v56;
	v60 =	vld.idx.msk [tilespmem:v16+s19+$0x0], $0xffff  }
0x190: {  	v19 =	vadd.s32 v28, v42;
	[tilespmem:s1+$0x870] =	vst v4;
	v5 =	vld.idx.msk [tilespmem:v14+s19+$0x0], $0xffff  }
0x191: {  	v20 =	vadd.s32 v28, v43;
	v4 =	vld.idx.msk [tilespmem:v52+s19+$0x0], $0xffff;
	[tilespmem:s1+$0x50] =	vst v0  }
0x192: {  	v0 =	vld.idx.msk [tilespmem:v59+s19+$0x0], $0xffff;
	[tilespmem:s1+$0x60] =	vst v2  }
0x193: {  	v21 =	vadd.s32 v28, v44;
	[tilespmem:s1+$0x810] =	vst v8;
	v2 =	vld.idx.msk [tilespmem:v61+s19+$0x0], $0xffff  }
0x194: {  	v58 =	vadd.s32 v29, v40;
	v62 =	vld.idx.msk [tilespmem:v18+s19+$0x0], $0xffff;
	[tilespmem:s1+$0x820] =	vst v3  }
0x195: {  	v54 =	vadd.s32 v28, v45;
	v3 =	vld.idx.msk [tilespmem:v19+s19+$0x0], $0xffff;
	[tilespmem:s1+$0x830] =	vst v60  }
0x196: {  	v63 =	vld.idx.msk [tilespmem:v20+s19+$0x0], $0xffff;
	[tilespmem:s1+$0x800] =	vst v5  }
0x197: {  	[tilespmem:s1+$0x1070] =	vst v4;
	v5 =	vld.idx.msk [tilespmem:v17+s19+$0x0], $0xffff  }
0x198: {  	v42 =	vadd.s32 v29, v42;
	[tilespmem:s1+$0x840] =	vst v0;
	v0 =	vld.idx.msk [tilespmem:v21+s19+$0x0], $0xffff  }
0x199: {  	v43 =	vadd.s32 v29, v43;
	v4 =	vld.idx.msk [tilespmem:v58+s19+$0x0], $0xffff  }
0x19a: {  	s23 =	sadd.s32 $0x8, s23;
	[tilespmem:s1+$0x850] =	vst v2;
	v52 =	vld.idx.msk [tilespmem:v54+s19+$0x0], $0xffff  }
0x19b: {  	p1 =	slt.u32 s23, $0x78;
	[tilespmem:s1+$0x860] =	vst v62;
	v51 =	vld.idx.msk [tilespmem:v22+s19+$0x0], $0xffff  }
.Ltmp5:
0x19c: {  	[tilespmem:s1+$0x1010] =	vst v3;
	v53 =	vld.idx.msk [tilespmem:v55+s19+$0x0], $0xffff;
	(pc) =	sbr.rel @p1 .LBB2_8-.Ltmp5, $4  }
0x19d: {  	v49 =	vld.idx.msk [tilespmem:v42+s19+$0x0], $0xffff;
	[tilespmem:s1+$0x1020] =	vst v63  }
0x19e: {  	v50 =	vld.idx.msk [tilespmem:v43+s19+$0x0], $0xffff;
	[tilespmem:s1+$0x1000] =	vst v5  }
0x19f: {  	[tilespmem:s1+$0x1030] =	vst v0;
	v0 =	vld [tilespmem:$0x1FF00]  }
0x1a0: {  	s4 =	sadd.s32 $0x81, s4;
	v41 =	vadd.s32 v29, v44;
	v39 =	vadd.s32 v29, v45;
	[tilespmem:s1+$0x1870] =	vst v4;
	v48 =	vld.idx.msk [tilespmem:v23+s19+$0x0], $0xffff  }
0x1a1: {  	v1 =	vld [tilespmem:$0x1FE00]  }
0x1a2: {  	v22 =	vld [tilespmem:$0x1FF30]  }
0x1a3: {  	v25 =	vld [tilespmem:$0x1FF40]  }
0x1a4: {  	v18 =	vld [tilespmem:$0x1FF50]  }
0x1a5: {  	v19 =	vld [tilespmem:$0x1FF60]  }
0x1a6: {  	v20 =	vld [tilespmem:$0x1FF70]  }
.LBB2_10:
0x1a7: {  	[tilespmem:s1+$0x1040] =	vst v52  }
0x1a8: {  	[tilespmem:s1+$0x1050] =	vst v51  }
0x1a9: {  	[tilespmem:s1+$0x1060] =	vst v53  }
0x1aa: {  	[tilespmem:s1+$0x1800] =	vst v48  }
0x1ab: {  	[tilespmem:s1+$0x1810] =	vst v49  }
0x1ac: {  	[tilespmem:s1+$0x1820] =	vst v50;
	v0 =	vld.idx.msk [tilespmem:v41+s19+$0x0], $0xffff  }
0x1ad: {  	[tilespmem:s0+$0x1830] =	vst @p0 v33;
	v2 =	vld.idx.msk [tilespmem:v39+s19+$0x0], $0xffff  }
0x1ae: {  	[tilespmem:s0+$0x1840] =	vst @p0 v34;
	v3 =	vld.idx.msk [tilespmem:v38+s19+$0x0], $0xffff  }
0x1af: {  	[tilespmem:s0+$0x1850] =	vst @p0 v35;
	v4 =	vld.idx.msk [tilespmem:v37+s19+$0x0], $0xffff  }
0x1b0: {  	[tilespmem:s0+$0x1860] =	vst @p0 v36  }
0x1b1: {  	[tilespmem:s1+$0x1830] =	vst v0  }
0x1b2: {  	[tilespmem:s1+$0x1840] =	vst v2  }
0x1b3: {  	s2 =	sadd.s32 s10, s2;
	s23 =	rddreg [dreg:$0x1];
	[tilespmem:s1+$0x1850] =	vst v3  }
0x1b4: {  	s0 =	sadd.s32 s23, s2;
	[tilespmem:s1+$0x1860] =	vst v4  }
0x1b5: {  	[hbm4b:s0+s22] =	stream.strided.scatter [tilespmem:s28], [sflag:$0x1], $0x4000, s26, s22, $0x38;
	[tilespmem:$0x14C00] =	vst v63  }
0x1b6: {  	v0 =	vld [tilespmem:s6+$0x30]  }
0x1b7: {  	v2 =	vld [tilespmem:s6+$0xFFFFFFD0]  }
0x1b8: {  	v3 =	vld [tilespmem:s6+$0xFFFFFFE0]  }
0x1b9: {  	v4 =	vld [tilespmem:s6+$0xFFFFFFF0]  }
0x1ba: {  	v5 =	vld [tilespmem:s6+$0x0]  }
0x1bb: {  	v6 =	vld [tilespmem:s6+$0x10];
	v40 =	vmul.u32 $0x390, v0  }
0x1bc: {  	v38 =	vmul.u32 $0x390, v2;
	v0 =	vld [tilespmem:s6+$0x20]  }
0x1bd: {  	v37 =	vmul.u32 $0x390, v3;
	v3 =	vld [tilespmem:s6+$0xFFFFFFC0];
	v2 =	vadd.s32 v1, v40  }
0x1be: {  	v34 =	vmul.u32 $0x390, v4;
	v7 =	vadd.s32 v1, v38  }
0x1bf: {  	v35 =	vmul.u32 $0x390, v5;
	v43 =	vadd.s32 v1, v37  }
0x1c0: {  	v36 =	vmul.u32 $0x390, v6;
	v44 =	vadd.s32 v1, v34  }
0x1c1: {  	v15 =	vld [tilespmem:s18+$0x0];
	v45 =	vadd.s32 v1, v35;
	v33 =	vmul.u32 $0x390, v0  }
0x1c2: {  	v0 =	vadd.s32 v1, v36;
	v39 =	vmul.u32 $0x390, v3;
	v2 =	vld.idx.msk [tilespmem:v2+s19+$0x0], $0xffff  }
0x1c3: {  	v3 =	vld.idx.msk [tilespmem:v7+s19+$0x0], $0xffff;
	v46 =	vadd.s32 v1, v33  }
0x1c4: {  	v4 =	vld.idx.msk [tilespmem:v43+s19+$0x0], $0xffff;
	v9 =	vadd.s32 v1, v39  }
0x1c5: {  	v8 =	vadd.s32 v22, v40;
	v5 =	vld.idx.msk [tilespmem:v44+s19+$0x0], $0xffff  }
0x1c6: {  	v10 =	vadd.s32 v22, v38;
	v6 =	vld.idx.msk [tilespmem:v45+s19+$0x0], $0xffff  }
0x1c7: {  	s0 =	simm.s32 $0x12C00;
	v11 =	vadd.s32 v22, v37;
	v0 =	vld.idx.msk [tilespmem:v0+s19+$0x0], $0xffff  }
0x1c8: {  	v12 =	vadd.s32 v22, v34;
	v7 =	vld.idx.msk [tilespmem:v46+s19+$0x0], $0xffff;
	[tilespmem:s0+$0xFFFFE070] =	vst v2  }
0x1c9: {  	v13 =	vadd.s32 v22, v36;
	[tilespmem:s0+$0xFFFFE010] =	vst v3;
	v3 =	vld.idx.msk [tilespmem:v9+s19+$0x0], $0xffff  }
0x1ca: {  	v2 =	vadd.s32 v22, v35;
	[tilespmem:s0+$0xFFFFE020] =	vst v4;
	v8 =	vld.idx.msk [tilespmem:v8+s19+$0x0], $0xffff  }
0x1cb: {  	v49 =	vadd.s32 v22, v39;
	[tilespmem:s0+$0xFFFFE030] =	vst v5;
	v47 =	vld.idx.msk [tilespmem:v10+s19+$0x0], $0xffff  }
0x1cc: {  	v51 =	vadd.s32 v22, v33;
	[tilespmem:s0+$0xFFFFE040] =	vst v6;
	v50 =	vld.idx.msk [tilespmem:v11+s19+$0x0], $0xffff  }
0x1cd: {  	v48 =	vadd.s32 v25, v40;
	v52 =	vld.idx.msk [tilespmem:v12+s19+$0x0], $0xffff;
	[tilespmem:s0+$0xFFFFE050] =	vst v0  }
0x1ce: {  	v53 =	vadd.s32 v25, v38;
	v13 =	vld.idx.msk [tilespmem:v13+s19+$0x0], $0xffff;
	[tilespmem:s0+$0xFFFFE000] =	vst v3  }
0x1cf: {  	v0 =	vld.idx.msk [tilespmem:v2+s19+$0x0], $0xffff;
	v2 =	vadd.s32 v25, v37;
	[tilespmem:s0+$0xFFFFE060] =	vst v7  }
0x1d0: {  	v54 =	vadd.s32 v25, v34;
	[tilespmem:s0+$0xFFFFE870] =	vst v8;
	v56 =	vld.idx.msk [tilespmem:v49+s19+$0x0], $0xffff  }
0x1d1: {  	v61 =	vadd.s32 v25, v36;
	[tilespmem:s0+$0xFFFFE810] =	vst v47;
	v57 =	vld.idx.msk [tilespmem:v51+s19+$0x0], $0xffff  }
0x1d2: {  	v55 =	vadd.s32 v25, v35;
	[tilespmem:s0+$0xFFFFE820] =	vst v50;
	v3 =	vld.idx.msk [tilespmem:v48+s19+$0x0], $0xffff  }
0x1d3: {  	v59 =	vadd.s32 v25, v39;
	[tilespmem:s0+$0xFFFFE830] =	vst v52;
	v60 =	vld.idx.msk [tilespmem:v53+s19+$0x0], $0xffff  }
0x1d4: {  	v62 =	vadd.s32 v25, v33;
	[tilespmem:s0+$0xFFFFE850] =	vst v13;
	v2 =	vld.idx.msk [tilespmem:v2+s19+$0x0], $0xffff  }
0x1d5: {  	v58 =	vadd.s32 v18, v40;
	[tilespmem:s0+$0xFFFFE840] =	vst v0;
	v0 =	vld.idx.msk [tilespmem:v54+s19+$0x0], $0xffff  }
0x1d6: {  	v63 =	vadd.s32 v18, v38;
	v21 =	vld.idx.msk [tilespmem:v61+s19+$0x0], $0xffff;
	[tilespmem:s0+$0xFFFFE800] =	vst v56  }
0x1d7: {  	v17 =	vadd.s32 v18, v34;
	v9 =	vld.idx.msk [tilespmem:v55+s19+$0x0], $0xffff;
	[tilespmem:s0+$0xFFFFE860] =	vst v57  }
0x1d8: {  	[tilespmem:s0+$0xFFFFF070] =	vst v3;
	v3 =	vadd.s32 v18, v37;
	v11 =	vld.idx.msk [tilespmem:v59+s19+$0x0], $0xffff  }
0x1d9: {  	v43 =	vadd.s32 v18, v36;
	[tilespmem:s0+$0xFFFFF010] =	vst v60;
	v41 =	vld.idx.msk [tilespmem:v62+s19+$0x0], $0xffff  }
0x1da: {  	v42 =	vadd.s32 v18, v35;
	v16 =	vld.idx.msk [tilespmem:v58+s19+$0x0], $0xffff;
	[tilespmem:s0+$0xFFFFF020] =	vst v2  }
0x1db: {  	v32 =	vadd.s32 v18, v39;
	v2 =	vld.idx.msk [tilespmem:v63+s19+$0x0], $0xffff;
	[tilespmem:s0+$0xFFFFF030] =	vst v0  }
0x1dc: {  	v23 =	vadd.s32 v19, v40;
	[tilespmem:s0+$0xFFFFF050] =	vst v21;
	v10 =	vld.idx.msk [tilespmem:v17+s19+$0x0], $0xffff  }
0x1dd: {  	[tilespmem:s0+$0xFFFFF040] =	vst v9;
	v0 =	vld.idx.msk [tilespmem:v3+s19+$0x0], $0xffff;
	v3 =	vadd.s32 v18, v33  }
0x1de: {  	v44 =	vadd.s32 v19, v38;
	v51 =	vld.idx.msk [tilespmem:v43+s19+$0x0], $0xffff;
	[tilespmem:s0+$0xFFFFF000] =	vst v11  }
0x1df: {  	v52 =	vadd.s32 v19, v34;
	v48 =	vld.idx.msk [tilespmem:v42+s19+$0x0], $0xffff;
	[tilespmem:s0+$0xFFFFF060] =	vst v41  }
0x1e0: {  	v46 =	vadd.s32 v19, v37;
	[tilespmem:s0+$0xFFFFF870] =	vst v16;
	v47 =	vld.idx.msk [tilespmem:v32+s19+$0x0], $0xffff  }
0x1e1: {  	v50 =	vadd.s32 v19, v39;
	v45 =	vld.idx.msk [tilespmem:v23+s19+$0x0], $0xffff;
	[tilespmem:s0+$0xFFFFF810] =	vst v2  }
0x1e2: {  	v49 =	vadd.s32 v20, v40;
	[tilespmem:s0+$0xFFFFF830] =	vst v10;
	v2 =	vld.idx.msk [tilespmem:v3+s19+$0x0], $0xffff  }
0x1e3: {  	v3 =	vadd.s32 v19, v35;
	[tilespmem:s0+$0xFFFFF820] =	vst v0;
	v0 =	vld.idx.msk [tilespmem:v44+s19+$0x0], $0xffff  }
0x1e4: {  	v53 =	vadd.s32 v19, v36;
	v57 =	vld.idx.msk [tilespmem:v52+s19+$0x0], $0xffff  }
0x1e5: {  	v12 =	vld.idx.msk [tilespmem:v46+s19+$0x0], $0xffff;
	[tilespmem:s0+$0xFFFFF800] =	vst v47  }
0x1e6: {  	[tilespmem:s0+$0x70] =	vst v45;
	v56 =	vld.idx.msk [tilespmem:v50+s19+$0x0], $0xffff  }
0x1e7: {  	v54 =	vadd.s32 v19, v33;
	[tilespmem:s0+$0xFFFFF840] =	vst v48;
	v6 =	vld.idx.msk [tilespmem:v49+s19+$0x0], $0xffff  }
0x1e8: {  	v55 =	vadd.s32 v20, v38;
	[tilespmem:s0+$0xFFFFF850] =	vst v51;
	v3 =	vld.idx.msk [tilespmem:v3+s19+$0x0], $0xffff  }
0x1e9: {  	[tilespmem:s0+$0xFFFFF860] =	vst v2;
	v2 =	vld.idx.msk [tilespmem:v53+s19+$0x0], $0xffff  }
0x1ea: {  	v53 =	vld [tilespmem:s18+$0x30]  }
0x1eb: {  	v60 =	vadd.s32 v20, v37;
	[tilespmem:s0+$0x30] =	vst v57;
	v57 =	vld [tilespmem:s18+$0xFFFFFFF0]  }
0x1ec: {  	v59 =	vadd.s32 v20, v39;
	[tilespmem:s0+$0x10] =	vst v0;
	v0 =	vld.idx.msk [tilespmem:v54+s19+$0x0], $0xffff  }
0x1ed: {  	v9 =	vld.idx.msk [tilespmem:v55+s19+$0x0], $0xffff  }
0x1ee: {  	v58 =	vadd.s32 v31, v40;
	v54 =	vld [tilespmem:s18+$0xFFFFFFD0]  }
0x1ef: {  	v61 =	vadd.s32 v20, v34;
	[tilespmem:s0+$0x20] =	vst v12;
	v55 =	vld [tilespmem:s18+$0xFFFFFFE0]  }
0x1f0: {  	v62 =	vadd.s32 v20, v35;
	[tilespmem:s0+$0x0] =	vst v56;
	v21 =	vld.idx.msk [tilespmem:v60+s19+$0x0], $0xffff  }
0x1f1: {  	v63 =	vadd.s32 v20, v36;
	v17 =	vld.idx.msk [tilespmem:v59+s19+$0x0], $0xffff  }
0x1f2: {  	v16 =	vadd.s32 v20, v33;
	[tilespmem:s0+$0x870] =	vst v6;
	v59 =	vld [tilespmem:s18+$0x20]  }
0x1f3: {  	v23 =	vadd.s32 v30, v40;
	v40 =	vadd.s32 v31, v38;
	v8 =	vld.idx.msk [tilespmem:v58+s19+$0x0], $0xffff  }
0x1f4: {  	[tilespmem:s0+$0x40] =	vst v3;
	v3 =	vld.idx.msk [tilespmem:v61+s19+$0x0], $0xffff  }
0x1f5: {  	v32 =	vadd.s32 v31, v39;
	[tilespmem:s0+$0x50] =	vst v2;
	v2 =	vld.idx.msk [tilespmem:v62+s19+$0x0], $0xffff  }
0x1f6: {  	[tilespmem:s0+$0x60] =	vst v0;
	v0 =	vld.idx.msk [tilespmem:v63+s19+$0x0], $0xffff  }
0x1f7: {  	v41 =	vadd.s32 v31, v37;
	[tilespmem:s0+$0x810] =	vst v9;
	v10 =	vld.idx.msk [tilespmem:v16+s19+$0x0], $0xffff  }
0x1f8: {  	v42 =	vadd.s32 v31, v34;
	v47 =	vld.idx.msk [tilespmem:v40+s19+$0x0], $0xffff  }
0x1f9: {  	v43 =	vadd.s32 v31, v35;
	v50 =	vadd.s32 v30, v37;
	v37 =	vmul.u32 $0x390, v57;
	[tilespmem:s0+$0x800] =	vst v17;
	v17 =	vld [tilespmem:s18+$0x10]  }
0x1fa: {  	v44 =	vadd.s32 v31, v36;
	[tilespmem:s0+$0x1070] =	vst v8;
	v45 =	vld.idx.msk [tilespmem:v32+s19+$0x0], $0xffff  }
0x1fb: {  	[tilespmem:s0+$0x820] =	vst v21;
	v62 =	vadd.s32 v1, v37;
	v5 =	vld.idx.msk [tilespmem:v23+s19+$0x0], $0xffff  }
0x1fc: {  	v46 =	vadd.s32 v31, v33;
	v49 =	vadd.s32 v30, v38;
	v38 =	vmul.u32 $0x390, v15;
	[tilespmem:s0+$0x830] =	vst v3;
	v3 =	vld.idx.msk [tilespmem:v41+s19+$0x0], $0xffff  }
0x1fd: {  	[tilespmem:s0+$0x840] =	vst v2;
	v2 =	vld.idx.msk [tilespmem:v42+s19+$0x0], $0xffff  }
0x1fe: {  	v63 =	vadd.s32 v1, v38;
	[tilespmem:s0+$0x850] =	vst v0;
	v0 =	vld.idx.msk [tilespmem:v43+s19+$0x0], $0xffff  }
0x1ff: {  	v48 =	vadd.s32 v30, v39;
	v51 =	vld.idx.msk [tilespmem:v44+s19+$0x0], $0xffff  }
0x200: {  	[tilespmem:s0+$0x860] =	vst v10;
	v9 =	vld.idx.msk [tilespmem:v62+s19+$0x0], $0xffff  }
0x201: {  	v41 =	vmul.u32 $0x390, v55;
	[tilespmem:s0+$0x1010] =	vst v47;
	v52 =	vld.idx.msk [tilespmem:v46+s19+$0x0], $0xffff  }
0x202: {  	v56 =	vadd.s32 v30, v34;
	v4 =	vld.idx.msk [tilespmem:v49+s19+$0x0], $0xffff  }
0x203: {  	v61 =	vadd.s32 v1, v41;
	[tilespmem:s0+$0x1000] =	vst v45;
	v45 =	vld.idx.msk [tilespmem:v63+s19+$0x0], $0xffff  }
0x204: {  	v14 =	vadd.s32 v30, v35;
	v7 =	vld.idx.msk [tilespmem:v48+s19+$0x0], $0xffff;
	[tilespmem:s0+$0x1020] =	vst v3  }
0x205: {  	v16 =	vadd.s32 v30, v36;
	v43 =	vmul.u32 $0x390, v53;
	v3 =	vld.idx.msk [tilespmem:v50+s19+$0x0], $0xffff  }
0x206: {  	v40 =	vmul.u32 $0x390, v54;
	v46 =	vadd.s32 v22, v37;
	[tilespmem:s0+$0x1030] =	vst v2;
	v2 =	vld [tilespmem:s18+$0xFFFFFFC0]  }
0x207: {  	v58 =	vadd.s32 v30, v33;
	v60 =	vadd.s32 v1, v43;
	v33 =	vld.idx.msk [tilespmem:v56+s19+$0x0], $0xffff  }
0x208: {  	v39 =	vmul.u32 $0x390, v17;
	[tilespmem:s0+$0x1040] =	vst v0;
	v0 =	vadd.s32 v1, v40;
	v17 =	vld.idx.msk [tilespmem:v61+s19+$0x0], $0xffff  }
0x209: {  	s1 =	simm.s32 $0x12C80;
	v42 =	vmul.u32 $0x390, v59;
	[tilespmem:s0+$0x1050] =	vst v51;
	v34 =	vld.idx.msk [tilespmem:v14+s19+$0x0], $0xffff  }
0x20a: {  	v15 =	vadd.s32 v1, v39;
	[tilespmem:s1+$0xFFFFE030] =	vst v9;
	v35 =	vld.idx.msk [tilespmem:v16+s19+$0x0], $0xffff  }
0x20b: {  	[tilespmem:s0+$0x1870] =	vst v5;
	v12 =	vld.idx.msk [tilespmem:v46+s19+$0x0], $0xffff;
	v44 =	vmul.u32 $0x390, v2;
	v2 =	vadd.s32 v1, v42  }
0x20c: {  	v16 =	vld.idx.msk [tilespmem:v60+s19+$0x0], $0xffff;
	[tilespmem:s0+$0x1820] =	vst v3;
	v3 =	vadd.s32 v22, v41  }
0x20d: {  	v21 =	vadd.s32 v22, v43;
	[tilespmem:s0+$0x1060] =	vst v52;
	v0 =	vld.idx.msk [tilespmem:v0+s19+$0x0], $0xffff  }
0x20e: {  	v47 =	vadd.s32 v22, v38;
	[tilespmem:s0+$0x1810] =	vst v4;
	v36 =	vld.idx.msk [tilespmem:v58+s19+$0x0], $0xffff  }
0x20f: {  	[tilespmem:s1+$0xFFFFE040] =	vst v45;
	v6 =	vld.idx.msk [tilespmem:v15+s19+$0x0], $0xffff;
	v23 =	vadd.s32 v1, v44  }
0x210: {  	v32 =	vadd.s32 v22, v40;
	[tilespmem:s1+$0xFFFFE020] =	vst v17;
	v2 =	vld.idx.msk [tilespmem:v2+s19+$0x0], $0xffff  }
0x211: {  	v48 =	vadd.s32 v22, v39;
	[tilespmem:s1+$0xFFFFE070] =	vst v16;
	v3 =	vld.idx.msk [tilespmem:v3+s19+$0x0], $0xffff  }
0x212: {  	v51 =	vadd.s32 v22, v42;
	[tilespmem:s1+$0xFFFFE010] =	vst v0;
	v0 =	vld.idx.msk [tilespmem:v21+s19+$0x0], $0xffff  }
0x213: {  	v49 =	vadd.s32 v25, v43;
	[tilespmem:s0+$0x1800] =	vst v7;
	v10 =	vld.idx.msk [tilespmem:v47+s19+$0x0], $0xffff  }
0x214: {  	v53 =	vadd.s32 v25, v38;
	[tilespmem:s1+$0xFFFFE050] =	vst v6;
	v7 =	vld.idx.msk [tilespmem:v23+s19+$0x0], $0xffff  }
0x215: {  	v50 =	vadd.s32 v22, v44;
	v4 =	vld.idx.msk [tilespmem:v32+s19+$0x0], $0xffff;
	[tilespmem:s1+$0xFFFFE060] =	vst v2  }
0x216: {  	v52 =	vadd.s32 v25, v40;
	v8 =	vld.idx.msk [tilespmem:v48+s19+$0x0], $0xffff;
	[tilespmem:s1+$0xFFFFE820] =	vst v3  }
0x217: {  	v2 =	vadd.s32 v25, v41;
	[tilespmem:s1+$0xFFFFE870] =	vst v0;
	v3 =	vld.idx.msk [tilespmem:v51+s19+$0x0], $0xffff  }
0x218: {  	[tilespmem:s1+$0xFFFFE840] =	vst v10;
	v0 =	vadd.s32 v25, v37;
	v5 =	vld.idx.msk [tilespmem:v49+s19+$0x0], $0xffff  }
0x219: {  	v56 =	vadd.s32 v25, v39;
	[tilespmem:s1+$0xFFFFE000] =	vst v7;
	v7 =	vld.idx.msk [tilespmem:v53+s19+$0x0], $0xffff  }
0x21a: {  	v54 =	vadd.s32 v18, v43;
	[tilespmem:s1+$0xFFFFE810] =	vst v4;
	v9 =	vld.idx.msk [tilespmem:v50+s19+$0x0], $0xffff  }
0x21b: {  	v55 =	vadd.s32 v25, v44;
	[tilespmem:s1+$0xFFFFE830] =	vst v12;
	v6 =	vld.idx.msk [tilespmem:v52+s19+$0x0], $0xffff  }
0x21c: {  	v58 =	vadd.s32 v18, v40;
	[tilespmem:s1+$0xFFFFE850] =	vst v8;
	v2 =	vld.idx.msk [tilespmem:v2+s19+$0x0], $0xffff  }
0x21d: {  	v57 =	vadd.s32 v25, v42;
	v0 =	vld.idx.msk [tilespmem:v0+s19+$0x0], $0xffff;
	[tilespmem:s1+$0xFFFFE860] =	vst v3  }
0x21e: {  	v59 =	vadd.s32 v18, v41;
	v3 =	vld.idx.msk [tilespmem:v56+s19+$0x0], $0xffff;
	[tilespmem:s1+$0xFFFFF070] =	vst v5  }
0x21f: {  	v63 =	vadd.s32 v18, v38;
	[tilespmem:s1+$0xFFFFE800] =	vst v9;
	v4 =	vld.idx.msk [tilespmem:v54+s19+$0x0], $0xffff  }
0x220: {  	v60 =	vadd.s32 v18, v37;
	[tilespmem:s1+$0xFFFFF010] =	vst v6;
	v11 =	vld.idx.msk [tilespmem:v55+s19+$0x0], $0xffff  }
0x221: {  	v61 =	vadd.s32 v19, v43;
	[tilespmem:s1+$0xFFFFF040] =	vst v7;
	v8 =	vld.idx.msk [tilespmem:v58+s19+$0x0], $0xffff  }
0x222: {  	v62 =	vadd.s32 v18, v44;
	[tilespmem:s1+$0xFFFFF020] =	vst v2;
	v2 =	vld.idx.msk [tilespmem:v57+s19+$0x0], $0xffff  }
0x223: {  	v17 =	vadd.s32 v19, v40;
	[tilespmem:s1+$0xFFFFF030] =	vst v0;
	v5 =	vld.idx.msk [tilespmem:v59+s19+$0x0], $0xffff  }
0x224: {  	v0 =	vadd.s32 v18, v39;
	[tilespmem:s1+$0xFFFFF050] =	vst v3;
	v3 =	vld.idx.msk [tilespmem:v63+s19+$0x0], $0xffff  }
0x225: {  	v16 =	vadd.s32 v18, v42;
	v9 =	vld.idx.msk [tilespmem:v60+s19+$0x0], $0xffff;
	[tilespmem:s1+$0xFFFFF870] =	vst v4  }
0x226: {  	v21 =	vadd.s32 v19, v41;
	[tilespmem:s1+$0xFFFFF000] =	vst v11;
	v6 =	vld.idx.msk [tilespmem:v61+s19+$0x0], $0xffff  }
0x227: {  	v46 =	vadd.s32 v19, v38;
	[tilespmem:s1+$0xFFFFF810] =	vst v8;
	v12 =	vld.idx.msk [tilespmem:v62+s19+$0x0], $0xffff  }
0x228: {  	v32 =	vadd.s32 v19, v37;
	[tilespmem:s1+$0xFFFFF060] =	vst v2;
	v4 =	vld.idx.msk [tilespmem:v17+s19+$0x0], $0xffff  }
0x229: {  	v2 =	vadd.s32 v20, v43;
	v0 =	vld.idx.msk [tilespmem:v0+s19+$0x0], $0xffff;
	[tilespmem:s1+$0xFFFFF820] =	vst v5  }
0x22a: {  	v23 =	vadd.s32 v19, v44;
	v45 =	vld.idx.msk [tilespmem:v16+s19+$0x0], $0xffff;
	[tilespmem:s1+$0xFFFFF840] =	vst v3  }
0x22b: {  	v49 =	vadd.s32 v20, v40;
	[tilespmem:s1+$0xFFFFF830] =	vst v9;
	v11 =	vld.idx.msk [tilespmem:v21+s19+$0x0], $0xffff  }
0x22c: {  	v47 =	vadd.s32 v19, v39;
	v7 =	vld.idx.msk [tilespmem:v46+s19+$0x0], $0xffff;
	[tilespmem:s1+$0x70] =	vst v6  }
0x22d: {  	v48 =	vadd.s32 v19, v42;
	v3 =	vld.idx.msk [tilespmem:v32+s19+$0x0], $0xffff;
	[tilespmem:s1+$0xFFFFF800] =	vst v12  }
0x22e: {  	v51 =	vadd.s32 v20, v41;
	v2 =	vld.idx.msk [tilespmem:v2+s19+$0x0], $0xffff;
	[tilespmem:s1+$0x10] =	vst v4  }
0x22f: {  	v54 =	vadd.s32 v20, v38;
	v10 =	vld.idx.msk [tilespmem:v23+s19+$0x0], $0xffff;
	[tilespmem:s1+$0xFFFFF850] =	vst v0  }
0x230: {  	v53 =	vadd.s32 v20, v37;
	[tilespmem:s1+$0xFFFFF860] =	vst v45;
	v12 =	vld.idx.msk [tilespmem:v49+s19+$0x0], $0xffff  }
0x231: {  	v0 =	vadd.s32 v31, v43;
	v52 =	vld.idx.msk [tilespmem:v47+s19+$0x0], $0xffff;
	[tilespmem:s1+$0x20] =	vst v11  }
0x232: {  	v50 =	vadd.s32 v20, v44;
	v6 =	vld.idx.msk [tilespmem:v48+s19+$0x0], $0xffff;
	[tilespmem:s1+$0x40] =	vst v7  }
0x233: {  	v58 =	vadd.s32 v31, v40;
	[tilespmem:s1+$0x30] =	vst v3;
	v3 =	vld.idx.msk [tilespmem:v51+s19+$0x0], $0xffff  }
0x234: {  	v55 =	vadd.s32 v20, v42;
	v11 =	vld.idx.msk [tilespmem:v54+s19+$0x0], $0xffff;
	[tilespmem:s1+$0x870] =	vst v2  }
0x235: {  	v9 =	vld.idx.msk [tilespmem:v53+s19+$0x0], $0xffff;
	v2 =	vadd.s32 v20, v39;
	[tilespmem:s1+$0x0] =	vst v10  }
0x236: {  	v59 =	vadd.s32 v31, v41;
	v0 =	vld.idx.msk [tilespmem:v0+s19+$0x0], $0xffff;
	[tilespmem:s1+$0x810] =	vst v12  }
0x237: {  	v60 =	vadd.s32 v31, v37;
	v8 =	vld.idx.msk [tilespmem:v50+s19+$0x0], $0xffff;
	[tilespmem:s1+$0x50] =	vst v52  }
0x238: {  	v57 =	vadd.s32 v31, v44;
	[tilespmem:s1+$0x60] =	vst v6;
	v4 =	vld.idx.msk [tilespmem:v58+s19+$0x0], $0xffff  }
0x239: {  	v56 =	vadd.s32 v30, v43;
	v10 =	vld.idx.msk [tilespmem:v55+s19+$0x0], $0xffff;
	[tilespmem:s1+$0x820] =	vst v3  }
0x23a: {  	v3 =	vadd.s32 v31, v42;
	[tilespmem:s1+$0x830] =	vst v9;
	v2 =	vld.idx.msk [tilespmem:v2+s19+$0x0], $0xffff  }
0x23b: {  	v6 =	vld.idx.msk [tilespmem:v59+s19+$0x0], $0xffff;
	[tilespmem:s1+$0x1070] =	vst v0;
	v0 =	vadd.s32 v31, v38  }
0x23c: {  	v61 =	vadd.s32 v31, v39;
	v12 =	vld.idx.msk [tilespmem:v60+s19+$0x0], $0xffff;
	[tilespmem:s1+$0x800] =	vst v8  }
0x23d: {  	v63 =	vadd.s32 v30, v40;
	[tilespmem:s1+$0x840] =	vst v11;
	v7 =	vld.idx.msk [tilespmem:v57+s19+$0x0], $0xffff  }
0x23e: {  	v62 =	vadd.s32 v30, v44;
	v5 =	vld.idx.msk [tilespmem:v56+s19+$0x0], $0xffff;
	[tilespmem:s1+$0x860] =	vst v10  }
0x23f: {  	v46 =	vld.idx.msk [tilespmem:v3+s19+$0x0], $0xffff;
	[tilespmem:s1+$0x850] =	vst v2;
	v2 =	vadd.s32 v30, v41  }
0x240: {  	[tilespmem:s1+$0x1010] =	vst v4;
	v43 =	vld.idx.msk [tilespmem:v0+s19+$0x0], $0xffff  }
0x241: {  	[tilespmem:s1+$0x1020] =	vst v6;
	v44 =	vld.idx.msk [tilespmem:v61+s19+$0x0], $0xffff  }
0x242: {  	v26 =	vmov v30;
	v27 =	vmov v18;
	v41 =	vadd.s32 v30, v37;
	v37 =	vld.idx.msk [tilespmem:v63+s19+$0x0], $0xffff;
	[tilespmem:s1+$0x1000] =	vst v7  }
0x243: {  	v28 =	vmovc v19;
	v40 =	vadd.s32 v30, v38;
	v32 =	vmov v25;
	v25 =	vmov v22;
	[tilespmem:s1+$0x1030] =	vst v12;
	v45 =	vld.idx.msk [tilespmem:v62+s19+$0x0], $0xffff  }
0x244: {  	s4 =	simm.s32 $0x942;
	s6 =	simm.s32 $0x8;
	v39 =	vadd.s32 v30, v39;
	v38 =	vadd.s32 v30, v42;
	v30 =	vmov v20;
	[tilespmem:s1+$0x1870] =	vst v5;
	v42 =	vld.idx.msk [tilespmem:v2+s19+$0x0], $0xffff  }
.LBB2_11:
0x245: {  	v0 =	vld [tilespmem:s4+$0x30];
	s6 =	sadd.s32 $0x8, s6;
	[tilespmem:s1+$0x1040] =	vst v43  }
0x246: {  	v2 =	vld [tilespmem:s4+$0xFFFFFFD0];
	p0 =	slt.u32 s6, $0x78;
	[tilespmem:s1+$0x1050] =	vst v44  }
0x247: {  	v3 =	vld [tilespmem:s4+$0xFFFFFFE0];
	[tilespmem:s1+$0x1060] =	vst v46  }
0x248: {  	v4 =	vld [tilespmem:s4+$0xFFFFFFF0];
	[tilespmem:s1+$0x1800] =	vst v45  }
0x249: {  	v5 =	vld [tilespmem:s4+$0x0];
	[tilespmem:s1+$0x1810] =	vst v37  }
0x24a: {  	v6 =	vld [tilespmem:s4+$0x10];
	v37 =	vmul.u32 $0x390, v0;
	[tilespmem:s1+$0x1820] =	vst v42  }
0x24b: {  	v42 =	vmul.u32 $0x390, v2;
	v0 =	vld [tilespmem:s4+$0x20];
	[tilespmem:s0+$0x1830] =	vst v33  }
0x24c: {  	v2 =	vld [tilespmem:s4+$0xFFFFFFC0];
	v43 =	vmul.u32 $0x390, v3;
	v3 =	vadd.s32 v1, v37;
	[tilespmem:s0+$0x1840] =	vst v34  }
0x24d: {  	v7 =	vadd.s32 v1, v42;
	v8 =	vadd.s32 v25, v42;
	v4 =	vmul.u32 $0x390, v4;
	v33 =	vld.idx.msk [tilespmem:v41+s19+$0x0], $0xffff;
	[tilespmem:s0+$0x1850] =	vst v35  }
0x24e: {  	v9 =	vadd.s32 v1, v43;
	v10 =	vadd.s32 v25, v43;
	v5 =	vmul.u32 $0x390, v5;
	v34 =	vld.idx.msk [tilespmem:v40+s19+$0x0], $0xffff;
	[tilespmem:s0+$0x1860] =	vst v36;
	s0 =	smov.u32 s1  }
0x24f: {  	v11 =	vadd.s32 v1, v4;
	v12 =	vadd.s32 v25, v4;
	v6 =	vmul.u32 $0x390, v6;
	v35 =	vld.idx.msk [tilespmem:v39+s19+$0x0], $0xffff  }
0x250: {  	v13 =	vadd.s32 v1, v5;
	v14 =	vadd.s32 v25, v5;
	v0 =	vmul.u32 $0x390, v0;
	v36 =	vld.idx.msk [tilespmem:v38+s19+$0x0], $0xffff  }
0x251: {  	v2 =	vmul.u32 $0x390, v2;
	v15 =	vadd.s32 v1, v6;
	v16 =	vadd.s32 v25, v6;
	v3 =	vld.idx.msk [tilespmem:v3+s19+$0x0], $0xffff  }
0x252: {  	v17 =	vadd.s32 v32, v42;
	v7 =	vld.idx.msk [tilespmem:v7+s19+$0x0], $0xffff;
	v18 =	vadd.s32 v1, v0;
	v19 =	vadd.s32 v25, v0  }
0x253: {  	v22 =	vadd.s32 v25, v37;
	v20 =	vadd.s32 v1, v2;
	v21 =	vadd.s32 v25, v2;
	v9 =	vld.idx.msk [tilespmem:v9+s19+$0x0], $0xffff  }
0x254: {  	v39 =	vadd.s32 v32, v4;
	v38 =	vadd.s32 v32, v43;
	v23 =	vadd.s32 v32, v2;
	v11 =	vld.idx.msk [tilespmem:v11+s19+$0x0], $0xffff  }
0x255: {  	v40 =	vadd.s32 v32, v5;
	v44 =	vadd.s32 v32, v6;
	v45 =	vadd.s32 v32, v0;
	v13 =	vld.idx.msk [tilespmem:v13+s19+$0x0], $0xffff  }
0x256: {  	v47 =	vadd.s32 v27, v42;
	v48 =	vadd.s32 v27, v43;
	s1 =	sadd.s32 $0x80, s1;
	v46 =	vadd.s32 v27, v2;
	v15 =	vld.idx.msk [tilespmem:v15+s19+$0x0], $0xffff  }
0x257: {  	v49 =	vadd.s32 v27, v4;
	v50 =	vadd.s32 v27, v5;
	v18 =	vld.idx.msk [tilespmem:v18+s19+$0x0], $0xffff;
	[tilespmem:s1+$0xFFFFE070] =	vst v3  }
0x258: {  	v3 =	vadd.s32 v27, v6;
	[tilespmem:s1+$0xFFFFE010] =	vst v7;
	v7 =	vadd.s32 v27, v0;
	v22 =	vld.idx.msk [tilespmem:v22+s19+$0x0], $0xffff  }
0x259: {  	v52 =	vadd.s32 v28, v42;
	v51 =	vadd.s32 v28, v2;
	v20 =	vld.idx.msk [tilespmem:v20+s19+$0x0], $0xffff;
	[tilespmem:s1+$0xFFFFE020] =	vst v9  }
0x25a: {  	v9 =	vadd.s32 v28, v43;
	v8 =	vld.idx.msk [tilespmem:v8+s19+$0x0], $0xffff;
	[tilespmem:s1+$0xFFFFE030] =	vst v11;
	v11 =	vadd.s32 v32, v37  }
0x25b: {  	v53 =	vadd.s32 v28, v4;
	v10 =	vld.idx.msk [tilespmem:v10+s19+$0x0], $0xffff;
	[tilespmem:s1+$0xFFFFE040] =	vst v13;
	v13 =	vadd.s32 v28, v5  }
0x25c: {  	v54 =	vadd.s32 v28, v0;
	v12 =	vld.idx.msk [tilespmem:v12+s19+$0x0], $0xffff;
	[tilespmem:s1+$0xFFFFE050] =	vst v15;
	v15 =	vadd.s32 v28, v6  }
0x25d: {  	v56 =	vadd.s32 v30, v42;
	v55 =	vadd.s32 v30, v2;
	v14 =	vld.idx.msk [tilespmem:v14+s19+$0x0], $0xffff;
	[tilespmem:s1+$0xFFFFE060] =	vst v18  }
0x25e: {  	v57 =	vadd.s32 v30, v4;
	v18 =	vadd.s32 v30, v43;
	v16 =	vld.idx.msk [tilespmem:v16+s19+$0x0], $0xffff;
	[tilespmem:s1+$0xFFFFE870] =	vst v22  }
0x25f: {  	v22 =	vadd.s32 v30, v6;
	[tilespmem:s1+$0xFFFFE000] =	vst v20;
	v20 =	vadd.s32 v30, v5;
	v11 =	vld.idx.msk [tilespmem:v11+s19+$0x0], $0xffff  }
0x260: {  	v58 =	vadd.s32 v31, v2;
	v21 =	vld.idx.msk [tilespmem:v21+s19+$0x0], $0xffff;
	[tilespmem:s1+$0xFFFFE810] =	vst v8;
	v8 =	vadd.s32 v30, v0  }
0x261: {  	v59 =	vadd.s32 v31, v42;
	[tilespmem:s1+$0xFFFFE820] =	vst v10;
	v10 =	vld.idx.msk [tilespmem:v19+s19+$0x0], $0xffff;
	v19 =	vadd.s32 v27, v37  }
0x262: {  	v60 =	vadd.s32 v31, v43;
	v17 =	vld.idx.msk [tilespmem:v17+s19+$0x0], $0xffff;
	[tilespmem:s1+$0xFFFFE830] =	vst v12;
	v12 =	vadd.s32 v31, v4  }
0x263: {  	v62 =	vadd.s32 v31, v6;
	v61 =	vld.idx.msk [tilespmem:v38+s19+$0x0], $0xffff;
	[tilespmem:s1+$0xFFFFE840] =	vst v14;
	v14 =	vadd.s32 v31, v5  }
0x264: {  	v2 =	vadd.s32 v26, v2;
	v63 =	vld.idx.msk [tilespmem:v39+s19+$0x0], $0xffff;
	[tilespmem:s1+$0xFFFFE850] =	vst v16;
	v16 =	vadd.s32 v31, v0  }
0x265: {  	v42 =	vadd.s32 v26, v42;
	v24 =	vadd.s32 v26, v43;
	v43 =	vld.idx.msk [tilespmem:v40+s19+$0x0], $0xffff;
	[tilespmem:s1+$0xFFFFF070] =	vst v11  }
0x266: {  	v41 =	vadd.s32 v26, v4;
	v40 =	vadd.s32 v26, v5;
	[tilespmem:s1+$0xFFFFE800] =	vst v21;
	v4 =	vld.idx.msk [tilespmem:v19+s19+$0x0], $0xffff  }
0x267: {  	v38 =	vadd.s32 v26, v0;
	v39 =	vadd.s32 v26, v6;
	v5 =	vld.idx.msk [tilespmem:v23+s19+$0x0], $0xffff;
	[tilespmem:s1+$0xFFFFE860] =	vst v10  }
0x268: {  	v6 =	vadd.s32 v28, v37;
	[tilespmem:s1+$0xFFFFF010] =	vst v17;
	v0 =	vld.idx.msk [tilespmem:v44+s19+$0x0], $0xffff  }
0x269: {  	[tilespmem:s1+$0xFFFFF020] =	vst v61;
	v10 =	vld.idx.msk [tilespmem:v45+s19+$0x0], $0xffff  }
0x26a: {  	v11 =	vld.idx.msk [tilespmem:v47+s19+$0x0], $0xffff;
	[tilespmem:s1+$0xFFFFF030] =	vst v63  }
0x26b: {  	v17 =	vld.idx.msk [tilespmem:v48+s19+$0x0], $0xffff;
	[tilespmem:s1+$0xFFFFF040] =	vst v43  }
0x26c: {  	v19 =	vld.idx.msk [tilespmem:v49+s19+$0x0], $0xffff;
	[tilespmem:s1+$0xFFFFF870] =	vst v4  }
0x26d: {  	[tilespmem:s1+$0xFFFFF000] =	vst v5;
	v4 =	vld.idx.msk [tilespmem:v6+s19+$0x0], $0xffff  }
0x26e: {  	v5 =	vld.idx.msk [tilespmem:v46+s19+$0x0], $0xffff;
	[tilespmem:s1+$0xFFFFF050] =	vst v0  }
0x26f: {  	v6 =	vadd.s32 v30, v37;
	v0 =	vld.idx.msk [tilespmem:v50+s19+$0x0], $0xffff;
	[tilespmem:s1+$0xFFFFF060] =	vst v10  }
0x270: {  	[tilespmem:s1+$0xFFFFF810] =	vst v11;
	v3 =	vld.idx.msk [tilespmem:v3+s19+$0x0], $0xffff  }
0x271: {  	[tilespmem:s1+$0xFFFFF820] =	vst v17;
	v7 =	vld.idx.msk [tilespmem:v7+s19+$0x0], $0xffff  }
0x272: {  	v10 =	vld.idx.msk [tilespmem:v52+s19+$0x0], $0xffff;
	[tilespmem:s1+$0xFFFFF830] =	vst v19  }
0x273: {  	v9 =	vld.idx.msk [tilespmem:v9+s19+$0x0], $0xffff;
	[tilespmem:s1+$0x70] =	vst v4  }
0x274: {  	[tilespmem:s1+$0xFFFFF800] =	vst v5;
	v4 =	vld.idx.msk [tilespmem:v6+s19+$0x0], $0xffff  }
0x275: {  	v5 =	vld.idx.msk [tilespmem:v51+s19+$0x0], $0xffff;
	[tilespmem:s1+$0xFFFFF840] =	vst v0  }
0x276: {  	v0 =	vld.idx.msk [tilespmem:v53+s19+$0x0], $0xffff;
	[tilespmem:s1+$0xFFFFF850] =	vst v3;
	v3 =	vadd.s32 v31, v37  }
0x277: {  	v6 =	vld.idx.msk [tilespmem:v13+s19+$0x0], $0xffff;
	[tilespmem:s1+$0xFFFFF860] =	vst v7  }
0x278: {  	[tilespmem:s1+$0x10] =	vst v10;
	v7 =	vld.idx.msk [tilespmem:v15+s19+$0x0], $0xffff  }
0x279: {  	[tilespmem:s1+$0x20] =	vst v9;
	v9 =	vld.idx.msk [tilespmem:v54+s19+$0x0], $0xffff  }
0x27a: {  	v10 =	vld.idx.msk [tilespmem:v56+s19+$0x0], $0xffff;
	[tilespmem:s1+$0x870] =	vst v4  }
0x27b: {  	[tilespmem:s1+$0x0] =	vst v5;
	v3 =	vld.idx.msk [tilespmem:v3+s19+$0x0], $0xffff  }
0x27c: {  	v4 =	vld.idx.msk [tilespmem:v55+s19+$0x0], $0xffff;
	[tilespmem:s1+$0x30] =	vst v0  }
0x27d: {  	v5 =	vadd.s32 v26, v37;
	v0 =	vld.idx.msk [tilespmem:v18+s19+$0x0], $0xffff;
	[tilespmem:s1+$0x40] =	vst v6  }
0x27e: {  	v6 =	vld.idx.msk [tilespmem:v57+s19+$0x0], $0xffff;
	[tilespmem:s1+$0x50] =	vst v7  }
0x27f: {  	v7 =	vld.idx.msk [tilespmem:v20+s19+$0x0], $0xffff;
	[tilespmem:s1+$0x60] =	vst v9  }
0x280: {  	[tilespmem:s1+$0x810] =	vst v10;
	v9 =	vld.idx.msk [tilespmem:v22+s19+$0x0], $0xffff  }
0x281: {  	v8 =	vld.idx.msk [tilespmem:v8+s19+$0x0], $0xffff;
	[tilespmem:s1+$0x1070] =	vst v3  }
0x282: {  	[tilespmem:s1+$0x800] =	vst v4;
	v3 =	vld.idx.msk [tilespmem:v5+s19+$0x0], $0xffff  }
0x283: {  	v4 =	vld.idx.msk [tilespmem:v58+s19+$0x0], $0xffff;
	[tilespmem:s1+$0x820] =	vst v0  }
0x284: {  	v0 =	vld.idx.msk [tilespmem:v59+s19+$0x0], $0xffff;
	[tilespmem:s1+$0x830] =	vst v6  }
0x285: {  	v5 =	vld.idx.msk [tilespmem:v60+s19+$0x0], $0xffff;
	[tilespmem:s1+$0x840] =	vst v7  }
0x286: {  	v6 =	vld.idx.msk [tilespmem:v12+s19+$0x0], $0xffff;
	[tilespmem:s1+$0x850] =	vst v9  }
0x287: {  	v43 =	vld.idx.msk [tilespmem:v14+s19+$0x0], $0xffff;
	[tilespmem:s1+$0x860] =	vst v8  }
.Ltmp6:
0x288: {  	v44 =	vld.idx.msk [tilespmem:v62+s19+$0x0], $0xffff;
	[tilespmem:s1+$0x1870] =	vst v3;
	(pc) =	sbr.rel @p0 .LBB2_11-.Ltmp6, $4  }
0x289: {  	[tilespmem:s1+$0x1000] =	vst v4;
	v46 =	vld.idx.msk [tilespmem:v16+s19+$0x0], $0xffff  }
0x28a: {  	v45 =	vld.idx.msk [tilespmem:v2+s19+$0x0], $0xffff;
	[tilespmem:s1+$0x1010] =	vst v0  }
0x28b: {  	v37 =	vld.idx.msk [tilespmem:v42+s19+$0x0], $0xffff;
	[tilespmem:s1+$0x1020] =	vst v5  }
0x28c: {  	s4 =	sadd.s32 $0x81, s4;
	v42 =	vld.idx.msk [tilespmem:v24+s19+$0x0], $0xffff;
	[tilespmem:s1+$0x1030] =	vst v6  }
0x28d: {  	[tilespmem:s1+$0x1040] =	vst v43  }
0x28e: {  	[tilespmem:s1+$0x1050] =	vst v44  }
0x28f: {  	[tilespmem:s0+$0x1830] =	vst v33  }
0x290: {  	[tilespmem:s0+$0x1840] =	vst v34  }
0x291: {  	[tilespmem:s0+$0x1850] =	vst v35  }
0x292: {  	v0 =	vld.idx.msk [tilespmem:v41+s19+$0x0], $0xffff;
	[tilespmem:s0+$0x1860] =	vst v36  }
0x293: {  	[tilespmem:s1+$0x1060] =	vst v46;
	v2 =	vld.idx.msk [tilespmem:v40+s19+$0x0], $0xffff  }
0x294: {  	v3 =	vld.idx.msk [tilespmem:v39+s19+$0x0], $0xffff;
	[tilespmem:s1+$0x1800] =	vst v45  }
0x295: {  	v4 =	vld.idx.msk [tilespmem:v38+s19+$0x0], $0xffff;
	[tilespmem:s1+$0x1810] =	vst v37  }
0x296: {  	[tilespmem:s1+$0x1820] =	vst v42  }
0x297: {  	[tilespmem:s1+$0x1830] =	vst v0  }
0x298: {  	[tilespmem:s1+$0x1840] =	vst v2  }
0x299: {  	[tilespmem:s1+$0x1850] =	vst v3  }
0x29a: {  	s7 =	sadd.s32 s2, s11;
	[tilespmem:s1+$0x1860] =	vst v4  }
0x29b: {  	[hbm4b:s7+s22] =	stream.strided.scatter [tilespmem:s29], [sflag:$0x2], $0x4000, s26, s22, $0x38;
	[tilespmem:$0x14C00] =	vst v63  }
0x29c: {  	_ =	swait.ge [sflag:s30], $0x4000  }
0x29d: {  	[sflag:s30] =	ssyncset.done $0x0  }
0x29e: {  	s18 =	simm.s32 $0x840;
	v25 =	vld [tilespmem:$0x1FE10];
	[sflag:s30] =	ssyncadd.s32 $0xFFFFC000  }
0x29f: {  	v0 =	vld [tilespmem:s18+$0x30]  }
0x2a0: {  	v2 =	vld [tilespmem:s18+$0xFFFFFFD0]  }
0x2a1: {  	v3 =	vld [tilespmem:s18+$0xFFFFFFE0]  }
0x2a2: {  	v50 =	vld [tilespmem:s18+$0xFFFFFFF0]  }
0x2a3: {  	v5 =	vld [tilespmem:s18+$0x0]  }
0x2a4: {  	v6 =	vld [tilespmem:s18+$0x10];
	v40 =	vmul.u32 $0x390, v0  }
0x2a5: {  	v38 =	vmul.u32 $0x390, v2;
	v0 =	vld [tilespmem:s18+$0x20]  }
0x2a6: {  	v37 =	vmul.u32 $0x390, v3;
	v3 =	vld [tilespmem:s18+$0xFFFFFFC0];
	v2 =	vadd.s32 v25, v40  }
0x2a7: {  	v34 =	vmul.u32 $0x390, v50;
	v7 =	vadd.s32 v25, v38  }
0x2a8: {  	v35 =	vmul.u32 $0x390, v5;
	v51 =	vadd.s32 v25, v37  }
0x2a9: {  	s23 =	simm.s32 $0x8C1;
	v27 =	vld [tilespmem:$0x1FE20];
	v36 =	vmul.u32 $0x390, v6;
	v52 =	vadd.s32 v25, v34  }
0x2aa: {  	v15 =	vld [tilespmem:s23+$0x0];
	v53 =	vadd.s32 v25, v35;
	v33 =	vmul.u32 $0x390, v0  }
0x2ab: {  	v0 =	vadd.s32 v25, v36;
	v39 =	vmul.u32 $0x390, v3;
	v2 =	vld.idx.msk [tilespmem:v2+s19+$0x0], $0xffff  }
0x2ac: {  	v3 =	vld.idx.msk [tilespmem:v7+s19+$0x0], $0xffff;
	v54 =	vadd.s32 v25, v33  }
0x2ad: {  	v4 =	vld.idx.msk [tilespmem:v51+s19+$0x0], $0xffff;
	v9 =	vadd.s32 v25, v39  }
0x2ae: {  	v5 =	vld.idx.msk [tilespmem:v52+s19+$0x0], $0xffff  }
0x2af: {  	s0 =	simm.s32 $0xEC00;
	v8 =	vadd.s32 v27, v40;
	v6 =	vld.idx.msk [tilespmem:v53+s19+$0x0], $0xffff  }
0x2b0: {  	v10 =	vadd.s32 v27, v38;
	v0 =	vld.idx.msk [tilespmem:v0+s19+$0x0], $0xffff;
	[tilespmem:s0+$0xFFFFE070] =	vst v2  }
0x2b1: {  	v11 =	vadd.s32 v27, v37;
	v7 =	vld.idx.msk [tilespmem:v54+s19+$0x0], $0xffff;
	[tilespmem:s0+$0xFFFFE010] =	vst v3  }
0x2b2: {  	v12 =	vadd.s32 v27, v34;
	v3 =	vld.idx.msk [tilespmem:v9+s19+$0x0], $0xffff;
	[tilespmem:s0+$0xFFFFE020] =	vst v4  }
0x2b3: {  	v13 =	vadd.s32 v27, v36;
	v28 =	vld [tilespmem:$0x1FE30]  }
0x2b4: {  	v2 =	vadd.s32 v27, v35;
	v8 =	vld.idx.msk [tilespmem:v8+s19+$0x0], $0xffff  }
0x2b5: {  	v57 =	vadd.s32 v27, v39;
	v55 =	vld.idx.msk [tilespmem:v10+s19+$0x0], $0xffff;
	[tilespmem:s0+$0xFFFFE030] =	vst v5  }
0x2b6: {  	v59 =	vadd.s32 v27, v33;
	v58 =	vld.idx.msk [tilespmem:v11+s19+$0x0], $0xffff;
	[tilespmem:s0+$0xFFFFE040] =	vst v6  }
0x2b7: {  	v60 =	vld.idx.msk [tilespmem:v12+s19+$0x0], $0xffff;
	[tilespmem:s0+$0xFFFFE050] =	vst v0  }
0x2b8: {  	v13 =	vld.idx.msk [tilespmem:v13+s19+$0x0], $0xffff;
	[tilespmem:s0+$0xFFFFE000] =	vst v3;
	v56 =	vadd.s32 v28, v40  }
0x2b9: {  	v0 =	vld.idx.msk [tilespmem:v2+s19+$0x0], $0xffff;
	[tilespmem:s0+$0xFFFFE060] =	vst v7;
	v61 =	vadd.s32 v28, v38  }
0x2ba: {  	v2 =	vadd.s32 v28, v37;
	[tilespmem:s0+$0xFFFFE870] =	vst v8;
	v16 =	vld.idx.msk [tilespmem:v57+s19+$0x0], $0xffff  }
0x2bb: {  	v62 =	vadd.s32 v28, v34;
	[tilespmem:s0+$0xFFFFE810] =	vst v55;
	v17 =	vld.idx.msk [tilespmem:v59+s19+$0x0], $0xffff  }
0x2bc: {  	v63 =	vadd.s32 v28, v35;
	v31 =	vld [tilespmem:$0x1FE40]  }
0x2bd: {  	v21 =	vadd.s32 v28, v36;
	v3 =	vld.idx.msk [tilespmem:v56+s19+$0x0], $0xffff  }
0x2be: {  	v19 =	vadd.s32 v28, v39;
	[tilespmem:s0+$0xFFFFE820] =	vst v58;
	v20 =	vld.idx.msk [tilespmem:v61+s19+$0x0], $0xffff  }
0x2bf: {  	v22 =	vadd.s32 v28, v33;
	[tilespmem:s0+$0xFFFFE830] =	vst v60;
	v2 =	vld.idx.msk [tilespmem:v2+s19+$0x0], $0xffff  }
0x2c0: {  	[tilespmem:s0+$0xFFFFE840] =	vst v0;
	v0 =	vld.idx.msk [tilespmem:v62+s19+$0x0], $0xffff  }
0x2c1: {  	[tilespmem:s0+$0xFFFFE850] =	vst v13;
	v9 =	vld.idx.msk [tilespmem:v63+s19+$0x0], $0xffff;
	v18 =	vadd.s32 v31, v40  }
0x2c2: {  	[tilespmem:s0+$0xFFFFE800] =	vst v16;
	v43 =	vld.idx.msk [tilespmem:v21+s19+$0x0], $0xffff;
	v23 =	vadd.s32 v31, v38  }
0x2c3: {  	[tilespmem:s0+$0xFFFFE860] =	vst v17;
	v42 =	vadd.s32 v31, v34;
	v11 =	vld.idx.msk [tilespmem:v19+s19+$0x0], $0xffff  }
0x2c4: {  	v46 =	vld.idx.msk [tilespmem:v22+s19+$0x0], $0xffff;
	[tilespmem:s0+$0xFFFFF070] =	vst v3;
	v3 =	vadd.s32 v31, v37  }
0x2c5: {  	v45 =	vadd.s32 v31, v39;
	v32 =	vld [tilespmem:$0x1FE50];
	[tilespmem:s0+$0xFFFFF010] =	vst v20  }
0x2c6: {  	v47 =	vadd.s32 v31, v35;
	v41 =	vld.idx.msk [tilespmem:v18+s19+$0x0], $0xffff;
	[tilespmem:s0+$0xFFFFF020] =	vst v2  }
0x2c7: {  	[tilespmem:s0+$0xFFFFF030] =	vst v0;
	v2 =	vld.idx.msk [tilespmem:v23+s19+$0x0], $0xffff  }
0x2c8: {  	v48 =	vadd.s32 v31, v36;
	[tilespmem:s0+$0xFFFFF000] =	vst v11;
	v10 =	vld.idx.msk [tilespmem:v42+s19+$0x0], $0xffff  }
0x2c9: {  	[tilespmem:s0+$0xFFFFF040] =	vst v9;
	v0 =	vld.idx.msk [tilespmem:v3+s19+$0x0], $0xffff;
	v3 =	vadd.s32 v31, v33  }
0x2ca: {  	[tilespmem:s0+$0xFFFFF050] =	vst v43;
	v52 =	vld.idx.msk [tilespmem:v45+s19+$0x0], $0xffff;
	v44 =	vadd.s32 v32, v40  }
0x2cb: {  	v53 =	vld.idx.msk [tilespmem:v47+s19+$0x0], $0xffff;
	[tilespmem:s0+$0xFFFFF870] =	vst v41;
	v49 =	vadd.s32 v32, v38  }
0x2cc: {  	v51 =	vadd.s32 v32, v37;
	v26 =	vld [tilespmem:$0x1FE60]  }
0x2cd: {  	v56 =	vld.idx.msk [tilespmem:v48+s19+$0x0], $0xffff;
	v55 =	vadd.s32 v32, v39;
	[tilespmem:s0+$0xFFFFF060] =	vst v46  }
0x2ce: {  	v57 =	vadd.s32 v32, v34;
	[tilespmem:s0+$0xFFFFF810] =	vst v2;
	v2 =	vld.idx.msk [tilespmem:v3+s19+$0x0], $0xffff  }
0x2cf: {  	v50 =	vld.idx.msk [tilespmem:v44+s19+$0x0], $0xffff  }
0x2d0: {  	v3 =	vadd.s32 v32, v35;
	[tilespmem:s0+$0xFFFFF820] =	vst v0;
	v0 =	vld.idx.msk [tilespmem:v49+s19+$0x0], $0xffff  }
0x2d1: {  	[tilespmem:s0+$0xFFFFF800] =	vst v52;
	v12 =	vld.idx.msk [tilespmem:v51+s19+$0x0], $0xffff;
	v54 =	vadd.s32 v26, v40  }
0x2d2: {  	[tilespmem:s0+$0xFFFFF830] =	vst v10;
	v61 =	vld.idx.msk [tilespmem:v55+s19+$0x0], $0xffff  }
0x2d3: {  	v62 =	vld.idx.msk [tilespmem:v57+s19+$0x0], $0xffff  }
0x2d4: {  	[tilespmem:s0+$0xFFFFF840] =	vst v53;
	v57 =	vld [tilespmem:s23+$0xFFFFFFD0]  }
0x2d5: {  	v58 =	vadd.s32 v32, v36;
	v3 =	vld.idx.msk [tilespmem:v3+s19+$0x0], $0xffff;
	[tilespmem:s0+$0x70] =	vst v50  }
0x2d6: {  	v59 =	vadd.s32 v32, v33;
	v6 =	vld.idx.msk [tilespmem:v54+s19+$0x0], $0xffff  }
0x2d7: {  	v60 =	vadd.s32 v26, v38;
	v29 =	vld [tilespmem:$0x1FE70]  }
0x2d8: {  	v16 =	vadd.s32 v26, v39;
	[tilespmem:s0+$0xFFFFF850] =	vst v56;
	v56 =	vld [tilespmem:s23+$0x30]  }
0x2d9: {  	v17 =	vadd.s32 v26, v37;
	[tilespmem:s0+$0x30] =	vst v62;
	v62 =	vld [tilespmem:s23+$0x20]  }
0x2da: {  	[tilespmem:s0+$0xFFFFF860] =	vst v2;
	v2 =	vld.idx.msk [tilespmem:v58+s19+$0x0], $0xffff  }
0x2db: {  	[tilespmem:s0+$0x10] =	vst v0;
	v0 =	vld.idx.msk [tilespmem:v59+s19+$0x0], $0xffff  }
0x2dc: {  	[tilespmem:s0+$0x0] =	vst v61;
	v9 =	vld.idx.msk [tilespmem:v60+s19+$0x0], $0xffff  }
0x2dd: {  	[tilespmem:s0+$0x20] =	vst v12;
	v22 =	vld.idx.msk [tilespmem:v16+s19+$0x0], $0xffff  }
0x2de: {  	v18 =	vadd.s32 v26, v34;
	v23 =	vld.idx.msk [tilespmem:v17+s19+$0x0], $0xffff  }
0x2df: {  	v19 =	vadd.s32 v26, v35;
	v58 =	vld [tilespmem:s23+$0xFFFFFFE0]  }
0x2e0: {  	v20 =	vadd.s32 v26, v36;
	v60 =	vld [tilespmem:s23+$0xFFFFFFF0]  }
0x2e1: {  	v21 =	vadd.s32 v26, v33;
	v17 =	vld [tilespmem:s23+$0x10];
	[tilespmem:s0+$0x870] =	vst v6  }
0x2e2: {  	v63 =	vadd.s32 v29, v40;
	v1 =	vld [tilespmem:$0x1FE80]  }
0x2e3: {  	v42 =	vadd.s32 v29, v39;
	[tilespmem:s0+$0x40] =	vst v3;
	v3 =	vld.idx.msk [tilespmem:v18+s19+$0x0], $0xffff  }
0x2e4: {  	v43 =	vadd.s32 v29, v38;
	[tilespmem:s0+$0x50] =	vst v2;
	v2 =	vld.idx.msk [tilespmem:v19+s19+$0x0], $0xffff  }
0x2e5: {  	v44 =	vadd.s32 v29, v37;
	[tilespmem:s0+$0x60] =	vst v0;
	v0 =	vld.idx.msk [tilespmem:v20+s19+$0x0], $0xffff  }
0x2e6: {  	v45 =	vadd.s32 v29, v34;
	v10 =	vld.idx.msk [tilespmem:v21+s19+$0x0], $0xffff  }
0x2e7: {  	v46 =	vadd.s32 v29, v35;
	[tilespmem:s0+$0x800] =	vst v22;
	v8 =	vld.idx.msk [tilespmem:v63+s19+$0x0], $0xffff  }
0x2e8: {  	v47 =	vadd.s32 v29, v36;
	[tilespmem:s0+$0x810] =	vst v9;
	v48 =	vld.idx.msk [tilespmem:v42+s19+$0x0], $0xffff  }
0x2e9: {  	v49 =	vadd.s32 v29, v33;
	[tilespmem:s0+$0x820] =	vst v23;
	v50 =	vld.idx.msk [tilespmem:v43+s19+$0x0], $0xffff  }
0x2ea: {  	v41 =	vadd.s32 v1, v40;
	[tilespmem:s0+$0x830] =	vst v3;
	v3 =	vld.idx.msk [tilespmem:v44+s19+$0x0], $0xffff  }
0x2eb: {  	v51 =	vadd.s32 v1, v39;
	[tilespmem:s0+$0x840] =	vst v2;
	v2 =	vld.idx.msk [tilespmem:v45+s19+$0x0], $0xffff  }
0x2ec: {  	v52 =	vadd.s32 v1, v38;
	[tilespmem:s0+$0x850] =	vst v0;
	v0 =	vld.idx.msk [tilespmem:v46+s19+$0x0], $0xffff  }
0x2ed: {  	v43 =	vmul.u32 $0x390, v56;
	v53 =	vadd.s32 v1, v37;
	[tilespmem:s0+$0x860] =	vst v10;
	v54 =	vld.idx.msk [tilespmem:v47+s19+$0x0], $0xffff  }
0x2ee: {  	v55 =	vld.idx.msk [tilespmem:v49+s19+$0x0], $0xffff;
	[tilespmem:s0+$0x1070] =	vst v8  }
0x2ef: {  	v37 =	vmul.u32 $0x390, v60;
	v63 =	vadd.s32 v25, v43;
	[tilespmem:s0+$0x1000] =	vst v48;
	v5 =	vld.idx.msk [tilespmem:v41+s19+$0x0], $0xffff  }
0x2f0: {  	v59 =	vadd.s32 v1, v34;
	v38 =	vmul.u32 $0x390, v15;
	[tilespmem:s0+$0x1010] =	vst v50;
	v7 =	vld.idx.msk [tilespmem:v51+s19+$0x0], $0xffff  }
0x2f1: {  	v39 =	vmul.u32 $0x390, v17;
	v19 =	vadd.s32 v25, v37;
	v4 =	vld.idx.msk [tilespmem:v52+s19+$0x0], $0xffff;
	[tilespmem:s0+$0x1020] =	vst v3  }
0x2f2: {  	v20 =	vadd.s32 v25, v38;
	v3 =	vld.idx.msk [tilespmem:v53+s19+$0x0], $0xffff  }
0x2f3: {  	v21 =	vadd.s32 v25, v39;
	[tilespmem:s0+$0x1030] =	vst v2;
	v2 =	vld [tilespmem:s23+$0xFFFFFFC0]  }
0x2f4: {  	v14 =	vadd.s32 v1, v35;
	v40 =	vmul.u32 $0x390, v57;
	v22 =	vld.idx.msk [tilespmem:v63+s19+$0x0], $0xffff  }
0x2f5: {  	v16 =	vadd.s32 v1, v36;
	v61 =	vadd.s32 v1, v33;
	v41 =	vmul.u32 $0x390, v58;
	v33 =	vld.idx.msk [tilespmem:v59+s19+$0x0], $0xffff  }
0x2f6: {  	[tilespmem:s0+$0x1040] =	vst v0;
	v0 =	vadd.s32 v25, v40;
	v9 =	vld.idx.msk [tilespmem:v19+s19+$0x0], $0xffff  }
0x2f7: {  	v18 =	vadd.s32 v25, v41;
	v48 =	vld.idx.msk [tilespmem:v20+s19+$0x0], $0xffff  }
0x2f8: {  	[tilespmem:s0+$0x1050] =	vst v54;
	v6 =	vld.idx.msk [tilespmem:v21+s19+$0x0], $0xffff  }
0x2f9: {  	v49 =	vadd.s32 v27, v37;
	[tilespmem:s0+$0x1060] =	vst v55;
	v34 =	vld.idx.msk [tilespmem:v14+s19+$0x0], $0xffff  }
0x2fa: {  	v42 =	vmul.u32 $0x390, v62;
	v50 =	vadd.s32 v27, v38;
	v35 =	vld.idx.msk [tilespmem:v16+s19+$0x0], $0xffff;
	[tilespmem:s0+$0x1870] =	vst v5  }
0x2fb: {  	v45 =	vadd.s32 v27, v43;
	[tilespmem:s0+$0x1800] =	vst v7;
	v0 =	vld.idx.msk [tilespmem:v0+s19+$0x0], $0xffff  }
0x2fc: {  	s1 =	simm.s32 $0xEC80;
	v44 =	vmul.u32 $0x390, v2;
	v2 =	vadd.s32 v25, v42;
	[tilespmem:s0+$0x1820] =	vst v3;
	v23 =	vld.idx.msk [tilespmem:v18+s19+$0x0], $0xffff  }
0x2fd: {  	v36 =	vld.idx.msk [tilespmem:v61+s19+$0x0], $0xffff;
	v3 =	vadd.s32 v27, v41;
	[tilespmem:s1+$0xFFFFE030] =	vst v9  }
0x2fe: {  	[tilespmem:s1+$0xFFFFE040] =	vst v48;
	v46 =	vadd.s32 v25, v44;
	v12 =	vld.idx.msk [tilespmem:v49+s19+$0x0], $0xffff  }
0x2ff: {  	v47 =	vadd.s32 v27, v40;
	[tilespmem:s1+$0xFFFFE070] =	vst v22;
	v10 =	vld.idx.msk [tilespmem:v50+s19+$0x0], $0xffff  }
0x300: {  	v51 =	vadd.s32 v27, v39;
	[tilespmem:s1+$0xFFFFE010] =	vst v0;
	v0 =	vld.idx.msk [tilespmem:v45+s19+$0x0], $0xffff  }
0x301: {  	v52 =	vadd.s32 v28, v43;
	v2 =	vld.idx.msk [tilespmem:v2+s19+$0x0], $0xffff;
	[tilespmem:s1+$0xFFFFE020] =	vst v23  }
0x302: {  	v54 =	vadd.s32 v27, v42;
	[tilespmem:s0+$0x1810] =	vst v4;
	v3 =	vld.idx.msk [tilespmem:v3+s19+$0x0], $0xffff  }
0x303: {  	v56 =	vadd.s32 v28, v38;
	[tilespmem:s1+$0xFFFFE050] =	vst v6;
	v7 =	vld.idx.msk [tilespmem:v46+s19+$0x0], $0xffff  }
0x304: {  	v53 =	vadd.s32 v27, v44;
	v4 =	vld.idx.msk [tilespmem:v47+s19+$0x0], $0xffff;
	[tilespmem:s1+$0xFFFFE840] =	vst v10  }
0x305: {  	v55 =	vadd.s32 v28, v40;
	v8 =	vld.idx.msk [tilespmem:v51+s19+$0x0], $0xffff;
	[tilespmem:s1+$0xFFFFE870] =	vst v0  }
0x306: {  	[tilespmem:s1+$0xFFFFE060] =	vst v2;
	v2 =	vadd.s32 v28, v41;
	v5 =	vld.idx.msk [tilespmem:v52+s19+$0x0], $0xffff  }
0x307: {  	v0 =	vadd.s32 v28, v37;
	[tilespmem:s1+$0xFFFFE820] =	vst v3;
	v3 =	vld.idx.msk [tilespmem:v54+s19+$0x0], $0xffff  }
0x308: {  	v59 =	vadd.s32 v28, v39;
	[tilespmem:s1+$0xFFFFE000] =	vst v7;
	v7 =	vld.idx.msk [tilespmem:v56+s19+$0x0], $0xffff  }
0x309: {  	v57 =	vadd.s32 v31, v43;
	[tilespmem:s1+$0xFFFFE810] =	vst v4;
	v9 =	vld.idx.msk [tilespmem:v53+s19+$0x0], $0xffff  }
0x30a: {  	v58 =	vadd.s32 v28, v44;
	[tilespmem:s1+$0xFFFFE830] =	vst v12;
	v6 =	vld.idx.msk [tilespmem:v55+s19+$0x0], $0xffff  }
0x30b: {  	v61 =	vadd.s32 v31, v40;
	[tilespmem:s1+$0xFFFFE850] =	vst v8;
	v2 =	vld.idx.msk [tilespmem:v2+s19+$0x0], $0xffff  }
0x30c: {  	v60 =	vadd.s32 v28, v42;
	v0 =	vld.idx.msk [tilespmem:v0+s19+$0x0], $0xffff;
	[tilespmem:s1+$0xFFFFF070] =	vst v5  }
0x30d: {  	v62 =	vadd.s32 v31, v41;
	[tilespmem:s1+$0xFFFFE860] =	vst v3;
	v3 =	vld.idx.msk [tilespmem:v59+s19+$0x0], $0xffff  }
0x30e: {  	v63 =	vadd.s32 v31, v37;
	[tilespmem:s1+$0xFFFFE800] =	vst v9;
	v4 =	vld.idx.msk [tilespmem:v57+s19+$0x0], $0xffff  }
0x30f: {  	v18 =	vadd.s32 v31, v38;
	[tilespmem:s1+$0xFFFFF010] =	vst v6;
	v11 =	vld.idx.msk [tilespmem:v58+s19+$0x0], $0xffff  }
0x310: {  	v16 =	vadd.s32 v32, v43;
	[tilespmem:s1+$0xFFFFF040] =	vst v7;
	v8 =	vld.idx.msk [tilespmem:v61+s19+$0x0], $0xffff  }
0x311: {  	v17 =	vadd.s32 v31, v44;
	[tilespmem:s1+$0xFFFFF020] =	vst v2;
	v2 =	vld.idx.msk [tilespmem:v60+s19+$0x0], $0xffff  }
0x312: {  	v20 =	vadd.s32 v32, v40;
	[tilespmem:s1+$0xFFFFF030] =	vst v0;
	v5 =	vld.idx.msk [tilespmem:v62+s19+$0x0], $0xffff  }
0x313: {  	v0 =	vadd.s32 v31, v39;
	v9 =	vld.idx.msk [tilespmem:v63+s19+$0x0], $0xffff;
	[tilespmem:s1+$0xFFFFF050] =	vst v3  }
0x314: {  	v19 =	vadd.s32 v31, v42;
	v3 =	vld.idx.msk [tilespmem:v18+s19+$0x0], $0xffff;
	[tilespmem:s1+$0xFFFFF870] =	vst v4  }
0x315: {  	v21 =	vadd.s32 v32, v41;
	[tilespmem:s1+$0xFFFFF000] =	vst v11;
	v6 =	vld.idx.msk [tilespmem:v16+s19+$0x0], $0xffff  }
0x316: {  	v23 =	vadd.s32 v32, v37;
	[tilespmem:s1+$0xFFFFF810] =	vst v8;
	v12 =	vld.idx.msk [tilespmem:v17+s19+$0x0], $0xffff  }
0x317: {  	v46 =	vadd.s32 v32, v38;
	[tilespmem:s1+$0xFFFFF060] =	vst v2;
	v4 =	vld.idx.msk [tilespmem:v20+s19+$0x0], $0xffff  }
0x318: {  	v2 =	vadd.s32 v26, v43;
	v0 =	vld.idx.msk [tilespmem:v0+s19+$0x0], $0xffff;
	[tilespmem:s1+$0xFFFFF820] =	vst v5  }
0x319: {  	v22 =	vadd.s32 v32, v44;
	v45 =	vld.idx.msk [tilespmem:v19+s19+$0x0], $0xffff;
	[tilespmem:s1+$0xFFFFF830] =	vst v9  }
0x31a: {  	v49 =	vadd.s32 v26, v40;
	v11 =	vld.idx.msk [tilespmem:v21+s19+$0x0], $0xffff;
	[tilespmem:s1+$0xFFFFF840] =	vst v3  }
0x31b: {  	v47 =	vadd.s32 v32, v39;
	v3 =	vld.idx.msk [tilespmem:v23+s19+$0x0], $0xffff;
	[tilespmem:s1+$0x70] =	vst v6  }
0x31c: {  	v48 =	vadd.s32 v32, v42;
	v7 =	vld.idx.msk [tilespmem:v46+s19+$0x0], $0xffff;
	[tilespmem:s1+$0xFFFFF800] =	vst v12  }
0x31d: {  	v51 =	vadd.s32 v26, v41;
	v2 =	vld.idx.msk [tilespmem:v2+s19+$0x0], $0xffff;
	[tilespmem:s1+$0x10] =	vst v4  }
0x31e: {  	v53 =	vadd.s32 v26, v37;
	v10 =	vld.idx.msk [tilespmem:v22+s19+$0x0], $0xffff;
	[tilespmem:s1+$0xFFFFF850] =	vst v0  }
0x31f: {  	v54 =	vadd.s32 v26, v38;
	[tilespmem:s1+$0xFFFFF860] =	vst v45;
	v12 =	vld.idx.msk [tilespmem:v49+s19+$0x0], $0xffff  }
0x320: {  	v0 =	vadd.s32 v29, v43;
	v52 =	vld.idx.msk [tilespmem:v47+s19+$0x0], $0xffff;
	[tilespmem:s1+$0x20] =	vst v11  }
0x321: {  	v50 =	vadd.s32 v26, v44;
	v6 =	vld.idx.msk [tilespmem:v48+s19+$0x0], $0xffff;
	[tilespmem:s1+$0x30] =	vst v3  }
0x322: {  	v58 =	vadd.s32 v29, v40;
	v3 =	vld.idx.msk [tilespmem:v51+s19+$0x0], $0xffff;
	[tilespmem:s1+$0x40] =	vst v7  }
0x323: {  	v55 =	vadd.s32 v26, v42;
	v9 =	vld.idx.msk [tilespmem:v53+s19+$0x0], $0xffff;
	[tilespmem:s1+$0x870] =	vst v2  }
0x324: {  	v11 =	vld.idx.msk [tilespmem:v54+s19+$0x0], $0xffff;
	v2 =	vadd.s32 v26, v39;
	[tilespmem:s1+$0x0] =	vst v10  }
0x325: {  	v59 =	vadd.s32 v29, v41;
	v0 =	vld.idx.msk [tilespmem:v0+s19+$0x0], $0xffff;
	[tilespmem:s1+$0x810] =	vst v12  }
0x326: {  	v60 =	vadd.s32 v29, v37;
	v8 =	vld.idx.msk [tilespmem:v50+s19+$0x0], $0xffff;
	[tilespmem:s1+$0x50] =	vst v52  }
0x327: {  	v57 =	vadd.s32 v29, v44;
	[tilespmem:s1+$0x60] =	vst v6;
	v4 =	vld.idx.msk [tilespmem:v58+s19+$0x0], $0xffff  }
0x328: {  	v56 =	vadd.s32 v1, v43;
	v10 =	vld.idx.msk [tilespmem:v55+s19+$0x0], $0xffff;
	[tilespmem:s1+$0x820] =	vst v3  }
0x329: {  	v3 =	vadd.s32 v29, v42;
	[tilespmem:s1+$0x830] =	vst v9;
	v2 =	vld.idx.msk [tilespmem:v2+s19+$0x0], $0xffff  }
0x32a: {  	v6 =	vld.idx.msk [tilespmem:v59+s19+$0x0], $0xffff;
	[tilespmem:s1+$0x1070] =	vst v0;
	v0 =	vadd.s32 v29, v38  }
0x32b: {  	v61 =	vadd.s32 v29, v39;
	v12 =	vld.idx.msk [tilespmem:v60+s19+$0x0], $0xffff;
	[tilespmem:s1+$0x800] =	vst v8  }
0x32c: {  	v63 =	vadd.s32 v1, v40;
	[tilespmem:s1+$0x840] =	vst v11;
	v7 =	vld.idx.msk [tilespmem:v57+s19+$0x0], $0xffff  }
0x32d: {  	v62 =	vadd.s32 v1, v44;
	v5 =	vld.idx.msk [tilespmem:v56+s19+$0x0], $0xffff;
	[tilespmem:s1+$0x860] =	vst v10  }
0x32e: {  	v46 =	vld.idx.msk [tilespmem:v3+s19+$0x0], $0xffff;
	[tilespmem:s1+$0x850] =	vst v2;
	v2 =	vadd.s32 v1, v41  }
0x32f: {  	[tilespmem:s1+$0x1010] =	vst v4;
	v43 =	vld.idx.msk [tilespmem:v0+s19+$0x0], $0xffff  }
0x330: {  	[tilespmem:s1+$0x1020] =	vst v6;
	v44 =	vld.idx.msk [tilespmem:v61+s19+$0x0], $0xffff  }
0x331: {  	v41 =	vadd.s32 v1, v37;
	v37 =	vld.idx.msk [tilespmem:v63+s19+$0x0], $0xffff;
	[tilespmem:s1+$0x1000] =	vst v7  }
0x332: {  	v40 =	vadd.s32 v1, v38;
	[tilespmem:s1+$0x1030] =	vst v12;
	v45 =	vld.idx.msk [tilespmem:v62+s19+$0x0], $0xffff  }
0x333: {  	s6 =	simm.s32 $0x8;
	s4 =	simm.s32 $0x942;
	v39 =	vadd.s32 v1, v39;
	v38 =	vadd.s32 v1, v42;
	[tilespmem:s1+$0x1870] =	vst v5;
	v42 =	vld.idx.msk [tilespmem:v2+s19+$0x0], $0xffff  }
.LBB2_13:
0x334: {  	v0 =	vld [tilespmem:s4+$0x30];
	s6 =	sadd.s32 $0x8, s6;
	[tilespmem:s1+$0x1040] =	vst v43  }
0x335: {  	v2 =	vld [tilespmem:s4+$0xFFFFFFD0];
	p0 =	slt.u32 s6, $0x78;
	[tilespmem:s1+$0x1050] =	vst v44  }
0x336: {  	v3 =	vld [tilespmem:s4+$0xFFFFFFE0];
	[tilespmem:s1+$0x1060] =	vst v46  }
0x337: {  	v4 =	vld [tilespmem:s4+$0xFFFFFFF0];
	[tilespmem:s1+$0x1800] =	vst v45  }
0x338: {  	v5 =	vld [tilespmem:s4+$0x0];
	[tilespmem:s1+$0x1810] =	vst v37  }
0x339: {  	v6 =	vld [tilespmem:s4+$0x10];
	v37 =	vmul.u32 $0x390, v0;
	[tilespmem:s1+$0x1820] =	vst v42  }
0x33a: {  	v42 =	vmul.u32 $0x390, v2;
	v0 =	vld [tilespmem:s4+$0x20];
	[tilespmem:s0+$0x1830] =	vst v33  }
0x33b: {  	v2 =	vld [tilespmem:s4+$0xFFFFFFC0];
	v43 =	vmul.u32 $0x390, v3;
	v3 =	vadd.s32 v25, v37;
	[tilespmem:s0+$0x1840] =	vst v34  }
0x33c: {  	v7 =	vadd.s32 v25, v42;
	v8 =	vadd.s32 v27, v42;
	v4 =	vmul.u32 $0x390, v4;
	v33 =	vld.idx.msk [tilespmem:v41+s19+$0x0], $0xffff;
	[tilespmem:s0+$0x1850] =	vst v35  }
0x33d: {  	v9 =	vadd.s32 v25, v43;
	v10 =	vadd.s32 v27, v43;
	v5 =	vmul.u32 $0x390, v5;
	v34 =	vld.idx.msk [tilespmem:v40+s19+$0x0], $0xffff;
	[tilespmem:s0+$0x1860] =	vst v36;
	s0 =	smov.u32 s1  }
0x33e: {  	v11 =	vadd.s32 v25, v4;
	v12 =	vadd.s32 v27, v4;
	v6 =	vmul.u32 $0x390, v6;
	v35 =	vld.idx.msk [tilespmem:v39+s19+$0x0], $0xffff  }
0x33f: {  	v13 =	vadd.s32 v25, v5;
	v14 =	vadd.s32 v27, v5;
	v0 =	vmul.u32 $0x390, v0;
	v36 =	vld.idx.msk [tilespmem:v38+s19+$0x0], $0xffff  }
0x340: {  	v2 =	vmul.u32 $0x390, v2;
	v15 =	vadd.s32 v25, v6;
	v16 =	vadd.s32 v27, v6;
	v3 =	vld.idx.msk [tilespmem:v3+s19+$0x0], $0xffff  }
0x341: {  	v17 =	vadd.s32 v28, v42;
	v7 =	vld.idx.msk [tilespmem:v7+s19+$0x0], $0xffff;
	v18 =	vadd.s32 v25, v0;
	v19 =	vadd.s32 v27, v0  }
0x342: {  	v22 =	vadd.s32 v27, v37;
	v20 =	vadd.s32 v25, v2;
	v21 =	vadd.s32 v27, v2;
	v9 =	vld.idx.msk [tilespmem:v9+s19+$0x0], $0xffff  }
0x343: {  	v24 =	vadd.s32 v28, v43;
	v38 =	vadd.s32 v28, v4;
	v23 =	vadd.s32 v28, v2;
	v11 =	vld.idx.msk [tilespmem:v11+s19+$0x0], $0xffff  }
0x344: {  	v39 =	vadd.s32 v28, v5;
	v44 =	vadd.s32 v28, v6;
	v45 =	vadd.s32 v28, v0;
	v13 =	vld.idx.msk [tilespmem:v13+s19+$0x0], $0xffff  }
0x345: {  	v47 =	vadd.s32 v31, v42;
	v48 =	vadd.s32 v31, v43;
	s1 =	sadd.s32 $0x80, s1;
	v46 =	vadd.s32 v31, v2;
	v15 =	vld.idx.msk [tilespmem:v15+s19+$0x0], $0xffff  }
0x346: {  	v49 =	vadd.s32 v31, v4;
	v50 =	vadd.s32 v31, v5;
	v18 =	vld.idx.msk [tilespmem:v18+s19+$0x0], $0xffff;
	[tilespmem:s1+$0xFFFFE070] =	vst v3  }
0x347: {  	v3 =	vadd.s32 v31, v6;
	[tilespmem:s1+$0xFFFFE010] =	vst v7;
	v7 =	vadd.s32 v31, v0;
	v22 =	vld.idx.msk [tilespmem:v22+s19+$0x0], $0xffff  }
0x348: {  	v52 =	vadd.s32 v32, v42;
	v51 =	vadd.s32 v32, v2;
	v20 =	vld.idx.msk [tilespmem:v20+s19+$0x0], $0xffff;
	[tilespmem:s1+$0xFFFFE020] =	vst v9  }
0x349: {  	v9 =	vadd.s32 v32, v43;
	v8 =	vld.idx.msk [tilespmem:v8+s19+$0x0], $0xffff;
	[tilespmem:s1+$0xFFFFE030] =	vst v11;
	v11 =	vadd.s32 v28, v37  }
0x34a: {  	v53 =	vadd.s32 v32, v4;
	v10 =	vld.idx.msk [tilespmem:v10+s19+$0x0], $0xffff;
	[tilespmem:s1+$0xFFFFE040] =	vst v13;
	v13 =	vadd.s32 v32, v5  }
0x34b: {  	v54 =	vadd.s32 v32, v0;
	v12 =	vld.idx.msk [tilespmem:v12+s19+$0x0], $0xffff;
	[tilespmem:s1+$0xFFFFE050] =	vst v15;
	v15 =	vadd.s32 v32, v6  }
0x34c: {  	v56 =	vadd.s32 v26, v42;
	v55 =	vadd.s32 v26, v2;
	v14 =	vld.idx.msk [tilespmem:v14+s19+$0x0], $0xffff;
	[tilespmem:s1+$0xFFFFE060] =	vst v18  }
0x34d: {  	v57 =	vadd.s32 v26, v4;
	v18 =	vadd.s32 v26, v43;
	v16 =	vld.idx.msk [tilespmem:v16+s19+$0x0], $0xffff;
	[tilespmem:s1+$0xFFFFE870] =	vst v22  }
0x34e: {  	v22 =	vadd.s32 v26, v6;
	[tilespmem:s1+$0xFFFFE000] =	vst v20;
	v20 =	vadd.s32 v26, v5;
	v11 =	vld.idx.msk [tilespmem:v11+s19+$0x0], $0xffff  }
0x34f: {  	v58 =	vadd.s32 v29, v2;
	v21 =	vld.idx.msk [tilespmem:v21+s19+$0x0], $0xffff;
	[tilespmem:s1+$0xFFFFE810] =	vst v8;
	v8 =	vadd.s32 v26, v0  }
0x350: {  	v59 =	vadd.s32 v29, v42;
	[tilespmem:s1+$0xFFFFE820] =	vst v10;
	v10 =	vld.idx.msk [tilespmem:v19+s19+$0x0], $0xffff;
	v19 =	vadd.s32 v31, v37  }
0x351: {  	v60 =	vadd.s32 v29, v43;
	v17 =	vld.idx.msk [tilespmem:v17+s19+$0x0], $0xffff;
	[tilespmem:s1+$0xFFFFE830] =	vst v12;
	v12 =	vadd.s32 v29, v4  }
0x352: {  	v61 =	vadd.s32 v29, v6;
	v24 =	vld.idx.msk [tilespmem:v24+s19+$0x0], $0xffff;
	[tilespmem:s1+$0xFFFFE840] =	vst v14;
	v14 =	vadd.s32 v29, v5  }
0x353: {  	v2 =	vadd.s32 v1, v2;
	v62 =	vld.idx.msk [tilespmem:v38+s19+$0x0], $0xffff;
	[tilespmem:s1+$0xFFFFE850] =	vst v16;
	v16 =	vadd.s32 v29, v0  }
0x354: {  	v42 =	vadd.s32 v1, v42;
	v63 =	vadd.s32 v1, v43;
	v43 =	vld.idx.msk [tilespmem:v39+s19+$0x0], $0xffff;
	[tilespmem:s1+$0xFFFFF070] =	vst v11  }
0x355: {  	v41 =	vadd.s32 v1, v4;
	v40 =	vadd.s32 v1, v5;
	[tilespmem:s1+$0xFFFFE800] =	vst v21;
	v4 =	vld.idx.msk [tilespmem:v19+s19+$0x0], $0xffff  }
0x356: {  	v38 =	vadd.s32 v1, v0;
	v39 =	vadd.s32 v1, v6;
	v5 =	vld.idx.msk [tilespmem:v23+s19+$0x0], $0xffff;
	[tilespmem:s1+$0xFFFFE860] =	vst v10  }
0x357: {  	v6 =	vadd.s32 v32, v37;
	[tilespmem:s1+$0xFFFFF010] =	vst v17;
	v0 =	vld.idx.msk [tilespmem:v44+s19+$0x0], $0xffff  }
0x358: {  	[tilespmem:s1+$0xFFFFF020] =	vst v24;
	v10 =	vld.idx.msk [tilespmem:v45+s19+$0x0], $0xffff  }
0x359: {  	v11 =	vld.idx.msk [tilespmem:v47+s19+$0x0], $0xffff;
	[tilespmem:s1+$0xFFFFF030] =	vst v62  }
0x35a: {  	v17 =	vld.idx.msk [tilespmem:v48+s19+$0x0], $0xffff;
	[tilespmem:s1+$0xFFFFF040] =	vst v43  }
0x35b: {  	v19 =	vld.idx.msk [tilespmem:v49+s19+$0x0], $0xffff;
	[tilespmem:s1+$0xFFFFF870] =	vst v4  }
0x35c: {  	[tilespmem:s1+$0xFFFFF000] =	vst v5;
	v4 =	vld.idx.msk [tilespmem:v6+s19+$0x0], $0xffff  }
0x35d: {  	v5 =	vld.idx.msk [tilespmem:v46+s19+$0x0], $0xffff;
	[tilespmem:s1+$0xFFFFF050] =	vst v0  }
0x35e: {  	v6 =	vadd.s32 v26, v37;
	v0 =	vld.idx.msk [tilespmem:v50+s19+$0x0], $0xffff;
	[tilespmem:s1+$0xFFFFF060] =	vst v10  }
0x35f: {  	[tilespmem:s1+$0xFFFFF810] =	vst v11;
	v3 =	vld.idx.msk [tilespmem:v3+s19+$0x0], $0xffff  }
0x360: {  	[tilespmem:s1+$0xFFFFF820] =	vst v17;
	v7 =	vld.idx.msk [tilespmem:v7+s19+$0x0], $0xffff  }
0x361: {  	v10 =	vld.idx.msk [tilespmem:v52+s19+$0x0], $0xffff;
	[tilespmem:s1+$0xFFFFF830] =	vst v19  }
0x362: {  	v9 =	vld.idx.msk [tilespmem:v9+s19+$0x0], $0xffff;
	[tilespmem:s1+$0x70] =	vst v4  }
0x363: {  	[tilespmem:s1+$0xFFFFF800] =	vst v5;
	v4 =	vld.idx.msk [tilespmem:v6+s19+$0x0], $0xffff  }
0x364: {  	v5 =	vld.idx.msk [tilespmem:v51+s19+$0x0], $0xffff;
	[tilespmem:s1+$0xFFFFF840] =	vst v0  }
0x365: {  	v0 =	vld.idx.msk [tilespmem:v53+s19+$0x0], $0xffff;
	[tilespmem:s1+$0xFFFFF850] =	vst v3;
	v3 =	vadd.s32 v29, v37  }
0x366: {  	v6 =	vld.idx.msk [tilespmem:v13+s19+$0x0], $0xffff;
	[tilespmem:s1+$0xFFFFF860] =	vst v7  }
0x367: {  	[tilespmem:s1+$0x10] =	vst v10;
	v7 =	vld.idx.msk [tilespmem:v15+s19+$0x0], $0xffff  }
0x368: {  	[tilespmem:s1+$0x20] =	vst v9;
	v9 =	vld.idx.msk [tilespmem:v54+s19+$0x0], $0xffff  }
0x369: {  	v10 =	vld.idx.msk [tilespmem:v56+s19+$0x0], $0xffff;
	[tilespmem:s1+$0x870] =	vst v4  }
0x36a: {  	[tilespmem:s1+$0x0] =	vst v5;
	v3 =	vld.idx.msk [tilespmem:v3+s19+$0x0], $0xffff  }
0x36b: {  	v4 =	vld.idx.msk [tilespmem:v55+s19+$0x0], $0xffff;
	[tilespmem:s1+$0x30] =	vst v0  }
0x36c: {  	v5 =	vadd.s32 v1, v37;
	v0 =	vld.idx.msk [tilespmem:v18+s19+$0x0], $0xffff;
	[tilespmem:s1+$0x40] =	vst v6  }
0x36d: {  	v6 =	vld.idx.msk [tilespmem:v57+s19+$0x0], $0xffff;
	[tilespmem:s1+$0x50] =	vst v7  }
0x36e: {  	v7 =	vld.idx.msk [tilespmem:v20+s19+$0x0], $0xffff;
	[tilespmem:s1+$0x60] =	vst v9  }
0x36f: {  	[tilespmem:s1+$0x810] =	vst v10;
	v9 =	vld.idx.msk [tilespmem:v22+s19+$0x0], $0xffff  }
0x370: {  	v8 =	vld.idx.msk [tilespmem:v8+s19+$0x0], $0xffff;
	[tilespmem:s1+$0x1070] =	vst v3  }
0x371: {  	[tilespmem:s1+$0x800] =	vst v4;
	v3 =	vld.idx.msk [tilespmem:v5+s19+$0x0], $0xffff  }
0x372: {  	v4 =	vld.idx.msk [tilespmem:v58+s19+$0x0], $0xffff;
	[tilespmem:s1+$0x820] =	vst v0  }
0x373: {  	v0 =	vld.idx.msk [tilespmem:v59+s19+$0x0], $0xffff;
	[tilespmem:s1+$0x830] =	vst v6  }
0x374: {  	v5 =	vld.idx.msk [tilespmem:v60+s19+$0x0], $0xffff;
	[tilespmem:s1+$0x840] =	vst v7  }
0x375: {  	v6 =	vld.idx.msk [tilespmem:v12+s19+$0x0], $0xffff;
	[tilespmem:s1+$0x850] =	vst v9  }
0x376: {  	v43 =	vld.idx.msk [tilespmem:v14+s19+$0x0], $0xffff;
	[tilespmem:s1+$0x860] =	vst v8  }
.Ltmp7:
0x377: {  	v44 =	vld.idx.msk [tilespmem:v61+s19+$0x0], $0xffff;
	[tilespmem:s1+$0x1870] =	vst v3;
	(pc) =	sbr.rel @p0 .LBB2_13-.Ltmp7, $4  }
0x378: {  	[tilespmem:s1+$0x1000] =	vst v4;
	v46 =	vld.idx.msk [tilespmem:v16+s19+$0x0], $0xffff  }
0x379: {  	v45 =	vld.idx.msk [tilespmem:v2+s19+$0x0], $0xffff;
	[tilespmem:s1+$0x1010] =	vst v0  }
0x37a: {  	v37 =	vld.idx.msk [tilespmem:v42+s19+$0x0], $0xffff;
	[tilespmem:s1+$0x1020] =	vst v5  }
0x37b: {  	s4 =	sadd.s32 $0x81, s4;
	v42 =	vld.idx.msk [tilespmem:v63+s19+$0x0], $0xffff;
	[tilespmem:s1+$0x1030] =	vst v6  }
0x37c: {  	[tilespmem:s1+$0x1040] =	vst v43  }
0x37d: {  	[tilespmem:s1+$0x1050] =	vst v44  }
0x37e: {  	[tilespmem:s0+$0x1830] =	vst v33  }
0x37f: {  	[tilespmem:s0+$0x1840] =	vst v34  }
0x380: {  	[tilespmem:s0+$0x1850] =	vst v35  }
0x381: {  	v0 =	vld.idx.msk [tilespmem:v41+s19+$0x0], $0xffff;
	[tilespmem:s0+$0x1860] =	vst v36  }
0x382: {  	[tilespmem:s1+$0x1060] =	vst v46;
	v2 =	vld.idx.msk [tilespmem:v40+s19+$0x0], $0xffff  }
0x383: {  	v3 =	vld.idx.msk [tilespmem:v39+s19+$0x0], $0xffff;
	[tilespmem:s1+$0x1800] =	vst v45  }
0x384: {  	v4 =	vld.idx.msk [tilespmem:v38+s19+$0x0], $0xffff;
	[tilespmem:s1+$0x1810] =	vst v37  }
0x385: {  	[tilespmem:s1+$0x1820] =	vst v42  }
0x386: {  	[tilespmem:s1+$0x1830] =	vst v0  }
0x387: {  	[tilespmem:s1+$0x1840] =	vst v2  }
0x388: {  	[tilespmem:s1+$0x1850] =	vst v3  }
0x389: {  	s7 =	sadd.s32 s2, s12;
	[tilespmem:s1+$0x1860] =	vst v4  }
0x38a: {  	[hbm4b:s7+s22] =	stream.strided.scatter [tilespmem:s28], [sflag:$0x1], $0x4000, s26, s22, $0x38;
	[tilespmem:$0x14C00] =	vst v63  }
0x38b: {  	_ =	swait.ge [sflag:s31], $0x4000  }
0x38c: {  	[sflag:s31] =	ssyncset.done $0x0  }
0x38d: {  	s18 =	simm.s32 $0x840;
	v1 =	vld [tilespmem:$0x1FE90];
	[sflag:s31] =	ssyncadd.s32 $0xFFFFC000  }
0x38e: {  	v0 =	vld [tilespmem:s18+$0x30]  }
0x38f: {  	v2 =	vld [tilespmem:s18+$0xFFFFFFD0]  }
0x390: {  	v3 =	vld [tilespmem:s18+$0xFFFFFFE0]  }
0x391: {  	v48 =	vld [tilespmem:s18+$0xFFFFFFF0]  }
0x392: {  	v5 =	vld [tilespmem:s18+$0x0]  }
0x393: {  	v6 =	vld [tilespmem:s18+$0x10];
	v40 =	vmul.u32 $0x390, v0  }
0x394: {  	v38 =	vmul.u32 $0x390, v2;
	v0 =	vld [tilespmem:s18+$0x20]  }
0x395: {  	v37 =	vmul.u32 $0x390, v3;
	v3 =	vld [tilespmem:s18+$0xFFFFFFC0];
	v2 =	vadd.s32 v1, v40  }
0x396: {  	v34 =	vmul.u32 $0x390, v48;
	v7 =	vadd.s32 v1, v38  }
0x397: {  	v35 =	vmul.u32 $0x390, v5;
	v49 =	vadd.s32 v1, v37  }
0x398: {  	s23 =	simm.s32 $0x8C1;
	v26 =	vld [tilespmem:$0x1FEA0];
	v36 =	vmul.u32 $0x390, v6;
	v50 =	vadd.s32 v1, v34  }
0x399: {  	v15 =	vld [tilespmem:s23+$0x0];
	v51 =	vadd.s32 v1, v35;
	v33 =	vmul.u32 $0x390, v0  }
0x39a: {  	v0 =	vadd.s32 v1, v36;
	v39 =	vmul.u32 $0x390, v3;
	v2 =	vld.idx.msk [tilespmem:v2+s19+$0x0], $0xffff  }
0x39b: {  	v3 =	vld.idx.msk [tilespmem:v7+s19+$0x0], $0xffff;
	v52 =	vadd.s32 v1, v33  }
0x39c: {  	v4 =	vld.idx.msk [tilespmem:v49+s19+$0x0], $0xffff;
	v9 =	vadd.s32 v1, v39  }
0x39d: {  	v5 =	vld.idx.msk [tilespmem:v50+s19+$0x0], $0xffff  }
0x39e: {  	s0 =	simm.s32 $0x12C00;
	v8 =	vadd.s32 v26, v40;
	v6 =	vld.idx.msk [tilespmem:v51+s19+$0x0], $0xffff  }
0x39f: {  	v10 =	vadd.s32 v26, v38;
	v0 =	vld.idx.msk [tilespmem:v0+s19+$0x0], $0xffff;
	[tilespmem:s0+$0xFFFFE070] =	vst v2  }
0x3a0: {  	v11 =	vadd.s32 v26, v37;
	v7 =	vld.idx.msk [tilespmem:v52+s19+$0x0], $0xffff;
	[tilespmem:s0+$0xFFFFE010] =	vst v3  }
0x3a1: {  	v12 =	vadd.s32 v26, v34;
	v3 =	vld.idx.msk [tilespmem:v9+s19+$0x0], $0xffff;
	[tilespmem:s0+$0xFFFFE020] =	vst v4  }
0x3a2: {  	v13 =	vadd.s32 v26, v36;
	v27 =	vld [tilespmem:$0x1FEB0]  }
0x3a3: {  	v2 =	vadd.s32 v26, v35;
	v8 =	vld.idx.msk [tilespmem:v8+s19+$0x0], $0xffff  }
0x3a4: {  	v55 =	vadd.s32 v26, v39;
	v53 =	vld.idx.msk [tilespmem:v10+s19+$0x0], $0xffff;
	[tilespmem:s0+$0xFFFFE030] =	vst v5  }
0x3a5: {  	v57 =	vadd.s32 v26, v33;
	v56 =	vld.idx.msk [tilespmem:v11+s19+$0x0], $0xffff;
	[tilespmem:s0+$0xFFFFE040] =	vst v6  }
0x3a6: {  	v58 =	vld.idx.msk [tilespmem:v12+s19+$0x0], $0xffff;
	[tilespmem:s0+$0xFFFFE050] =	vst v0  }
0x3a7: {  	v13 =	vld.idx.msk [tilespmem:v13+s19+$0x0], $0xffff;
	[tilespmem:s0+$0xFFFFE000] =	vst v3;
	v54 =	vadd.s32 v27, v40  }
0x3a8: {  	v0 =	vld.idx.msk [tilespmem:v2+s19+$0x0], $0xffff;
	[tilespmem:s0+$0xFFFFE060] =	vst v7;
	v59 =	vadd.s32 v27, v38  }
0x3a9: {  	v2 =	vadd.s32 v27, v37;
	[tilespmem:s0+$0xFFFFE870] =	vst v8;
	v62 =	vld.idx.msk [tilespmem:v55+s19+$0x0], $0xffff  }
0x3aa: {  	v60 =	vadd.s32 v27, v34;
	[tilespmem:s0+$0xFFFFE810] =	vst v53;
	v63 =	vld.idx.msk [tilespmem:v57+s19+$0x0], $0xffff  }
0x3ab: {  	v61 =	vadd.s32 v27, v35;
	v28 =	vld [tilespmem:$0x1FEC0]  }
0x3ac: {  	v19 =	vadd.s32 v27, v36;
	v3 =	vld.idx.msk [tilespmem:v54+s19+$0x0], $0xffff  }
0x3ad: {  	v17 =	vadd.s32 v27, v39;
	[tilespmem:s0+$0xFFFFE820] =	vst v56;
	v18 =	vld.idx.msk [tilespmem:v59+s19+$0x0], $0xffff  }
0x3ae: {  	v20 =	vadd.s32 v27, v33;
	[tilespmem:s0+$0xFFFFE830] =	vst v58;
	v2 =	vld.idx.msk [tilespmem:v2+s19+$0x0], $0xffff  }
0x3af: {  	[tilespmem:s0+$0xFFFFE840] =	vst v0;
	v0 =	vld.idx.msk [tilespmem:v60+s19+$0x0], $0xffff  }
0x3b0: {  	[tilespmem:s0+$0xFFFFE850] =	vst v13;
	v9 =	vld.idx.msk [tilespmem:v61+s19+$0x0], $0xffff;
	v16 =	vadd.s32 v28, v40  }
0x3b1: {  	[tilespmem:s0+$0xFFFFE800] =	vst v62;
	v32 =	vld.idx.msk [tilespmem:v19+s19+$0x0], $0xffff;
	v21 =	vadd.s32 v28, v38  }
0x3b2: {  	[tilespmem:s0+$0xFFFFE860] =	vst v63;
	v23 =	vadd.s32 v28, v34;
	v11 =	vld.idx.msk [tilespmem:v17+s19+$0x0], $0xffff  }
0x3b3: {  	v43 =	vld.idx.msk [tilespmem:v20+s19+$0x0], $0xffff;
	[tilespmem:s0+$0xFFFFF070] =	vst v3;
	v3 =	vadd.s32 v28, v37  }
0x3b4: {  	v42 =	vadd.s32 v28, v39;
	v29 =	vld [tilespmem:$0x1FED0];
	[tilespmem:s0+$0xFFFFF010] =	vst v18  }
0x3b5: {  	v44 =	vadd.s32 v28, v35;
	v22 =	vld.idx.msk [tilespmem:v16+s19+$0x0], $0xffff;
	[tilespmem:s0+$0xFFFFF020] =	vst v2  }
0x3b6: {  	[tilespmem:s0+$0xFFFFF030] =	vst v0;
	v2 =	vld.idx.msk [tilespmem:v21+s19+$0x0], $0xffff  }
0x3b7: {  	v45 =	vadd.s32 v28, v36;
	[tilespmem:s0+$0xFFFFF000] =	vst v11;
	v10 =	vld.idx.msk [tilespmem:v23+s19+$0x0], $0xffff  }
0x3b8: {  	[tilespmem:s0+$0xFFFFF040] =	vst v9;
	v0 =	vld.idx.msk [tilespmem:v3+s19+$0x0], $0xffff;
	v3 =	vadd.s32 v28, v33  }
0x3b9: {  	[tilespmem:s0+$0xFFFFF050] =	vst v32;
	v49 =	vld.idx.msk [tilespmem:v42+s19+$0x0], $0xffff;
	v41 =	vadd.s32 v29, v40  }
0x3ba: {  	v50 =	vld.idx.msk [tilespmem:v44+s19+$0x0], $0xffff;
	[tilespmem:s0+$0xFFFFF870] =	vst v22;
	v46 =	vadd.s32 v29, v38  }
0x3bb: {  	v48 =	vadd.s32 v29, v37;
	v32 =	vld [tilespmem:$0x1FEE0]  }
0x3bc: {  	v53 =	vld.idx.msk [tilespmem:v45+s19+$0x0], $0xffff;
	v52 =	vadd.s32 v29, v39;
	[tilespmem:s0+$0xFFFFF060] =	vst v43  }
0x3bd: {  	v54 =	vadd.s32 v29, v34;
	[tilespmem:s0+$0xFFFFF810] =	vst v2;
	v2 =	vld.idx.msk [tilespmem:v3+s19+$0x0], $0xffff  }
0x3be: {  	v47 =	vld.idx.msk [tilespmem:v41+s19+$0x0], $0xffff  }
0x3bf: {  	v3 =	vadd.s32 v29, v35;
	[tilespmem:s0+$0xFFFFF820] =	vst v0;
	v0 =	vld.idx.msk [tilespmem:v46+s19+$0x0], $0xffff  }
0x3c0: {  	[tilespmem:s0+$0xFFFFF800] =	vst v49;
	v12 =	vld.idx.msk [tilespmem:v48+s19+$0x0], $0xffff;
	v51 =	vadd.s32 v32, v40  }
0x3c1: {  	[tilespmem:s0+$0xFFFFF830] =	vst v10;
	v58 =	vld.idx.msk [tilespmem:v52+s19+$0x0], $0xffff  }
0x3c2: {  	v59 =	vld.idx.msk [tilespmem:v54+s19+$0x0], $0xffff  }
0x3c3: {  	[tilespmem:s0+$0xFFFFF840] =	vst v50;
	v54 =	vld [tilespmem:s23+$0xFFFFFFD0]  }
0x3c4: {  	v55 =	vadd.s32 v29, v36;
	v3 =	vld.idx.msk [tilespmem:v3+s19+$0x0], $0xffff;
	[tilespmem:s0+$0x70] =	vst v47  }
0x3c5: {  	v56 =	vadd.s32 v29, v33;
	v6 =	vld.idx.msk [tilespmem:v51+s19+$0x0], $0xffff  }
0x3c6: {  	v57 =	vadd.s32 v32, v38;
	v62 =	vld [tilespmem:$0x1FFA0]  }
0x3c7: {  	v61 =	vadd.s32 v32, v39;
	[tilespmem:s0+$0xFFFFF850] =	vst v53;
	v53 =	vld [tilespmem:s23+$0x30]  }
0x3c8: {  	v63 =	vadd.s32 v32, v37;
	[tilespmem:s0+$0x30] =	vst v59;
	v59 =	vld [tilespmem:s23+$0x20]  }
0x3c9: {  	[tilespmem:s0+$0xFFFFF860] =	vst v2;
	v2 =	vld.idx.msk [tilespmem:v55+s19+$0x0], $0xffff  }
0x3ca: {  	[tilespmem:s0+$0x10] =	vst v0;
	v0 =	vld.idx.msk [tilespmem:v56+s19+$0x0], $0xffff  }
0x3cb: {  	[tilespmem:s0+$0x0] =	vst v58;
	v9 =	vld.idx.msk [tilespmem:v57+s19+$0x0], $0xffff  }
0x3cc: {  	v16 =	vadd.s32 v32, v34;
	[tilespmem:s0+$0x20] =	vst v12;
	v20 =	vld.idx.msk [tilespmem:v61+s19+$0x0], $0xffff  }
0x3cd: {  	v17 =	vadd.s32 v32, v35;
	v21 =	vld.idx.msk [tilespmem:v63+s19+$0x0], $0xffff  }
0x3ce: {  	v18 =	vadd.s32 v32, v36;
	v55 =	vld [tilespmem:s23+$0xFFFFFFE0]  }
0x3cf: {  	v19 =	vadd.s32 v32, v33;
	v57 =	vld [tilespmem:s23+$0xFFFFFFF0];
	[tilespmem:s0+$0x870] =	vst v6  }
0x3d0: {  	v31 =	vld [tilespmem:$0x1FEF0]  }
0x3d1: {  	v60 =	vadd.s32 v62, v40;
	[tilespmem:s0+$0x40] =	vst v3;
	v3 =	vld.idx.msk [tilespmem:v16+s19+$0x0], $0xffff  }
0x3d2: {  	v23 =	vadd.s32 v62, v39;
	[tilespmem:s0+$0x50] =	vst v2;
	v2 =	vld.idx.msk [tilespmem:v17+s19+$0x0], $0xffff  }
0x3d3: {  	v41 =	vadd.s32 v62, v37;
	[tilespmem:s0+$0x60] =	vst v0;
	v0 =	vld.idx.msk [tilespmem:v18+s19+$0x0], $0xffff  }
0x3d4: {  	v42 =	vadd.s32 v62, v34;
	v10 =	vld.idx.msk [tilespmem:v19+s19+$0x0], $0xffff  }
0x3d5: {  	v43 =	vadd.s32 v62, v35;
	v17 =	vld [tilespmem:s23+$0x10]  }
0x3d6: {  	v44 =	vadd.s32 v62, v36;
	[tilespmem:s0+$0x800] =	vst v20;
	v8 =	vld.idx.msk [tilespmem:v60+s19+$0x0], $0xffff  }
0x3d7: {  	v46 =	vadd.s32 v62, v33;
	[tilespmem:s0+$0x820] =	vst v21;
	v45 =	vld.idx.msk [tilespmem:v23+s19+$0x0], $0xffff  }
0x3d8: {  	v22 =	vadd.s32 v31, v40;
	[tilespmem:s0+$0x830] =	vst v3;
	v3 =	vld.idx.msk [tilespmem:v41+s19+$0x0], $0xffff  }
0x3d9: {  	v40 =	vadd.s32 v62, v38;
	[tilespmem:s0+$0x840] =	vst v2;
	v2 =	vld.idx.msk [tilespmem:v42+s19+$0x0], $0xffff  }
0x3da: {  	v48 =	vadd.s32 v31, v39;
	[tilespmem:s0+$0x850] =	vst v0;
	v0 =	vld.idx.msk [tilespmem:v43+s19+$0x0], $0xffff  }
0x3db: {  	v50 =	vadd.s32 v31, v37;
	[tilespmem:s0+$0x860] =	vst v10;
	v51 =	vld.idx.msk [tilespmem:v44+s19+$0x0], $0xffff  }
0x3dc: {  	v41 =	vmul.u32 $0x390, v55;
	v52 =	vld.idx.msk [tilespmem:v46+s19+$0x0], $0xffff;
	[tilespmem:s0+$0x1070] =	vst v8  }
0x3dd: {  	[tilespmem:s0+$0x810] =	vst v9;
	v56 =	vadd.s32 v31, v34;
	v37 =	vmul.u32 $0x390, v57;
	v5 =	vld.idx.msk [tilespmem:v22+s19+$0x0], $0xffff  }
0x3de: {  	v49 =	vadd.s32 v31, v38;
	v38 =	vmul.u32 $0x390, v15;
	v61 =	vadd.s32 v1, v41;
	[tilespmem:s0+$0x1000] =	vst v45;
	v47 =	vld.idx.msk [tilespmem:v40+s19+$0x0], $0xffff  }
0x3df: {  	v63 =	vadd.s32 v1, v37;
	v7 =	vld.idx.msk [tilespmem:v48+s19+$0x0], $0xffff;
	[tilespmem:s0+$0x1020] =	vst v3  }
0x3e0: {  	v18 =	vadd.s32 v1, v38;
	v3 =	vld.idx.msk [tilespmem:v50+s19+$0x0], $0xffff  }
0x3e1: {  	v14 =	vadd.s32 v31, v35;
	[tilespmem:s0+$0x1030] =	vst v2;
	v2 =	vld [tilespmem:s23+$0xFFFFFFC0]  }
0x3e2: {  	v16 =	vadd.s32 v31, v36;
	v58 =	vadd.s32 v31, v33;
	v39 =	vmul.u32 $0x390, v17;
	v33 =	vld.idx.msk [tilespmem:v56+s19+$0x0], $0xffff  }
0x3e3: {  	v43 =	vmul.u32 $0x390, v53;
	v21 =	vld.idx.msk [tilespmem:v61+s19+$0x0], $0xffff  }
0x3e4: {  	v19 =	vadd.s32 v1, v39;
	v40 =	vmul.u32 $0x390, v54;
	[tilespmem:s0+$0x1040] =	vst v0;
	v9 =	vld.idx.msk [tilespmem:v63+s19+$0x0], $0xffff  }
0x3e5: {  	v60 =	vadd.s32 v1, v43;
	[tilespmem:s0+$0x1050] =	vst v51;
	v46 =	vld.idx.msk [tilespmem:v18+s19+$0x0], $0xffff  }
0x3e6: {  	v0 =	vadd.s32 v1, v40;
	[tilespmem:s0+$0x1060] =	vst v52;
	v34 =	vld.idx.msk [tilespmem:v14+s19+$0x0], $0xffff  }
0x3e7: {  	v42 =	vmul.u32 $0x390, v59;
	v35 =	vld.idx.msk [tilespmem:v16+s19+$0x0], $0xffff;
	[tilespmem:s0+$0x1010] =	vst v47  }
0x3e8: {  	v48 =	vadd.s32 v26, v38;
	v36 =	vld.idx.msk [tilespmem:v58+s19+$0x0], $0xffff;
	[tilespmem:s0+$0x1870] =	vst v5  }
0x3e9: {  	v6 =	vld.idx.msk [tilespmem:v19+s19+$0x0], $0xffff;
	[tilespmem:s0+$0x1800] =	vst v7;
	v44 =	vmul.u32 $0x390, v2;
	v2 =	vadd.s32 v1, v42  }
0x3ea: {  	s1 =	simm.s32 $0x12C80;
	v20 =	vld.idx.msk [tilespmem:v60+s19+$0x0], $0xffff;
	[tilespmem:s0+$0x1820] =	vst v3;
	v3 =	vadd.s32 v26, v41  }
0x3eb: {  	v22 =	vadd.s32 v26, v43;
	v0 =	vld.idx.msk [tilespmem:v0+s19+$0x0], $0xffff;
	[tilespmem:s1+$0xFFFFE020] =	vst v21  }
0x3ec: {  	v47 =	vadd.s32 v26, v37;
	v4 =	vld.idx.msk [tilespmem:v49+s19+$0x0], $0xffff;
	[tilespmem:s1+$0xFFFFE040] =	vst v46  }
0x3ed: {  	[tilespmem:s1+$0xFFFFE030] =	vst v9;
	v23 =	vadd.s32 v1, v44;
	v10 =	vld.idx.msk [tilespmem:v48+s19+$0x0], $0xffff  }
0x3ee: {  	v45 =	vadd.s32 v26, v40;
	[tilespmem:s1+$0xFFFFE050] =	vst v6;
	v2 =	vld.idx.msk [tilespmem:v2+s19+$0x0], $0xffff  }
0x3ef: {  	v49 =	vadd.s32 v26, v39;
	[tilespmem:s1+$0xFFFFE070] =	vst v20;
	v3 =	vld.idx.msk [tilespmem:v3+s19+$0x0], $0xffff  }
0x3f0: {  	v52 =	vadd.s32 v26, v42;
	[tilespmem:s1+$0xFFFFE010] =	vst v0;
	v0 =	vld.idx.msk [tilespmem:v22+s19+$0x0], $0xffff  }
0x3f1: {  	v50 =	vadd.s32 v27, v43;
	v12 =	vld.idx.msk [tilespmem:v47+s19+$0x0], $0xffff;
	[tilespmem:s0+$0x1810] =	vst v4  }
0x3f2: {  	v54 =	vadd.s32 v27, v38;
	v7 =	vld.idx.msk [tilespmem:v23+s19+$0x0], $0xffff;
	[tilespmem:s1+$0xFFFFE840] =	vst v10  }
0x3f3: {  	v51 =	vadd.s32 v26, v44;
	v4 =	vld.idx.msk [tilespmem:v45+s19+$0x0], $0xffff;
	[tilespmem:s1+$0xFFFFE060] =	vst v2  }
0x3f4: {  	v53 =	vadd.s32 v27, v40;
	v8 =	vld.idx.msk [tilespmem:v49+s19+$0x0], $0xffff;
	[tilespmem:s1+$0xFFFFE820] =	vst v3  }
0x3f5: {  	v2 =	vadd.s32 v27, v41;
	[tilespmem:s1+$0xFFFFE870] =	vst v0;
	v3 =	vld.idx.msk [tilespmem:v52+s19+$0x0], $0xffff  }
0x3f6: {  	[tilespmem:s1+$0xFFFFE830] =	vst v12;
	v0 =	vadd.s32 v27, v37;
	v5 =	vld.idx.msk [tilespmem:v50+s19+$0x0], $0xffff  }
0x3f7: {  	v57 =	vadd.s32 v27, v39;
	[tilespmem:s1+$0xFFFFE000] =	vst v7;
	v7 =	vld.idx.msk [tilespmem:v54+s19+$0x0], $0xffff  }
0x3f8: {  	v55 =	vadd.s32 v28, v43;
	[tilespmem:s1+$0xFFFFE810] =	vst v4;
	v9 =	vld.idx.msk [tilespmem:v51+s19+$0x0], $0xffff  }
0x3f9: {  	v56 =	vadd.s32 v27, v44;
	[tilespmem:s1+$0xFFFFE850] =	vst v8;
	v6 =	vld.idx.msk [tilespmem:v53+s19+$0x0], $0xffff  }
0x3fa: {  	v59 =	vadd.s32 v28, v40;
	v2 =	vld.idx.msk [tilespmem:v2+s19+$0x0], $0xffff;
	[tilespmem:s1+$0xFFFFE860] =	vst v3  }
0x3fb: {  	v58 =	vadd.s32 v27, v42;
	v0 =	vld.idx.msk [tilespmem:v0+s19+$0x0], $0xffff;
	[tilespmem:s1+$0xFFFFF070] =	vst v5  }
0x3fc: {  	v60 =	vadd.s32 v28, v41;
	v3 =	vld.idx.msk [tilespmem:v57+s19+$0x0], $0xffff;
	[tilespmem:s1+$0xFFFFF040] =	vst v7  }
0x3fd: {  	v17 =	vadd.s32 v28, v38;
	[tilespmem:s1+$0xFFFFE800] =	vst v9;
	v4 =	vld.idx.msk [tilespmem:v55+s19+$0x0], $0xffff  }
0x3fe: {  	v61 =	vadd.s32 v28, v37;
	[tilespmem:s1+$0xFFFFF010] =	vst v6;
	v11 =	vld.idx.msk [tilespmem:v56+s19+$0x0], $0xffff  }
0x3ff: {  	v63 =	vadd.s32 v29, v43;
	v8 =	vld.idx.msk [tilespmem:v59+s19+$0x0], $0xffff;
	[tilespmem:s1+$0xFFFFF020] =	vst v2  }
0x400: {  	v16 =	vadd.s32 v28, v44;
	v2 =	vld.idx.msk [tilespmem:v58+s19+$0x0], $0xffff;
	[tilespmem:s1+$0xFFFFF030] =	vst v0  }
0x401: {  	v19 =	vadd.s32 v29, v40;
	v5 =	vld.idx.msk [tilespmem:v60+s19+$0x0], $0xffff;
	[tilespmem:s1+$0xFFFFF050] =	vst v3  }
0x402: {  	v0 =	vadd.s32 v28, v39;
	v3 =	vld.idx.msk [tilespmem:v17+s19+$0x0], $0xffff;
	[tilespmem:s1+$0xFFFFF870] =	vst v4  }
0x403: {  	v18 =	vadd.s32 v28, v42;
	v9 =	vld.idx.msk [tilespmem:v61+s19+$0x0], $0xffff;
	[tilespmem:s1+$0xFFFFF000] =	vst v11  }
0x404: {  	v20 =	vadd.s32 v29, v41;
	v6 =	vld.idx.msk [tilespmem:v63+s19+$0x0], $0xffff;
	[tilespmem:s1+$0xFFFFF810] =	vst v8  }
0x405: {  	v45 =	vadd.s32 v29, v38;
	v12 =	vld.idx.msk [tilespmem:v16+s19+$0x0], $0xffff;
	[tilespmem:s1+$0xFFFFF060] =	vst v2  }
0x406: {  	v22 =	vadd.s32 v29, v37;
	v4 =	vld.idx.msk [tilespmem:v19+s19+$0x0], $0xffff;
	[tilespmem:s1+$0xFFFFF820] =	vst v5  }
0x407: {  	v2 =	vadd.s32 v32, v43;
	v0 =	vld.idx.msk [tilespmem:v0+s19+$0x0], $0xffff;
	[tilespmem:s1+$0xFFFFF840] =	vst v3  }
0x408: {  	v21 =	vadd.s32 v29, v44;
	v23 =	vld.idx.msk [tilespmem:v18+s19+$0x0], $0xffff;
	[tilespmem:s1+$0xFFFFF830] =	vst v9  }
0x409: {  	v48 =	vadd.s32 v32, v40;
	v11 =	vld.idx.msk [tilespmem:v20+s19+$0x0], $0xffff;
	[tilespmem:s1+$0x70] =	vst v6  }
0x40a: {  	v46 =	vadd.s32 v29, v39;
	v7 =	vld.idx.msk [tilespmem:v45+s19+$0x0], $0xffff;
	[tilespmem:s1+$0xFFFFF800] =	vst v12  }
0x40b: {  	v47 =	vadd.s32 v29, v42;
	v3 =	vld.idx.msk [tilespmem:v22+s19+$0x0], $0xffff;
	[tilespmem:s1+$0x10] =	vst v4  }
0x40c: {  	v50 =	vadd.s32 v32, v41;
	v2 =	vld.idx.msk [tilespmem:v2+s19+$0x0], $0xffff;
	[tilespmem:s1+$0xFFFFF850] =	vst v0  }
0x40d: {  	v53 =	vadd.s32 v32, v38;
	v10 =	vld.idx.msk [tilespmem:v21+s19+$0x0], $0xffff;
	[tilespmem:s1+$0xFFFFF860] =	vst v23  }
0x40e: {  	v52 =	vadd.s32 v32, v37;
	v12 =	vld.idx.msk [tilespmem:v48+s19+$0x0], $0xffff;
	[tilespmem:s1+$0x20] =	vst v11  }
0x40f: {  	v0 =	vadd.s32 v62, v43;
	v51 =	vld.idx.msk [tilespmem:v46+s19+$0x0], $0xffff;
	[tilespmem:s1+$0x40] =	vst v7  }
0x410: {  	v49 =	vadd.s32 v32, v44;
	v6 =	vld.idx.msk [tilespmem:v47+s19+$0x0], $0xffff;
	[tilespmem:s1+$0x30] =	vst v3  }
0x411: {  	v57 =	vadd.s32 v62, v40;
	v3 =	vld.idx.msk [tilespmem:v50+s19+$0x0], $0xffff;
	[tilespmem:s1+$0x870] =	vst v2  }
0x412: {  	v54 =	vadd.s32 v32, v42;
	v11 =	vld.idx.msk [tilespmem:v53+s19+$0x0], $0xffff;
	[tilespmem:s1+$0x0] =	vst v10  }
0x413: {  	v58 =	vadd.s32 v62, v41;
	v9 =	vld.idx.msk [tilespmem:v52+s19+$0x0], $0xffff;
	[tilespmem:s1+$0x810] =	vst v12  }
0x414: {  	v2 =	vadd.s32 v32, v39;
	v0 =	vld.idx.msk [tilespmem:v0+s19+$0x0], $0xffff;
	[tilespmem:s1+$0x50] =	vst v51  }
0x415: {  	v59 =	vadd.s32 v62, v37;
	v8 =	vld.idx.msk [tilespmem:v49+s19+$0x0], $0xffff;
	[tilespmem:s1+$0x60] =	vst v6  }
0x416: {  	v56 =	vadd.s32 v62, v44;
	v4 =	vld.idx.msk [tilespmem:v57+s19+$0x0], $0xffff;
	[tilespmem:s1+$0x820] =	vst v3  }
0x417: {  	v55 =	vadd.s32 v31, v43;
	v10 =	vld.idx.msk [tilespmem:v54+s19+$0x0], $0xffff;
	[tilespmem:s1+$0x840] =	vst v11  }
0x418: {  	v3 =	vadd.s32 v62, v42;
	[tilespmem:s1+$0x830] =	vst v9;
	v6 =	vld.idx.msk [tilespmem:v58+s19+$0x0], $0xffff  }
0x419: {  	v63 =	vadd.s32 v31, v40;
	v2 =	vld.idx.msk [tilespmem:v2+s19+$0x0], $0xffff;
	[tilespmem:s1+$0x1070] =	vst v0  }
0x41a: {  	v12 =	vld.idx.msk [tilespmem:v59+s19+$0x0], $0xffff;
	v0 =	vadd.s32 v62, v38;
	[tilespmem:s1+$0x800] =	vst v8  }
0x41b: {  	v60 =	vadd.s32 v62, v39;
	[tilespmem:s1+$0x1010] =	vst v4;
	v7 =	vld.idx.msk [tilespmem:v56+s19+$0x0], $0xffff  }
0x41c: {  	v61 =	vadd.s32 v31, v44;
	v5 =	vld.idx.msk [tilespmem:v55+s19+$0x0], $0xffff;
	[tilespmem:s1+$0x860] =	vst v10  }
0x41d: {  	v46 =	vld.idx.msk [tilespmem:v3+s19+$0x0], $0xffff;
	[tilespmem:s1+$0x1020] =	vst v6  }
0x41e: {  	[tilespmem:s1+$0x850] =	vst v2;
	v2 =	vadd.s32 v31, v41;
	v41 =	vadd.s32 v31, v37;
	v37 =	vld.idx.msk [tilespmem:v63+s19+$0x0], $0xffff  }
0x41f: {  	[tilespmem:s1+$0x1030] =	vst v12;
	v43 =	vld.idx.msk [tilespmem:v0+s19+$0x0], $0xffff  }
0x420: {  	v44 =	vld.idx.msk [tilespmem:v60+s19+$0x0], $0xffff;
	[tilespmem:s1+$0x1000] =	vst v7  }
0x421: {  	[tilespmem:s1+$0x1870] =	vst v5;
	v45 =	vld.idx.msk [tilespmem:v61+s19+$0x0], $0xffff  }
0x422: {  	v25 =	vld [tilespmem:$0x1FF40]  }
0x423: {  	v30 =	vld [tilespmem:$0x1FF90]  }
0x424: {  	s6 =	simm.s32 $0x8;
	s4 =	simm.s32 $0x942;
	v40 =	vadd.s32 v31, v38;
	v39 =	vadd.s32 v31, v39;
	v38 =	vadd.s32 v31, v42;
	v42 =	vld.idx.msk [tilespmem:v2+s19+$0x0], $0xffff  }
.LBB2_15:
0x425: {  	v0 =	vld [tilespmem:s4+$0x30]  }
0x426: {  	v2 =	vld [tilespmem:s4+$0xFFFFFFD0]  }
0x427: {  	v3 =	vld [tilespmem:s4+$0xFFFFFFE0];
	[tilespmem:s1+$0x1040] =	vst v43  }
0x428: {  	v4 =	vld [tilespmem:s4+$0xFFFFFFF0];
	[tilespmem:s1+$0x1050] =	vst v44  }
0x429: {  	v63 =	vld [tilespmem:$0x1FFA0];
	[tilespmem:s1+$0x1060] =	vst v46  }
0x42a: {  	[tilespmem:s1+$0x1800] =	vst v45;
	v5 =	vld [tilespmem:s4+$0x0]  }
0x42b: {  	[tilespmem:s1+$0x1810] =	vst v37;
	v6 =	vld [tilespmem:s4+$0x10];
	v37 =	vmul.u32 $0x390, v0  }
0x42c: {  	[tilespmem:s1+$0x1820] =	vst v42;
	v42 =	vmul.u32 $0x390, v2;
	v0 =	vld [tilespmem:s4+$0x20]  }
0x42d: {  	[tilespmem:s0+$0x1830] =	vst v33;
	v2 =	vld [tilespmem:s4+$0xFFFFFFC0];
	v43 =	vmul.u32 $0x390, v3;
	v3 =	vadd.s32 v1, v37  }
0x42e: {  	v33 =	vld.idx.msk [tilespmem:v41+s19+$0x0], $0xffff;
	[tilespmem:s0+$0x1840] =	vst v34;
	v4 =	vmul.u32 $0x390, v4;
	v7 =	vadd.s32 v1, v42  }
0x42f: {  	[tilespmem:s0+$0x1850] =	vst v35;
	v34 =	vld.idx.msk [tilespmem:v40+s19+$0x0], $0xffff;
	v9 =	vadd.s32 v1, v43;
	v5 =	vmul.u32 $0x390, v5  }
0x430: {  	[tilespmem:s0+$0x1860] =	vst v36;
	v35 =	vld.idx.msk [tilespmem:v39+s19+$0x0], $0xffff;
	v11 =	vadd.s32 v1, v4;
	v6 =	vmul.u32 $0x390, v6  }
0x431: {  	v36 =	vld.idx.msk [tilespmem:v38+s19+$0x0], $0xffff;
	v0 =	vmul.u32 $0x390, v0;
	v13 =	vadd.s32 v1, v5  }
0x432: {  	v2 =	vmul.u32 $0x390, v2;
	v15 =	vadd.s32 v1, v6;
	v3 =	vld.idx.msk [tilespmem:v3+s19+$0x0], $0xffff  }
0x433: {  	v7 =	vld.idx.msk [tilespmem:v7+s19+$0x0], $0xffff;
	v18 =	vadd.s32 v1, v0  }
0x434: {  	v20 =	vadd.s32 v1, v2;
	v9 =	vld.idx.msk [tilespmem:v9+s19+$0x0], $0xffff  }
0x435: {  	v22 =	vadd.s32 v26, v37;
	v11 =	vld.idx.msk [tilespmem:v11+s19+$0x0], $0xffff  }
0x436: {  	v8 =	vadd.s32 v26, v42;
	v13 =	vld.idx.msk [tilespmem:v13+s19+$0x0], $0xffff  }
0x437: {  	s0 =	smov.u32 s1;
	s1 =	sadd.s32 $0x80, s1;
	v10 =	vadd.s32 v26, v43;
	v15 =	vld.idx.msk [tilespmem:v15+s19+$0x0], $0xffff  }
0x438: {  	v12 =	vadd.s32 v26, v4;
	v18 =	vld.idx.msk [tilespmem:v18+s19+$0x0], $0xffff;
	[tilespmem:s1+$0xFFFFE070] =	vst v3  }
0x439: {  	v14 =	vadd.s32 v26, v5;
	[tilespmem:s1+$0xFFFFE010] =	vst v7;
	v20 =	vld.idx.msk [tilespmem:v20+s19+$0x0], $0xffff  }
0x43a: {  	v16 =	vadd.s32 v26, v6;
	[tilespmem:s1+$0xFFFFE020] =	vst v9;
	v22 =	vld.idx.msk [tilespmem:v22+s19+$0x0], $0xffff  }
0x43b: {  	v21 =	vadd.s32 v26, v2;
	[tilespmem:s1+$0xFFFFE030] =	vst v11;
	v8 =	vld.idx.msk [tilespmem:v8+s19+$0x0], $0xffff  }
0x43c: {  	v17 =	vadd.s32 v27, v42;
	v19 =	vadd.s32 v26, v0;
	v10 =	vld.idx.msk [tilespmem:v10+s19+$0x0], $0xffff;
	[tilespmem:s1+$0xFFFFE040] =	vst v13  }
0x43d: {  	v24 =	vadd.s32 v27, v43;
	v61 =	vadd.s32 v27, v37;
	v12 =	vld.idx.msk [tilespmem:v12+s19+$0x0], $0xffff;
	[tilespmem:s1+$0xFFFFE050] =	vst v15  }
0x43e: {  	v38 =	vadd.s32 v27, v4;
	v47 =	vadd.s32 v28, v42;
	[tilespmem:s1+$0xFFFFE060] =	vst v18;
	v14 =	vld.idx.msk [tilespmem:v14+s19+$0x0], $0xffff  }
0x43f: {  	v48 =	vadd.s32 v28, v43;
	v59 =	vadd.s32 v62, v42;
	[tilespmem:s1+$0xFFFFE000] =	vst v20;
	v16 =	vld.idx.msk [tilespmem:v16+s19+$0x0], $0xffff  }
0x440: {  	v60 =	vadd.s32 v62, v43;
	v23 =	vadd.s32 v27, v2;
	[tilespmem:s1+$0xFFFFE870] =	vst v22;
	v21 =	vld.idx.msk [tilespmem:v21+s19+$0x0], $0xffff  }
0x441: {  	v39 =	vadd.s32 v27, v5;
	v44 =	vadd.s32 v27, v6;
	[tilespmem:s1+$0xFFFFE820] =	vst v10;
	v10 =	vld.idx.msk [tilespmem:v19+s19+$0x0], $0xffff  }
0x442: {  	v45 =	vadd.s32 v27, v0;
	v58 =	vadd.s32 v62, v2;
	[tilespmem:s1+$0xFFFFE810] =	vst v8;
	v11 =	vld.idx.msk [tilespmem:v61+s19+$0x0], $0xffff  }
0x443: {  	v9 =	vadd.s32 v29, v43;
	v18 =	vadd.s32 v32, v43;
	[tilespmem:s1+$0xFFFFE830] =	vst v12;
	v17 =	vld.idx.msk [tilespmem:v17+s19+$0x0], $0xffff  }
0x444: {  	v19 =	vadd.s32 v28, v37;
	v12 =	vadd.s32 v62, v4;
	v24 =	vld.idx.msk [tilespmem:v24+s19+$0x0], $0xffff;
	[tilespmem:s1+$0xFFFFE840] =	vst v14  }
0x445: {  	v61 =	vadd.s32 v62, v6;
	v14 =	vadd.s32 v62, v5;
	v62 =	vld.idx.msk [tilespmem:v38+s19+$0x0], $0xffff;
	[tilespmem:s1+$0xFFFFE850] =	vst v16  }
0x446: {  	v16 =	vadd.s32 v63, v0;
	v63 =	vadd.s32 v31, v43;
	[tilespmem:s1+$0xFFFFE800] =	vst v21;
	v43 =	vld.idx.msk [tilespmem:v39+s19+$0x0], $0xffff  }
0x447: {  	v49 =	vadd.s32 v28, v4;
	v54 =	vadd.s32 v29, v0;
	v7 =	vadd.s32 v28, v0;
	v21 =	vld.idx.msk [tilespmem:v23+s19+$0x0], $0xffff  }
0x448: {  	v8 =	vadd.s32 v32, v0;
	[tilespmem:s1+$0xFFFFE860] =	vst v10;
	v38 =	vadd.s32 v31, v0;
	v0 =	vld.idx.msk [tilespmem:v44+s19+$0x0], $0xffff  }
0x449: {  	v53 =	vadd.s32 v29, v4;
	v57 =	vadd.s32 v32, v4;
	[tilespmem:s1+$0xFFFFF070] =	vst v11;
	v10 =	vld.idx.msk [tilespmem:v45+s19+$0x0], $0xffff  }
0x44a: {  	v41 =	vadd.s32 v31, v4;
	v46 =	vadd.s32 v28, v2;
	[tilespmem:s1+$0xFFFFF010] =	vst v17;
	v4 =	vld.idx.msk [tilespmem:v19+s19+$0x0], $0xffff  }
0x44b: {  	v50 =	vadd.s32 v28, v5;
	[tilespmem:s1+$0xFFFFF020] =	vst v24;
	v44 =	vld.idx.msk [tilespmem:v47+s19+$0x0], $0xffff  }
0x44c: {  	v3 =	vadd.s32 v28, v6;
	v45 =	vld.idx.msk [tilespmem:v48+s19+$0x0], $0xffff;
	[tilespmem:s1+$0xFFFFF030] =	vst v62  }
0x44d: {  	v52 =	vadd.s32 v29, v42;
	v62 =	vld [tilespmem:$0x1FFA0];
	[tilespmem:s1+$0xFFFFF040] =	vst v43  }
0x44e: {  	v40 =	vadd.s32 v31, v5;
	v23 =	vadd.s32 v29, v37;
	v47 =	vld.idx.msk [tilespmem:v49+s19+$0x0], $0xffff;
	[tilespmem:s1+$0xFFFFF000] =	vst v21  }
0x44f: {  	v13 =	vadd.s32 v29, v5;
	v20 =	vadd.s32 v32, v5;
	[tilespmem:s1+$0xFFFFF050] =	vst v0;
	v5 =	vld.idx.msk [tilespmem:v46+s19+$0x0], $0xffff  }
0x450: {  	[tilespmem:s1+$0xFFFFF060] =	vst v10;
	v0 =	vld.idx.msk [tilespmem:v50+s19+$0x0], $0xffff  }
0x451: {  	[tilespmem:s1+$0xFFFFF870] =	vst v4;
	v3 =	vld.idx.msk [tilespmem:v3+s19+$0x0], $0xffff  }
0x452: {  	v51 =	vadd.s32 v29, v2;
	[tilespmem:s1+$0xFFFFF810] =	vst v44;
	v7 =	vld.idx.msk [tilespmem:v7+s19+$0x0], $0xffff  }
0x453: {  	[tilespmem:s1+$0xFFFFF820] =	vst v45;
	v4 =	vld.idx.msk [tilespmem:v23+s19+$0x0], $0xffff  }
0x454: {  	v15 =	vadd.s32 v29, v6;
	v49 =	vld.idx.msk [tilespmem:v52+s19+$0x0], $0xffff;
	[tilespmem:s1+$0xFFFFF830] =	vst v47  }
0x455: {  	v9 =	vld.idx.msk [tilespmem:v9+s19+$0x0], $0xffff;
	[tilespmem:s1+$0xFFFFF800] =	vst v5  }
0x456: {  	v48 =	vadd.s32 v32, v37;
	[tilespmem:s1+$0xFFFFF840] =	vst v0;
	v0 =	vld.idx.msk [tilespmem:v53+s19+$0x0], $0xffff  }
0x457: {  	v56 =	vadd.s32 v32, v42;
	[tilespmem:s1+$0xFFFFF850] =	vst v3;
	v5 =	vld.idx.msk [tilespmem:v51+s19+$0x0], $0xffff  }
0x458: {  	[tilespmem:s1+$0xFFFFF860] =	vst v7;
	v50 =	vld.idx.msk [tilespmem:v13+s19+$0x0], $0xffff  }
0x459: {  	v55 =	vadd.s32 v32, v2;
	[tilespmem:s1+$0x70] =	vst v4;
	v51 =	vld.idx.msk [tilespmem:v15+s19+$0x0], $0xffff  }
0x45a: {  	[tilespmem:s1+$0x10] =	vst v49;
	v52 =	vld.idx.msk [tilespmem:v54+s19+$0x0], $0xffff  }
0x45b: {  	[tilespmem:s1+$0x20] =	vst v9;
	v4 =	vld.idx.msk [tilespmem:v48+s19+$0x0], $0xffff  }
0x45c: {  	v22 =	vadd.s32 v32, v6;
	v10 =	vld.idx.msk [tilespmem:v56+s19+$0x0], $0xffff;
	[tilespmem:s1+$0x30] =	vst v0  }
0x45d: {  	v0 =	vld.idx.msk [tilespmem:v18+s19+$0x0], $0xffff;
	[tilespmem:s1+$0x0] =	vst v5  }
0x45e: {  	v3 =	vadd.s32 v62, v37;
	[tilespmem:s1+$0x40] =	vst v50;
	v53 =	vld.idx.msk [tilespmem:v55+s19+$0x0], $0xffff  }
0x45f: {  	[tilespmem:s1+$0x50] =	vst v51;
	v55 =	vld.idx.msk [tilespmem:v57+s19+$0x0], $0xffff  }
0x460: {  	[tilespmem:s1+$0x60] =	vst v52;
	v56 =	vld.idx.msk [tilespmem:v20+s19+$0x0], $0xffff  }
0x461: {  	[tilespmem:s1+$0x870] =	vst v4;
	v57 =	vld.idx.msk [tilespmem:v22+s19+$0x0], $0xffff  }
0x462: {  	[tilespmem:s1+$0x810] =	vst v10;
	v8 =	vld.idx.msk [tilespmem:v8+s19+$0x0], $0xffff  }
0x463: {  	v3 =	vld.idx.msk [tilespmem:v3+s19+$0x0], $0xffff;
	[tilespmem:s1+$0x820] =	vst v0  }
0x464: {  	v54 =	vadd.s32 v31, v37;
	v0 =	vld.idx.msk [tilespmem:v59+s19+$0x0], $0xffff;
	[tilespmem:s1+$0x800] =	vst v53  }
0x465: {  	v60 =	vld.idx.msk [tilespmem:v60+s19+$0x0], $0xffff;
	[tilespmem:s1+$0x830] =	vst v55  }
0x466: {  	[tilespmem:s1+$0x840] =	vst v56;
	v4 =	vld.idx.msk [tilespmem:v58+s19+$0x0], $0xffff  }
0x467: {  	v42 =	vadd.s32 v31, v42;
	v39 =	vadd.s32 v31, v6;
	[tilespmem:s1+$0x850] =	vst v57;
	v6 =	vld.idx.msk [tilespmem:v12+s19+$0x0], $0xffff  }
0x468: {  	s6 =	sadd.s32 $0x8, s6;
	[tilespmem:s1+$0x1070] =	vst v3;
	v43 =	vld.idx.msk [tilespmem:v14+s19+$0x0], $0xffff  }
0x469: {  	p0 =	slt.u32 s6, $0x78;
	v2 =	vadd.s32 v31, v2;
	[tilespmem:s1+$0x860] =	vst v8;
	v3 =	vld.idx.msk [tilespmem:v54+s19+$0x0], $0xffff  }
.Ltmp8:
0x46a: {  	v44 =	vld.idx.msk [tilespmem:v61+s19+$0x0], $0xffff;
	[tilespmem:s1+$0x1010] =	vst v0;
	(pc) =	sbr.rel @p0 .LBB2_15-.Ltmp8, $4  }
0x46b: {  	v46 =	vld.idx.msk [tilespmem:v16+s19+$0x0], $0xffff;
	[tilespmem:s1+$0x1020] =	vst v60  }
0x46c: {  	v37 =	vld.idx.msk [tilespmem:v42+s19+$0x0], $0xffff;
	[tilespmem:s1+$0x1000] =	vst v4  }
0x46d: {  	v42 =	vld.idx.msk [tilespmem:v63+s19+$0x0], $0xffff;
	[tilespmem:s1+$0x1030] =	vst v6  }
0x46e: {  	s4 =	sadd.s32 $0x81, s4;
	[tilespmem:s1+$0x1870] =	vst v3;
	v45 =	vld.idx.msk [tilespmem:v2+s19+$0x0], $0xffff  }
0x46f: {  	[tilespmem:s1+$0x1040] =	vst v43  }
0x470: {  	[tilespmem:s1+$0x1050] =	vst v44  }
0x471: {  	[tilespmem:s0+$0x1830] =	vst v33  }
0x472: {  	[tilespmem:s0+$0x1840] =	vst v34  }
0x473: {  	[tilespmem:s0+$0x1850] =	vst v35  }
0x474: {  	v0 =	vld.idx.msk [tilespmem:v41+s19+$0x0], $0xffff;
	[tilespmem:s0+$0x1860] =	vst v36  }
0x475: {  	[tilespmem:s1+$0x1060] =	vst v46;
	v2 =	vld.idx.msk [tilespmem:v40+s19+$0x0], $0xffff  }
0x476: {  	v3 =	vld.idx.msk [tilespmem:v39+s19+$0x0], $0xffff;
	[tilespmem:s1+$0x1810] =	vst v37  }
0x477: {  	v4 =	vld.idx.msk [tilespmem:v38+s19+$0x0], $0xffff;
	[tilespmem:s1+$0x1820] =	vst v42  }
0x478: {  	[tilespmem:s1+$0x1800] =	vst v45  }
0x479: {  	[tilespmem:s1+$0x1830] =	vst v0  }
0x47a: {  	[tilespmem:s1+$0x1840] =	vst v2  }
0x47b: {  	[tilespmem:s1+$0x1850] =	vst v3  }
0x47c: {  	s7 =	sadd.s32 s2, s13;
	[tilespmem:s1+$0x1860] =	vst v4  }
0x47d: {  	[hbm4b:s7+s22] =	stream.strided.scatter [tilespmem:s29], [sflag:$0x2], $0x4000, s26, s22, $0x38;
	[tilespmem:$0x14C00] =	vst v63  }
0x47e: {  	_ =	swait.ge [sflag:s30], $0x4000  }
0x47f: {  	[sflag:s30] =	ssyncset.done $0x0  }
0x480: {  	s18 =	simm.s32 $0x840;
	[sflag:s30] =	ssyncadd.s32 $0xFFFFC000  }
0x481: {  	v46 =	vld [tilespmem:s18+$0x30]  }
0x482: {  	v47 =	vld [tilespmem:s18+$0xFFFFFFD0]  }
0x483: {  	v52 =	vld [tilespmem:s18+$0xFFFFFFE0]  }
0x484: {  	v53 =	vld [tilespmem:s18+$0xFFFFFFF0]  }
0x485: {  	v5 =	vld [tilespmem:s18+$0x0]  }
0x486: {  	v24 =	vlaneseq.u32;
	v6 =	vld [tilespmem:s18+$0x10];
	v48 =	vmul.u32 $0x390, v46  }
0x487: {  	v33 =	vor.u32 $0x200, v24;
	v54 =	vld [tilespmem:s18+$0x20];
	v46 =	vmul.u32 $0x390, v47  }
0x488: {  	v56 =	vld [tilespmem:s18+$0xFFFFFFC0];
	v45 =	vmul.u32 $0x390, v52;
	v55 =	vadd.s32 v33, v48  }
0x489: {  	v42 =	vmul.u32 $0x390, v53;
	v7 =	vadd.s32 v33, v46  }
0x48a: {  	s23 =	simm.s32 $0x8C1;
	v43 =	vmul.u32 $0x390, v5;
	v57 =	vadd.s32 v33, v45  }
0x48b: {  	v1 =	vld [tilespmem:s23+$0xFFFFFFD0];
	v44 =	vmul.u32 $0x390, v6;
	v58 =	vadd.s32 v33, v42  }
0x48c: {  	v15 =	vld [tilespmem:s23+$0x0];
	v41 =	vmul.u32 $0x390, v54;
	v59 =	vadd.s32 v33, v43  }
0x48d: {  	v47 =	vmul.u32 $0x390, v56;
	v60 =	vadd.s32 v33, v44;
	v2 =	vld.idx.msk [tilespmem:v55+s19+$0x0], $0xffff  }
0x48e: {  	v62 =	vadd.s32 v33, v41;
	v61 =	vld.idx.msk [tilespmem:v7+s19+$0x0], $0xffff  }
0x48f: {  	v34 =	vor.u32 $0x210, v24;
	v9 =	vadd.s32 v33, v47;
	v4 =	vld.idx.msk [tilespmem:v57+s19+$0x0], $0xffff  }
0x490: {  	v8 =	vadd.s32 v34, v48;
	v5 =	vld.idx.msk [tilespmem:v58+s19+$0x0], $0xffff  }
0x491: {  	v10 =	vadd.s32 v34, v46;
	v6 =	vld.idx.msk [tilespmem:v59+s19+$0x0], $0xffff  }
0x492: {  	v11 =	vadd.s32 v34, v45;
	v0 =	vld.idx.msk [tilespmem:v60+s19+$0x0], $0xffff  }
0x493: {  	s0 =	simm.s32 $0xEC00;
	v12 =	vadd.s32 v34, v42;
	v7 =	vld.idx.msk [tilespmem:v62+s19+$0x0], $0xffff  }
0x494: {  	v63 =	vadd.s32 v34, v43;
	v16 =	vld.idx.msk [tilespmem:v9+s19+$0x0], $0xffff;
	[tilespmem:s0+$0xFFFFE070] =	vst v2  }
0x495: {  	v13 =	vadd.s32 v34, v44;
	[tilespmem:s0+$0xFFFFE010] =	vst v61;
	v8 =	vld.idx.msk [tilespmem:v8+s19+$0x0], $0xffff  }
0x496: {  	v19 =	vadd.s32 v34, v47;
	[tilespmem:s0+$0xFFFFE020] =	vst v4;
	v17 =	vld.idx.msk [tilespmem:v10+s19+$0x0], $0xffff  }
0x497: {  	v35 =	vor.u32 $0x220, v24;
	v40 =	vadd.s32 v34, v41;
	[tilespmem:s0+$0xFFFFE030] =	vst v5;
	v32 =	vld.idx.msk [tilespmem:v11+s19+$0x0], $0xffff  }
0x498: {  	v18 =	vadd.s32 v35, v48;
	[tilespmem:s0+$0xFFFFE040] =	vst v6;
	v49 =	vld.idx.msk [tilespmem:v12+s19+$0x0], $0xffff  }
0x499: {  	v50 =	vadd.s32 v35, v46;
	[tilespmem:s0+$0xFFFFE050] =	vst v0;
	v51 =	vld.idx.msk [tilespmem:v63+s19+$0x0], $0xffff  }
0x49a: {  	v52 =	vadd.s32 v35, v45;
	[tilespmem:s0+$0xFFFFE000] =	vst v16;
	v13 =	vld.idx.msk [tilespmem:v13+s19+$0x0], $0xffff  }
0x49b: {  	v53 =	vadd.s32 v35, v42;
	[tilespmem:s0+$0xFFFFE060] =	vst v7;
	v56 =	vld.idx.msk [tilespmem:v19+s19+$0x0], $0xffff  }
0x49c: {  	v55 =	vadd.s32 v35, v43;
	v57 =	vld.idx.msk [tilespmem:v40+s19+$0x0], $0xffff;
	[tilespmem:s0+$0xFFFFE870] =	vst v8  }
0x49d: {  	v59 =	vadd.s32 v35, v47;
	[tilespmem:s0+$0xFFFFE810] =	vst v17;
	v54 =	vld.idx.msk [tilespmem:v18+s19+$0x0], $0xffff  }
0x49e: {  	v61 =	vadd.s32 v35, v44;
	[tilespmem:s0+$0xFFFFE820] =	vst v32;
	v60 =	vld.idx.msk [tilespmem:v50+s19+$0x0], $0xffff  }
0x49f: {  	v36 =	vor.u32 $0x230, v24;
	v62 =	vadd.s32 v35, v41;
	[tilespmem:s0+$0xFFFFE830] =	vst v49;
	v2 =	vld.idx.msk [tilespmem:v52+s19+$0x0], $0xffff  }
0x4a0: {  	v58 =	vadd.s32 v36, v48;
	[tilespmem:s0+$0xFFFFE840] =	vst v51;
	v63 =	vld.idx.msk [tilespmem:v53+s19+$0x0], $0xffff  }
0x4a1: {  	v16 =	vadd.s32 v36, v46;
	[tilespmem:s0+$0xFFFFE800] =	vst v56;
	v9 =	vld.idx.msk [tilespmem:v55+s19+$0x0], $0xffff  }
0x4a2: {  	v17 =	vadd.s32 v36, v45;
	[tilespmem:s0+$0xFFFFE850] =	vst v13;
	v11 =	vld.idx.msk [tilespmem:v59+s19+$0x0], $0xffff  }
0x4a3: {  	v19 =	vadd.s32 v36, v42;
	[tilespmem:s0+$0xFFFFE860] =	vst v57;
	v32 =	vld.idx.msk [tilespmem:v61+s19+$0x0], $0xffff  }
0x4a4: {  	v40 =	vadd.s32 v36, v47;
	v49 =	vld.idx.msk [tilespmem:v62+s19+$0x0], $0xffff;
	[tilespmem:s0+$0xFFFFF070] =	vst v54  }
0x4a5: {  	v50 =	vadd.s32 v36, v43;
	[tilespmem:s0+$0xFFFFF010] =	vst v60;
	v18 =	vld.idx.msk [tilespmem:v58+s19+$0x0], $0xffff  }
0x4a6: {  	v52 =	vadd.s32 v36, v44;
	[tilespmem:s0+$0xFFFFF020] =	vst v2;
	v51 =	vld.idx.msk [tilespmem:v16+s19+$0x0], $0xffff  }
0x4a7: {  	v37 =	vor.u32 $0x240, v24;
	[tilespmem:s0+$0xFFFFF030] =	vst v63;
	v54 =	vadd.s32 v36, v41;
	v53 =	vld.idx.msk [tilespmem:v17+s19+$0x0], $0xffff  }
0x4a8: {  	v39 =	vadd.s32 v37, v48;
	[tilespmem:s0+$0xFFFFF000] =	vst v11;
	v10 =	vld.idx.msk [tilespmem:v19+s19+$0x0], $0xffff  }
0x4a9: {  	v55 =	vadd.s32 v37, v46;
	[tilespmem:s0+$0xFFFFF040] =	vst v9;
	v58 =	vld.idx.msk [tilespmem:v40+s19+$0x0], $0xffff  }
0x4aa: {  	v57 =	vadd.s32 v37, v45;
	[tilespmem:s0+$0xFFFFF050] =	vst v32;
	v59 =	vld.idx.msk [tilespmem:v50+s19+$0x0], $0xffff  }
0x4ab: {  	v61 =	vadd.s32 v37, v47;
	[tilespmem:s0+$0xFFFFF060] =	vst v49;
	v62 =	vld.idx.msk [tilespmem:v52+s19+$0x0], $0xffff  }
0x4ac: {  	v63 =	vadd.s32 v37, v42;
	v16 =	vld.idx.msk [tilespmem:v54+s19+$0x0], $0xffff;
	[tilespmem:s0+$0xFFFFF870] =	vst v18  }
0x4ad: {  	v17 =	vadd.s32 v37, v43;
	[tilespmem:s0+$0xFFFFF810] =	vst v51;
	v56 =	vld.idx.msk [tilespmem:v39+s19+$0x0], $0xffff  }
0x4ae: {  	v19 =	vadd.s32 v37, v44;
	[tilespmem:s0+$0xFFFFF820] =	vst v53;
	v18 =	vld.idx.msk [tilespmem:v55+s19+$0x0], $0xffff  }
0x4af: {  	v38 =	vor.u32 $0x250, v24;
	v32 =	vadd.s32 v37, v41;
	[tilespmem:s0+$0xFFFFF800] =	vst v58;
	v12 =	vld.idx.msk [tilespmem:v57+s19+$0x0], $0xffff  }
0x4b0: {  	v60 =	vadd.s32 v38, v48;
	[tilespmem:s0+$0xFFFFF830] =	vst v10;
	v50 =	vld.idx.msk [tilespmem:v61+s19+$0x0], $0xffff  }
0x4b1: {  	v49 =	vadd.s32 v38, v46;
	[tilespmem:s0+$0xFFFFF840] =	vst v59;
	v51 =	vld.idx.msk [tilespmem:v63+s19+$0x0], $0xffff  }
0x4b2: {  	v53 =	vadd.s32 v38, v47;
	[tilespmem:s0+$0xFFFFF850] =	vst v62;
	v3 =	vld.idx.msk [tilespmem:v17+s19+$0x0], $0xffff  }
0x4b3: {  	v54 =	vadd.s32 v38, v45;
	v55 =	vld.idx.msk [tilespmem:v19+s19+$0x0], $0xffff;
	[tilespmem:s0+$0xFFFFF860] =	vst v16  }
0x4b4: {  	v58 =	vadd.s32 v38, v43;
	v57 =	vld.idx.msk [tilespmem:v32+s19+$0x0], $0xffff;
	[tilespmem:s0+$0x70] =	vst v56  }
0x4b5: {  	v59 =	vadd.s32 v38, v44;
	[tilespmem:s0+$0x10] =	vst v18;
	v6 =	vld.idx.msk [tilespmem:v60+s19+$0x0], $0xffff  }
0x4b6: {  	v56 =	vadd.s32 v38, v42;
	[tilespmem:s0+$0x0] =	vst v50;
	v9 =	vld.idx.msk [tilespmem:v49+s19+$0x0], $0xffff  }
0x4b7: {  	v39 =	vor.u32 $0x260, v24;
	[tilespmem:s0+$0x20] =	vst v12;
	v60 =	vadd.s32 v38, v41;
	v61 =	vld.idx.msk [tilespmem:v53+s19+$0x0], $0xffff  }
0x4b8: {  	v52 =	vadd.s32 v39, v48;
	[tilespmem:s0+$0x40] =	vst v3;
	v62 =	vld.idx.msk [tilespmem:v54+s19+$0x0], $0xffff  }
0x4b9: {  	v40 =	vor.u32 $0x270, v24;
	v16 =	vadd.s32 v39, v47;
	[tilespmem:s0+$0x50] =	vst v55;
	v19 =	vld.idx.msk [tilespmem:v58+s19+$0x0], $0xffff  }
0x4ba: {  	v63 =	vadd.s32 v40, v48;
	[tilespmem:s0+$0x30] =	vst v51;
	v18 =	vadd.s32 v39, v46;
	v48 =	vld.idx.msk [tilespmem:v59+s19+$0x0], $0xffff  }
0x4bb: {  	v32 =	vadd.s32 v39, v45;
	[tilespmem:s0+$0x60] =	vst v57;
	v17 =	vld.idx.msk [tilespmem:v56+s19+$0x0], $0xffff  }
0x4bc: {  	v50 =	vadd.s32 v39, v43;
	[tilespmem:s0+$0x870] =	vst v6;
	v10 =	vld.idx.msk [tilespmem:v60+s19+$0x0], $0xffff  }
0x4bd: {  	v51 =	vadd.s32 v39, v44;
	[tilespmem:s0+$0x800] =	vst v61;
	v8 =	vld.idx.msk [tilespmem:v52+s19+$0x0], $0xffff  }
0x4be: {  	[tilespmem:s0+$0x810] =	vst v9;
	v52 =	vld.idx.msk [tilespmem:v16+s19+$0x0], $0xffff  }
0x4bf: {  	[tilespmem:s0+$0x820] =	vst v62;
	v54 =	vld.idx.msk [tilespmem:v18+s19+$0x0], $0xffff  }
0x4c0: {  	v49 =	vadd.s32 v39, v42;
	[tilespmem:s0+$0x840] =	vst v19;
	v56 =	vld.idx.msk [tilespmem:v32+s19+$0x0], $0xffff  }
0x4c1: {  	v53 =	vadd.s32 v39, v41;
	[tilespmem:s0+$0x850] =	vst v48;
	v60 =	vld.idx.msk [tilespmem:v50+s19+$0x0], $0xffff  }
0x4c2: {  	v61 =	vld.idx.msk [tilespmem:v51+s19+$0x0], $0xffff  }
0x4c3: {  	v32 =	vld [tilespmem:s23+$0xFFFFFFE0]  }
0x4c4: {  	[tilespmem:s0+$0x830] =	vst v17;
	v17 =	vld [tilespmem:s23+$0x10]  }
0x4c5: {  	v55 =	vadd.s32 v40, v47;
	v58 =	vld.idx.msk [tilespmem:v49+s19+$0x0], $0xffff;
	[tilespmem:s0+$0x860] =	vst v10  }
0x4c6: {  	v57 =	vadd.s32 v40, v46;
	v62 =	vld.idx.msk [tilespmem:v53+s19+$0x0], $0xffff  }
0x4c7: {  	v59 =	vadd.s32 v40, v45;
	[tilespmem:s0+$0x1070] =	vst v8;
	v53 =	vld [tilespmem:s23+$0xFFFFFFF0]  }
0x4c8: {  	[tilespmem:s0+$0x1020] =	vst v56;
	v56 =	vld [tilespmem:s23+$0xFFFFFFC0]  }
0x4c9: {  	v45 =	vmul.u32 $0x390, v15;
	[tilespmem:s0+$0x1000] =	vst v52;
	v5 =	vld.idx.msk [tilespmem:v63+s19+$0x0], $0xffff  }
0x4ca: {  	v16 =	vadd.s32 v40, v44;
	[tilespmem:s0+$0x1010] =	vst v54;
	v7 =	vld.idx.msk [tilespmem:v55+s19+$0x0], $0xffff  }
0x4cb: {  	[tilespmem:s0+$0x1050] =	vst v61;
	v61 =	vadd.s32 v33, v45;
	v4 =	vld.idx.msk [tilespmem:v57+s19+$0x0], $0xffff  }
0x4cc: {  	v52 =	vadd.s32 v40, v42;
	v48 =	vmul.u32 $0x390, v32;
	v3 =	vld.idx.msk [tilespmem:v59+s19+$0x0], $0xffff  }
0x4cd: {  	v47 =	vmul.u32 $0x390, v1;
	v54 =	vadd.s32 v40, v41;
	v63 =	vld [tilespmem:s23+$0x30]  }
0x4ce: {  	v55 =	vld [tilespmem:s23+$0x20];
	v59 =	vadd.s32 v33, v48;
	v46 =	vmul.u32 $0x390, v17  }
0x4cf: {  	v42 =	vld.idx.msk [tilespmem:v16+s19+$0x0], $0xffff;
	[tilespmem:s0+$0x1030] =	vst v58;
	v58 =	vadd.s32 v33, v47  }
0x4d0: {  	v44 =	vmul.u32 $0x390, v53;
	[tilespmem:s0+$0x1060] =	vst v62;
	v62 =	vadd.s32 v33, v46;
	v53 =	vld.idx.msk [tilespmem:v61+s19+$0x0], $0xffff  }
0x4d1: {  	[tilespmem:s0+$0x1040] =	vst v60;
	v12 =	vld.idx.msk [tilespmem:v52+s19+$0x0], $0xffff;
	v51 =	vmul.u32 $0x390, v56;
	v56 =	vadd.s32 v34, v45  }
0x4d2: {  	v14 =	vadd.s32 v40, v43;
	v50 =	vmul.u32 $0x390, v63;
	v43 =	vld.idx.msk [tilespmem:v54+s19+$0x0], $0xffff;
	[tilespmem:s0+$0x1870] =	vst v5;
	v60 =	vadd.s32 v33, v44  }
0x4d3: {  	v49 =	vmul.u32 $0x390, v55;
	[tilespmem:s0+$0x1800] =	vst v7;
	v17 =	vld.idx.msk [tilespmem:v59+s19+$0x0], $0xffff;
	v19 =	vadd.s32 v33, v51  }
0x4d4: {  	s1 =	simm.s32 $0xEC80;
	[tilespmem:s0+$0x1810] =	vst v4;
	v57 =	vadd.s32 v33, v50;
	v0 =	vld.idx.msk [tilespmem:v58+s19+$0x0], $0xffff  }
0x4d5: {  	v16 =	vadd.s32 v33, v49;
	v6 =	vld.idx.msk [tilespmem:v62+s19+$0x0], $0xffff;
	[tilespmem:s1+$0xFFFFE040] =	vst v53  }
0x4d6: {  	[tilespmem:s0+$0x1820] =	vst v3;
	v54 =	vadd.s32 v34, v48;
	v10 =	vld.idx.msk [tilespmem:v56+s19+$0x0], $0xffff  }
0x4d7: {  	v52 =	vadd.s32 v34, v47;
	[tilespmem:s0+$0x1830] =	vst v12;
	v32 =	vld.idx.msk [tilespmem:v60+s19+$0x0], $0xffff  }
0x4d8: {  	v58 =	vadd.s32 v34, v46;
	v4 =	vld.idx.msk [tilespmem:v19+s19+$0x0], $0xffff;
	[tilespmem:s1+$0xFFFFE020] =	vst v17  }
0x4d9: {  	v55 =	vadd.s32 v34, v44;
	v63 =	vld.idx.msk [tilespmem:v57+s19+$0x0], $0xffff;
	[tilespmem:s1+$0xFFFFE010] =	vst v0  }
0x4da: {  	v60 =	vadd.s32 v34, v51;
	v2 =	vld.idx.msk [tilespmem:v16+s19+$0x0], $0xffff;
	[tilespmem:s1+$0xFFFFE050] =	vst v6  }
0x4db: {  	v18 =	vadd.s32 v34, v50;
	v11 =	vld.idx.msk [tilespmem:v54+s19+$0x0], $0xffff;
	[tilespmem:s1+$0xFFFFE840] =	vst v10  }
0x4dc: {  	v61 =	vadd.s32 v34, v49;
	v3 =	vld.idx.msk [tilespmem:v52+s19+$0x0], $0xffff;
	[tilespmem:s1+$0xFFFFE030] =	vst v32  }
0x4dd: {  	v62 =	vadd.s32 v35, v47;
	v7 =	vld.idx.msk [tilespmem:v58+s19+$0x0], $0xffff;
	[tilespmem:s1+$0xFFFFE000] =	vst v4  }
0x4de: {  	[tilespmem:s1+$0xFFFFE070] =	vst v63;
	v12 =	vld.idx.msk [tilespmem:v55+s19+$0x0], $0xffff;
	v63 =	vadd.s32 v35, v48  }
0x4df: {  	v16 =	vadd.s32 v35, v44;
	[tilespmem:s1+$0xFFFFE060] =	vst v2;
	v8 =	vld.idx.msk [tilespmem:v60+s19+$0x0], $0xffff  }
0x4e0: {  	[tilespmem:s1+$0xFFFFE820] =	vst v11;
	v57 =	vld.idx.msk [tilespmem:v18+s19+$0x0], $0xffff;
	v18 =	vadd.s32 v35, v45  }
0x4e1: {  	v52 =	vadd.s32 v35, v51;
	v19 =	vld.idx.msk [tilespmem:v61+s19+$0x0], $0xffff;
	[tilespmem:s1+$0xFFFFE810] =	vst v3  }
0x4e2: {  	v59 =	vadd.s32 v35, v50;
	v6 =	vld.idx.msk [tilespmem:v62+s19+$0x0], $0xffff;
	[tilespmem:s1+$0xFFFFE850] =	vst v7  }
0x4e3: {  	v53 =	vadd.s32 v35, v46;
	[tilespmem:s1+$0xFFFFE830] =	vst v12;
	v2 =	vld.idx.msk [tilespmem:v63+s19+$0x0], $0xffff  }
0x4e4: {  	v54 =	vadd.s32 v35, v49;
	[tilespmem:s1+$0xFFFFE800] =	vst v8;
	v0 =	vld.idx.msk [tilespmem:v16+s19+$0x0], $0xffff  }
0x4e5: {  	v55 =	vadd.s32 v36, v47;
	[tilespmem:s1+$0xFFFFE870] =	vst v57;
	v5 =	vld.idx.msk [tilespmem:v18+s19+$0x0], $0xffff  }
0x4e6: {  	v56 =	vadd.s32 v36, v48;
	v11 =	vld.idx.msk [tilespmem:v52+s19+$0x0], $0xffff;
	[tilespmem:s1+$0xFFFFE860] =	vst v19  }
0x4e7: {  	v58 =	vadd.s32 v36, v44;
	v17 =	vld.idx.msk [tilespmem:v59+s19+$0x0], $0xffff;
	[tilespmem:s1+$0xFFFFF010] =	vst v6  }
0x4e8: {  	v61 =	vadd.s32 v36, v51;
	v59 =	vld.idx.msk [tilespmem:v53+s19+$0x0], $0xffff;
	[tilespmem:s1+$0xFFFFF020] =	vst v2  }
0x4e9: {  	v32 =	vadd.s32 v36, v50;
	v62 =	vld.idx.msk [tilespmem:v54+s19+$0x0], $0xffff;
	[tilespmem:s1+$0xFFFFF030] =	vst v0  }
0x4ea: {  	v63 =	vadd.s32 v36, v45;
	v7 =	vld.idx.msk [tilespmem:v55+s19+$0x0], $0xffff;
	[tilespmem:s1+$0xFFFFF040] =	vst v5  }
0x4eb: {  	v16 =	vadd.s32 v36, v46;
	v4 =	vld.idx.msk [tilespmem:v56+s19+$0x0], $0xffff;
	[tilespmem:s1+$0xFFFFF000] =	vst v11  }
0x4ec: {  	v18 =	vadd.s32 v37, v47;
	[tilespmem:s1+$0xFFFFF070] =	vst v17;
	v9 =	vld.idx.msk [tilespmem:v58+s19+$0x0], $0xffff  }
0x4ed: {  	v17 =	vadd.s32 v36, v49;
	v12 =	vld.idx.msk [tilespmem:v61+s19+$0x0], $0xffff;
	[tilespmem:s1+$0xFFFFF050] =	vst v59  }
0x4ee: {  	v19 =	vadd.s32 v37, v48;
	[tilespmem:s1+$0xFFFFF060] =	vst v62;
	v57 =	vld.idx.msk [tilespmem:v32+s19+$0x0], $0xffff  }
0x4ef: {  	v53 =	vadd.s32 v37, v51;
	v32 =	vld.idx.msk [tilespmem:v63+s19+$0x0], $0xffff;
	[tilespmem:s1+$0xFFFFF810] =	vst v7  }
0x4f0: {  	v60 =	vadd.s32 v37, v50;
	v0 =	vld.idx.msk [tilespmem:v16+s19+$0x0], $0xffff;
	[tilespmem:s1+$0xFFFFF820] =	vst v4  }
0x4f1: {  	v54 =	vadd.s32 v37, v44;
	v8 =	vld.idx.msk [tilespmem:v18+s19+$0x0], $0xffff;
	[tilespmem:s1+$0xFFFFF830] =	vst v9  }
0x4f2: {  	v56 =	vadd.s32 v37, v45;
	v55 =	vld.idx.msk [tilespmem:v17+s19+$0x0], $0xffff;
	[tilespmem:s1+$0xFFFFF800] =	vst v12  }
0x4f3: {  	v59 =	vadd.s32 v38, v47;
	v11 =	vld.idx.msk [tilespmem:v19+s19+$0x0], $0xffff;
	[tilespmem:s1+$0xFFFFF870] =	vst v57  }
0x4f4: {  	v57 =	vadd.s32 v37, v46;
	v10 =	vld.idx.msk [tilespmem:v53+s19+$0x0], $0xffff;
	[tilespmem:s1+$0xFFFFF840] =	vst v32  }
0x4f5: {  	v58 =	vadd.s32 v37, v49;
	[tilespmem:s1+$0xFFFFF850] =	vst v0;
	v6 =	vld.idx.msk [tilespmem:v60+s19+$0x0], $0xffff  }
0x4f6: {  	v52 =	vadd.s32 v38, v50;
	v60 =	vld.idx.msk [tilespmem:v54+s19+$0x0], $0xffff;
	[tilespmem:s1+$0x10] =	vst v8  }
0x4f7: {  	v62 =	vadd.s32 v38, v51;
	v5 =	vld.idx.msk [tilespmem:v56+s19+$0x0], $0xffff;
	[tilespmem:s1+$0xFFFFF860] =	vst v55  }
0x4f8: {  	v63 =	vadd.s32 v38, v48;
	v12 =	vld.idx.msk [tilespmem:v59+s19+$0x0], $0xffff;
	[tilespmem:s1+$0x20] =	vst v11  }
0x4f9: {  	v17 =	vadd.s32 v38, v44;
	v16 =	vld.idx.msk [tilespmem:v57+s19+$0x0], $0xffff;
	[tilespmem:s1+$0x0] =	vst v10  }
0x4fa: {  	v18 =	vadd.s32 v38, v45;
	[tilespmem:s1+$0x70] =	vst v6;
	v6 =	vld.idx.msk [tilespmem:v58+s19+$0x0], $0xffff  }
0x4fb: {  	v55 =	vadd.s32 v39, v47;
	[tilespmem:s1+$0x30] =	vst v60;
	v2 =	vld.idx.msk [tilespmem:v52+s19+$0x0], $0xffff  }
0x4fc: {  	v61 =	vadd.s32 v39, v50;
	v7 =	vld.idx.msk [tilespmem:v62+s19+$0x0], $0xffff;
	[tilespmem:s1+$0x40] =	vst v5  }
0x4fd: {  	v19 =	vadd.s32 v38, v46;
	v52 =	vld.idx.msk [tilespmem:v63+s19+$0x0], $0xffff;
	[tilespmem:s1+$0x810] =	vst v12  }
0x4fe: {  	v32 =	vadd.s32 v38, v49;
	v9 =	vld.idx.msk [tilespmem:v17+s19+$0x0], $0xffff;
	[tilespmem:s1+$0x50] =	vst v16  }
0x4ff: {  	v54 =	vadd.s32 v39, v51;
	v11 =	vld.idx.msk [tilespmem:v18+s19+$0x0], $0xffff;
	[tilespmem:s1+$0x60] =	vst v6  }
0x500: {  	v56 =	vadd.s32 v39, v48;
	v8 =	vld.idx.msk [tilespmem:v55+s19+$0x0], $0xffff;
	[tilespmem:s1+$0x870] =	vst v2  }
0x501: {  	v57 =	vadd.s32 v39, v44;
	[tilespmem:s1+$0x800] =	vst v7;
	v0 =	vld.idx.msk [tilespmem:v61+s19+$0x0], $0xffff  }
0x502: {  	v53 =	vadd.s32 v40, v50;
	v2 =	vld.idx.msk [tilespmem:v19+s19+$0x0], $0xffff;
	[tilespmem:s1+$0x820] =	vst v52  }
0x503: {  	v10 =	vld.idx.msk [tilespmem:v32+s19+$0x0], $0xffff;
	[tilespmem:s1+$0x830] =	vst v9  }
0x504: {  	v5 =	vld.idx.msk [tilespmem:v54+s19+$0x0], $0xffff;
	[tilespmem:s1+$0x840] =	vst v11  }
0x505: {  	v6 =	vld.idx.msk [tilespmem:v56+s19+$0x0], $0xffff;
	[tilespmem:s1+$0x1010] =	vst v8  }
0x506: {  	v58 =	vadd.s32 v39, v45;
	v12 =	vld.idx.msk [tilespmem:v57+s19+$0x0], $0xffff;
	[tilespmem:s1+$0x1070] =	vst v0  }
0x507: {  	v62 =	vadd.s32 v40, v47;
	[tilespmem:s1+$0x850] =	vst v2;
	v4 =	vld.idx.msk [tilespmem:v53+s19+$0x0], $0xffff  }
0x508: {  	[tilespmem:s1+$0x860] =	vst v10  }
0x509: {  	v59 =	vadd.s32 v39, v46;
	[tilespmem:s1+$0x1000] =	vst v5  }
0x50a: {  	v41 =	vld.idx.msk [tilespmem:v14+s19+$0x0], $0xffff;
	v60 =	vadd.s32 v39, v49;
	[tilespmem:s1+$0x1020] =	vst v6  }
0x50b: {  	v61 =	vadd.s32 v40, v51;
	v47 =	vld.idx.msk [tilespmem:v58+s19+$0x0], $0xffff;
	[tilespmem:s1+$0x1030] =	vst v12  }
0x50c: {  	v63 =	vadd.s32 v40, v48;
	v54 =	vadd.s32 v40, v44;
	v44 =	vld.idx.msk [tilespmem:v62+s19+$0x0], $0xffff;
	[tilespmem:s1+$0x1870] =	vst v4  }
0x50d: {  	v23 =	vld [tilespmem:$0x1FF80]  }
0x50e: {  	v48 =	vld.idx.msk [tilespmem:v59+s19+$0x0], $0xffff  }
0x50f: {  	v55 =	vld.idx.msk [tilespmem:v60+s19+$0x0], $0xffff  }
0x510: {  	v50 =	vld.idx.msk [tilespmem:v61+s19+$0x0], $0xffff  }
0x511: {  	s6 =	simm.s32 $0x8;
	s4 =	simm.s32 $0x942;
	v52 =	vadd.s32 v40, v45;
	v51 =	vadd.s32 v40, v49;
	v53 =	vadd.s32 v40, v46;
	v45 =	vld.idx.msk [tilespmem:v63+s19+$0x0], $0xffff  }
.LBB2_17:
0x512: {  	v0 =	vld [tilespmem:s4+$0x30];
	s6 =	sadd.s32 $0x8, s6;
	[tilespmem:s1+$0x1040] =	vst v47  }
0x513: {  	v2 =	vld [tilespmem:s4+$0xFFFFFFD0];
	p0 =	slt.u32 s6, $0x78;
	[tilespmem:s1+$0x1050] =	vst v48  }
0x514: {  	v3 =	vld [tilespmem:s4+$0xFFFFFFE0];
	[tilespmem:s1+$0x1060] =	vst v55  }
0x515: {  	v4 =	vld [tilespmem:s4+$0xFFFFFFF0];
	[tilespmem:s1+$0x1800] =	vst v50  }
0x516: {  	v5 =	vld [tilespmem:s4+$0x0];
	[tilespmem:s1+$0x1810] =	vst v44  }
0x517: {  	v6 =	vld [tilespmem:s4+$0x10];
	v44 =	vmul.u32 $0x390, v0;
	[tilespmem:s1+$0x1820] =	vst v45  }
0x518: {  	v45 =	vmul.u32 $0x390, v2;
	v0 =	vld [tilespmem:s4+$0x20];
	[tilespmem:s0+$0x1840] =	vst v41  }
0x519: {  	v2 =	vld [tilespmem:s4+$0xFFFFFFC0];
	v46 =	vmul.u32 $0x390, v3;
	v3 =	vadd.s32 v33, v44;
	[tilespmem:s0+$0x1850] =	vst v42  }
0x51a: {  	v7 =	vadd.s32 v33, v45;
	v47 =	vmul.u32 $0x390, v4;
	v4 =	vld.idx.msk [tilespmem:v54+s19+$0x0], $0xffff;
	[tilespmem:s0+$0x1860] =	vst v43;
	s0 =	smov.u32 s1  }
0x51b: {  	v8 =	vadd.s32 v33, v46;
	v49 =	vmul.u32 $0x390, v5;
	v41 =	vld.idx.msk [tilespmem:v52+s19+$0x0], $0xffff  }
0x51c: {  	v5 =	vadd.s32 v33, v47;
	v48 =	vmul.u32 $0x390, v6;
	v42 =	vld.idx.msk [tilespmem:v53+s19+$0x0], $0xffff  }
0x51d: {  	v6 =	vadd.s32 v33, v49;
	v50 =	vmul.u32 $0x390, v0;
	v43 =	vld.idx.msk [tilespmem:v51+s19+$0x0], $0xffff  }
0x51e: {  	v51 =	vmul.u32 $0x390, v2;
	v0 =	vadd.s32 v33, v48;
	v2 =	vld.idx.msk [tilespmem:v3+s19+$0x0], $0xffff  }
0x51f: {  	v3 =	vld.idx.msk [tilespmem:v7+s19+$0x0], $0xffff;
	v7 =	vadd.s32 v33, v50  }
0x520: {  	v11 =	vadd.s32 v34, v44;
	v9 =	vadd.s32 v33, v51;
	v10 =	vadd.s32 v34, v51;
	v8 =	vld.idx.msk [tilespmem:v8+s19+$0x0], $0xffff  }
0x521: {  	v12 =	vadd.s32 v34, v45;
	v13 =	vadd.s32 v34, v46;
	v14 =	vadd.s32 v34, v47;
	v5 =	vld.idx.msk [tilespmem:v5+s19+$0x0], $0xffff  }
0x522: {  	v15 =	vadd.s32 v34, v49;
	v16 =	vadd.s32 v34, v48;
	v17 =	vadd.s32 v34, v50;
	v6 =	vld.idx.msk [tilespmem:v6+s19+$0x0], $0xffff  }
0x523: {  	s1 =	sadd.s32 $0x80, s1;
	v0 =	vld.idx.msk [tilespmem:v0+s19+$0x0], $0xffff;
	[tilespmem:s0+$0x1830] =	vst v4  }
0x524: {  	v4 =	vld.idx.msk [tilespmem:v7+s19+$0x0], $0xffff;
	[tilespmem:s1+$0xFFFFE070] =	vst v2  }
0x525: {  	[tilespmem:s1+$0xFFFFE010] =	vst v3;
	v2 =	vld.idx.msk [tilespmem:v11+s19+$0x0], $0xffff  }
0x526: {  	v3 =	vld.idx.msk [tilespmem:v9+s19+$0x0], $0xffff;
	[tilespmem:s1+$0xFFFFE020] =	vst v8  }
0x527: {  	v7 =	vadd.s32 v35, v51;
	v8 =	vld.idx.msk [tilespmem:v12+s19+$0x0], $0xffff;
	[tilespmem:s1+$0xFFFFE030] =	vst v5;
	v5 =	vadd.s32 v35, v44  }
0x528: {  	v9 =	vadd.s32 v35, v45;
	v12 =	vadd.s32 v35, v46;
	v11 =	vld.idx.msk [tilespmem:v13+s19+$0x0], $0xffff;
	[tilespmem:s1+$0xFFFFE040] =	vst v6  }
0x529: {  	v13 =	vadd.s32 v35, v47;
	v6 =	vld.idx.msk [tilespmem:v14+s19+$0x0], $0xffff;
	v14 =	vadd.s32 v35, v49;
	[tilespmem:s1+$0xFFFFE050] =	vst v0  }
0x52a: {  	v0 =	vld.idx.msk [tilespmem:v15+s19+$0x0], $0xffff;
	v15 =	vadd.s32 v35, v48;
	[tilespmem:s1+$0xFFFFE060] =	vst v4;
	v4 =	vadd.s32 v35, v50  }
0x52b: {  	v16 =	vld.idx.msk [tilespmem:v16+s19+$0x0], $0xffff;
	[tilespmem:s1+$0xFFFFE870] =	vst v2  }
0x52c: {  	[tilespmem:s1+$0xFFFFE000] =	vst v3;
	v2 =	vld.idx.msk [tilespmem:v5+s19+$0x0], $0xffff  }
0x52d: {  	v3 =	vld.idx.msk [tilespmem:v10+s19+$0x0], $0xffff;
	[tilespmem:s1+$0xFFFFE810] =	vst v8  }
0x52e: {  	v5 =	vadd.s32 v36, v51;
	v10 =	vadd.s32 v36, v44;
	[tilespmem:s1+$0xFFFFE820] =	vst v11;
	v8 =	vld.idx.msk [tilespmem:v17+s19+$0x0], $0xffff  }
0x52f: {  	v11 =	vadd.s32 v36, v45;
	v17 =	vadd.s32 v36, v46;
	v9 =	vld.idx.msk [tilespmem:v9+s19+$0x0], $0xffff;
	[tilespmem:s1+$0xFFFFE830] =	vst v6  }
0x530: {  	v6 =	vld.idx.msk [tilespmem:v12+s19+$0x0], $0xffff;
	v12 =	vadd.s32 v36, v47;
	[tilespmem:s1+$0xFFFFE840] =	vst v0;
	v0 =	vadd.s32 v36, v49  }
0x531: {  	v18 =	vadd.s32 v36, v50;
	v13 =	vld.idx.msk [tilespmem:v13+s19+$0x0], $0xffff;
	[tilespmem:s1+$0xFFFFE850] =	vst v16;
	v16 =	vadd.s32 v36, v48  }
0x532: {  	v14 =	vld.idx.msk [tilespmem:v14+s19+$0x0], $0xffff;
	[tilespmem:s1+$0xFFFFF070] =	vst v2  }
0x533: {  	[tilespmem:s1+$0xFFFFE800] =	vst v3;
	v2 =	vld.idx.msk [tilespmem:v10+s19+$0x0], $0xffff  }
0x534: {  	v3 =	vld.idx.msk [tilespmem:v7+s19+$0x0], $0xffff;
	[tilespmem:s1+$0xFFFFE860] =	vst v8  }
0x535: {  	v7 =	vadd.s32 v37, v51;
	[tilespmem:s1+$0xFFFFF010] =	vst v9;
	v8 =	vld.idx.msk [tilespmem:v15+s19+$0x0], $0xffff;
	v9 =	vadd.s32 v37, v44  }
0x536: {  	v10 =	vadd.s32 v37, v45;
	[tilespmem:s1+$0xFFFFF020] =	vst v6;
	v6 =	vadd.s32 v37, v46;
	v4 =	vld.idx.msk [tilespmem:v4+s19+$0x0], $0xffff  }
0x537: {  	v15 =	vadd.s32 v37, v49;
	v11 =	vld.idx.msk [tilespmem:v11+s19+$0x0], $0xffff;
	[tilespmem:s1+$0xFFFFF030] =	vst v13;
	v13 =	vadd.s32 v37, v47  }
0x538: {  	v19 =	vadd.s32 v37, v50;
	v17 =	vld.idx.msk [tilespmem:v17+s19+$0x0], $0xffff;
	[tilespmem:s1+$0xFFFFF040] =	vst v14;
	v14 =	vadd.s32 v37, v48  }
0x539: {  	v12 =	vld.idx.msk [tilespmem:v12+s19+$0x0], $0xffff;
	[tilespmem:s1+$0xFFFFF870] =	vst v2  }
0x53a: {  	[tilespmem:s1+$0xFFFFF000] =	vst v3;
	v2 =	vld.idx.msk [tilespmem:v9+s19+$0x0], $0xffff  }
0x53b: {  	v3 =	vld.idx.msk [tilespmem:v5+s19+$0x0], $0xffff;
	[tilespmem:s1+$0xFFFFF050] =	vst v8  }
0x53c: {  	v5 =	vadd.s32 v38, v51;
	v0 =	vld.idx.msk [tilespmem:v0+s19+$0x0], $0xffff;
	[tilespmem:s1+$0xFFFFF060] =	vst v4;
	v4 =	vadd.s32 v38, v44  }
0x53d: {  	v9 =	vadd.s32 v38, v46;
	v8 =	vadd.s32 v38, v45;
	[tilespmem:s1+$0xFFFFF810] =	vst v11;
	v11 =	vld.idx.msk [tilespmem:v16+s19+$0x0], $0xffff  }
0x53e: {  	v16 =	vadd.s32 v38, v47;
	[tilespmem:s1+$0xFFFFF820] =	vst v17;
	v17 =	vadd.s32 v38, v49;
	v18 =	vld.idx.msk [tilespmem:v18+s19+$0x0], $0xffff  }
0x53f: {  	v20 =	vadd.s32 v38, v50;
	v10 =	vld.idx.msk [tilespmem:v10+s19+$0x0], $0xffff;
	[tilespmem:s1+$0xFFFFF830] =	vst v12;
	v12 =	vadd.s32 v38, v48  }
0x540: {  	v6 =	vld.idx.msk [tilespmem:v6+s19+$0x0], $0xffff;
	[tilespmem:s1+$0x70] =	vst v2  }
0x541: {  	[tilespmem:s1+$0xFFFFF800] =	vst v3;
	v2 =	vld.idx.msk [tilespmem:v4+s19+$0x0], $0xffff  }
0x542: {  	v3 =	vld.idx.msk [tilespmem:v7+s19+$0x0], $0xffff;
	[tilespmem:s1+$0xFFFFF840] =	vst v0  }
0x543: {  	v0 =	vadd.s32 v39, v51;
	v7 =	vadd.s32 v39, v44;
	v4 =	vld.idx.msk [tilespmem:v13+s19+$0x0], $0xffff;
	[tilespmem:s1+$0xFFFFF850] =	vst v11  }
0x544: {  	v11 =	vadd.s32 v39, v45;
	v13 =	vadd.s32 v39, v46;
	v15 =	vld.idx.msk [tilespmem:v15+s19+$0x0], $0xffff;
	[tilespmem:s1+$0xFFFFF860] =	vst v18  }
0x545: {  	v18 =	vadd.s32 v39, v49;
	[tilespmem:s1+$0x10] =	vst v10;
	v10 =	vadd.s32 v39, v47;
	v14 =	vld.idx.msk [tilespmem:v14+s19+$0x0], $0xffff  }
0x546: {  	v21 =	vadd.s32 v39, v50;
	[tilespmem:s1+$0x20] =	vst v6;
	v6 =	vadd.s32 v39, v48;
	v19 =	vld.idx.msk [tilespmem:v19+s19+$0x0], $0xffff  }
0x547: {  	v8 =	vld.idx.msk [tilespmem:v8+s19+$0x0], $0xffff;
	[tilespmem:s1+$0x870] =	vst v2  }
0x548: {  	[tilespmem:s1+$0x0] =	vst v3;
	v2 =	vld.idx.msk [tilespmem:v7+s19+$0x0], $0xffff  }
0x549: {  	v3 =	vld.idx.msk [tilespmem:v5+s19+$0x0], $0xffff;
	[tilespmem:s1+$0x30] =	vst v4  }
0x54a: {  	v7 =	vadd.s32 v40, v44;
	v4 =	vadd.s32 v40, v51;
	v5 =	vld.idx.msk [tilespmem:v9+s19+$0x0], $0xffff;
	[tilespmem:s1+$0x40] =	vst v15  }
0x54b: {  	v9 =	vadd.s32 v40, v45;
	v15 =	vadd.s32 v40, v46;
	v16 =	vld.idx.msk [tilespmem:v16+s19+$0x0], $0xffff;
	[tilespmem:s1+$0x50] =	vst v14  }
0x54c: {  	v54 =	vadd.s32 v40, v47;
	v52 =	vadd.s32 v40, v49;
	v14 =	vld.idx.msk [tilespmem:v17+s19+$0x0], $0xffff;
	[tilespmem:s1+$0x60] =	vst v19  }
0x54d: {  	v53 =	vadd.s32 v40, v48;
	v51 =	vadd.s32 v40, v50;
	[tilespmem:s1+$0x810] =	vst v8;
	v8 =	vld.idx.msk [tilespmem:v12+s19+$0x0], $0xffff  }
0x54e: {  	v12 =	vld.idx.msk [tilespmem:v20+s19+$0x0], $0xffff;
	[tilespmem:s1+$0x1070] =	vst v2  }
0x54f: {  	[tilespmem:s1+$0x800] =	vst v3;
	v2 =	vld.idx.msk [tilespmem:v7+s19+$0x0], $0xffff  }
0x550: {  	v0 =	vld.idx.msk [tilespmem:v0+s19+$0x0], $0xffff;
	[tilespmem:s1+$0x820] =	vst v5  }
0x551: {  	v3 =	vld.idx.msk [tilespmem:v11+s19+$0x0], $0xffff;
	[tilespmem:s1+$0x830] =	vst v16  }
0x552: {  	v5 =	vld.idx.msk [tilespmem:v13+s19+$0x0], $0xffff;
	[tilespmem:s1+$0x840] =	vst v14  }
0x553: {  	v7 =	vld.idx.msk [tilespmem:v10+s19+$0x0], $0xffff;
	[tilespmem:s1+$0x850] =	vst v8  }
0x554: {  	v47 =	vld.idx.msk [tilespmem:v18+s19+$0x0], $0xffff;
	[tilespmem:s1+$0x860] =	vst v12  }
.Ltmp9:
0x555: {  	v48 =	vld.idx.msk [tilespmem:v6+s19+$0x0], $0xffff;
	[tilespmem:s1+$0x1870] =	vst v2;
	(pc) =	sbr.rel @p0 .LBB2_17-.Ltmp9, $4  }
0x556: {  	[tilespmem:s1+$0x1000] =	vst v0;
	v55 =	vld.idx.msk [tilespmem:v21+s19+$0x0], $0xffff  }
0x557: {  	v50 =	vld.idx.msk [tilespmem:v4+s19+$0x0], $0xffff;
	[tilespmem:s1+$0x1010] =	vst v3  }
0x558: {  	v44 =	vld.idx.msk [tilespmem:v9+s19+$0x0], $0xffff;
	[tilespmem:s1+$0x1020] =	vst v5  }
0x559: {  	s4 =	sadd.s32 $0x81, s4;
	v45 =	vld.idx.msk [tilespmem:v15+s19+$0x0], $0xffff;
	[tilespmem:s1+$0x1030] =	vst v7  }
0x55a: {  	[tilespmem:s1+$0x1040] =	vst v47  }
0x55b: {  	[tilespmem:s1+$0x1050] =	vst v48  }
0x55c: {  	[tilespmem:s0+$0x1840] =	vst v41  }
0x55d: {  	[tilespmem:s0+$0x1850] =	vst v42  }
0x55e: {  	v0 =	vld.idx.msk [tilespmem:v54+s19+$0x0], $0xffff;
	[tilespmem:s0+$0x1860] =	vst v43  }
0x55f: {  	[tilespmem:s1+$0x1060] =	vst v55;
	v2 =	vld.idx.msk [tilespmem:v52+s19+$0x0], $0xffff  }
0x560: {  	v3 =	vld.idx.msk [tilespmem:v53+s19+$0x0], $0xffff;
	[tilespmem:s1+$0x1800] =	vst v50  }
0x561: {  	v4 =	vld.idx.msk [tilespmem:v51+s19+$0x0], $0xffff;
	[tilespmem:s1+$0x1810] =	vst v44  }
0x562: {  	[tilespmem:s1+$0x1820] =	vst v45  }
0x563: {  	[tilespmem:s1+$0x1830] =	vst v0  }
0x564: {  	[tilespmem:s1+$0x1840] =	vst v2  }
0x565: {  	[tilespmem:s1+$0x1850] =	vst v3  }
0x566: {  	s7 =	sadd.s32 s2, s14;
	[tilespmem:s1+$0x1860] =	vst v4  }
0x567: {  	[hbm4b:s7+s22] =	stream.strided.scatter [tilespmem:s28], [sflag:$0x1], $0x4000, s26, s22, $0x38;
	[tilespmem:$0x14C00] =	vst v63  }
0x568: {  	_ =	swait.ge [sflag:s31], $0x4000  }
0x569: {  	[sflag:s31] =	ssyncset.done $0x0  }
0x56a: {  	s18 =	simm.s32 $0x840;
	[sflag:s31] =	ssyncadd.s32 $0xFFFFC000  }
0x56b: {  	v46 =	vld [tilespmem:s18+$0x30]  }
0x56c: {  	v47 =	vld [tilespmem:s18+$0xFFFFFFD0]  }
0x56d: {  	v52 =	vld [tilespmem:s18+$0xFFFFFFE0]  }
0x56e: {  	v53 =	vld [tilespmem:s18+$0xFFFFFFF0]  }
0x56f: {  	v5 =	vld [tilespmem:s18+$0x0]  }
0x570: {  	v6 =	vld [tilespmem:s18+$0x10];
	v48 =	vmul.u32 $0x390, v46  }
0x571: {  	v33 =	vor.u32 $0x280, v24;
	v54 =	vld [tilespmem:s18+$0x20];
	v46 =	vmul.u32 $0x390, v47  }
0x572: {  	v56 =	vld [tilespmem:s18+$0xFFFFFFC0];
	v45 =	vmul.u32 $0x390, v52;
	v55 =	vadd.s32 v33, v48  }
0x573: {  	v42 =	vmul.u32 $0x390, v53;
	v7 =	vadd.s32 v33, v46  }
0x574: {  	s23 =	simm.s32 $0x8C1;
	v43 =	vmul.u32 $0x390, v5;
	v57 =	vadd.s32 v33, v45  }
0x575: {  	v1 =	vld [tilespmem:s23+$0xFFFFFFD0];
	v44 =	vmul.u32 $0x390, v6;
	v58 =	vadd.s32 v33, v42  }
0x576: {  	v15 =	vld [tilespmem:s23+$0x0];
	v41 =	vmul.u32 $0x390, v54;
	v59 =	vadd.s32 v33, v43  }
0x577: {  	v47 =	vmul.u32 $0x390, v56;
	v60 =	vadd.s32 v33, v44;
	v2 =	vld.idx.msk [tilespmem:v55+s19+$0x0], $0xffff  }
0x578: {  	v62 =	vadd.s32 v33, v41;
	v61 =	vld.idx.msk [tilespmem:v7+s19+$0x0], $0xffff  }
0x579: {  	v34 =	vor.u32 $0x290, v24;
	v9 =	vadd.s32 v33, v47;
	v4 =	vld.idx.msk [tilespmem:v57+s19+$0x0], $0xffff  }
0x57a: {  	v8 =	vadd.s32 v34, v48;
	v5 =	vld.idx.msk [tilespmem:v58+s19+$0x0], $0xffff  }
0x57b: {  	v10 =	vadd.s32 v34, v46;
	v6 =	vld.idx.msk [tilespmem:v59+s19+$0x0], $0xffff  }
0x57c: {  	v11 =	vadd.s32 v34, v45;
	v0 =	vld.idx.msk [tilespmem:v60+s19+$0x0], $0xffff  }
0x57d: {  	s0 =	simm.s32 $0x12C00;
	v12 =	vadd.s32 v34, v42;
	v7 =	vld.idx.msk [tilespmem:v62+s19+$0x0], $0xffff  }
0x57e: {  	v63 =	vadd.s32 v34, v43;
	v16 =	vld.idx.msk [tilespmem:v9+s19+$0x0], $0xffff;
	[tilespmem:s0+$0xFFFFE070] =	vst v2  }
0x57f: {  	v13 =	vadd.s32 v34, v44;
	[tilespmem:s0+$0xFFFFE010] =	vst v61;
	v8 =	vld.idx.msk [tilespmem:v8+s19+$0x0], $0xffff  }
0x580: {  	v19 =	vadd.s32 v34, v47;
	[tilespmem:s0+$0xFFFFE020] =	vst v4;
	v17 =	vld.idx.msk [tilespmem:v10+s19+$0x0], $0xffff  }
0x581: {  	v35 =	vor.u32 $0x2A0, v24;
	v40 =	vadd.s32 v34, v41;
	[tilespmem:s0+$0xFFFFE030] =	vst v5;
	v32 =	vld.idx.msk [tilespmem:v11+s19+$0x0], $0xffff  }
0x582: {  	v18 =	vadd.s32 v35, v48;
	[tilespmem:s0+$0xFFFFE040] =	vst v6;
	v49 =	vld.idx.msk [tilespmem:v12+s19+$0x0], $0xffff  }
0x583: {  	v50 =	vadd.s32 v35, v46;
	[tilespmem:s0+$0xFFFFE050] =	vst v0;
	v51 =	vld.idx.msk [tilespmem:v63+s19+$0x0], $0xffff  }
0x584: {  	v52 =	vadd.s32 v35, v45;
	[tilespmem:s0+$0xFFFFE000] =	vst v16;
	v13 =	vld.idx.msk [tilespmem:v13+s19+$0x0], $0xffff  }
0x585: {  	v53 =	vadd.s32 v35, v42;
	[tilespmem:s0+$0xFFFFE060] =	vst v7;
	v56 =	vld.idx.msk [tilespmem:v19+s19+$0x0], $0xffff  }
0x586: {  	v55 =	vadd.s32 v35, v43;
	v57 =	vld.idx.msk [tilespmem:v40+s19+$0x0], $0xffff;
	[tilespmem:s0+$0xFFFFE870] =	vst v8  }
0x587: {  	v59 =	vadd.s32 v35, v47;
	[tilespmem:s0+$0xFFFFE810] =	vst v17;
	v54 =	vld.idx.msk [tilespmem:v18+s19+$0x0], $0xffff  }
0x588: {  	v61 =	vadd.s32 v35, v44;
	[tilespmem:s0+$0xFFFFE820] =	vst v32;
	v60 =	vld.idx.msk [tilespmem:v50+s19+$0x0], $0xffff  }
0x589: {  	v36 =	vor.u32 $0x2B0, v24;
	v62 =	vadd.s32 v35, v41;
	[tilespmem:s0+$0xFFFFE830] =	vst v49;
	v2 =	vld.idx.msk [tilespmem:v52+s19+$0x0], $0xffff  }
0x58a: {  	v58 =	vadd.s32 v36, v48;
	[tilespmem:s0+$0xFFFFE840] =	vst v51;
	v63 =	vld.idx.msk [tilespmem:v53+s19+$0x0], $0xffff  }
0x58b: {  	v16 =	vadd.s32 v36, v46;
	[tilespmem:s0+$0xFFFFE800] =	vst v56;
	v9 =	vld.idx.msk [tilespmem:v55+s19+$0x0], $0xffff  }
0x58c: {  	v17 =	vadd.s32 v36, v45;
	[tilespmem:s0+$0xFFFFE850] =	vst v13;
	v11 =	vld.idx.msk [tilespmem:v59+s19+$0x0], $0xffff  }
0x58d: {  	v19 =	vadd.s32 v36, v42;
	[tilespmem:s0+$0xFFFFE860] =	vst v57;
	v32 =	vld.idx.msk [tilespmem:v61+s19+$0x0], $0xffff  }
0x58e: {  	v40 =	vadd.s32 v36, v47;
	v49 =	vld.idx.msk [tilespmem:v62+s19+$0x0], $0xffff;
	[tilespmem:s0+$0xFFFFF070] =	vst v54  }
0x58f: {  	v50 =	vadd.s32 v36, v43;
	[tilespmem:s0+$0xFFFFF010] =	vst v60;
	v18 =	vld.idx.msk [tilespmem:v58+s19+$0x0], $0xffff  }
0x590: {  	v52 =	vadd.s32 v36, v44;
	[tilespmem:s0+$0xFFFFF020] =	vst v2;
	v51 =	vld.idx.msk [tilespmem:v16+s19+$0x0], $0xffff  }
0x591: {  	v37 =	vor.u32 $0x2C0, v24;
	[tilespmem:s0+$0xFFFFF030] =	vst v63;
	v54 =	vadd.s32 v36, v41;
	v53 =	vld.idx.msk [tilespmem:v17+s19+$0x0], $0xffff  }
0x592: {  	v39 =	vadd.s32 v37, v48;
	[tilespmem:s0+$0xFFFFF000] =	vst v11;
	v10 =	vld.idx.msk [tilespmem:v19+s19+$0x0], $0xffff  }
0x593: {  	v55 =	vadd.s32 v37, v46;
	[tilespmem:s0+$0xFFFFF040] =	vst v9;
	v58 =	vld.idx.msk [tilespmem:v40+s19+$0x0], $0xffff  }
0x594: {  	v57 =	vadd.s32 v37, v45;
	[tilespmem:s0+$0xFFFFF050] =	vst v32;
	v59 =	vld.idx.msk [tilespmem:v50+s19+$0x0], $0xffff  }
0x595: {  	v61 =	vadd.s32 v37, v47;
	[tilespmem:s0+$0xFFFFF060] =	vst v49;
	v62 =	vld.idx.msk [tilespmem:v52+s19+$0x0], $0xffff  }
0x596: {  	v63 =	vadd.s32 v37, v42;
	v16 =	vld.idx.msk [tilespmem:v54+s19+$0x0], $0xffff;
	[tilespmem:s0+$0xFFFFF870] =	vst v18  }
0x597: {  	v17 =	vadd.s32 v37, v43;
	[tilespmem:s0+$0xFFFFF810] =	vst v51;
	v56 =	vld.idx.msk [tilespmem:v39+s19+$0x0], $0xffff  }
0x598: {  	v19 =	vadd.s32 v37, v44;
	[tilespmem:s0+$0xFFFFF820] =	vst v53;
	v18 =	vld.idx.msk [tilespmem:v55+s19+$0x0], $0xffff  }
0x599: {  	v38 =	vor.u32 $0x2D0, v24;
	v32 =	vadd.s32 v37, v41;
	[tilespmem:s0+$0xFFFFF800] =	vst v58;
	v12 =	vld.idx.msk [tilespmem:v57+s19+$0x0], $0xffff  }
0x59a: {  	v60 =	vadd.s32 v38, v48;
	[tilespmem:s0+$0xFFFFF830] =	vst v10;
	v50 =	vld.idx.msk [tilespmem:v61+s19+$0x0], $0xffff  }
0x59b: {  	v49 =	vadd.s32 v38, v46;
	[tilespmem:s0+$0xFFFFF840] =	vst v59;
	v51 =	vld.idx.msk [tilespmem:v63+s19+$0x0], $0xffff  }
0x59c: {  	v53 =	vadd.s32 v38, v47;
	[tilespmem:s0+$0xFFFFF850] =	vst v62;
	v3 =	vld.idx.msk [tilespmem:v17+s19+$0x0], $0xffff  }
0x59d: {  	v54 =	vadd.s32 v38, v45;
	v55 =	vld.idx.msk [tilespmem:v19+s19+$0x0], $0xffff;
	[tilespmem:s0+$0xFFFFF860] =	vst v16  }
0x59e: {  	v58 =	vadd.s32 v38, v43;
	v57 =	vld.idx.msk [tilespmem:v32+s19+$0x0], $0xffff;
	[tilespmem:s0+$0x70] =	vst v56  }
0x59f: {  	v59 =	vadd.s32 v38, v44;
	[tilespmem:s0+$0x10] =	vst v18;
	v6 =	vld.idx.msk [tilespmem:v60+s19+$0x0], $0xffff  }
0x5a0: {  	v56 =	vadd.s32 v38, v42;
	[tilespmem:s0+$0x0] =	vst v50;
	v9 =	vld.idx.msk [tilespmem:v49+s19+$0x0], $0xffff  }
0x5a1: {  	v39 =	vor.u32 $0x2E0, v24;
	[tilespmem:s0+$0x20] =	vst v12;
	v60 =	vadd.s32 v38, v41;
	v61 =	vld.idx.msk [tilespmem:v53+s19+$0x0], $0xffff  }
0x5a2: {  	v52 =	vadd.s32 v39, v48;
	[tilespmem:s0+$0x40] =	vst v3;
	v62 =	vld.idx.msk [tilespmem:v54+s19+$0x0], $0xffff  }
0x5a3: {  	v40 =	vor.u32 $0x2F0, v24;
	v16 =	vadd.s32 v39, v47;
	[tilespmem:s0+$0x50] =	vst v55;
	v19 =	vld.idx.msk [tilespmem:v58+s19+$0x0], $0xffff  }
0x5a4: {  	v63 =	vadd.s32 v40, v48;
	[tilespmem:s0+$0x30] =	vst v51;
	v18 =	vadd.s32 v39, v46;
	v48 =	vld.idx.msk [tilespmem:v59+s19+$0x0], $0xffff  }
0x5a5: {  	v32 =	vadd.s32 v39, v45;
	[tilespmem:s0+$0x60] =	vst v57;
	v17 =	vld.idx.msk [tilespmem:v56+s19+$0x0], $0xffff  }
0x5a6: {  	v50 =	vadd.s32 v39, v43;
	[tilespmem:s0+$0x870] =	vst v6;
	v10 =	vld.idx.msk [tilespmem:v60+s19+$0x0], $0xffff  }
0x5a7: {  	v51 =	vadd.s32 v39, v44;
	[tilespmem:s0+$0x800] =	vst v61;
	v8 =	vld.idx.msk [tilespmem:v52+s19+$0x0], $0xffff  }
0x5a8: {  	[tilespmem:s0+$0x810] =	vst v9;
	v52 =	vld.idx.msk [tilespmem:v16+s19+$0x0], $0xffff  }
0x5a9: {  	[tilespmem:s0+$0x820] =	vst v62;
	v54 =	vld.idx.msk [tilespmem:v18+s19+$0x0], $0xffff  }
0x5aa: {  	v49 =	vadd.s32 v39, v42;
	[tilespmem:s0+$0x840] =	vst v19;
	v56 =	vld.idx.msk [tilespmem:v32+s19+$0x0], $0xffff  }
0x5ab: {  	v53 =	vadd.s32 v39, v41;
	[tilespmem:s0+$0x850] =	vst v48;
	v60 =	vld.idx.msk [tilespmem:v50+s19+$0x0], $0xffff  }
0x5ac: {  	v61 =	vld.idx.msk [tilespmem:v51+s19+$0x0], $0xffff  }
0x5ad: {  	v32 =	vld [tilespmem:s23+$0xFFFFFFE0]  }
0x5ae: {  	[tilespmem:s0+$0x830] =	vst v17;
	v17 =	vld [tilespmem:s23+$0x10]  }
0x5af: {  	v55 =	vadd.s32 v40, v47;
	v58 =	vld.idx.msk [tilespmem:v49+s19+$0x0], $0xffff;
	[tilespmem:s0+$0x860] =	vst v10  }
0x5b0: {  	v57 =	vadd.s32 v40, v46;
	v62 =	vld.idx.msk [tilespmem:v53+s19+$0x0], $0xffff  }
0x5b1: {  	v59 =	vadd.s32 v40, v45;
	[tilespmem:s0+$0x1070] =	vst v8;
	v53 =	vld [tilespmem:s23+$0xFFFFFFF0]  }
0x5b2: {  	[tilespmem:s0+$0x1020] =	vst v56;
	v56 =	vld [tilespmem:s23+$0xFFFFFFC0]  }
0x5b3: {  	[tilespmem:s0+$0x1000] =	vst v52;
	v5 =	vld.idx.msk [tilespmem:v63+s19+$0x0], $0xffff  }
0x5b4: {  	v14 =	vadd.s32 v40, v43;
	v45 =	vmul.u32 $0x390, v15;
	[tilespmem:s0+$0x1010] =	vst v54;
	v7 =	vld.idx.msk [tilespmem:v55+s19+$0x0], $0xffff  }
0x5b5: {  	v16 =	vadd.s32 v40, v44;
	v4 =	vld.idx.msk [tilespmem:v57+s19+$0x0], $0xffff  }
0x5b6: {  	[tilespmem:s0+$0x1050] =	vst v61;
	v61 =	vadd.s32 v33, v45;
	v3 =	vld.idx.msk [tilespmem:v59+s19+$0x0], $0xffff  }
0x5b7: {  	v52 =	vadd.s32 v40, v42;
	v48 =	vmul.u32 $0x390, v32;
	v63 =	vld [tilespmem:s23+$0x30]  }
0x5b8: {  	v47 =	vmul.u32 $0x390, v1;
	v54 =	vadd.s32 v40, v41;
	[tilespmem:s0+$0x1040] =	vst v60;
	v55 =	vld [tilespmem:s23+$0x20]  }
0x5b9: {  	v41 =	vld.idx.msk [tilespmem:v14+s19+$0x0], $0xffff;
	v59 =	vadd.s32 v33, v48;
	v46 =	vmul.u32 $0x390, v17  }
0x5ba: {  	v42 =	vld.idx.msk [tilespmem:v16+s19+$0x0], $0xffff;
	[tilespmem:s0+$0x1030] =	vst v58;
	v58 =	vadd.s32 v33, v47  }
0x5bb: {  	v44 =	vmul.u32 $0x390, v53;
	[tilespmem:s0+$0x1060] =	vst v62;
	v62 =	vadd.s32 v33, v46;
	v53 =	vld.idx.msk [tilespmem:v61+s19+$0x0], $0xffff  }
0x5bc: {  	v12 =	vld.idx.msk [tilespmem:v52+s19+$0x0], $0xffff;
	v51 =	vmul.u32 $0x390, v56;
	v56 =	vadd.s32 v34, v45  }
0x5bd: {  	v50 =	vmul.u32 $0x390, v63;
	v43 =	vld.idx.msk [tilespmem:v54+s19+$0x0], $0xffff;
	v60 =	vadd.s32 v33, v44  }
0x5be: {  	v49 =	vmul.u32 $0x390, v55;
	[tilespmem:s0+$0x1870] =	vst v5;
	v17 =	vld.idx.msk [tilespmem:v59+s19+$0x0], $0xffff;
	v19 =	vadd.s32 v33, v51  }
0x5bf: {  	s1 =	simm.s32 $0x12C80;
	[tilespmem:s0+$0x1800] =	vst v7;
	v57 =	vadd.s32 v33, v50;
	v0 =	vld.idx.msk [tilespmem:v58+s19+$0x0], $0xffff  }
0x5c0: {  	v16 =	vadd.s32 v33, v49;
	v6 =	vld.idx.msk [tilespmem:v62+s19+$0x0], $0xffff;
	[tilespmem:s1+$0xFFFFE040] =	vst v53  }
0x5c1: {  	[tilespmem:s0+$0x1810] =	vst v4;
	v54 =	vadd.s32 v34, v48;
	v10 =	vld.idx.msk [tilespmem:v56+s19+$0x0], $0xffff  }
0x5c2: {  	v52 =	vadd.s32 v34, v47;
	[tilespmem:s0+$0x1820] =	vst v3;
	v32 =	vld.idx.msk [tilespmem:v60+s19+$0x0], $0xffff  }
0x5c3: {  	v58 =	vadd.s32 v34, v46;
	[tilespmem:s0+$0x1830] =	vst v12;
	v4 =	vld.idx.msk [tilespmem:v19+s19+$0x0], $0xffff  }
0x5c4: {  	v55 =	vadd.s32 v34, v44;
	[tilespmem:s1+$0xFFFFE020] =	vst v17;
	v63 =	vld.idx.msk [tilespmem:v57+s19+$0x0], $0xffff  }
0x5c5: {  	v60 =	vadd.s32 v34, v51;
	v2 =	vld.idx.msk [tilespmem:v16+s19+$0x0], $0xffff;
	[tilespmem:s1+$0xFFFFE010] =	vst v0  }
0x5c6: {  	v18 =	vadd.s32 v34, v50;
	v11 =	vld.idx.msk [tilespmem:v54+s19+$0x0], $0xffff;
	[tilespmem:s1+$0xFFFFE050] =	vst v6  }
0x5c7: {  	v61 =	vadd.s32 v34, v49;
	v3 =	vld.idx.msk [tilespmem:v52+s19+$0x0], $0xffff;
	[tilespmem:s1+$0xFFFFE030] =	vst v32  }
0x5c8: {  	v62 =	vadd.s32 v35, v47;
	v7 =	vld.idx.msk [tilespmem:v58+s19+$0x0], $0xffff;
	[tilespmem:s1+$0xFFFFE000] =	vst v4  }
0x5c9: {  	[tilespmem:s1+$0xFFFFE070] =	vst v63;
	v12 =	vld.idx.msk [tilespmem:v55+s19+$0x0], $0xffff;
	v63 =	vadd.s32 v35, v48  }
0x5ca: {  	v16 =	vadd.s32 v35, v44;
	[tilespmem:s1+$0xFFFFE840] =	vst v10;
	v8 =	vld.idx.msk [tilespmem:v60+s19+$0x0], $0xffff  }
0x5cb: {  	[tilespmem:s1+$0xFFFFE060] =	vst v2;
	v57 =	vld.idx.msk [tilespmem:v18+s19+$0x0], $0xffff;
	v18 =	vadd.s32 v35, v45  }
0x5cc: {  	v52 =	vadd.s32 v35, v51;
	v19 =	vld.idx.msk [tilespmem:v61+s19+$0x0], $0xffff;
	[tilespmem:s1+$0xFFFFE810] =	vst v3  }
0x5cd: {  	v59 =	vadd.s32 v35, v50;
	[tilespmem:s1+$0xFFFFE820] =	vst v11;
	v6 =	vld.idx.msk [tilespmem:v62+s19+$0x0], $0xffff  }
0x5ce: {  	v53 =	vadd.s32 v35, v46;
	[tilespmem:s1+$0xFFFFE830] =	vst v12;
	v2 =	vld.idx.msk [tilespmem:v63+s19+$0x0], $0xffff  }
0x5cf: {  	v54 =	vadd.s32 v35, v49;
	[tilespmem:s1+$0xFFFFE850] =	vst v7;
	v0 =	vld.idx.msk [tilespmem:v16+s19+$0x0], $0xffff  }
0x5d0: {  	v55 =	vadd.s32 v36, v47;
	[tilespmem:s1+$0xFFFFE800] =	vst v8;
	v5 =	vld.idx.msk [tilespmem:v18+s19+$0x0], $0xffff  }
0x5d1: {  	v56 =	vadd.s32 v36, v48;
	[tilespmem:s1+$0xFFFFE870] =	vst v57;
	v11 =	vld.idx.msk [tilespmem:v52+s19+$0x0], $0xffff  }
0x5d2: {  	v58 =	vadd.s32 v36, v44;
	[tilespmem:s1+$0xFFFFE860] =	vst v19;
	v17 =	vld.idx.msk [tilespmem:v59+s19+$0x0], $0xffff  }
0x5d3: {  	v61 =	vadd.s32 v36, v51;
	v59 =	vld.idx.msk [tilespmem:v53+s19+$0x0], $0xffff;
	[tilespmem:s1+$0xFFFFF010] =	vst v6  }
0x5d4: {  	v32 =	vadd.s32 v36, v50;
	v62 =	vld.idx.msk [tilespmem:v54+s19+$0x0], $0xffff;
	[tilespmem:s1+$0xFFFFF020] =	vst v2  }
0x5d5: {  	v63 =	vadd.s32 v36, v45;
	v7 =	vld.idx.msk [tilespmem:v55+s19+$0x0], $0xffff;
	[tilespmem:s1+$0xFFFFF030] =	vst v0  }
0x5d6: {  	v16 =	vadd.s32 v36, v46;
	v4 =	vld.idx.msk [tilespmem:v56+s19+$0x0], $0xffff;
	[tilespmem:s1+$0xFFFFF040] =	vst v5  }
0x5d7: {  	v18 =	vadd.s32 v37, v47;
	[tilespmem:s1+$0xFFFFF000] =	vst v11;
	v9 =	vld.idx.msk [tilespmem:v58+s19+$0x0], $0xffff  }
0x5d8: {  	[tilespmem:s1+$0xFFFFF070] =	vst v17;
	v17 =	vadd.s32 v36, v49;
	v12 =	vld.idx.msk [tilespmem:v61+s19+$0x0], $0xffff  }
0x5d9: {  	v19 =	vadd.s32 v37, v48;
	[tilespmem:s1+$0xFFFFF050] =	vst v59;
	v57 =	vld.idx.msk [tilespmem:v32+s19+$0x0], $0xffff  }
0x5da: {  	v53 =	vadd.s32 v37, v51;
	[tilespmem:s1+$0xFFFFF060] =	vst v62;
	v32 =	vld.idx.msk [tilespmem:v63+s19+$0x0], $0xffff  }
0x5db: {  	v60 =	vadd.s32 v37, v50;
	v0 =	vld.idx.msk [tilespmem:v16+s19+$0x0], $0xffff;
	[tilespmem:s1+$0xFFFFF810] =	vst v7  }
0x5dc: {  	v54 =	vadd.s32 v37, v44;
	v8 =	vld.idx.msk [tilespmem:v18+s19+$0x0], $0xffff;
	[tilespmem:s1+$0xFFFFF820] =	vst v4  }
0x5dd: {  	v56 =	vadd.s32 v37, v45;
	v55 =	vld.idx.msk [tilespmem:v17+s19+$0x0], $0xffff;
	[tilespmem:s1+$0xFFFFF830] =	vst v9  }
0x5de: {  	v59 =	vadd.s32 v38, v47;
	v11 =	vld.idx.msk [tilespmem:v19+s19+$0x0], $0xffff;
	[tilespmem:s1+$0xFFFFF800] =	vst v12  }
0x5df: {  	[tilespmem:s1+$0xFFFFF870] =	vst v57;
	v57 =	vadd.s32 v37, v46;
	v10 =	vld.idx.msk [tilespmem:v53+s19+$0x0], $0xffff  }
0x5e0: {  	v58 =	vadd.s32 v37, v49;
	[tilespmem:s1+$0xFFFFF840] =	vst v32;
	v6 =	vld.idx.msk [tilespmem:v60+s19+$0x0], $0xffff  }
0x5e1: {  	v62 =	vadd.s32 v38, v51;
	[tilespmem:s1+$0xFFFFF850] =	vst v0;
	v60 =	vld.idx.msk [tilespmem:v54+s19+$0x0], $0xffff  }
0x5e2: {  	v52 =	vadd.s32 v38, v50;
	v5 =	vld.idx.msk [tilespmem:v56+s19+$0x0], $0xffff;
	[tilespmem:s1+$0x10] =	vst v8  }
0x5e3: {  	v63 =	vadd.s32 v38, v48;
	v12 =	vld.idx.msk [tilespmem:v59+s19+$0x0], $0xffff;
	[tilespmem:s1+$0xFFFFF860] =	vst v55  }
0x5e4: {  	v17 =	vadd.s32 v38, v44;
	v16 =	vld.idx.msk [tilespmem:v57+s19+$0x0], $0xffff;
	[tilespmem:s1+$0x0] =	vst v10  }
0x5e5: {  	v18 =	vadd.s32 v38, v45;
	[tilespmem:s1+$0x70] =	vst v6;
	v6 =	vld.idx.msk [tilespmem:v58+s19+$0x0], $0xffff  }
0x5e6: {  	[tilespmem:s1+$0x20] =	vst v11;
	v55 =	vadd.s32 v39, v47;
	v7 =	vld.idx.msk [tilespmem:v62+s19+$0x0], $0xffff  }
0x5e7: {  	v19 =	vadd.s32 v38, v46;
	[tilespmem:s1+$0x30] =	vst v60;
	v2 =	vld.idx.msk [tilespmem:v52+s19+$0x0], $0xffff  }
0x5e8: {  	v61 =	vadd.s32 v39, v50;
	[tilespmem:s1+$0x40] =	vst v5;
	v52 =	vld.idx.msk [tilespmem:v63+s19+$0x0], $0xffff  }
0x5e9: {  	v32 =	vadd.s32 v38, v49;
	v9 =	vld.idx.msk [tilespmem:v17+s19+$0x0], $0xffff;
	[tilespmem:s1+$0x810] =	vst v12  }
0x5ea: {  	v54 =	vadd.s32 v39, v51;
	v11 =	vld.idx.msk [tilespmem:v18+s19+$0x0], $0xffff;
	[tilespmem:s1+$0x50] =	vst v16  }
0x5eb: {  	v56 =	vadd.s32 v39, v48;
	v8 =	vld.idx.msk [tilespmem:v55+s19+$0x0], $0xffff;
	[tilespmem:s1+$0x60] =	vst v6  }
0x5ec: {  	v57 =	vadd.s32 v39, v44;
	[tilespmem:s1+$0x870] =	vst v2;
	v2 =	vld.idx.msk [tilespmem:v19+s19+$0x0], $0xffff  }
0x5ed: {  	v58 =	vadd.s32 v39, v45;
	[tilespmem:s1+$0x800] =	vst v7;
	v0 =	vld.idx.msk [tilespmem:v61+s19+$0x0], $0xffff  }
0x5ee: {  	v53 =	vadd.s32 v40, v50;
	v10 =	vld.idx.msk [tilespmem:v32+s19+$0x0], $0xffff;
	[tilespmem:s1+$0x820] =	vst v52  }
0x5ef: {  	v62 =	vadd.s32 v40, v47;
	v5 =	vld.idx.msk [tilespmem:v54+s19+$0x0], $0xffff;
	[tilespmem:s1+$0x830] =	vst v9  }
0x5f0: {  	v59 =	vadd.s32 v39, v46;
	[tilespmem:s1+$0x840] =	vst v11;
	v6 =	vld.idx.msk [tilespmem:v56+s19+$0x0], $0xffff  }
0x5f1: {  	v60 =	vadd.s32 v39, v49;
	v12 =	vld.idx.msk [tilespmem:v57+s19+$0x0], $0xffff;
	[tilespmem:s1+$0x1010] =	vst v8  }
0x5f2: {  	v61 =	vadd.s32 v40, v51;
	v47 =	vld.idx.msk [tilespmem:v58+s19+$0x0], $0xffff;
	[tilespmem:s1+$0x1070] =	vst v0  }
0x5f3: {  	v63 =	vadd.s32 v40, v48;
	[tilespmem:s1+$0x850] =	vst v2;
	v4 =	vld.idx.msk [tilespmem:v53+s19+$0x0], $0xffff  }
0x5f4: {  	v54 =	vadd.s32 v40, v44;
	v44 =	vld.idx.msk [tilespmem:v62+s19+$0x0], $0xffff;
	[tilespmem:s1+$0x860] =	vst v10  }
0x5f5: {  	[tilespmem:s1+$0x1000] =	vst v5;
	v48 =	vld.idx.msk [tilespmem:v59+s19+$0x0], $0xffff  }
0x5f6: {  	v55 =	vld.idx.msk [tilespmem:v60+s19+$0x0], $0xffff;
	[tilespmem:s1+$0x1020] =	vst v6  }
0x5f7: {  	v50 =	vld.idx.msk [tilespmem:v61+s19+$0x0], $0xffff;
	[tilespmem:s1+$0x1030] =	vst v12  }
0x5f8: {  	v52 =	vadd.s32 v40, v45;
	v45 =	vld.idx.msk [tilespmem:v63+s19+$0x0], $0xffff;
	[tilespmem:s1+$0x1870] =	vst v4  }
0x5f9: {  	v26 =	vld [tilespmem:$0x1FFB0]  }
0x5fa: {  	v27 =	vld [tilespmem:$0x1FFC0]  }
0x5fb: {  	v28 =	vld [tilespmem:$0x1FFD0]  }
0x5fc: {  	s6 =	simm.s32 $0x8;
	s4 =	simm.s32 $0x942;
	v51 =	vadd.s32 v40, v49;
	v53 =	vadd.s32 v40, v46;
	v31 =	vld [tilespmem:$0x1FFF0]  }
.LBB2_19:
0x5fd: {  	v0 =	vld [tilespmem:s4+$0x30];
	s6 =	sadd.s32 $0x8, s6;
	[tilespmem:s1+$0x1040] =	vst v47  }
0x5fe: {  	v2 =	vld [tilespmem:s4+$0xFFFFFFD0];
	p0 =	slt.u32 s6, $0x78;
	[tilespmem:s1+$0x1050] =	vst v48  }
0x5ff: {  	v3 =	vld [tilespmem:s4+$0xFFFFFFE0];
	[tilespmem:s1+$0x1060] =	vst v55  }
0x600: {  	v4 =	vld [tilespmem:s4+$0xFFFFFFF0];
	[tilespmem:s1+$0x1800] =	vst v50  }
0x601: {  	v5 =	vld [tilespmem:s4+$0x0];
	[tilespmem:s1+$0x1810] =	vst v44  }
0x602: {  	v6 =	vld [tilespmem:s4+$0x10];
	v44 =	vmul.u32 $0x390, v0;
	[tilespmem:s1+$0x1820] =	vst v45  }
0x603: {  	v45 =	vmul.u32 $0x390, v2;
	v0 =	vld [tilespmem:s4+$0x20];
	[tilespmem:s0+$0x1840] =	vst v41  }
0x604: {  	v2 =	vld [tilespmem:s4+$0xFFFFFFC0];
	v46 =	vmul.u32 $0x390, v3;
	v3 =	vadd.s32 v33, v44;
	[tilespmem:s0+$0x1850] =	vst v42  }
0x605: {  	v7 =	vadd.s32 v33, v45;
	v47 =	vmul.u32 $0x390, v4;
	v4 =	vld.idx.msk [tilespmem:v54+s19+$0x0], $0xffff;
	[tilespmem:s0+$0x1860] =	vst v43;
	s0 =	smov.u32 s1  }
0x606: {  	v8 =	vadd.s32 v33, v46;
	v49 =	vmul.u32 $0x390, v5;
	v41 =	vld.idx.msk [tilespmem:v52+s19+$0x0], $0xffff  }
0x607: {  	v5 =	vadd.s32 v33, v47;
	v48 =	vmul.u32 $0x390, v6;
	v42 =	vld.idx.msk [tilespmem:v53+s19+$0x0], $0xffff  }
0x608: {  	v6 =	vadd.s32 v33, v49;
	v50 =	vmul.u32 $0x390, v0;
	v43 =	vld.idx.msk [tilespmem:v51+s19+$0x0], $0xffff  }
0x609: {  	v51 =	vmul.u32 $0x390, v2;
	v0 =	vadd.s32 v33, v48;
	v2 =	vld.idx.msk [tilespmem:v3+s19+$0x0], $0xffff  }
0x60a: {  	v3 =	vld.idx.msk [tilespmem:v7+s19+$0x0], $0xffff;
	v7 =	vadd.s32 v33, v50  }
0x60b: {  	v11 =	vadd.s32 v34, v44;
	v9 =	vadd.s32 v33, v51;
	v10 =	vadd.s32 v34, v51;
	v8 =	vld.idx.msk [tilespmem:v8+s19+$0x0], $0xffff  }
0x60c: {  	v12 =	vadd.s32 v34, v45;
	v13 =	vadd.s32 v34, v46;
	v14 =	vadd.s32 v34, v47;
	v5 =	vld.idx.msk [tilespmem:v5+s19+$0x0], $0xffff  }
0x60d: {  	v15 =	vadd.s32 v34, v49;
	v16 =	vadd.s32 v34, v48;
	v17 =	vadd.s32 v34, v50;
	v6 =	vld.idx.msk [tilespmem:v6+s19+$0x0], $0xffff  }
0x60e: {  	s1 =	sadd.s32 $0x80, s1;
	v0 =	vld.idx.msk [tilespmem:v0+s19+$0x0], $0xffff;
	[tilespmem:s0+$0x1830] =	vst v4  }
0x60f: {  	v4 =	vld.idx.msk [tilespmem:v7+s19+$0x0], $0xffff;
	[tilespmem:s1+$0xFFFFE070] =	vst v2  }
0x610: {  	[tilespmem:s1+$0xFFFFE010] =	vst v3;
	v2 =	vld.idx.msk [tilespmem:v11+s19+$0x0], $0xffff  }
0x611: {  	v3 =	vld.idx.msk [tilespmem:v9+s19+$0x0], $0xffff;
	[tilespmem:s1+$0xFFFFE020] =	vst v8  }
0x612: {  	v7 =	vadd.s32 v35, v51;
	v8 =	vld.idx.msk [tilespmem:v12+s19+$0x0], $0xffff;
	[tilespmem:s1+$0xFFFFE030] =	vst v5;
	v5 =	vadd.s32 v35, v44  }
0x613: {  	v9 =	vadd.s32 v35, v45;
	v12 =	vadd.s32 v35, v46;
	v11 =	vld.idx.msk [tilespmem:v13+s19+$0x0], $0xffff;
	[tilespmem:s1+$0xFFFFE040] =	vst v6  }
0x614: {  	v13 =	vadd.s32 v35, v47;
	v6 =	vld.idx.msk [tilespmem:v14+s19+$0x0], $0xffff;
	v14 =	vadd.s32 v35, v49;
	[tilespmem:s1+$0xFFFFE050] =	vst v0  }
0x615: {  	v0 =	vld.idx.msk [tilespmem:v15+s19+$0x0], $0xffff;
	v15 =	vadd.s32 v35, v48;
	[tilespmem:s1+$0xFFFFE060] =	vst v4;
	v4 =	vadd.s32 v35, v50  }
0x616: {  	v16 =	vld.idx.msk [tilespmem:v16+s19+$0x0], $0xffff;
	[tilespmem:s1+$0xFFFFE870] =	vst v2  }
0x617: {  	[tilespmem:s1+$0xFFFFE000] =	vst v3;
	v2 =	vld.idx.msk [tilespmem:v5+s19+$0x0], $0xffff  }
0x618: {  	v3 =	vld.idx.msk [tilespmem:v10+s19+$0x0], $0xffff;
	[tilespmem:s1+$0xFFFFE810] =	vst v8  }
0x619: {  	v5 =	vadd.s32 v36, v51;
	v10 =	vadd.s32 v36, v44;
	[tilespmem:s1+$0xFFFFE820] =	vst v11;
	v8 =	vld.idx.msk [tilespmem:v17+s19+$0x0], $0xffff  }
0x61a: {  	v11 =	vadd.s32 v36, v45;
	v17 =	vadd.s32 v36, v46;
	v9 =	vld.idx.msk [tilespmem:v9+s19+$0x0], $0xffff;
	[tilespmem:s1+$0xFFFFE830] =	vst v6  }
0x61b: {  	v6 =	vld.idx.msk [tilespmem:v12+s19+$0x0], $0xffff;
	v12 =	vadd.s32 v36, v47;
	[tilespmem:s1+$0xFFFFE840] =	vst v0;
	v0 =	vadd.s32 v36, v49  }
0x61c: {  	v18 =	vadd.s32 v36, v50;
	v13 =	vld.idx.msk [tilespmem:v13+s19+$0x0], $0xffff;
	[tilespmem:s1+$0xFFFFE850] =	vst v16;
	v16 =	vadd.s32 v36, v48  }
0x61d: {  	v14 =	vld.idx.msk [tilespmem:v14+s19+$0x0], $0xffff;
	[tilespmem:s1+$0xFFFFF070] =	vst v2  }
0x61e: {  	[tilespmem:s1+$0xFFFFE800] =	vst v3;
	v2 =	vld.idx.msk [tilespmem:v10+s19+$0x0], $0xffff  }
0x61f: {  	v3 =	vld.idx.msk [tilespmem:v7+s19+$0x0], $0xffff;
	[tilespmem:s1+$0xFFFFE860] =	vst v8  }
0x620: {  	v7 =	vadd.s32 v37, v51;
	[tilespmem:s1+$0xFFFFF010] =	vst v9;
	v8 =	vld.idx.msk [tilespmem:v15+s19+$0x0], $0xffff;
	v9 =	vadd.s32 v37, v44  }
0x621: {  	v10 =	vadd.s32 v37, v45;
	[tilespmem:s1+$0xFFFFF020] =	vst v6;
	v6 =	vadd.s32 v37, v46;
	v4 =	vld.idx.msk [tilespmem:v4+s19+$0x0], $0xffff  }
0x622: {  	v15 =	vadd.s32 v37, v49;
	v11 =	vld.idx.msk [tilespmem:v11+s19+$0x0], $0xffff;
	[tilespmem:s1+$0xFFFFF030] =	vst v13;
	v13 =	vadd.s32 v37, v47  }
0x623: {  	v19 =	vadd.s32 v37, v50;
	v17 =	vld.idx.msk [tilespmem:v17+s19+$0x0], $0xffff;
	[tilespmem:s1+$0xFFFFF040] =	vst v14;
	v14 =	vadd.s32 v37, v48  }
0x624: {  	v12 =	vld.idx.msk [tilespmem:v12+s19+$0x0], $0xffff;
	[tilespmem:s1+$0xFFFFF870] =	vst v2  }
0x625: {  	[tilespmem:s1+$0xFFFFF000] =	vst v3;
	v2 =	vld.idx.msk [tilespmem:v9+s19+$0x0], $0xffff  }
0x626: {  	v3 =	vld.idx.msk [tilespmem:v5+s19+$0x0], $0xffff;
	[tilespmem:s1+$0xFFFFF050] =	vst v8  }
0x627: {  	v5 =	vadd.s32 v38, v51;
	v0 =	vld.idx.msk [tilespmem:v0+s19+$0x0], $0xffff;
	[tilespmem:s1+$0xFFFFF060] =	vst v4;
	v4 =	vadd.s32 v38, v44  }
0x628: {  	v9 =	vadd.s32 v38, v46;
	v8 =	vadd.s32 v38, v45;
	[tilespmem:s1+$0xFFFFF810] =	vst v11;
	v11 =	vld.idx.msk [tilespmem:v16+s19+$0x0], $0xffff  }
0x629: {  	v16 =	vadd.s32 v38, v47;
	[tilespmem:s1+$0xFFFFF820] =	vst v17;
	v17 =	vadd.s32 v38, v49;
	v18 =	vld.idx.msk [tilespmem:v18+s19+$0x0], $0xffff  }
0x62a: {  	v20 =	vadd.s32 v38, v50;
	v10 =	vld.idx.msk [tilespmem:v10+s19+$0x0], $0xffff;
	[tilespmem:s1+$0xFFFFF830] =	vst v12;
	v12 =	vadd.s32 v38, v48  }
0x62b: {  	v6 =	vld.idx.msk [tilespmem:v6+s19+$0x0], $0xffff;
	[tilespmem:s1+$0x70] =	vst v2  }
0x62c: {  	[tilespmem:s1+$0xFFFFF800] =	vst v3;
	v2 =	vld.idx.msk [tilespmem:v4+s19+$0x0], $0xffff  }
0x62d: {  	v3 =	vld.idx.msk [tilespmem:v7+s19+$0x0], $0xffff;
	[tilespmem:s1+$0xFFFFF840] =	vst v0  }
0x62e: {  	v0 =	vadd.s32 v39, v51;
	v7 =	vadd.s32 v39, v44;
	v4 =	vld.idx.msk [tilespmem:v13+s19+$0x0], $0xffff;
	[tilespmem:s1+$0xFFFFF850] =	vst v11  }
0x62f: {  	v11 =	vadd.s32 v39, v45;
	v13 =	vadd.s32 v39, v46;
	v15 =	vld.idx.msk [tilespmem:v15+s19+$0x0], $0xffff;
	[tilespmem:s1+$0xFFFFF860] =	vst v18  }
0x630: {  	v18 =	vadd.s32 v39, v49;
	[tilespmem:s1+$0x10] =	vst v10;
	v10 =	vadd.s32 v39, v47;
	v14 =	vld.idx.msk [tilespmem:v14+s19+$0x0], $0xffff  }
0x631: {  	v21 =	vadd.s32 v39, v50;
	[tilespmem:s1+$0x20] =	vst v6;
	v6 =	vadd.s32 v39, v48;
	v19 =	vld.idx.msk [tilespmem:v19+s19+$0x0], $0xffff  }
0x632: {  	v8 =	vld.idx.msk [tilespmem:v8+s19+$0x0], $0xffff;
	[tilespmem:s1+$0x870] =	vst v2  }
0x633: {  	[tilespmem:s1+$0x0] =	vst v3;
	v2 =	vld.idx.msk [tilespmem:v7+s19+$0x0], $0xffff  }
0x634: {  	v3 =	vld.idx.msk [tilespmem:v5+s19+$0x0], $0xffff;
	[tilespmem:s1+$0x30] =	vst v4  }
0x635: {  	v7 =	vadd.s32 v40, v44;
	v4 =	vadd.s32 v40, v51;
	v5 =	vld.idx.msk [tilespmem:v9+s19+$0x0], $0xffff;
	[tilespmem:s1+$0x40] =	vst v15  }
0x636: {  	v9 =	vadd.s32 v40, v45;
	v15 =	vadd.s32 v40, v46;
	v16 =	vld.idx.msk [tilespmem:v16+s19+$0x0], $0xffff;
	[tilespmem:s1+$0x50] =	vst v14  }
0x637: {  	v54 =	vadd.s32 v40, v47;
	v52 =	vadd.s32 v40, v49;
	v14 =	vld.idx.msk [tilespmem:v17+s19+$0x0], $0xffff;
	[tilespmem:s1+$0x60] =	vst v19  }
0x638: {  	v53 =	vadd.s32 v40, v48;
	v51 =	vadd.s32 v40, v50;
	[tilespmem:s1+$0x810] =	vst v8;
	v8 =	vld.idx.msk [tilespmem:v12+s19+$0x0], $0xffff  }
0x639: {  	v12 =	vld.idx.msk [tilespmem:v20+s19+$0x0], $0xffff;
	[tilespmem:s1+$0x1070] =	vst v2  }
0x63a: {  	[tilespmem:s1+$0x800] =	vst v3;
	v2 =	vld.idx.msk [tilespmem:v7+s19+$0x0], $0xffff  }
0x63b: {  	v0 =	vld.idx.msk [tilespmem:v0+s19+$0x0], $0xffff;
	[tilespmem:s1+$0x820] =	vst v5  }
0x63c: {  	v3 =	vld.idx.msk [tilespmem:v11+s19+$0x0], $0xffff;
	[tilespmem:s1+$0x830] =	vst v16  }
0x63d: {  	v5 =	vld.idx.msk [tilespmem:v13+s19+$0x0], $0xffff;
	[tilespmem:s1+$0x840] =	vst v14  }
0x63e: {  	v7 =	vld.idx.msk [tilespmem:v10+s19+$0x0], $0xffff;
	[tilespmem:s1+$0x850] =	vst v8  }
0x63f: {  	v47 =	vld.idx.msk [tilespmem:v18+s19+$0x0], $0xffff;
	[tilespmem:s1+$0x860] =	vst v12  }
.Ltmp10:
0x640: {  	v48 =	vld.idx.msk [tilespmem:v6+s19+$0x0], $0xffff;
	[tilespmem:s1+$0x1870] =	vst v2;
	(pc) =	sbr.rel @p0 .LBB2_19-.Ltmp10, $4  }
0x641: {  	[tilespmem:s1+$0x1000] =	vst v0;
	v55 =	vld.idx.msk [tilespmem:v21+s19+$0x0], $0xffff  }
0x642: {  	v50 =	vld.idx.msk [tilespmem:v4+s19+$0x0], $0xffff;
	[tilespmem:s1+$0x1010] =	vst v3  }
0x643: {  	v44 =	vld.idx.msk [tilespmem:v9+s19+$0x0], $0xffff;
	[tilespmem:s1+$0x1020] =	vst v5  }
0x644: {  	s4 =	sadd.s32 $0x81, s4;
	v45 =	vld.idx.msk [tilespmem:v15+s19+$0x0], $0xffff;
	[tilespmem:s1+$0x1030] =	vst v7  }
0x645: {  	[tilespmem:s1+$0x1040] =	vst v47  }
0x646: {  	[tilespmem:s1+$0x1050] =	vst v48  }
0x647: {  	[tilespmem:s0+$0x1840] =	vst v41  }
0x648: {  	[tilespmem:s0+$0x1850] =	vst v42  }
0x649: {  	v0 =	vld.idx.msk [tilespmem:v54+s19+$0x0], $0xffff;
	[tilespmem:s0+$0x1860] =	vst v43  }
0x64a: {  	[tilespmem:s1+$0x1060] =	vst v55;
	v2 =	vld.idx.msk [tilespmem:v52+s19+$0x0], $0xffff  }
0x64b: {  	v3 =	vld.idx.msk [tilespmem:v53+s19+$0x0], $0xffff;
	[tilespmem:s1+$0x1800] =	vst v50  }
0x64c: {  	v4 =	vld.idx.msk [tilespmem:v51+s19+$0x0], $0xffff;
	[tilespmem:s1+$0x1810] =	vst v44  }
0x64d: {  	[tilespmem:s1+$0x1820] =	vst v45  }
0x64e: {  	[tilespmem:s1+$0x1830] =	vst v0  }
0x64f: {  	[tilespmem:s1+$0x1840] =	vst v2  }
0x650: {  	[tilespmem:s1+$0x1850] =	vst v3  }
0x651: {  	s7 =	sadd.s32 s2, s15;
	[tilespmem:s1+$0x1860] =	vst v4  }
0x652: {  	[hbm4b:s7+s22] =	stream.strided.scatter [tilespmem:s29], [sflag:$0x2], $0x4000, s26, s22, $0x38;
	[tilespmem:$0x14C00] =	vst v63  }
0x653: {  	_ =	swait.ge [sflag:s30], $0x4000  }
0x654: {  	[sflag:s30] =	ssyncset.done $0x0  }
0x655: {  	s18 =	simm.s32 $0x840;
	[sflag:s30] =	ssyncadd.s32 $0xFFFFC000  }
0x656: {  	v46 =	vld [tilespmem:s18+$0x30]  }
0x657: {  	v47 =	vld [tilespmem:s18+$0xFFFFFFD0]  }
0x658: {  	v52 =	vld [tilespmem:s18+$0xFFFFFFE0]  }
0x659: {  	v53 =	vld [tilespmem:s18+$0xFFFFFFF0]  }
0x65a: {  	v5 =	vld [tilespmem:s18+$0x0]  }
0x65b: {  	v6 =	vld [tilespmem:s18+$0x10];
	v48 =	vmul.u32 $0x390, v46  }
0x65c: {  	v33 =	vor.u32 $0x300, v24;
	v54 =	vld [tilespmem:s18+$0x20];
	v46 =	vmul.u32 $0x390, v47  }
0x65d: {  	v56 =	vld [tilespmem:s18+$0xFFFFFFC0];
	v45 =	vmul.u32 $0x390, v52;
	v55 =	vadd.s32 v33, v48  }
0x65e: {  	v42 =	vmul.u32 $0x390, v53;
	v7 =	vadd.s32 v33, v46  }
0x65f: {  	s23 =	simm.s32 $0x8C1;
	v43 =	vmul.u32 $0x390, v5;
	v57 =	vadd.s32 v33, v45  }
0x660: {  	v1 =	vld [tilespmem:s23+$0xFFFFFFD0];
	v44 =	vmul.u32 $0x390, v6;
	v58 =	vadd.s32 v33, v42  }
0x661: {  	v15 =	vld [tilespmem:s23+$0x0];
	v41 =	vmul.u32 $0x390, v54;
	v59 =	vadd.s32 v33, v43  }
0x662: {  	v47 =	vmul.u32 $0x390, v56;
	v60 =	vadd.s32 v33, v44;
	v2 =	vld.idx.msk [tilespmem:v55+s19+$0x0], $0xffff  }
0x663: {  	v62 =	vadd.s32 v33, v41;
	v61 =	vld.idx.msk [tilespmem:v7+s19+$0x0], $0xffff  }
0x664: {  	v34 =	vor.u32 $0x310, v24;
	v9 =	vadd.s32 v33, v47;
	v4 =	vld.idx.msk [tilespmem:v57+s19+$0x0], $0xffff  }
0x665: {  	v8 =	vadd.s32 v34, v48;
	v5 =	vld.idx.msk [tilespmem:v58+s19+$0x0], $0xffff  }
0x666: {  	v10 =	vadd.s32 v34, v46;
	v6 =	vld.idx.msk [tilespmem:v59+s19+$0x0], $0xffff  }
0x667: {  	v11 =	vadd.s32 v34, v45;
	v0 =	vld.idx.msk [tilespmem:v60+s19+$0x0], $0xffff  }
0x668: {  	s0 =	simm.s32 $0xEC00;
	v12 =	vadd.s32 v34, v42;
	v7 =	vld.idx.msk [tilespmem:v62+s19+$0x0], $0xffff  }
0x669: {  	v63 =	vadd.s32 v34, v43;
	v16 =	vld.idx.msk [tilespmem:v9+s19+$0x0], $0xffff;
	[tilespmem:s0+$0xFFFFE070] =	vst v2  }
0x66a: {  	v13 =	vadd.s32 v34, v44;
	[tilespmem:s0+$0xFFFFE010] =	vst v61;
	v8 =	vld.idx.msk [tilespmem:v8+s19+$0x0], $0xffff  }
0x66b: {  	v19 =	vadd.s32 v34, v47;
	[tilespmem:s0+$0xFFFFE020] =	vst v4;
	v17 =	vld.idx.msk [tilespmem:v10+s19+$0x0], $0xffff  }
0x66c: {  	v35 =	vor.u32 $0x320, v24;
	v40 =	vadd.s32 v34, v41;
	[tilespmem:s0+$0xFFFFE030] =	vst v5;
	v32 =	vld.idx.msk [tilespmem:v11+s19+$0x0], $0xffff  }
0x66d: {  	v18 =	vadd.s32 v35, v48;
	[tilespmem:s0+$0xFFFFE040] =	vst v6;
	v49 =	vld.idx.msk [tilespmem:v12+s19+$0x0], $0xffff  }
0x66e: {  	v50 =	vadd.s32 v35, v46;
	[tilespmem:s0+$0xFFFFE050] =	vst v0;
	v51 =	vld.idx.msk [tilespmem:v63+s19+$0x0], $0xffff  }
0x66f: {  	v52 =	vadd.s32 v35, v45;
	[tilespmem:s0+$0xFFFFE000] =	vst v16;
	v13 =	vld.idx.msk [tilespmem:v13+s19+$0x0], $0xffff  }
0x670: {  	v53 =	vadd.s32 v35, v42;
	[tilespmem:s0+$0xFFFFE060] =	vst v7;
	v56 =	vld.idx.msk [tilespmem:v19+s19+$0x0], $0xffff  }
0x671: {  	v55 =	vadd.s32 v35, v43;
	v57 =	vld.idx.msk [tilespmem:v40+s19+$0x0], $0xffff;
	[tilespmem:s0+$0xFFFFE870] =	vst v8  }
0x672: {  	v59 =	vadd.s32 v35, v47;
	[tilespmem:s0+$0xFFFFE810] =	vst v17;
	v54 =	vld.idx.msk [tilespmem:v18+s19+$0x0], $0xffff  }
0x673: {  	v61 =	vadd.s32 v35, v44;
	[tilespmem:s0+$0xFFFFE820] =	vst v32;
	v60 =	vld.idx.msk [tilespmem:v50+s19+$0x0], $0xffff  }
0x674: {  	v36 =	vor.u32 $0x330, v24;
	v62 =	vadd.s32 v35, v41;
	[tilespmem:s0+$0xFFFFE830] =	vst v49;
	v2 =	vld.idx.msk [tilespmem:v52+s19+$0x0], $0xffff  }
0x675: {  	v58 =	vadd.s32 v36, v48;
	[tilespmem:s0+$0xFFFFE840] =	vst v51;
	v63 =	vld.idx.msk [tilespmem:v53+s19+$0x0], $0xffff  }
0x676: {  	v16 =	vadd.s32 v36, v46;
	[tilespmem:s0+$0xFFFFE800] =	vst v56;
	v9 =	vld.idx.msk [tilespmem:v55+s19+$0x0], $0xffff  }
0x677: {  	v17 =	vadd.s32 v36, v45;
	[tilespmem:s0+$0xFFFFE850] =	vst v13;
	v11 =	vld.idx.msk [tilespmem:v59+s19+$0x0], $0xffff  }
0x678: {  	v19 =	vadd.s32 v36, v42;
	[tilespmem:s0+$0xFFFFE860] =	vst v57;
	v32 =	vld.idx.msk [tilespmem:v61+s19+$0x0], $0xffff  }
0x679: {  	v40 =	vadd.s32 v36, v47;
	v49 =	vld.idx.msk [tilespmem:v62+s19+$0x0], $0xffff;
	[tilespmem:s0+$0xFFFFF070] =	vst v54  }
0x67a: {  	v50 =	vadd.s32 v36, v43;
	[tilespmem:s0+$0xFFFFF010] =	vst v60;
	v18 =	vld.idx.msk [tilespmem:v58+s19+$0x0], $0xffff  }
0x67b: {  	v52 =	vadd.s32 v36, v44;
	[tilespmem:s0+$0xFFFFF020] =	vst v2;
	v51 =	vld.idx.msk [tilespmem:v16+s19+$0x0], $0xffff  }
0x67c: {  	v37 =	vor.u32 $0x340, v24;
	[tilespmem:s0+$0xFFFFF030] =	vst v63;
	v54 =	vadd.s32 v36, v41;
	v53 =	vld.idx.msk [tilespmem:v17+s19+$0x0], $0xffff  }
0x67d: {  	v39 =	vadd.s32 v37, v48;
	[tilespmem:s0+$0xFFFFF000] =	vst v11;
	v10 =	vld.idx.msk [tilespmem:v19+s19+$0x0], $0xffff  }
0x67e: {  	v55 =	vadd.s32 v37, v46;
	[tilespmem:s0+$0xFFFFF040] =	vst v9;
	v58 =	vld.idx.msk [tilespmem:v40+s19+$0x0], $0xffff  }
0x67f: {  	v57 =	vadd.s32 v37, v45;
	[tilespmem:s0+$0xFFFFF050] =	vst v32;
	v59 =	vld.idx.msk [tilespmem:v50+s19+$0x0], $0xffff  }
0x680: {  	v61 =	vadd.s32 v37, v47;
	[tilespmem:s0+$0xFFFFF060] =	vst v49;
	v62 =	vld.idx.msk [tilespmem:v52+s19+$0x0], $0xffff  }
0x681: {  	v63 =	vadd.s32 v37, v42;
	v16 =	vld.idx.msk [tilespmem:v54+s19+$0x0], $0xffff;
	[tilespmem:s0+$0xFFFFF870] =	vst v18  }
0x682: {  	v17 =	vadd.s32 v37, v43;
	[tilespmem:s0+$0xFFFFF810] =	vst v51;
	v56 =	vld.idx.msk [tilespmem:v39+s19+$0x0], $0xffff  }
0x683: {  	v19 =	vadd.s32 v37, v44;
	[tilespmem:s0+$0xFFFFF820] =	vst v53;
	v18 =	vld.idx.msk [tilespmem:v55+s19+$0x0], $0xffff  }
0x684: {  	v38 =	vor.u32 $0x350, v24;
	v32 =	vadd.s32 v37, v41;
	[tilespmem:s0+$0xFFFFF800] =	vst v58;
	v12 =	vld.idx.msk [tilespmem:v57+s19+$0x0], $0xffff  }
0x685: {  	v60 =	vadd.s32 v38, v48;
	[tilespmem:s0+$0xFFFFF830] =	vst v10;
	v50 =	vld.idx.msk [tilespmem:v61+s19+$0x0], $0xffff  }
0x686: {  	v49 =	vadd.s32 v38, v46;
	[tilespmem:s0+$0xFFFFF840] =	vst v59;
	v51 =	vld.idx.msk [tilespmem:v63+s19+$0x0], $0xffff  }
0x687: {  	v53 =	vadd.s32 v38, v47;
	[tilespmem:s0+$0xFFFFF850] =	vst v62;
	v3 =	vld.idx.msk [tilespmem:v17+s19+$0x0], $0xffff  }
0x688: {  	v54 =	vadd.s32 v38, v45;
	v55 =	vld.idx.msk [tilespmem:v19+s19+$0x0], $0xffff;
	[tilespmem:s0+$0xFFFFF860] =	vst v16  }
0x689: {  	v58 =	vadd.s32 v38, v43;
	v57 =	vld.idx.msk [tilespmem:v32+s19+$0x0], $0xffff;
	[tilespmem:s0+$0x70] =	vst v56  }
0x68a: {  	v59 =	vadd.s32 v38, v44;
	[tilespmem:s0+$0x10] =	vst v18;
	v6 =	vld.idx.msk [tilespmem:v60+s19+$0x0], $0xffff  }
0x68b: {  	v56 =	vadd.s32 v38, v42;
	[tilespmem:s0+$0x0] =	vst v50;
	v9 =	vld.idx.msk [tilespmem:v49+s19+$0x0], $0xffff  }
0x68c: {  	v39 =	vor.u32 $0x360, v24;
	[tilespmem:s0+$0x20] =	vst v12;
	v60 =	vadd.s32 v38, v41;
	v61 =	vld.idx.msk [tilespmem:v53+s19+$0x0], $0xffff  }
0x68d: {  	v52 =	vadd.s32 v39, v48;
	[tilespmem:s0+$0x40] =	vst v3;
	v62 =	vld.idx.msk [tilespmem:v54+s19+$0x0], $0xffff  }
0x68e: {  	v40 =	vor.u32 $0x370, v24;
	v16 =	vadd.s32 v39, v47;
	[tilespmem:s0+$0x50] =	vst v55;
	v19 =	vld.idx.msk [tilespmem:v58+s19+$0x0], $0xffff  }
0x68f: {  	v63 =	vadd.s32 v40, v48;
	[tilespmem:s0+$0x30] =	vst v51;
	v18 =	vadd.s32 v39, v46;
	v48 =	vld.idx.msk [tilespmem:v59+s19+$0x0], $0xffff  }
0x690: {  	v32 =	vadd.s32 v39, v45;
	[tilespmem:s0+$0x60] =	vst v57;
	v17 =	vld.idx.msk [tilespmem:v56+s19+$0x0], $0xffff  }
0x691: {  	v50 =	vadd.s32 v39, v43;
	[tilespmem:s0+$0x870] =	vst v6;
	v10 =	vld.idx.msk [tilespmem:v60+s19+$0x0], $0xffff  }
0x692: {  	v51 =	vadd.s32 v39, v44;
	[tilespmem:s0+$0x800] =	vst v61;
	v8 =	vld.idx.msk [tilespmem:v52+s19+$0x0], $0xffff  }
0x693: {  	[tilespmem:s0+$0x810] =	vst v9;
	v52 =	vld.idx.msk [tilespmem:v16+s19+$0x0], $0xffff  }
0x694: {  	[tilespmem:s0+$0x820] =	vst v62;
	v54 =	vld.idx.msk [tilespmem:v18+s19+$0x0], $0xffff  }
0x695: {  	v49 =	vadd.s32 v39, v42;
	[tilespmem:s0+$0x840] =	vst v19;
	v56 =	vld.idx.msk [tilespmem:v32+s19+$0x0], $0xffff  }
0x696: {  	v53 =	vadd.s32 v39, v41;
	[tilespmem:s0+$0x850] =	vst v48;
	v60 =	vld.idx.msk [tilespmem:v50+s19+$0x0], $0xffff  }
0x697: {  	v61 =	vld.idx.msk [tilespmem:v51+s19+$0x0], $0xffff  }
0x698: {  	v32 =	vld [tilespmem:s23+$0xFFFFFFE0]  }
0x699: {  	[tilespmem:s0+$0x830] =	vst v17;
	v17 =	vld [tilespmem:s23+$0x10]  }
0x69a: {  	v55 =	vadd.s32 v40, v47;
	v58 =	vld.idx.msk [tilespmem:v49+s19+$0x0], $0xffff;
	[tilespmem:s0+$0x860] =	vst v10  }
0x69b: {  	v57 =	vadd.s32 v40, v46;
	v62 =	vld.idx.msk [tilespmem:v53+s19+$0x0], $0xffff  }
0x69c: {  	v59 =	vadd.s32 v40, v45;
	[tilespmem:s0+$0x1070] =	vst v8;
	v53 =	vld [tilespmem:s23+$0xFFFFFFF0]  }
0x69d: {  	[tilespmem:s0+$0x1020] =	vst v56;
	v56 =	vld [tilespmem:s23+$0xFFFFFFC0]  }
0x69e: {  	[tilespmem:s0+$0x1000] =	vst v52;
	v5 =	vld.idx.msk [tilespmem:v63+s19+$0x0], $0xffff  }
0x69f: {  	v14 =	vadd.s32 v40, v43;
	v45 =	vmul.u32 $0x390, v15;
	[tilespmem:s0+$0x1010] =	vst v54;
	v7 =	vld.idx.msk [tilespmem:v55+s19+$0x0], $0xffff  }
0x6a0: {  	v16 =	vadd.s32 v40, v44;
	v4 =	vld.idx.msk [tilespmem:v57+s19+$0x0], $0xffff  }
0x6a1: {  	[tilespmem:s0+$0x1050] =	vst v61;
	v61 =	vadd.s32 v33, v45;
	v3 =	vld.idx.msk [tilespmem:v59+s19+$0x0], $0xffff  }
0x6a2: {  	v52 =	vadd.s32 v40, v42;
	v48 =	vmul.u32 $0x390, v32;
	v63 =	vld [tilespmem:s23+$0x30]  }
0x6a3: {  	v47 =	vmul.u32 $0x390, v1;
	v54 =	vadd.s32 v40, v41;
	[tilespmem:s0+$0x1040] =	vst v60;
	v55 =	vld [tilespmem:s23+$0x20]  }
0x6a4: {  	v41 =	vld.idx.msk [tilespmem:v14+s19+$0x0], $0xffff;
	v59 =	vadd.s32 v33, v48;
	v46 =	vmul.u32 $0x390, v17  }
0x6a5: {  	v42 =	vld.idx.msk [tilespmem:v16+s19+$0x0], $0xffff;
	[tilespmem:s0+$0x1030] =	vst v58;
	v58 =	vadd.s32 v33, v47  }
0x6a6: {  	v44 =	vmul.u32 $0x390, v53;
	[tilespmem:s0+$0x1060] =	vst v62;
	v62 =	vadd.s32 v33, v46;
	v53 =	vld.idx.msk [tilespmem:v61+s19+$0x0], $0xffff  }
0x6a7: {  	v12 =	vld.idx.msk [tilespmem:v52+s19+$0x0], $0xffff;
	v51 =	vmul.u32 $0x390, v56;
	v56 =	vadd.s32 v34, v45  }
0x6a8: {  	v50 =	vmul.u32 $0x390, v63;
	v43 =	vld.idx.msk [tilespmem:v54+s19+$0x0], $0xffff;
	v60 =	vadd.s32 v33, v44  }
0x6a9: {  	v49 =	vmul.u32 $0x390, v55;
	[tilespmem:s0+$0x1870] =	vst v5;
	v17 =	vld.idx.msk [tilespmem:v59+s19+$0x0], $0xffff;
	v19 =	vadd.s32 v33, v51  }
0x6aa: {  	s1 =	simm.s32 $0xEC80;
	[tilespmem:s0+$0x1800] =	vst v7;
	v57 =	vadd.s32 v33, v50;
	v0 =	vld.idx.msk [tilespmem:v58+s19+$0x0], $0xffff  }
0x6ab: {  	v16 =	vadd.s32 v33, v49;
	v6 =	vld.idx.msk [tilespmem:v62+s19+$0x0], $0xffff;
	[tilespmem:s1+$0xFFFFE040] =	vst v53  }
0x6ac: {  	[tilespmem:s0+$0x1810] =	vst v4;
	v54 =	vadd.s32 v34, v48;
	v10 =	vld.idx.msk [tilespmem:v56+s19+$0x0], $0xffff  }
0x6ad: {  	v52 =	vadd.s32 v34, v47;
	[tilespmem:s0+$0x1820] =	vst v3;
	v32 =	vld.idx.msk [tilespmem:v60+s19+$0x0], $0xffff  }
0x6ae: {  	v58 =	vadd.s32 v34, v46;
	[tilespmem:s0+$0x1830] =	vst v12;
	v4 =	vld.idx.msk [tilespmem:v19+s19+$0x0], $0xffff  }
0x6af: {  	v55 =	vadd.s32 v34, v44;
	[tilespmem:s1+$0xFFFFE020] =	vst v17;
	v63 =	vld.idx.msk [tilespmem:v57+s19+$0x0], $0xffff  }
0x6b0: {  	v60 =	vadd.s32 v34, v51;
	v2 =	vld.idx.msk [tilespmem:v16+s19+$0x0], $0xffff;
	[tilespmem:s1+$0xFFFFE010] =	vst v0  }
0x6b1: {  	v18 =	vadd.s32 v34, v50;
	v11 =	vld.idx.msk [tilespmem:v54+s19+$0x0], $0xffff;
	[tilespmem:s1+$0xFFFFE050] =	vst v6  }
0x6b2: {  	v61 =	vadd.s32 v34, v49;
	v3 =	vld.idx.msk [tilespmem:v52+s19+$0x0], $0xffff;
	[tilespmem:s1+$0xFFFFE030] =	vst v32  }
0x6b3: {  	v62 =	vadd.s32 v35, v47;
	v7 =	vld.idx.msk [tilespmem:v58+s19+$0x0], $0xffff;
	[tilespmem:s1+$0xFFFFE000] =	vst v4  }
0x6b4: {  	[tilespmem:s1+$0xFFFFE070] =	vst v63;
	v12 =	vld.idx.msk [tilespmem:v55+s19+$0x0], $0xffff;
	v63 =	vadd.s32 v35, v48  }
0x6b5: {  	v16 =	vadd.s32 v35, v44;
	[tilespmem:s1+$0xFFFFE840] =	vst v10;
	v8 =	vld.idx.msk [tilespmem:v60+s19+$0x0], $0xffff  }
0x6b6: {  	[tilespmem:s1+$0xFFFFE060] =	vst v2;
	v57 =	vld.idx.msk [tilespmem:v18+s19+$0x0], $0xffff;
	v18 =	vadd.s32 v35, v45  }
0x6b7: {  	v52 =	vadd.s32 v35, v51;
	v19 =	vld.idx.msk [tilespmem:v61+s19+$0x0], $0xffff;
	[tilespmem:s1+$0xFFFFE810] =	vst v3  }
0x6b8: {  	v59 =	vadd.s32 v35, v50;
	[tilespmem:s1+$0xFFFFE820] =	vst v11;
	v6 =	vld.idx.msk [tilespmem:v62+s19+$0x0], $0xffff  }
0x6b9: {  	v53 =	vadd.s32 v35, v46;
	[tilespmem:s1+$0xFFFFE830] =	vst v12;
	v2 =	vld.idx.msk [tilespmem:v63+s19+$0x0], $0xffff  }
0x6ba: {  	v54 =	vadd.s32 v35, v49;
	[tilespmem:s1+$0xFFFFE850] =	vst v7;
	v0 =	vld.idx.msk [tilespmem:v16+s19+$0x0], $0xffff  }
0x6bb: {  	v55 =	vadd.s32 v36, v47;
	[tilespmem:s1+$0xFFFFE800] =	vst v8;
	v5 =	vld.idx.msk [tilespmem:v18+s19+$0x0], $0xffff  }
0x6bc: {  	v56 =	vadd.s32 v36, v48;
	[tilespmem:s1+$0xFFFFE870] =	vst v57;
	v11 =	vld.idx.msk [tilespmem:v52+s19+$0x0], $0xffff  }
0x6bd: {  	v58 =	vadd.s32 v36, v44;
	[tilespmem:s1+$0xFFFFE860] =	vst v19;
	v17 =	vld.idx.msk [tilespmem:v59+s19+$0x0], $0xffff  }
0x6be: {  	v61 =	vadd.s32 v36, v51;
	v59 =	vld.idx.msk [tilespmem:v53+s19+$0x0], $0xffff;
	[tilespmem:s1+$0xFFFFF010] =	vst v6  }
0x6bf: {  	v32 =	vadd.s32 v36, v50;
	v62 =	vld.idx.msk [tilespmem:v54+s19+$0x0], $0xffff;
	[tilespmem:s1+$0xFFFFF020] =	vst v2  }
0x6c0: {  	v63 =	vadd.s32 v36, v45;
	v7 =	vld.idx.msk [tilespmem:v55+s19+$0x0], $0xffff;
	[tilespmem:s1+$0xFFFFF030] =	vst v0  }
0x6c1: {  	v16 =	vadd.s32 v36, v46;
	v4 =	vld.idx.msk [tilespmem:v56+s19+$0x0], $0xffff;
	[tilespmem:s1+$0xFFFFF040] =	vst v5  }
0x6c2: {  	v18 =	vadd.s32 v37, v47;
	[tilespmem:s1+$0xFFFFF000] =	vst v11;
	v9 =	vld.idx.msk [tilespmem:v58+s19+$0x0], $0xffff  }
0x6c3: {  	[tilespmem:s1+$0xFFFFF070] =	vst v17;
	v17 =	vadd.s32 v36, v49;
	v12 =	vld.idx.msk [tilespmem:v61+s19+$0x0], $0xffff  }
0x6c4: {  	v19 =	vadd.s32 v37, v48;
	[tilespmem:s1+$0xFFFFF050] =	vst v59;
	v57 =	vld.idx.msk [tilespmem:v32+s19+$0x0], $0xffff  }
0x6c5: {  	v53 =	vadd.s32 v37, v51;
	[tilespmem:s1+$0xFFFFF060] =	vst v62;
	v32 =	vld.idx.msk [tilespmem:v63+s19+$0x0], $0xffff  }
0x6c6: {  	v60 =	vadd.s32 v37, v50;
	v0 =	vld.idx.msk [tilespmem:v16+s19+$0x0], $0xffff;
	[tilespmem:s1+$0xFFFFF810] =	vst v7  }
0x6c7: {  	v54 =	vadd.s32 v37, v44;
	v8 =	vld.idx.msk [tilespmem:v18+s19+$0x0], $0xffff;
	[tilespmem:s1+$0xFFFFF820] =	vst v4  }
0x6c8: {  	v56 =	vadd.s32 v37, v45;
	v55 =	vld.idx.msk [tilespmem:v17+s19+$0x0], $0xffff;
	[tilespmem:s1+$0xFFFFF830] =	vst v9  }
0x6c9: {  	v59 =	vadd.s32 v38, v47;
	v11 =	vld.idx.msk [tilespmem:v19+s19+$0x0], $0xffff;
	[tilespmem:s1+$0xFFFFF800] =	vst v12  }
0x6ca: {  	[tilespmem:s1+$0xFFFFF870] =	vst v57;
	v57 =	vadd.s32 v37, v46;
	v10 =	vld.idx.msk [tilespmem:v53+s19+$0x0], $0xffff  }
0x6cb: {  	v58 =	vadd.s32 v37, v49;
	[tilespmem:s1+$0xFFFFF840] =	vst v32;
	v6 =	vld.idx.msk [tilespmem:v60+s19+$0x0], $0xffff  }
0x6cc: {  	v62 =	vadd.s32 v38, v51;
	[tilespmem:s1+$0xFFFFF850] =	vst v0;
	v60 =	vld.idx.msk [tilespmem:v54+s19+$0x0], $0xffff  }
0x6cd: {  	v52 =	vadd.s32 v38, v50;
	v5 =	vld.idx.msk [tilespmem:v56+s19+$0x0], $0xffff;
	[tilespmem:s1+$0x10] =	vst v8  }
0x6ce: {  	v63 =	vadd.s32 v38, v48;
	v12 =	vld.idx.msk [tilespmem:v59+s19+$0x0], $0xffff;
	[tilespmem:s1+$0xFFFFF860] =	vst v55  }
0x6cf: {  	v17 =	vadd.s32 v38, v44;
	v16 =	vld.idx.msk [tilespmem:v57+s19+$0x0], $0xffff;
	[tilespmem:s1+$0x0] =	vst v10  }
0x6d0: {  	v18 =	vadd.s32 v38, v45;
	[tilespmem:s1+$0x70] =	vst v6;
	v6 =	vld.idx.msk [tilespmem:v58+s19+$0x0], $0xffff  }
0x6d1: {  	[tilespmem:s1+$0x20] =	vst v11;
	v55 =	vadd.s32 v39, v47;
	v7 =	vld.idx.msk [tilespmem:v62+s19+$0x0], $0xffff  }
0x6d2: {  	v19 =	vadd.s32 v38, v46;
	[tilespmem:s1+$0x30] =	vst v60;
	v2 =	vld.idx.msk [tilespmem:v52+s19+$0x0], $0xffff  }
0x6d3: {  	v61 =	vadd.s32 v39, v50;
	[tilespmem:s1+$0x40] =	vst v5;
	v52 =	vld.idx.msk [tilespmem:v63+s19+$0x0], $0xffff  }
0x6d4: {  	v32 =	vadd.s32 v38, v49;
	v9 =	vld.idx.msk [tilespmem:v17+s19+$0x0], $0xffff;
	[tilespmem:s1+$0x810] =	vst v12  }
0x6d5: {  	v54 =	vadd.s32 v39, v51;
	v11 =	vld.idx.msk [tilespmem:v18+s19+$0x0], $0xffff;
	[tilespmem:s1+$0x50] =	vst v16  }
0x6d6: {  	v56 =	vadd.s32 v39, v48;
	v8 =	vld.idx.msk [tilespmem:v55+s19+$0x0], $0xffff;
	[tilespmem:s1+$0x60] =	vst v6  }
0x6d7: {  	v57 =	vadd.s32 v39, v44;
	[tilespmem:s1+$0x870] =	vst v2;
	v2 =	vld.idx.msk [tilespmem:v19+s19+$0x0], $0xffff  }
0x6d8: {  	v58 =	vadd.s32 v39, v45;
	[tilespmem:s1+$0x800] =	vst v7;
	v0 =	vld.idx.msk [tilespmem:v61+s19+$0x0], $0xffff  }
0x6d9: {  	v53 =	vadd.s32 v40, v50;
	v10 =	vld.idx.msk [tilespmem:v32+s19+$0x0], $0xffff;
	[tilespmem:s1+$0x820] =	vst v52  }
0x6da: {  	v62 =	vadd.s32 v40, v47;
	v5 =	vld.idx.msk [tilespmem:v54+s19+$0x0], $0xffff;
	[tilespmem:s1+$0x830] =	vst v9  }
0x6db: {  	v59 =	vadd.s32 v39, v46;
	[tilespmem:s1+$0x840] =	vst v11;
	v6 =	vld.idx.msk [tilespmem:v56+s19+$0x0], $0xffff  }
0x6dc: {  	v60 =	vadd.s32 v39, v49;
	v12 =	vld.idx.msk [tilespmem:v57+s19+$0x0], $0xffff;
	[tilespmem:s1+$0x1010] =	vst v8  }
0x6dd: {  	v61 =	vadd.s32 v40, v51;
	v47 =	vld.idx.msk [tilespmem:v58+s19+$0x0], $0xffff;
	[tilespmem:s1+$0x1070] =	vst v0  }
0x6de: {  	v63 =	vadd.s32 v40, v48;
	[tilespmem:s1+$0x850] =	vst v2;
	v4 =	vld.idx.msk [tilespmem:v53+s19+$0x0], $0xffff  }
0x6df: {  	v54 =	vadd.s32 v40, v44;
	v44 =	vld.idx.msk [tilespmem:v62+s19+$0x0], $0xffff;
	[tilespmem:s1+$0x860] =	vst v10  }
0x6e0: {  	[tilespmem:s1+$0x1000] =	vst v5;
	v48 =	vld.idx.msk [tilespmem:v59+s19+$0x0], $0xffff  }
0x6e1: {  	v55 =	vld.idx.msk [tilespmem:v60+s19+$0x0], $0xffff;
	[tilespmem:s1+$0x1020] =	vst v6  }
0x6e2: {  	v50 =	vld.idx.msk [tilespmem:v61+s19+$0x0], $0xffff;
	[tilespmem:s1+$0x1030] =	vst v12  }
0x6e3: {  	v52 =	vadd.s32 v40, v45;
	v45 =	vld.idx.msk [tilespmem:v63+s19+$0x0], $0xffff;
	[tilespmem:s1+$0x1870] =	vst v4  }
0x6e4: {  	s6 =	simm.s32 $0x8;
	s4 =	simm.s32 $0x942;
	v51 =	vadd.s32 v40, v49;
	v53 =	vadd.s32 v40, v46;
	v22 =	vld [tilespmem:$0x1FF30]  }
.LBB2_21:
0x6e5: {  	v0 =	vld [tilespmem:s4+$0x30];
	s6 =	sadd.s32 $0x8, s6;
	[tilespmem:s1+$0x1040] =	vst v47  }
0x6e6: {  	v2 =	vld [tilespmem:s4+$0xFFFFFFD0];
	p0 =	slt.u32 s6, $0x78;
	[tilespmem:s1+$0x1050] =	vst v48  }
0x6e7: {  	v3 =	vld [tilespmem:s4+$0xFFFFFFE0];
	[tilespmem:s1+$0x1060] =	vst v55  }
0x6e8: {  	v4 =	vld [tilespmem:s4+$0xFFFFFFF0];
	[tilespmem:s1+$0x1800] =	vst v50  }
0x6e9: {  	v5 =	vld [tilespmem:s4+$0x0];
	[tilespmem:s1+$0x1810] =	vst v44  }
0x6ea: {  	v6 =	vld [tilespmem:s4+$0x10];
	v44 =	vmul.u32 $0x390, v0;
	[tilespmem:s1+$0x1820] =	vst v45  }
0x6eb: {  	v45 =	vmul.u32 $0x390, v2;
	v0 =	vld [tilespmem:s4+$0x20];
	[tilespmem:s0+$0x1840] =	vst v41  }
0x6ec: {  	v2 =	vld [tilespmem:s4+$0xFFFFFFC0];
	v46 =	vmul.u32 $0x390, v3;
	v3 =	vadd.s32 v33, v44;
	[tilespmem:s0+$0x1850] =	vst v42  }
0x6ed: {  	v7 =	vadd.s32 v33, v45;
	v47 =	vmul.u32 $0x390, v4;
	v4 =	vld.idx.msk [tilespmem:v54+s19+$0x0], $0xffff;
	[tilespmem:s0+$0x1860] =	vst v43;
	s0 =	smov.u32 s1  }
0x6ee: {  	v8 =	vadd.s32 v33, v46;
	v49 =	vmul.u32 $0x390, v5;
	v41 =	vld.idx.msk [tilespmem:v52+s19+$0x0], $0xffff  }
0x6ef: {  	v5 =	vadd.s32 v33, v47;
	v48 =	vmul.u32 $0x390, v6;
	v42 =	vld.idx.msk [tilespmem:v53+s19+$0x0], $0xffff  }
0x6f0: {  	v6 =	vadd.s32 v33, v49;
	v50 =	vmul.u32 $0x390, v0;
	v43 =	vld.idx.msk [tilespmem:v51+s19+$0x0], $0xffff  }
0x6f1: {  	v51 =	vmul.u32 $0x390, v2;
	v0 =	vadd.s32 v33, v48;
	v2 =	vld.idx.msk [tilespmem:v3+s19+$0x0], $0xffff  }
0x6f2: {  	v3 =	vld.idx.msk [tilespmem:v7+s19+$0x0], $0xffff;
	v7 =	vadd.s32 v33, v50  }
0x6f3: {  	v11 =	vadd.s32 v34, v44;
	v9 =	vadd.s32 v33, v51;
	v10 =	vadd.s32 v34, v51;
	v8 =	vld.idx.msk [tilespmem:v8+s19+$0x0], $0xffff  }
0x6f4: {  	v12 =	vadd.s32 v34, v45;
	v13 =	vadd.s32 v34, v46;
	v14 =	vadd.s32 v34, v47;
	v5 =	vld.idx.msk [tilespmem:v5+s19+$0x0], $0xffff  }
0x6f5: {  	v15 =	vadd.s32 v34, v49;
	v16 =	vadd.s32 v34, v48;
	v17 =	vadd.s32 v34, v50;
	v6 =	vld.idx.msk [tilespmem:v6+s19+$0x0], $0xffff  }
0x6f6: {  	s1 =	sadd.s32 $0x80, s1;
	v0 =	vld.idx.msk [tilespmem:v0+s19+$0x0], $0xffff;
	[tilespmem:s0+$0x1830] =	vst v4  }
0x6f7: {  	v4 =	vld.idx.msk [tilespmem:v7+s19+$0x0], $0xffff;
	[tilespmem:s1+$0xFFFFE070] =	vst v2  }
0x6f8: {  	[tilespmem:s1+$0xFFFFE010] =	vst v3;
	v2 =	vld.idx.msk [tilespmem:v11+s19+$0x0], $0xffff  }
0x6f9: {  	v3 =	vld.idx.msk [tilespmem:v9+s19+$0x0], $0xffff;
	[tilespmem:s1+$0xFFFFE020] =	vst v8  }
0x6fa: {  	v7 =	vadd.s32 v35, v51;
	v8 =	vld.idx.msk [tilespmem:v12+s19+$0x0], $0xffff;
	[tilespmem:s1+$0xFFFFE030] =	vst v5;
	v5 =	vadd.s32 v35, v44  }
0x6fb: {  	v9 =	vadd.s32 v35, v45;
	v12 =	vadd.s32 v35, v46;
	v11 =	vld.idx.msk [tilespmem:v13+s19+$0x0], $0xffff;
	[tilespmem:s1+$0xFFFFE040] =	vst v6  }
0x6fc: {  	v13 =	vadd.s32 v35, v47;
	v6 =	vld.idx.msk [tilespmem:v14+s19+$0x0], $0xffff;
	v14 =	vadd.s32 v35, v49;
	[tilespmem:s1+$0xFFFFE050] =	vst v0  }
0x6fd: {  	v0 =	vld.idx.msk [tilespmem:v15+s19+$0x0], $0xffff;
	v15 =	vadd.s32 v35, v48;
	[tilespmem:s1+$0xFFFFE060] =	vst v4;
	v4 =	vadd.s32 v35, v50  }
0x6fe: {  	v16 =	vld.idx.msk [tilespmem:v16+s19+$0x0], $0xffff;
	[tilespmem:s1+$0xFFFFE870] =	vst v2  }
0x6ff: {  	[tilespmem:s1+$0xFFFFE000] =	vst v3;
	v2 =	vld.idx.msk [tilespmem:v5+s19+$0x0], $0xffff  }
0x700: {  	v3 =	vld.idx.msk [tilespmem:v10+s19+$0x0], $0xffff;
	[tilespmem:s1+$0xFFFFE810] =	vst v8  }
0x701: {  	v5 =	vadd.s32 v36, v51;
	v10 =	vadd.s32 v36, v44;
	[tilespmem:s1+$0xFFFFE820] =	vst v11;
	v8 =	vld.idx.msk [tilespmem:v17+s19+$0x0], $0xffff  }
0x702: {  	v11 =	vadd.s32 v36, v45;
	v17 =	vadd.s32 v36, v46;
	v9 =	vld.idx.msk [tilespmem:v9+s19+$0x0], $0xffff;
	[tilespmem:s1+$0xFFFFE830] =	vst v6  }
0x703: {  	v6 =	vld.idx.msk [tilespmem:v12+s19+$0x0], $0xffff;
	v12 =	vadd.s32 v36, v47;
	[tilespmem:s1+$0xFFFFE840] =	vst v0;
	v0 =	vadd.s32 v36, v49  }
0x704: {  	v18 =	vadd.s32 v36, v50;
	v13 =	vld.idx.msk [tilespmem:v13+s19+$0x0], $0xffff;
	[tilespmem:s1+$0xFFFFE850] =	vst v16;
	v16 =	vadd.s32 v36, v48  }
0x705: {  	v14 =	vld.idx.msk [tilespmem:v14+s19+$0x0], $0xffff;
	[tilespmem:s1+$0xFFFFF070] =	vst v2  }
0x706: {  	[tilespmem:s1+$0xFFFFE800] =	vst v3;
	v2 =	vld.idx.msk [tilespmem:v10+s19+$0x0], $0xffff  }
0x707: {  	v3 =	vld.idx.msk [tilespmem:v7+s19+$0x0], $0xffff;
	[tilespmem:s1+$0xFFFFE860] =	vst v8  }
0x708: {  	v7 =	vadd.s32 v37, v51;
	[tilespmem:s1+$0xFFFFF010] =	vst v9;
	v8 =	vld.idx.msk [tilespmem:v15+s19+$0x0], $0xffff;
	v9 =	vadd.s32 v37, v44  }
0x709: {  	v10 =	vadd.s32 v37, v45;
	[tilespmem:s1+$0xFFFFF020] =	vst v6;
	v6 =	vadd.s32 v37, v46;
	v4 =	vld.idx.msk [tilespmem:v4+s19+$0x0], $0xffff  }
0x70a: {  	v15 =	vadd.s32 v37, v49;
	v11 =	vld.idx.msk [tilespmem:v11+s19+$0x0], $0xffff;
	[tilespmem:s1+$0xFFFFF030] =	vst v13;
	v13 =	vadd.s32 v37, v47  }
0x70b: {  	v19 =	vadd.s32 v37, v50;
	v17 =	vld.idx.msk [tilespmem:v17+s19+$0x0], $0xffff;
	[tilespmem:s1+$0xFFFFF040] =	vst v14;
	v14 =	vadd.s32 v37, v48  }
0x70c: {  	v12 =	vld.idx.msk [tilespmem:v12+s19+$0x0], $0xffff;
	[tilespmem:s1+$0xFFFFF870] =	vst v2  }
0x70d: {  	[tilespmem:s1+$0xFFFFF000] =	vst v3;
	v2 =	vld.idx.msk [tilespmem:v9+s19+$0x0], $0xffff  }
0x70e: {  	v3 =	vld.idx.msk [tilespmem:v5+s19+$0x0], $0xffff;
	[tilespmem:s1+$0xFFFFF050] =	vst v8  }
0x70f: {  	v5 =	vadd.s32 v38, v51;
	v0 =	vld.idx.msk [tilespmem:v0+s19+$0x0], $0xffff;
	[tilespmem:s1+$0xFFFFF060] =	vst v4;
	v4 =	vadd.s32 v38, v44  }
0x710: {  	v9 =	vadd.s32 v38, v46;
	v8 =	vadd.s32 v38, v45;
	[tilespmem:s1+$0xFFFFF810] =	vst v11;
	v11 =	vld.idx.msk [tilespmem:v16+s19+$0x0], $0xffff  }
0x711: {  	v16 =	vadd.s32 v38, v47;
	[tilespmem:s1+$0xFFFFF820] =	vst v17;
	v17 =	vadd.s32 v38, v49;
	v18 =	vld.idx.msk [tilespmem:v18+s19+$0x0], $0xffff  }
0x712: {  	v20 =	vadd.s32 v38, v50;
	v10 =	vld.idx.msk [tilespmem:v10+s19+$0x0], $0xffff;
	[tilespmem:s1+$0xFFFFF830] =	vst v12;
	v12 =	vadd.s32 v38, v48  }
0x713: {  	v6 =	vld.idx.msk [tilespmem:v6+s19+$0x0], $0xffff;
	[tilespmem:s1+$0x70] =	vst v2  }
0x714: {  	[tilespmem:s1+$0xFFFFF800] =	vst v3;
	v2 =	vld.idx.msk [tilespmem:v4+s19+$0x0], $0xffff  }
0x715: {  	v3 =	vld.idx.msk [tilespmem:v7+s19+$0x0], $0xffff;
	[tilespmem:s1+$0xFFFFF840] =	vst v0  }
0x716: {  	v0 =	vadd.s32 v39, v51;
	v7 =	vadd.s32 v39, v44;
	v4 =	vld.idx.msk [tilespmem:v13+s19+$0x0], $0xffff;
	[tilespmem:s1+$0xFFFFF850] =	vst v11  }
0x717: {  	v11 =	vadd.s32 v39, v45;
	v13 =	vadd.s32 v39, v46;
	v15 =	vld.idx.msk [tilespmem:v15+s19+$0x0], $0xffff;
	[tilespmem:s1+$0xFFFFF860] =	vst v18  }
0x718: {  	v18 =	vadd.s32 v39, v49;
	[tilespmem:s1+$0x10] =	vst v10;
	v10 =	vadd.s32 v39, v47;
	v14 =	vld.idx.msk [tilespmem:v14+s19+$0x0], $0xffff  }
0x719: {  	v21 =	vadd.s32 v39, v50;
	[tilespmem:s1+$0x20] =	vst v6;
	v6 =	vadd.s32 v39, v48;
	v19 =	vld.idx.msk [tilespmem:v19+s19+$0x0], $0xffff  }
0x71a: {  	v8 =	vld.idx.msk [tilespmem:v8+s19+$0x0], $0xffff;
	[tilespmem:s1+$0x870] =	vst v2  }
0x71b: {  	[tilespmem:s1+$0x0] =	vst v3;
	v2 =	vld.idx.msk [tilespmem:v7+s19+$0x0], $0xffff  }
0x71c: {  	v3 =	vld.idx.msk [tilespmem:v5+s19+$0x0], $0xffff;
	[tilespmem:s1+$0x30] =	vst v4  }
0x71d: {  	v7 =	vadd.s32 v40, v44;
	v4 =	vadd.s32 v40, v51;
	v5 =	vld.idx.msk [tilespmem:v9+s19+$0x0], $0xffff;
	[tilespmem:s1+$0x40] =	vst v15  }
0x71e: {  	v9 =	vadd.s32 v40, v45;
	v15 =	vadd.s32 v40, v46;
	v16 =	vld.idx.msk [tilespmem:v16+s19+$0x0], $0xffff;
	[tilespmem:s1+$0x50] =	vst v14  }
0x71f: {  	v54 =	vadd.s32 v40, v47;
	v52 =	vadd.s32 v40, v49;
	v14 =	vld.idx.msk [tilespmem:v17+s19+$0x0], $0xffff;
	[tilespmem:s1+$0x60] =	vst v19  }
0x720: {  	v53 =	vadd.s32 v40, v48;
	v51 =	vadd.s32 v40, v50;
	[tilespmem:s1+$0x810] =	vst v8;
	v8 =	vld.idx.msk [tilespmem:v12+s19+$0x0], $0xffff  }
0x721: {  	v12 =	vld.idx.msk [tilespmem:v20+s19+$0x0], $0xffff;
	[tilespmem:s1+$0x1070] =	vst v2  }
0x722: {  	[tilespmem:s1+$0x800] =	vst v3;
	v2 =	vld.idx.msk [tilespmem:v7+s19+$0x0], $0xffff  }
0x723: {  	v0 =	vld.idx.msk [tilespmem:v0+s19+$0x0], $0xffff;
	[tilespmem:s1+$0x820] =	vst v5  }
0x724: {  	v3 =	vld.idx.msk [tilespmem:v11+s19+$0x0], $0xffff;
	[tilespmem:s1+$0x830] =	vst v16  }
0x725: {  	v5 =	vld.idx.msk [tilespmem:v13+s19+$0x0], $0xffff;
	[tilespmem:s1+$0x840] =	vst v14  }
0x726: {  	v7 =	vld.idx.msk [tilespmem:v10+s19+$0x0], $0xffff;
	[tilespmem:s1+$0x850] =	vst v8  }
0x727: {  	v47 =	vld.idx.msk [tilespmem:v18+s19+$0x0], $0xffff;
	[tilespmem:s1+$0x860] =	vst v12  }
.Ltmp11:
0x728: {  	v48 =	vld.idx.msk [tilespmem:v6+s19+$0x0], $0xffff;
	[tilespmem:s1+$0x1870] =	vst v2;
	(pc) =	sbr.rel @p0 .LBB2_21-.Ltmp11, $4  }
0x729: {  	[tilespmem:s1+$0x1000] =	vst v0;
	v55 =	vld.idx.msk [tilespmem:v21+s19+$0x0], $0xffff  }
0x72a: {  	v50 =	vld.idx.msk [tilespmem:v4+s19+$0x0], $0xffff;
	[tilespmem:s1+$0x1010] =	vst v3  }
0x72b: {  	v44 =	vld.idx.msk [tilespmem:v9+s19+$0x0], $0xffff;
	[tilespmem:s1+$0x1020] =	vst v5  }
0x72c: {  	s4 =	sadd.s32 $0x81, s4;
	v45 =	vld.idx.msk [tilespmem:v15+s19+$0x0], $0xffff;
	[tilespmem:s1+$0x1030] =	vst v7  }
0x72d: {  	[tilespmem:s1+$0x1040] =	vst v47  }
0x72e: {  	[tilespmem:s1+$0x1050] =	vst v48  }
0x72f: {  	[tilespmem:s0+$0x1840] =	vst v41  }
0x730: {  	[tilespmem:s0+$0x1850] =	vst v42  }
0x731: {  	v0 =	vld.idx.msk [tilespmem:v54+s19+$0x0], $0xffff;
	[tilespmem:s0+$0x1860] =	vst v43  }
0x732: {  	[tilespmem:s1+$0x1060] =	vst v55;
	v2 =	vld.idx.msk [tilespmem:v52+s19+$0x0], $0xffff  }
0x733: {  	v3 =	vld.idx.msk [tilespmem:v53+s19+$0x0], $0xffff;
	[tilespmem:s1+$0x1800] =	vst v50  }
0x734: {  	v4 =	vld.idx.msk [tilespmem:v51+s19+$0x0], $0xffff;
	[tilespmem:s1+$0x1810] =	vst v44  }
0x735: {  	[tilespmem:s1+$0x1820] =	vst v45  }
0x736: {  	[tilespmem:s1+$0x1830] =	vst v0  }
0x737: {  	[tilespmem:s1+$0x1840] =	vst v2  }
0x738: {  	[tilespmem:s1+$0x1850] =	vst v3  }
0x739: {  	s18 =	sadd.s32 s2, s16;
	[tilespmem:s1+$0x1860] =	vst v4  }
0x73a: {  	[hbm4b:s18+s22] =	stream.strided.scatter [tilespmem:s28], [sflag:$0x1], $0x4000, s26, s22, $0x38;
	[tilespmem:$0x14C00] =	vst v63  }
0x73b: {  	_ =	swait.ge [sflag:s31], $0x4000  }
0x73c: {  	[sflag:s31] =	ssyncset.done $0x0  }
0x73d: {  	s23 =	simm.s32 $0x840;
	[sflag:s31] =	ssyncadd.s32 $0xFFFFC000  }
0x73e: {  	v15 =	vld [tilespmem:s23+$0x30]  }
0x73f: {  	v16 =	vld [tilespmem:s23+$0xFFFFFFD0]  }
0x740: {  	v17 =	vld [tilespmem:s23+$0xFFFFFFE0]  }
0x741: {  	v18 =	vld [tilespmem:s23+$0xFFFFFFF0]  }
0x742: {  	v5 =	vld [tilespmem:s23+$0x0]  }
0x743: {  	v6 =	vld [tilespmem:s23+$0x10];
	v0 =	vmul.u32 $0x390, v15  }
0x744: {  	v33 =	vor.u32 $0x380, v24;
	v7 =	vld [tilespmem:s23+$0x20];
	v2 =	vmul.u32 $0x390, v16  }
0x745: {  	v8 =	vld [tilespmem:s23+$0xFFFFFFC0];
	v3 =	vmul.u32 $0x390, v17;
	v0 =	vadd.s32 v33, v0  }
0x746: {  	v4 =	vmul.u32 $0x390, v18;
	v2 =	vadd.s32 v33, v2  }
0x747: {  	v5 =	vmul.u32 $0x390, v5;
	v3 =	vadd.s32 v33, v3  }
0x748: {  	v6 =	vmul.u32 $0x390, v6;
	v4 =	vadd.s32 v33, v4  }
0x749: {  	v7 =	vmul.u32 $0x390, v7;
	v5 =	vadd.s32 v33, v5  }
0x74a: {  	v8 =	vmul.u32 $0x390, v8;
	v6 =	vadd.s32 v33, v6;
	v0 =	vld.idx.msk [tilespmem:v0+s19+$0x0], $0xffff  }
0x74b: {  	v7 =	vadd.s32 v33, v7;
	v2 =	vld.idx.msk [tilespmem:v2+s19+$0x0], $0xffff  }
0x74c: {  	v8 =	vadd.s32 v33, v8;
	v3 =	vld.idx.msk [tilespmem:v3+s19+$0x0], $0xffff  }
0x74d: {  	v4 =	vld.idx.msk [tilespmem:v4+s19+$0x0], $0xffff  }
0x74e: {  	v5 =	vld.idx.msk [tilespmem:v5+s19+$0x0], $0xffff  }
0x74f: {  	s0 =	simm.s32 $0x12C00;
	v6 =	vld.idx.msk [tilespmem:v6+s19+$0x0], $0xffff  }
0x750: {  	v7 =	vld.idx.msk [tilespmem:v7+s19+$0x0], $0xffff;
	[tilespmem:s0+$0xFFFFE070] =	vst v0  }
0x751: {  	s1 =	simm.s32 $0x4A43;
	v19 =	vld.idx.msk [tilespmem:v8+s19+$0x0], $0xffff;
	[tilespmem:s0+$0xFFFFE010] =	vst v2  }
0x752: {  	[tilespmem:s0+$0xFFFFE020] =	vst v3;
	v0 =	vld [tilespmem:s1+$0xFFFFFEAD]  }
0x753: {  	[tilespmem:s0+$0xFFFFE030] =	vst v4;
	v32 =	vld [tilespmem:s1+$0xFFFFFE4D]  }
0x754: {  	[tilespmem:s0+$0xFFFFE040] =	vst v5;
	v34 =	vld [tilespmem:s1+$0xFFFFFE5D]  }
0x755: {  	[tilespmem:s0+$0xFFFFE050] =	vst v6;
	v35 =	vld [tilespmem:s1+$0xFFFFFE6D]  }
0x756: {  	[tilespmem:s0+$0xFFFFE060] =	vst v7;
	v36 =	vld [tilespmem:s1+$0xFFFFFE7D]  }
0x757: {  	[tilespmem:s0+$0xFFFFE000] =	vst v19;
	v37 =	vld [tilespmem:s1+$0xFFFFFE8D]  }
0x758: {  	v38 =	vld [tilespmem:s1+$0xFFFFFE3D];
	[tilespmem:s0+$0xFFFFE870] =	vst v0  }
0x759: {  	v39 =	vld [tilespmem:s1+$0xFFFFFE9D];
	[tilespmem:s0+$0xFFFFE810] =	vst v32  }
0x75a: {  	[tilespmem:s0+$0xFFFFE820] =	vst v34;
	v0 =	vld [tilespmem:s1+$0xFFFFFF2E]  }
0x75b: {  	[tilespmem:s0+$0xFFFFE830] =	vst v35;
	v40 =	vld [tilespmem:s1+$0xFFFFFECE]  }
0x75c: {  	[tilespmem:s0+$0xFFFFE840] =	vst v36;
	v41 =	vld [tilespmem:s1+$0xFFFFFEDE]  }
0x75d: {  	[tilespmem:s0+$0xFFFFE800] =	vst v38;
	v42 =	vld [tilespmem:s1+$0xFFFFFEEE]  }
0x75e: {  	[tilespmem:s0+$0xFFFFE850] =	vst v37;
	v7 =	vld [tilespmem:s1+$0xFFFFFEBE]  }
0x75f: {  	[tilespmem:s0+$0xFFFFE860] =	vst v39;
	v43 =	vld [tilespmem:s1+$0xFFFFFEFE]  }
0x760: {  	v44 =	vld [tilespmem:s1+$0xFFFFFF0E];
	[tilespmem:s0+$0xFFFFF070] =	vst v0  }
0x761: {  	v45 =	vld [tilespmem:s1+$0xFFFFFF1E];
	[tilespmem:s0+$0xFFFFF010] =	vst v40  }
0x762: {  	[tilespmem:s0+$0xFFFFF020] =	vst v41;
	v0 =	vld [tilespmem:s1+$0xFFFFFFAF]  }
0x763: {  	[tilespmem:s0+$0xFFFFF000] =	vst v7;
	v46 =	vld [tilespmem:s1+$0xFFFFFF4F]  }
0x764: {  	[tilespmem:s0+$0xFFFFF030] =	vst v42;
	v7 =	vld [tilespmem:s1+$0xFFFFFF3F]  }
0x765: {  	[tilespmem:s0+$0xFFFFF040] =	vst v43;
	v47 =	vld [tilespmem:s1+$0xFFFFFF5F]  }
0x766: {  	[tilespmem:s0+$0xFFFFF050] =	vst v44;
	v48 =	vld [tilespmem:s1+$0xFFFFFF6F]  }
0x767: {  	[tilespmem:s0+$0xFFFFF060] =	vst v45;
	v49 =	vld [tilespmem:s1+$0xFFFFFF7F]  }
0x768: {  	v50 =	vld [tilespmem:s1+$0xFFFFFF8F];
	[tilespmem:s0+$0xFFFFF870] =	vst v0  }
0x769: {  	v51 =	vld [tilespmem:s1+$0xFFFFFF9F];
	[tilespmem:s0+$0xFFFFF800] =	vst v7  }
0x76a: {  	[tilespmem:s0+$0xFFFFF810] =	vst v46;
	v0 =	vld [tilespmem:s1+$0x30]  }
0x76b: {  	[tilespmem:s0+$0xFFFFF820] =	vst v47;
	v7 =	vld [tilespmem:s1+$0xFFFFFFC0]  }
0x76c: {  	[tilespmem:s0+$0xFFFFF830] =	vst v48;
	v52 =	vld [tilespmem:s1+$0xFFFFFFD0]  }
0x76d: {  	[tilespmem:s0+$0xFFFFF840] =	vst v49;
	v53 =	vld [tilespmem:s1+$0xFFFFFFE0]  }
0x76e: {  	[tilespmem:s0+$0xFFFFF850] =	vst v50;
	v54 =	vld [tilespmem:s1+$0xFFFFFFF0]  }
0x76f: {  	[tilespmem:s0+$0xFFFFF860] =	vst v51;
	v55 =	vld [tilespmem:s1+$0x0]  }
0x770: {  	v56 =	vld [tilespmem:s1+$0x10];
	[tilespmem:s0+$0x70] =	vst v0  }
0x771: {  	v57 =	vld [tilespmem:s1+$0x20];
	[tilespmem:s0+$0x0] =	vst v7  }
0x772: {  	[tilespmem:s0+$0x10] =	vst v52;
	v0 =	vld [tilespmem:s1+$0xB1]  }
0x773: {  	[tilespmem:s0+$0x20] =	vst v53;
	v7 =	vld [tilespmem:s1+$0x41]  }
0x774: {  	[tilespmem:s0+$0x30] =	vst v54;
	v58 =	vld [tilespmem:s1+$0x51]  }
0x775: {  	[tilespmem:s0+$0x40] =	vst v55;
	v59 =	vld [tilespmem:s1+$0x61]  }
0x776: {  	[tilespmem:s0+$0x50] =	vst v56;
	v60 =	vld [tilespmem:s1+$0x71]  }
0x777: {  	[tilespmem:s0+$0x60] =	vst v57;
	v61 =	vld [tilespmem:s1+$0x81]  }
0x778: {  	v62 =	vld [tilespmem:s1+$0x91];
	[tilespmem:s0+$0x870] =	vst v0  }
0x779: {  	v63 =	vld [tilespmem:s1+$0xA1];
	[tilespmem:s0+$0x800] =	vst v7  }
0x77a: {  	[tilespmem:s0+$0x810] =	vst v58;
	v0 =	vld [tilespmem:s1+$0x132]  }
0x77b: {  	[tilespmem:s0+$0x820] =	vst v59;
	v7 =	vld [tilespmem:s1+$0xC2]  }
0x77c: {  	[tilespmem:s0+$0x830] =	vst v60;
	v2 =	vld [tilespmem:s1+$0xD2]  }
0x77d: {  	[tilespmem:s0+$0x840] =	vst v61;
	v3 =	vld [tilespmem:s1+$0xE2]  }
0x77e: {  	[tilespmem:s0+$0x850] =	vst v62;
	v4 =	vld [tilespmem:s1+$0xF2]  }
0x77f: {  	v34 =	vld [tilespmem:s1+$0x102];
	[tilespmem:s0+$0x1070] =	vst v0  }
0x780: {  	[tilespmem:s0+$0x860] =	vst v63;
	v0 =	vld [tilespmem:s1+$0x1B3]  }
0x781: {  	v35 =	vld [tilespmem:s1+$0x112];
	[tilespmem:s0+$0x1000] =	vst v7  }
0x782: {  	v39 =	vld [tilespmem:s1+$0x122];
	[tilespmem:s0+$0x1010] =	vst v2  }
0x783: {  	[tilespmem:s0+$0x1020] =	vst v3;
	v36 =	vld [tilespmem:s1+$0x143]  }
0x784: {  	[tilespmem:s0+$0x1030] =	vst v4;
	v37 =	vld [tilespmem:s1+$0x153]  }
0x785: {  	s4 =	simm.s32 $0x0;
	s6 =	simm.s32 $0x8C1;
	v38 =	vld [tilespmem:s1+$0x163];
	[tilespmem:s0+$0x1870] =	vst v0  }
.LBB2_23:
0x786: {  	v0 =	vld [tilespmem:s6+$0x30];
	s4 =	sadd.s32 $0x8, s4;
	[tilespmem:s0+$0x1040] =	vst v34  }
0x787: {  	v2 =	vld [tilespmem:s6+$0xFFFFFFD0];
	p0 =	slt.u32 s4, $0x78;
	[tilespmem:s0+$0x1050] =	vst v35  }
0x788: {  	v3 =	vld [tilespmem:s6+$0xFFFFFFE0];
	[tilespmem:s0+$0x1060] =	vst v39  }
0x789: {  	v4 =	vld [tilespmem:s6+$0xFFFFFFF0];
	[tilespmem:s0+$0x1800] =	vst v36  }
0x78a: {  	v5 =	vld [tilespmem:s6+$0x0];
	[tilespmem:s0+$0x1810] =	vst v37  }
0x78b: {  	v6 =	vld [tilespmem:s6+$0x10];
	v0 =	vmul.u32 $0x390, v0;
	[tilespmem:s0+$0x1820] =	vst v38  }
0x78c: {  	v2 =	vmul.u32 $0x390, v2;
	v7 =	vld [tilespmem:s6+$0x20]  }
0x78d: {  	v8 =	vld [tilespmem:s6+$0xFFFFFFC0];
	v3 =	vmul.u32 $0x390, v3;
	v0 =	vadd.s32 v33, v0  }
0x78e: {  	v2 =	vadd.s32 v33, v2;
	v4 =	vmul.u32 $0x390, v4;
	v9 =	vld [tilespmem:s1+$0x173]  }
0x78f: {  	v3 =	vadd.s32 v33, v3;
	v5 =	vmul.u32 $0x390, v5;
	v10 =	vld [tilespmem:s1+$0x183]  }
0x790: {  	v4 =	vadd.s32 v33, v4;
	v6 =	vmul.u32 $0x390, v6;
	v11 =	vld [tilespmem:s1+$0x193]  }
0x791: {  	v5 =	vadd.s32 v33, v5;
	v7 =	vmul.u32 $0x390, v7;
	v12 =	vld [tilespmem:s1+$0x1A3]  }
0x792: {  	v8 =	vmul.u32 $0x390, v8;
	v6 =	vadd.s32 v33, v6;
	v0 =	vld.idx.msk [tilespmem:v0+s19+$0x0], $0xffff  }
0x793: {  	v2 =	vld.idx.msk [tilespmem:v2+s19+$0x0], $0xffff;
	v7 =	vadd.s32 v33, v7;
	[tilespmem:s0+$0x1830] =	vst v9  }
0x794: {  	v8 =	vadd.s32 v33, v8;
	v3 =	vld.idx.msk [tilespmem:v3+s19+$0x0], $0xffff;
	[tilespmem:s0+$0x1840] =	vst v10  }
0x795: {  	v4 =	vld.idx.msk [tilespmem:v4+s19+$0x0], $0xffff;
	[tilespmem:s0+$0x1850] =	vst v11  }
0x796: {  	v5 =	vld.idx.msk [tilespmem:v5+s19+$0x0], $0xffff;
	[tilespmem:s0+$0x1860] =	vst v12  }
0x797: {  	s0 =	sadd.s32 $0x80, s0;
	v6 =	vld.idx.msk [tilespmem:v6+s19+$0x0], $0xffff  }
0x798: {  	s1 =	sadd.s32 $0x387, s1;
	v7 =	vld.idx.msk [tilespmem:v7+s19+$0x0], $0xffff;
	[tilespmem:s0+$0xFFFFE070] =	vst v0  }
0x799: {  	[tilespmem:s0+$0xFFFFE010] =	vst v2;
	v0 =	vld [tilespmem:s1+$0xFFFFFEAD]  }
0x79a: {  	v2 =	vld.idx.msk [tilespmem:v8+s19+$0x0], $0xffff;
	[tilespmem:s0+$0xFFFFE020] =	vst v3  }
0x79b: {  	v3 =	vld [tilespmem:s1+$0xFFFFFE4D];
	[tilespmem:s0+$0xFFFFE030] =	vst v4  }
0x79c: {  	v4 =	vld [tilespmem:s1+$0xFFFFFE5D];
	[tilespmem:s0+$0xFFFFE040] =	vst v5  }
0x79d: {  	v5 =	vld [tilespmem:s1+$0xFFFFFE6D];
	[tilespmem:s0+$0xFFFFE050] =	vst v6  }
0x79e: {  	v6 =	vld [tilespmem:s1+$0xFFFFFE7D];
	[tilespmem:s0+$0xFFFFE870] =	vst v0  }
0x79f: {  	[tilespmem:s0+$0xFFFFE060] =	vst v7;
	v0 =	vld [tilespmem:s1+$0xFFFFFF2E]  }
0x7a0: {  	[tilespmem:s0+$0xFFFFE000] =	vst v2;
	v2 =	vld [tilespmem:s1+$0xFFFFFE8D]  }
0x7a1: {  	v7 =	vld [tilespmem:s1+$0xFFFFFE3D];
	[tilespmem:s0+$0xFFFFE810] =	vst v3  }
0x7a2: {  	[tilespmem:s0+$0xFFFFE820] =	vst v4;
	v3 =	vld [tilespmem:s1+$0xFFFFFE9D]  }
0x7a3: {  	v4 =	vld [tilespmem:s1+$0xFFFFFECE];
	[tilespmem:s0+$0xFFFFE830] =	vst v5  }
0x7a4: {  	v5 =	vld [tilespmem:s1+$0xFFFFFEDE];
	[tilespmem:s0+$0xFFFFF070] =	vst v0  }
0x7a5: {  	[tilespmem:s0+$0xFFFFE840] =	vst v6;
	v0 =	vld [tilespmem:s1+$0xFFFFFFAF]  }
0x7a6: {  	[tilespmem:s0+$0xFFFFE800] =	vst v7;
	v6 =	vld [tilespmem:s1+$0xFFFFFEEE]  }
0x7a7: {  	v7 =	vld [tilespmem:s1+$0xFFFFFEBE];
	[tilespmem:s0+$0xFFFFE850] =	vst v2  }
0x7a8: {  	v2 =	vld [tilespmem:s1+$0xFFFFFEFE];
	[tilespmem:s0+$0xFFFFE860] =	vst v3  }
0x7a9: {  	[tilespmem:s0+$0xFFFFF010] =	vst v4;
	v3 =	vld [tilespmem:s1+$0xFFFFFF0E]  }
0x7aa: {  	v4 =	vld [tilespmem:s1+$0xFFFFFF1E];
	[tilespmem:s0+$0xFFFFF870] =	vst v0  }
0x7ab: {  	[tilespmem:s0+$0xFFFFF020] =	vst v5;
	v0 =	vld [tilespmem:s1+$0x30]  }
0x7ac: {  	[tilespmem:s0+$0xFFFFF000] =	vst v7;
	v5 =	vld [tilespmem:s1+$0xFFFFFF4F]  }
0x7ad: {  	v7 =	vld [tilespmem:s1+$0xFFFFFF3F];
	[tilespmem:s0+$0xFFFFF030] =	vst v6  }
0x7ae: {  	v6 =	vld [tilespmem:s1+$0xFFFFFF5F];
	[tilespmem:s0+$0xFFFFF040] =	vst v2  }
0x7af: {  	v2 =	vld [tilespmem:s1+$0xFFFFFF6F];
	[tilespmem:s0+$0xFFFFF050] =	vst v3  }
0x7b0: {  	v3 =	vld [tilespmem:s1+$0xFFFFFF7F];
	[tilespmem:s0+$0x70] =	vst v0  }
0x7b1: {  	[tilespmem:s0+$0xFFFFF060] =	vst v4;
	v0 =	vld [tilespmem:s1+$0xB1]  }
0x7b2: {  	[tilespmem:s0+$0xFFFFF800] =	vst v7;
	v4 =	vld [tilespmem:s1+$0xFFFFFF8F]  }
0x7b3: {  	[tilespmem:s0+$0xFFFFF810] =	vst v5;
	v5 =	vld [tilespmem:s1+$0xFFFFFF9F]  }
0x7b4: {  	v7 =	vld [tilespmem:s1+$0xFFFFFFC0];
	[tilespmem:s0+$0xFFFFF820] =	vst v6  }
0x7b5: {  	v6 =	vld [tilespmem:s1+$0xFFFFFFD0];
	[tilespmem:s0+$0xFFFFF830] =	vst v2  }
0x7b6: {  	v2 =	vld [tilespmem:s1+$0xFFFFFFE0];
	[tilespmem:s0+$0x870] =	vst v0  }
0x7b7: {  	[tilespmem:s0+$0xFFFFF840] =	vst v3;
	v0 =	vld [tilespmem:s1+$0x132]  }
0x7b8: {  	v3 =	vld [tilespmem:s1+$0xFFFFFFF0];
	[tilespmem:s0+$0xFFFFF850] =	vst v4  }
0x7b9: {  	v4 =	vld [tilespmem:s1+$0x0];
	[tilespmem:s0+$0xFFFFF860] =	vst v5  }
0x7ba: {  	[tilespmem:s0+$0x0] =	vst v7;
	v5 =	vld [tilespmem:s1+$0x10]  }
0x7bb: {  	[tilespmem:s0+$0x10] =	vst v6;
	v6 =	vld [tilespmem:s1+$0x20]  }
0x7bc: {  	v7 =	vld [tilespmem:s1+$0x41];
	[tilespmem:s0+$0x1070] =	vst v0  }
0x7bd: {  	[tilespmem:s0+$0x20] =	vst v2;
	v0 =	vld [tilespmem:s1+$0x1B3]  }
0x7be: {  	v2 =	vld [tilespmem:s1+$0x51];
	[tilespmem:s0+$0x30] =	vst v3  }
0x7bf: {  	v3 =	vld [tilespmem:s1+$0x61];
	[tilespmem:s0+$0x40] =	vst v4  }
0x7c0: {  	v4 =	vld [tilespmem:s1+$0x71];
	[tilespmem:s0+$0x50] =	vst v5  }
0x7c1: {  	v5 =	vld [tilespmem:s1+$0x81];
	[tilespmem:s0+$0x60] =	vst v6  }
0x7c2: {  	v6 =	vld [tilespmem:s1+$0x91];
	[tilespmem:s0+$0x1870] =	vst v0  }
0x7c3: {  	[tilespmem:s0+$0x800] =	vst v7;
	v0 =	vld [tilespmem:s1+$0xA1]  }
0x7c4: {  	v7 =	vld [tilespmem:s1+$0xC2];
	[tilespmem:s0+$0x810] =	vst v2  }
0x7c5: {  	v2 =	vld [tilespmem:s1+$0xD2];
	[tilespmem:s0+$0x820] =	vst v3  }
0x7c6: {  	v3 =	vld [tilespmem:s1+$0xE2];
	[tilespmem:s0+$0x830] =	vst v4  }
0x7c7: {  	v4 =	vld [tilespmem:s1+$0xF2];
	[tilespmem:s0+$0x840] =	vst v5  }
0x7c8: {  	v34 =	vld [tilespmem:s1+$0x102];
	[tilespmem:s0+$0x850] =	vst v6  }
.Ltmp12:
0x7c9: {  	v35 =	vld [tilespmem:s1+$0x112];
	[tilespmem:s0+$0x860] =	vst v0;
	(pc) =	sbr.rel @p0 .LBB2_23-.Ltmp12, $4  }
0x7ca: {  	[tilespmem:s0+$0x1000] =	vst v7;
	v39 =	vld [tilespmem:s1+$0x122]  }
0x7cb: {  	v36 =	vld [tilespmem:s1+$0x143];
	[tilespmem:s0+$0x1010] =	vst v2  }
0x7cc: {  	v37 =	vld [tilespmem:s1+$0x153];
	[tilespmem:s0+$0x1020] =	vst v3  }
0x7cd: {  	s6 =	sadd.s32 $0x81, s6;
	v38 =	vld [tilespmem:s1+$0x163];
	[tilespmem:s0+$0x1030] =	vst v4  }
0x7ce: {  	[tilespmem:s0+$0x1040] =	vst v34  }
0x7cf: {  	[tilespmem:s0+$0x1050] =	vst v35;
	v0 =	vld [tilespmem:s1+$0x173]  }
0x7d0: {  	[tilespmem:s0+$0x1060] =	vst v39;
	v2 =	vld [tilespmem:s1+$0x183]  }
0x7d1: {  	v3 =	vld [tilespmem:s1+$0x193];
	[tilespmem:s0+$0x1800] =	vst v36  }
0x7d2: {  	v4 =	vld [tilespmem:s1+$0x1A3];
	[tilespmem:s0+$0x1810] =	vst v37  }
0x7d3: {  	[tilespmem:s0+$0x1820] =	vst v38  }
0x7d4: {  	[tilespmem:s0+$0x1830] =	vst v0  }
0x7d5: {  	[tilespmem:s0+$0x1840] =	vst v2  }
0x7d6: {  	[tilespmem:s0+$0x1850] =	vst v3  }
0x7d7: {  	s23 =	sadd.s32 s2, s17;
	[tilespmem:s0+$0x1860] =	vst v4  }
0x7d8: {  	[hbm4b:s23+s22] =	stream.strided.scatter [tilespmem:s29], [sflag:$0x2], $0x4000, s26, s22, $0x38;
	[tilespmem:$0x14C00] =	vst v63  }
0x7d9: {  	_ =	swait.ge [sflag:s30], $0x4000  }
0x7da: {  	[sflag:s30] =	ssyncset.done $0x0  }
0x7db: {  	[sflag:s30] =	ssyncadd.s32 $0xFFFFC000  }
0x7dc: {  	_ =	swait.ge [sflag:s31], $0x4000  }
0x7dd: {  	s3 =	sadd.s32 $0x1, s3;
	v0 =	vld [tilespmem:$0x1FF00]  }
0x7de: {  	p0 =	sne.s32 s3, $0x8;
	v12 =	vld [tilespmem:$0x1FF10]  }
.Ltmp13:
0x7df: {  	v2 =	vld [tilespmem:$0x1FF20];
	(pc) =	sbr.rel @p0 .LBB2_2-.Ltmp13, $4  }
.Ltmp14:
0x7e0: {  	v18 =	vld [tilespmem:$0x1FF50];
	(pc) =	sbr.rel @!p0 .LBB2_25-.Ltmp14, $4  }
0x7e1: {  	v19 =	vld [tilespmem:$0x1FF60]  }
0x7e2: {  	[sflag:s31] =	ssyncset.done $0x0;
	v20 =	vld [tilespmem:$0x1FF70]  }
0x7e3: {  	v29 =	vld [tilespmem:$0x1FFE0];
	[sflag:s31] =	ssyncadd.s32 $0xFFFFC000  }
0x7e4: {  	_ = 	snop  }
.LBB2_5:
.Ltmp15:
0x7e5: {  	(pc) =	sbr.rel .LBB2_10-.Ltmp15, $2  }
0x7e6: {  	_ =	sdelay $0x2  }
0x7e7: {  	s1 =	simm.s32 $0xEC00;
	v1 =	vld [tilespmem:$0x1FE00]  }
.LBB2_7:
0x7e8: {  	v1 =	vld [tilespmem:$0x1FE00]  }
.Ltmp16:
0x7e9: {  	v22 =	vld [tilespmem:$0x1FF30];
	(pc) =	sbr.rel .LBB2_10-.Ltmp16, $4  }
0x7ea: {  	v25 =	vld [tilespmem:$0x1FF40]  }
0x7eb: {  	v18 =	vld [tilespmem:$0x1FF50]  }
0x7ec: {  	v19 =	vld [tilespmem:$0x1FF60]  }
0x7ed: {  	v20 =	vld [tilespmem:$0x1FF70]  }
.LBB2_26:
0x7ee: {  	_ =	sfence.sel $0x180000  }
0x7ef: {  	[bflag:$0x0] =	sbarrier.arrive $0xFFFF  }
0x7f0: {  	_ =	strace $0x90000047  }
0x7f1: {  	s0 =	stileid.u32;
	[bflag:$0x2] =	sbarrier.arrive $0xFFFF  }
0x7f2: {  	p0 =	sne.s32 s0, $0x0;
	s0 =	rddreg [dreg:$0x2]  }
0x7f3: {  	s0 =	sadd.s32 @!p0 $0x100000, s0  }
0x7f4: {  	[sflag:s0] =	ssyncadd.tile.s32 @!p0 $0x1;
	_ =	shalt  }
.Lfunc_end2:
_tile_overlayer_lowered:
.L_overlay_start_2:
0x7f5: {  	(tag) =	ssettag $0x2  }
0x7f6: {  	s0 =	rddreg [dreg:$0x0];
	s2 =	stileid.u32  }
0x7f7: {  	s1 =	rddreg [dreg:$0x1];
	p0 =	sne.s32 s2, $0x0  }
0x7f8: {  	s3 =	rddreg [dreg:$0x2];
	[bflag:$0x3] =	sbarrier.arrive $0xFFFF;
	s2 =	simm.s32 @!p0 $0x1C03  }
0x7f9: {  	[timem:s3], [sflag:s2] =	dma.local @!p0 [hbm:s0], s1  }
0x7fa: {  	s0 =	simm.s32 @!p0 $0x3  }
0x7fb: {  	_ =	swait.ge @!p0 [sflag:s0], s1  }
0x7fc: {  	s1 =	ssub.s32 @!p0 $0x0, s1;
	[sflag:s0] =	ssyncset.done @!p0 $0x0  }
0x7fd: {  	[sflag:s0] =	ssyncadd.s32 @!p0 s1  }
0x7fe: {  	[bflag:$0x3] =	sbarrier.arrive $0xFFFF  }
0x7ff: {  	_ =	shalt  }

</sc_bundles>
